<compile_context>
chip_gen: v7x
topology: tpu7x:2x2x1
jax: 0.10.2.dev20260603
libtpu: 0.0.44.dev20260713+nightly
codegen_flags: <defaults>
</compile_context>

<pallas_src>
import functools

import jax
import jax.numpy as jnp
from jax import lax
from jax.experimental import pallas as pl
from jax.experimental.pallas import tpu as pltpu
from jax.experimental.pallas import tpu_sc as plsc

N = 10000
E = 320000
D = 256
H = 128
NC = 2
NS = 16

EPT = E // NS
K = 40
G = 8
NGRP = 64
NCHUNK = NGRP * G
EPT_PAD = NCHUNK * K
B = 8
NP = 10240
R_AGG = NP
ZROWS = R_AGG // NS
NGRP_D = NGRP // NC

BN = 2048
GRID = NP // BN

_mesh = plsc.VectorSubcoreMesh(core_axis_name="c", subcore_axis_name="s")


@functools.partial(
    pl.kernel,
    out_type=jax.ShapeDtypeStruct((NC, R_AGG, H), jnp.float32),
    mesh=_mesh,
    scratch_types=[
        pltpu.VMEM((3, G, K), jnp.int32),
        pltpu.VMEM((3, G, K), jnp.int32),
        [pltpu.VMEM((K, H), jnp.float32) for _ in range(B)],
        pltpu.VMEM_SHARED((R_AGG, H), jnp.float32),
        [pltpu.SemaphoreType.DMA for _ in range(B)],
        [pltpu.SemaphoreType.DMA for _ in range(B)],
        pltpu.SemaphoreType.DMA,
        pltpu.SemaphoreType.DMA,
    ],
)
def _agg_kernel(table_hbm, src_hbm, dst_hbm, zeros_hbm, out_hbm,
                src_v, dst_v, bufs, acc, gsems, ssems, isem_s, isem_d):
    c = lax.axis_index("c")
    s = lax.axis_index("s")
    pltpu.sync_copy(src_hbm.at[c, s, 0], src_v.at[0])
    pltpu.sync_copy(dst_hbm.at[s, 0], dst_v.at[0])
    pltpu.async_copy(src_hbm.at[c, s, 1], src_v.at[1], isem_s)
    pltpu.async_copy(dst_hbm.at[s, 1], dst_v.at[1], isem_d)
    pltpu.sync_copy(zeros_hbm, acc.at[pl.ds(s * ZROWS, ZROWS)])

    for pb in range(B - 2):
        pltpu.async_copy(table_hbm.at[src_v.at[0, pb]], bufs[pb], gsems[pb])
    plsc.subcore_barrier()

    def _wait_gather(b):
        pltpu.make_async_copy(table_hbm.at[src_v.at[0, 0]], bufs[b],
                              gsems[b]).wait()

    def _wait_scatter(b):
        pltpu.make_async_copy(bufs[b], acc.at[dst_v.at[0, 0]],
                              ssems[b]).wait()

    @pl.loop(0, NGRP)
    def _(g):
        ib = g % 3
        ib1 = (g + 1) % 3
        ib2 = (g + 2) % 3
        for j in range(G):
            b = j
            b6 = (j + B - 2) % B
            _wait_gather(b)
            pltpu.async_copy(bufs[b], acc.at[dst_v.at[ib, j]], ssems[b],
                             add=True)
            if j == 1:
                @pl.when(g < NGRP - 1)
                def _():
                    pltpu.make_async_copy(src_hbm.at[c, s, 0], src_v.at[0],
                                          isem_s).wait()
                    pltpu.make_async_copy(dst_hbm.at[s, 0], dst_v.at[0],
                                          isem_d).wait()
            if j == 2:
                @pl.when(g < NGRP - 2)
                def _():
                    pltpu.async_copy(src_hbm.at[c, s, g + 2], src_v.at[ib2],
                                     isem_s)
                    pltpu.async_copy(dst_hbm.at[s, g + 2], dst_v.at[ib2],
                                     isem_d)
            if j >= 2:
                _wait_scatter(b6)
            else:
                @pl.when(g > 0)
                def _():
                    _wait_scatter(b6)
            if j < 2:
                pltpu.async_copy(table_hbm.at[src_v.at[ib, j + B - 2]],
                                 bufs[b6], gsems[b6])
            else:
                @pl.when(g < NGRP - 1)
                def _():
                    pltpu.async_copy(table_hbm.at[src_v.at[ib1, j - 2]],
                                     bufs[b6], gsems[b6])

    _wait_scatter((NCHUNK - 2) % B)
    _wait_scatter((NCHUNK - 1) % B)
    plsc.subcore_barrier()
    pltpu.sync_copy(acc.at[pl.ds(s * ZROWS, ZROWS)],
                    out_hbm.at[c, pl.ds(s * ZROWS, ZROWS)])


@functools.partial(
    pl.kernel,
    out_type=jax.ShapeDtypeStruct((NC, R_AGG, H), jnp.float32),
    mesh=_mesh,
    scratch_types=[
        pltpu.VMEM((3, G, K), jnp.int32),
        pltpu.VMEM((K, H), jnp.float32),
        pltpu.VMEM_SHARED((R_AGG, H), jnp.float32),
        pltpu.SemaphoreType.DMA,
        pltpu.SemaphoreType.DMA,
    ],
)
def _deg_kernel(ones_hbm, dst_hbm, zeros_hbm, out_hbm,
                dst_v, ones_v, acc, ssem, isem):
    c = lax.axis_index("c")
    s = lax.axis_index("s")
    g0 = c * NGRP_D
    pltpu.sync_copy(ones_hbm, ones_v)
    pltpu.sync_copy(dst_hbm.at[s, g0], dst_v.at[0])
    pltpu.async_copy(dst_hbm.at[s, g0 + 1], dst_v.at[1], isem)
    pltpu.sync_copy(zeros_hbm, acc.at[pl.ds(s * ZROWS, ZROWS)])
    plsc.subcore_barrier()

    def _wait_scat():
        pltpu.make_async_copy(ones_v, acc.at[dst_v.at[0, 0]],
                              ssem).wait()

    @pl.loop(0, NGRP_D)
    def _(g):
        ib = g % 3
        ib2 = (g + 2) % 3
        @pl.when(g > 0)
        def _():
            pltpu.make_async_copy(dst_hbm.at[s, g0], dst_v.at[0],
                                  isem).wait()
        for j in range(G):
            pltpu.async_copy(ones_v, acc.at[dst_v.at[ib, j]], ssem, add=True)
            if j >= 4:
                _wait_scat()
            else:
                @pl.when(g > 0)
                def _():
                    _wait_scat()
        @pl.when(g < NGRP_D - 2)
        def _():
            pltpu.async_copy(dst_hbm.at[s, g0 + g + 2], dst_v.at[ib2], isem)

    for _ in range(4):
        _wait_scat()
    plsc.subcore_barrier()
    pltpu.sync_copy(acc.at[pl.ds(s * ZROWS, ZROWS)],
                    out_hbm.at[c, pl.ds(s * ZROWS, ZROWS)])


def _dinv_block(deg_ref, i):
    off = pl.multiple_of(i * BN, 128)
    dd = deg_ref[0, pl.ds(off, BN)] + deg_ref[1, pl.ds(off, BN)] + 1.0
    return lax.rsqrt(dd)[:, None]


def _mma_body(x_ref, w_ref, u_ref):
    u_ref[...] = jnp.dot(x_ref[...], w_ref[...],
                         preferred_element_type=jnp.float32)


def _mmb_body(u_ref, deg_ref, g_ref):
    i = pl.program_id(0)
    dinv = _dinv_block(deg_ref, i)
    g = u_ref[...] * dinv
    g_ref[0] = g[:, :H]
    g_ref[1] = g[:, H:]


def _mid_body(agg_ref, g_ref, deg_ref, b_ref, w_ref, out_ref):
    i = pl.program_id(0)
    dinv = _dinv_block(deg_ref, i)
    h0 = jnp.maximum((agg_ref[0] + g_ref[0]) * dinv + b_ref[0, :H], 0.0)
    h1 = jnp.maximum((agg_ref[1] + g_ref[1]) * dinv + b_ref[0, H:], 0.0)
    h = jnp.concatenate([h0, h1], axis=1)
    u = jnp.dot(h, w_ref[...], preferred_element_type=jnp.float32)
    g = u * dinv
    out_ref[0] = g[:, :H]
    out_ref[1] = g[:, H:]


def _fin_body(agg_ref, g_ref, deg_ref, b_ref, out_ref):
    i = pl.program_id(0)
    dinv = _dinv_block(deg_ref, i)
    h0 = jnp.maximum((agg_ref[0] + g_ref[0]) * dinv + b_ref[0, :H], 0.0)
    h1 = jnp.maximum((agg_ref[1] + g_ref[1]) * dinv + b_ref[0, H:], 0.0)
    out_ref[...] = jnp.concatenate([h0, h1], axis=1)


_spec_g = pl.BlockSpec((NC, BN, H), lambda i: (0, i, 0))
_spec_deg = pl.BlockSpec((NC, NP), lambda i: (0, 0))
_spec_w = pl.BlockSpec((D, D), lambda i: (0, 0))
_spec_b = pl.BlockSpec((1, D), lambda i: (0, 0))

_mma = pl.pallas_call(
    _mma_body,
    grid=(GRID,),
    in_specs=[pl.BlockSpec((BN, D), lambda i: (i, 0)), _spec_w],
    out_specs=pl.BlockSpec((BN, D), lambda i: (i, 0)),
    out_shape=jax.ShapeDtypeStruct((NP, D), jnp.float32),
)

_mmb = pl.pallas_call(
    _mmb_body,
    grid=(GRID,),
    in_specs=[pl.BlockSpec((BN, D), lambda i: (i, 0)), _spec_deg],
    out_specs=_spec_g,
    out_shape=jax.ShapeDtypeStruct((NC, NP, H), jnp.float32),
)

_mid = pl.pallas_call(
    _mid_body,
    grid=(GRID,),
    in_specs=[_spec_g, _spec_g, _spec_deg, _spec_b, _spec_w],
    out_specs=_spec_g,
    out_shape=jax.ShapeDtypeStruct((NC, NP, H), jnp.float32),
)

_fin = pl.pallas_call(
    _fin_body,
    grid=(GRID,),
    in_specs=[_spec_g, _spec_g, _spec_deg, _spec_b],
    out_specs=pl.BlockSpec((BN, D), lambda i: (i, 0)),
    out_shape=jax.ShapeDtypeStruct((NP, D), jnp.float32),
)


@jax.jit
def _run(x, edge_index, W0, b0, W1, b1, W2, b2):
    ei = edge_index.astype(jnp.int32)
    src, dst = ei[0], ei[1]

    src_t = src.reshape(NS, EPT)
    dst_t = dst.reshape(NS, EPT)
    pad = EPT_PAD - EPT
    src_p = jnp.concatenate(
        [src_t, jnp.zeros((NS, pad), jnp.int32)],
        axis=1).reshape(NS, NGRP, G, K)
    dst_p = jnp.concatenate(
        [dst_t, jnp.full((NS, pad), N, jnp.int32)],
        axis=1).reshape(NS, NGRP, G, K)
    src_cs = jnp.stack([src_p, src_p + NP])

    zeros_a = jnp.zeros((ZROWS, H), jnp.float32)
    ones_k = jnp.ones((K, H), jnp.float32)

    xp = jnp.pad(x, ((0, NP - N), (0, 0)))
    degA = _deg_kernel(ones_k, dst_p, zeros_a)
    u1 = _mma(xp, W0)
    deg2 = degA[:, :, 0]

    b0r = b0.reshape(1, D)
    b1r = b1.reshape(1, D)
    b2r = b2.reshape(1, D)

    g1 = _mmb(u1, deg2)
    a1 = _agg_kernel(g1.reshape(NC * NP, H), src_cs, dst_p, zeros_a)
    g2 = _mid(a1, g1, deg2, b0r, W1)
    a2 = _agg_kernel(g2.reshape(NC * NP, H), src_cs, dst_p, zeros_a)
    g3 = _mid(a2, g2, deg2, b1r, W2)
    a3 = _agg_kernel(g3.reshape(NC * NP, H), src_cs, dst_p, zeros_a)
    return _fin(a3, g3, deg2, b2r)[:N]


def kernel(x, edge_index, W0, b0, W1, b1, W2, b2):
    return _run(x, edge_index, W0, b0, W1, b1, W2, b2)

# --- scband reference (transcript-rebuilt; emitter-appended) ---
"""Pipeline reference for scband-gnnrefiner-73787538145438 (READ-ONLY COPY).

The authoritative reference and input builder live on the scoring server;
editing this copy changes nothing except your own understanding.
"""

import jax, jax.numpy as jnp
import numpy as np

N = 10000
E = 320000
D = 256
L = 3


def setup_inputs(seed: int = 0) -> dict:
    key = jax.random.key(seed)
    ks = jax.random.split(key, 2 + 2 * L)
    inp = {}
    inp['x'] = jax.random.normal(ks[0], (N, D), dtype=jnp.float32)
    inp['edge_index'] = jax.random.randint(ks[1], (2, E), 0, N, dtype=jnp.int64)
    scale = 1.0 / np.sqrt(D)
    for l in range(L):
        inp[f'W{l}'] = jax.random.normal(ks[2 + 2 * l], (D, D), dtype=jnp.float32) * scale
        inp[f'b{l}'] = jnp.zeros((D,), dtype=jnp.float32)
    return inp


def _gcn_layer(x, src, dst, W, b):
    # PyG GCNConv: x' = D^{-1/2} (A + I) D^{-1/2} X W + b
    n = x.shape[0]
    loop = jnp.arange(n, dtype=src.dtype)
    s = jnp.concatenate([src, loop])
    d = jnp.concatenate([dst, loop])
    h = x @ W
    deg = jnp.zeros((n,), dtype=h.dtype).at[d].add(1.0)
    dinv = jnp.where(deg > 0, 1.0 / jnp.sqrt(deg), 0.0)
    norm = dinv[s] * dinv[d]
    msg = h[s] * norm[:, None]
    out = jnp.zeros_like(h).at[d].add(msg)
    return out + b


def reference(x, edge_index, W0, b0, W1, b1, W2, b2):
    src = edge_index[0]
    dst = edge_index[1]
    Ws = [W0, W1, W2]
    bs = [b0, b1, b2]
    h = x
    for l in range(L):
        h = _gcn_layer(h, src, dst, Ws[l], bs[l])
        h = jax.nn.relu(h)
        # dropout is identity in eval mode
    return h

if __name__ == "__main__":
    import jax
    _d = setup_inputs()
    print(jax.jit(kernel)(*tuple(_d.values())))

</pallas_src>

<mosaic_0001>
#map = affine_map<(d0, d1) -> (0, 0)>
#map1 = affine_map<(d0, d1) -> (0, 0, 0, 0, 0)>
#map2 = affine_map<(d0, d1) -> (0, 0, 0, 0)>
#map3 = affine_map<(d0, d1) -> (0, 0, 0)>
module attributes {stable_mosaic.version = 14 : i64} {
  func.func @_agg_kernel(%arg0: i32, %arg1: i32, %arg2: memref<20480x128xf32, #tpu.memory_space<hbm>>, %arg3: memref<2x16x64x8x40xi32, #tpu.memory_space<hbm>>, %arg4: memref<16x64x8x40xi32, #tpu.memory_space<hbm>>, %arg5: memref<640x128xf32, #tpu.memory_space<hbm>>, %arg6: memref<2x10240x128xf32, #tpu.memory_space<hbm>>, %arg7: memref<3x8x40xi32, #tpu.memory_space<vmem>>, %arg8: memref<3x8x40xi32, #tpu.memory_space<vmem>>, %arg9: memref<40x128xf32, #tpu.memory_space<vmem>>, %arg10: memref<40x128xf32, #tpu.memory_space<vmem>>, %arg11: memref<40x128xf32, #tpu.memory_space<vmem>>, %arg12: memref<40x128xf32, #tpu.memory_space<vmem>>, %arg13: memref<40x128xf32, #tpu.memory_space<vmem>>, %arg14: memref<40x128xf32, #tpu.memory_space<vmem>>, %arg15: memref<40x128xf32, #tpu.memory_space<vmem>>, %arg16: memref<40x128xf32, #tpu.memory_space<vmem>>, %arg17: memref<10240x128xf32, #tpu.memory_space<vmem_shared>>, %arg18: memref<!tpu.dma_semaphore, #tpu.memory_space<semaphore_mem>>, %arg19: memref<!tpu.dma_semaphore, #tpu.memory_space<semaphore_mem>>, %arg20: memref<!tpu.dma_semaphore, #tpu.memory_space<semaphore_mem>>, %arg21: memref<!tpu.dma_semaphore, #tpu.memory_space<semaphore_mem>>, %arg22: memref<!tpu.dma_semaphore, #tpu.memory_space<semaphore_mem>>, %arg23: memref<!tpu.dma_semaphore, #tpu.memory_space<semaphore_mem>>, %arg24: memref<!tpu.dma_semaphore, #tpu.memory_space<semaphore_mem>>, %arg25: memref<!tpu.dma_semaphore, #tpu.memory_space<semaphore_mem>>, %arg26: memref<!tpu.dma_semaphore, #tpu.memory_space<semaphore_mem>>, %arg27: memref<!tpu.dma_semaphore, #tpu.memory_space<semaphore_mem>>, %arg28: memref<!tpu.dma_semaphore, #tpu.memory_space<semaphore_mem>>, %arg29: memref<!tpu.dma_semaphore, #tpu.memory_space<semaphore_mem>>, %arg30: memref<!tpu.dma_semaphore, #tpu.memory_space<semaphore_mem>>, %arg31: memref<!tpu.dma_semaphore, #tpu.memory_space<semaphore_mem>>, %arg32: memref<!tpu.dma_semaphore, #tpu.memory_space<semaphore_mem>>, %arg33: memref<!tpu.dma_semaphore, #tpu.memory_space<semaphore_mem>>, %arg34: memref<!tpu.dma_semaphore, #tpu.memory_space<semaphore_mem>>, %arg35: memref<!tpu.dma_semaphore, #tpu.memory_space<semaphore_mem>>) attributes {dimension_semantics = [#tpu.dimension_semantics<core_parallel>, #tpu.dimension_semantics<subcore_parallel>], iteration_bounds = array<i64: 2, 16>, scalar_prefetch = 0 : i64, scratch_operands = 29 : i64, tpu.core_type = #tpu.core_type<sc_vector_subcore>, window_params = [{transform_indices = #map}, {transform_indices = #map1}, {transform_indices = #map2}, {transform_indices = #map}, {transform_indices = #map3}]} {
    %run_scoped3A = arith.constant 0 : i32
    %run_scoped3A_0 = arith.constant 0 : i32
    "tpu.region"() ({
      %run_scoped3A_111 = tpu.sem_alloc : memref<!tpu.dma_semaphore, #tpu.memory_space<semaphore_mem>>
      %dma_start3A_112 = arith.constant 0 : i32
      %dma_start3A_113 = arith.constant 0 : i32
      %dma_start3A_114 = tpu.memref_slice %arg7[%run_scoped3A_0, %dma_start3A_112, %dma_start3A_113] : memref<3x8x40xi32, #tpu.memory_space<vmem>> -> memref<1x8x40xi32, #tpu.memory_space<vmem>>
      %dma_start3A_115 = tpu.memref_squeeze %dma_start3A_114 : memref<1x8x40xi32, #tpu.memory_space<vmem>> -> memref<8x40xi32, #tpu.memory_space<vmem>>
      %dma_start3A_116 = arith.constant 0 : i32
      %dma_start3A_117 = arith.constant 0 : i32
      %dma_start3A_118 = tpu.memref_slice %arg3[%arg0, %arg1, %run_scoped3A, %dma_start3A_116, %dma_start3A_117] : memref<2x16x64x8x40xi32, #tpu.memory_space<hbm>> -> memref<1x1x1x8x40xi32, #tpu.memory_space<hbm>>
      %dma_start3A_119 = tpu.memref_squeeze %dma_start3A_118 : memref<1x1x1x8x40xi32, #tpu.memory_space<hbm>> -> memref<8x40xi32, #tpu.memory_space<hbm>>
      %dma_start3A_120 = arith.constant 0 : i32
      %dma_start3A_121 = arith.constant 0 : i32
      %dma_start3A_122 = tpu.memref_slice %arg7[%run_scoped3A_0, %dma_start3A_120, %dma_start3A_121] : memref<3x8x40xi32, #tpu.memory_space<vmem>> -> memref<1x8x40xi32, #tpu.memory_space<vmem>>
      %dma_start3A_123 = tpu.memref_squeeze %dma_start3A_122 : memref<1x8x40xi32, #tpu.memory_space<vmem>> -> memref<8x40xi32, #tpu.memory_space<vmem>>
      %dma_start3A_124 = arith.constant 0 : i32
      %dma_start3A_125 = arith.constant 0 : i32
      %dma_start3A_126 = tpu.memref_slice %arg3[%arg0, %arg1, %run_scoped3A, %dma_start3A_124, %dma_start3A_125] : memref<2x16x64x8x40xi32, #tpu.memory_space<hbm>> -> memref<1x1x1x8x40xi32, #tpu.memory_space<hbm>>
      %dma_start3A_127 = tpu.memref_squeeze %dma_start3A_126 : memref<1x1x1x8x40xi32, #tpu.memory_space<hbm>> -> memref<8x40xi32, #tpu.memory_space<hbm>>
      tpu.enqueue_dma source(%dma_start3A_127 : memref<8x40xi32, #tpu.memory_space<hbm>>) target(%dma_start3A_123 : memref<8x40xi32, #tpu.memory_space<vmem>>) target_semaphore(%run_scoped3A_111 : memref<!tpu.dma_semaphore, #tpu.memory_space<semaphore_mem>>)
      %dma_wait3A_128 = arith.constant 0 : i32
      %dma_wait3A_129 = arith.constant 0 : i32
      %dma_wait3A_130 = tpu.memref_slice %arg7[%run_scoped3A_0, %dma_wait3A_128, %dma_wait3A_129] : memref<3x8x40xi32, #tpu.memory_space<vmem>> -> memref<1x8x40xi32, #tpu.memory_space<vmem>>
      %dma_wait3A_131 = tpu.memref_squeeze %dma_wait3A_130 : memref<1x8x40xi32, #tpu.memory_space<vmem>> -> memref<8x40xi32, #tpu.memory_space<vmem>>
      %dma_wait3A_132 = arith.constant 0 : i32
      %dma_wait3A_133 = arith.constant 0 : i32
      %dma_wait3A_134 = tpu.memref_slice %arg3[%arg0, %arg1, %run_scoped3A, %dma_wait3A_132, %dma_wait3A_133] : memref<2x16x64x8x40xi32, #tpu.memory_space<hbm>> -> memref<1x1x1x8x40xi32, #tpu.memory_space<hbm>>
      %dma_wait3A_135 = tpu.memref_squeeze %dma_wait3A_134 : memref<1x1x1x8x40xi32, #tpu.memory_space<hbm>> -> memref<8x40xi32, #tpu.memory_space<hbm>>
      %dma_wait3A_136 = arith.constant 0 : i32
      %dma_wait3A_137 = arith.constant 0 : i32
      %dma_wait3A_138 = tpu.memref_slice %arg7[%run_scoped3A_0, %dma_wait3A_136, %dma_wait3A_137] : memref<3x8x40xi32, #tpu.memory_space<vmem>> -> memref<1x8x40xi32, #tpu.memory_space<vmem>>
      %dma_wait3A_139 = tpu.memref_squeeze %dma_wait3A_138 : memref<1x8x40xi32, #tpu.memory_space<vmem>> -> memref<8x40xi32, #tpu.memory_space<vmem>>
      %dma_wait3A_140 = arith.constant 0 : i32
      %dma_wait3A_141 = arith.constant 0 : i32
      %dma_wait3A_142 = tpu.memref_slice %arg3[%arg0, %arg1, %run_scoped3A, %dma_wait3A_140, %dma_wait3A_141] : memref<2x16x64x8x40xi32, #tpu.memory_space<hbm>> -> memref<1x1x1x8x40xi32, #tpu.memory_space<hbm>>
      %dma_wait3A_143 = tpu.memref_squeeze %dma_wait3A_142 : memref<1x1x1x8x40xi32, #tpu.memory_space<hbm>> -> memref<8x40xi32, #tpu.memory_space<hbm>>
      tpu.wait_dma2 semaphore(%run_scoped3A_111 : memref<!tpu.dma_semaphore, #tpu.memory_space<semaphore_mem>>) src(%dma_wait3A_143 : memref<8x40xi32, #tpu.memory_space<hbm>>) dst(%dma_wait3A_139 : memref<8x40xi32, #tpu.memory_space<vmem>>)
      tpu.yield
    }) : () -> ()
    %run_scoped3A_1 = arith.constant 0 : i32
    %run_scoped3A_2 = arith.constant 0 : i32
    "tpu.region"() ({
      %run_scoped3A_111 = tpu.sem_alloc : memref<!tpu.dma_semaphore, #tpu.memory_space<semaphore_mem>>
      %dma_start3A_112 = arith.constant 0 : i32
      %dma_start3A_113 = arith.constant 0 : i32
      %dma_start3A_114 = tpu.memref_slice %arg8[%run_scoped3A_2, %dma_start3A_112, %dma_start3A_113] : memref<3x8x40xi32, #tpu.memory_space<vmem>> -> memref<1x8x40xi32, #tpu.memory_space<vmem>>
      %dma_start3A_115 = tpu.memref_squeeze %dma_start3A_114 : memref<1x8x40xi32, #tpu.memory_space<vmem>> -> memref<8x40xi32, #tpu.memory_space<vmem>>
      %dma_start3A_116 = arith.constant 0 : i32
      %dma_start3A_117 = arith.constant 0 : i32
      %dma_start3A_118 = tpu.memref_slice %arg4[%arg1, %run_scoped3A_1, %dma_start3A_116, %dma_start3A_117] : memref<16x64x8x40xi32, #tpu.memory_space<hbm>> -> memref<1x1x8x40xi32, #tpu.memory_space<hbm>>
      %dma_start3A_119 = tpu.memref_squeeze %dma_start3A_118 : memref<1x1x8x40xi32, #tpu.memory_space<hbm>> -> memref<8x40xi32, #tpu.memory_space<hbm>>
      %dma_start3A_120 = arith.constant 0 : i32
      %dma_start3A_121 = arith.constant 0 : i32
      %dma_start3A_122 = tpu.memref_slice %arg8[%run_scoped3A_2, %dma_start3A_120, %dma_start3A_121] : memref<3x8x40xi32, #tpu.memory_space<vmem>> -> memref<1x8x40xi32, #tpu.memory_space<vmem>>
      %dma_start3A_123 = tpu.memref_squeeze %dma_start3A_122 : memref<1x8x40xi32, #tpu.memory_space<vmem>> -> memref<8x40xi32, #tpu.memory_space<vmem>>
      %dma_start3A_124 = arith.constant 0 : i32
      %dma_start3A_125 = arith.constant 0 : i32
      %dma_start3A_126 = tpu.memref_slice %arg4[%arg1, %run_scoped3A_1, %dma_start3A_124, %dma_start3A_125] : memref<16x64x8x40xi32, #tpu.memory_space<hbm>> -> memref<1x1x8x40xi32, #tpu.memory_space<hbm>>
      %dma_start3A_127 = tpu.memref_squeeze %dma_start3A_126 : memref<1x1x8x40xi32, #tpu.memory_space<hbm>> -> memref<8x40xi32, #tpu.memory_space<hbm>>
      tpu.enqueue_dma source(%dma_start3A_127 : memref<8x40xi32, #tpu.memory_space<hbm>>) target(%dma_start3A_123 : memref<8x40xi32, #tpu.memory_space<vmem>>) target_semaphore(%run_scoped3A_111 : memref<!tpu.dma_semaphore, #tpu.memory_space<semaphore_mem>>)
      %dma_wait3A_128 = arith.constant 0 : i32
      %dma_wait3A_129 = arith.constant 0 : i32
      %dma_wait3A_130 = tpu.memref_slice %arg8[%run_scoped3A_2, %dma_wait3A_128, %dma_wait3A_129] : memref<3x8x40xi32, #tpu.memory_space<vmem>> -> memref<1x8x40xi32, #tpu.memory_space<vmem>>
      %dma_wait3A_131 = tpu.memref_squeeze %dma_wait3A_130 : memref<1x8x40xi32, #tpu.memory_space<vmem>> -> memref<8x40xi32, #tpu.memory_space<vmem>>
      %dma_wait3A_132 = arith.constant 0 : i32
      %dma_wait3A_133 = arith.constant 0 : i32
      %dma_wait3A_134 = tpu.memref_slice %arg4[%arg1, %run_scoped3A_1, %dma_wait3A_132, %dma_wait3A_133] : memref<16x64x8x40xi32, #tpu.memory_space<hbm>> -> memref<1x1x8x40xi32, #tpu.memory_space<hbm>>
      %dma_wait3A_135 = tpu.memref_squeeze %dma_wait3A_134 : memref<1x1x8x40xi32, #tpu.memory_space<hbm>> -> memref<8x40xi32, #tpu.memory_space<hbm>>
      %dma_wait3A_136 = arith.constant 0 : i32
      %dma_wait3A_137 = arith.constant 0 : i32
      %dma_wait3A_138 = tpu.memref_slice %arg8[%run_scoped3A_2, %dma_wait3A_136, %dma_wait3A_137] : memref<3x8x40xi32, #tpu.memory_space<vmem>> -> memref<1x8x40xi32, #tpu.memory_space<vmem>>
      %dma_wait3A_139 = tpu.memref_squeeze %dma_wait3A_138 : memref<1x8x40xi32, #tpu.memory_space<vmem>> -> memref<8x40xi32, #tpu.memory_space<vmem>>
      %dma_wait3A_140 = arith.constant 0 : i32
      %dma_wait3A_141 = arith.constant 0 : i32
      %dma_wait3A_142 = tpu.memref_slice %arg4[%arg1, %run_scoped3A_1, %dma_wait3A_140, %dma_wait3A_141] : memref<16x64x8x40xi32, #tpu.memory_space<hbm>> -> memref<1x1x8x40xi32, #tpu.memory_space<hbm>>
      %dma_wait3A_143 = tpu.memref_squeeze %dma_wait3A_142 : memref<1x1x8x40xi32, #tpu.memory_space<hbm>> -> memref<8x40xi32, #tpu.memory_space<hbm>>
      tpu.wait_dma2 semaphore(%run_scoped3A_111 : memref<!tpu.dma_semaphore, #tpu.memory_space<semaphore_mem>>) src(%dma_wait3A_143 : memref<8x40xi32, #tpu.memory_space<hbm>>) dst(%dma_wait3A_139 : memref<8x40xi32, #tpu.memory_space<vmem>>)
      tpu.yield
    }) : () -> ()
    %dma_start3A = arith.constant 1 : i32
    %dma_start3A_3 = arith.constant 1 : i32
    %dma_start3A_4 = arith.constant 0 : i32
    %dma_start3A_5 = arith.constant 0 : i32
    %dma_start3A_6 = tpu.memref_slice %arg7[%dma_start3A_3, %dma_start3A_4, %dma_start3A_5] : memref<3x8x40xi32, #tpu.memory_space<vmem>> -> memref<1x8x40xi32, #tpu.memory_space<vmem>>
    %dma_start3A_7 = tpu.memref_squeeze %dma_start3A_6 : memref<1x8x40xi32, #tpu.memory_space<vmem>> -> memref<8x40xi32, #tpu.memory_space<vmem>>
    %dma_start3A_8 = arith.constant 0 : i32
    %dma_start3A_9 = arith.constant 0 : i32
    %dma_start3A_10 = tpu.memref_slice %arg3[%arg0, %arg1, %dma_start3A, %dma_start3A_8, %dma_start3A_9] : memref<2x16x64x8x40xi32, #tpu.memory_space<hbm>> -> memref<1x1x1x8x40xi32, #tpu.memory_space<hbm>>
    %dma_start3A_11 = tpu.memref_squeeze %dma_start3A_10 : memref<1x1x1x8x40xi32, #tpu.memory_space<hbm>> -> memref<8x40xi32, #tpu.memory_space<hbm>>
    %dma_start3A_12 = arith.constant 0 : i32
    %dma_start3A_13 = arith.constant 0 : i32
    %dma_start3A_14 = tpu.memref_slice %arg7[%dma_start3A_3, %dma_start3A_12, %dma_start3A_13] : memref<3x8x40xi32, #tpu.memory_space<vmem>> -> memref<1x8x40xi32, #tpu.memory_space<vmem>>
    %dma_start3A_15 = tpu.memref_squeeze %dma_start3A_14 : memref<1x8x40xi32, #tpu.memory_space<vmem>> -> memref<8x40xi32, #tpu.memory_space<vmem>>
    %dma_start3A_16 = arith.constant 0 : i32
    %dma_start3A_17 = arith.constant 0 : i32
    %dma_start3A_18 = tpu.memref_slice %arg3[%arg0, %arg1, %dma_start3A, %dma_start3A_16, %dma_start3A_17] : memref<2x16x64x8x40xi32, #tpu.memory_space<hbm>> -> memref<1x1x1x8x40xi32, #tpu.memory_space<hbm>>
    %dma_start3A_19 = tpu.memref_squeeze %dma_start3A_18 : memref<1x1x1x8x40xi32, #tpu.memory_space<hbm>> -> memref<8x40xi32, #tpu.memory_space<hbm>>
    tpu.enqueue_dma source(%dma_start3A_19 : memref<8x40xi32, #tpu.memory_space<hbm>>) target(%dma_start3A_15 : memref<8x40xi32, #tpu.memory_space<vmem>>) target_semaphore(%arg34 : memref<!tpu.dma_semaphore, #tpu.memory_space<semaphore_mem>>)
    %dma_start3A_20 = arith.constant 1 : i32
    %dma_start3A_21 = arith.constant 1 : i32
    %dma_start3A_22 = arith.constant 0 : i32
    %dma_start3A_23 = arith.constant 0 : i32
    %dma_start3A_24 = tpu.memref_slice %arg8[%dma_start3A_21, %dma_start3A_22, %dma_start3A_23] : memref<3x8x40xi32, #tpu.memory_space<vmem>> -> memref<1x8x40xi32, #tpu.memory_space<vmem>>
    %dma_start3A_25 = tpu.memref_squeeze %dma_start3A_24 : memref<1x8x40xi32, #tpu.memory_space<vmem>> -> memref<8x40xi32, #tpu.memory_space<vmem>>
    %dma_start3A_26 = arith.constant 0 : i32
    %dma_start3A_27 = arith.constant 0 : i32
    %dma_start3A_28 = tpu.memref_slice %arg4[%arg1, %dma_start3A_20, %dma_start3A_26, %dma_start3A_27] : memref<16x64x8x40xi32, #tpu.memory_space<hbm>> -> memref<1x1x8x40xi32, #tpu.memory_space<hbm>>
    %dma_start3A_29 = tpu.memref_squeeze %dma_start3A_28 : memref<1x1x8x40xi32, #tpu.memory_space<hbm>> -> memref<8x40xi32, #tpu.memory_space<hbm>>
    %dma_start3A_30 = arith.constant 0 : i32
    %dma_start3A_31 = arith.constant 0 : i32
    %dma_start3A_32 = tpu.memref_slice %arg8[%dma_start3A_21, %dma_start3A_30, %dma_start3A_31] : memref<3x8x40xi32, #tpu.memory_space<vmem>> -> memref<1x8x40xi32, #tpu.memory_space<vmem>>
    %dma_start3A_33 = tpu.memref_squeeze %dma_start3A_32 : memref<1x8x40xi32, #tpu.memory_space<vmem>> -> memref<8x40xi32, #tpu.memory_space<vmem>>
    %dma_start3A_34 = arith.constant 0 : i32
    %dma_start3A_35 = arith.constant 0 : i32
    %dma_start3A_36 = tpu.memref_slice %arg4[%arg1, %dma_start3A_20, %dma_start3A_34, %dma_start3A_35] : memref<16x64x8x40xi32, #tpu.memory_space<hbm>> -> memref<1x1x8x40xi32, #tpu.memory_space<hbm>>
    %dma_start3A_37 = tpu.memref_squeeze %dma_start3A_36 : memref<1x1x8x40xi32, #tpu.memory_space<hbm>> -> memref<8x40xi32, #tpu.memory_space<hbm>>
    tpu.enqueue_dma source(%dma_start3A_37 : memref<8x40xi32, #tpu.memory_space<hbm>>) target(%dma_start3A_33 : memref<8x40xi32, #tpu.memory_space<vmem>>) target_semaphore(%arg35 : memref<!tpu.dma_semaphore, #tpu.memory_space<semaphore_mem>>)
    %mul3A = arith.constant 640 : i32
    %mul3A_38 = arith.muli %arg1, %mul3A : i32
    "tpu.region"() ({
      %run_scoped3A_111 = tpu.sem_alloc : memref<!tpu.dma_semaphore, #tpu.memory_space<semaphore_mem>>
      %dma_start3A_112 = arith.constant 0 : i32
      %dma_start3A_113 = tpu.memref_slice %arg17[%mul3A_38, %dma_start3A_112] : memref<10240x128xf32, #tpu.memory_space<vmem_shared>> -> memref<640x128xf32, #tpu.memory_space<vmem_shared>>
      tpu.enqueue_dma source(%arg5 : memref<640x128xf32, #tpu.memory_space<hbm>>) target(%dma_start3A_113 : memref<640x128xf32, #tpu.memory_space<vmem_shared>>) target_semaphore(%run_scoped3A_111 : memref<!tpu.dma_semaphore, #tpu.memory_space<semaphore_mem>>)
      %dma_wait3A_114 = arith.constant 0 : i32
      %dma_wait3A_115 = tpu.memref_slice %arg17[%mul3A_38, %dma_wait3A_114] : memref<10240x128xf32, #tpu.memory_space<vmem_shared>> -> memref<640x128xf32, #tpu.memory_space<vmem_shared>>
      tpu.wait_dma2 semaphore(%run_scoped3A_111 : memref<!tpu.dma_semaphore, #tpu.memory_space<semaphore_mem>>) src(%arg5 : memref<640x128xf32, #tpu.memory_space<hbm>>) dst(%dma_wait3A_115 : memref<640x128xf32, #tpu.memory_space<vmem_shared>>)
      tpu.yield
    }) : () -> ()
    %dma_start3A_39 = arith.constant 0 : i32
    %dma_start3A_40 = arith.constant 0 : i32
    %dma_start3A_41 = arith.constant 0 : i32
    %dma_start3A_42 = tpu.memref_slice %arg7[%dma_start3A_39, %dma_start3A_40, %dma_start3A_41] : memref<3x8x40xi32, #tpu.memory_space<vmem>> -> memref<1x1x40xi32, #tpu.memory_space<vmem>>
    %dma_start3A_43 = tpu.memref_squeeze %dma_start3A_42 : memref<1x1x40xi32, #tpu.memory_space<vmem>> -> memref<40xi32, #tpu.memory_space<vmem>>
    %dma_start3A_44 = arith.constant 0 : i32
    %dma_start3A_45 = arith.constant 0 : i32
    %dma_start3A_46 = tpu.memref_slice %arg2[%dma_start3A_44, %dma_start3A_45] : memref<20480x128xf32, #tpu.memory_space<hbm>> -> memref<20480x128xf32, #tpu.memory_space<hbm>>
    tpu.enqueue_indirect_dma source(%dma_start3A_46 : memref<20480x128xf32, #tpu.memory_space<hbm>>) target(%arg9 : memref<40x128xf32, #tpu.memory_space<vmem>>) offsets(%dma_start3A_43 : memref<40xi32, #tpu.memory_space<vmem>>) semaphore(%arg18 : memref<!tpu.dma_semaphore, #tpu.memory_space<semaphore_mem>>)
    %dma_start3A_47 = arith.constant 0 : i32
    %dma_start3A_48 = arith.constant 1 : i32
    %dma_start3A_49 = arith.constant 0 : i32
    %dma_start3A_50 = tpu.memref_slice %arg7[%dma_start3A_47, %dma_start3A_48, %dma_start3A_49] : memref<3x8x40xi32, #tpu.memory_space<vmem>> -> memref<1x1x40xi32, #tpu.memory_space<vmem>>
    %dma_start3A_51 = tpu.memref_squeeze %dma_start3A_50 : memref<1x1x40xi32, #tpu.memory_space<vmem>> -> memref<40xi32, #tpu.memory_space<vmem>>
    %dma_start3A_52 = arith.constant 0 : i32
    %dma_start3A_53 = arith.constant 0 : i32
    %dma_start3A_54 = tpu.memref_slice %arg2[%dma_start3A_52, %dma_start3A_53] : memref<20480x128xf32, #tpu.memory_space<hbm>> -> memref<20480x128xf32, #tpu.memory_space<hbm>>
    tpu.enqueue_indirect_dma source(%dma_start3A_54 : memref<20480x128xf32, #tpu.memory_space<hbm>>) target(%arg10 : memref<40x128xf32, #tpu.memory_space<vmem>>) offsets(%dma_start3A_51 : memref<40xi32, #tpu.memory_space<vmem>>) semaphore(%arg19 : memref<!tpu.dma_semaphore, #tpu.memory_space<semaphore_mem>>)
    %dma_start3A_55 = arith.constant 0 : i32
    %dma_start3A_56 = arith.constant 2 : i32
    %dma_start3A_57 = arith.constant 0 : i32
    %dma_start3A_58 = tpu.memref_slice %arg7[%dma_start3A_55, %dma_start3A_56, %dma_start3A_57] : memref<3x8x40xi32, #tpu.memory_space<vmem>> -> memref<1x1x40xi32, #tpu.memory_space<vmem>>
    %dma_start3A_59 = tpu.memref_squeeze %dma_start3A_58 : memref<1x1x40xi32, #tpu.memory_space<vmem>> -> memref<40xi32, #tpu.memory_space<vmem>>
    %dma_start3A_60 = arith.constant 0 : i32
    %dma_start3A_61 = arith.constant 0 : i32
    %dma_start3A_62 = tpu.memref_slice %arg2[%dma_start3A_60, %dma_start3A_61] : memref<20480x128xf32, #tpu.memory_space<hbm>> -> memref<20480x128xf32, #tpu.memory_space<hbm>>
    tpu.enqueue_indirect_dma source(%dma_start3A_62 : memref<20480x128xf32, #tpu.memory_space<hbm>>) target(%arg11 : memref<40x128xf32, #tpu.memory_space<vmem>>) offsets(%dma_start3A_59 : memref<40xi32, #tpu.memory_space<vmem>>) semaphore(%arg20 : memref<!tpu.dma_semaphore, #tpu.memory_space<semaphore_mem>>)
    %dma_start3A_63 = arith.constant 0 : i32
    %dma_start3A_64 = arith.constant 3 : i32
    %dma_start3A_65 = arith.constant 0 : i32
    %dma_start3A_66 = tpu.memref_slice %arg7[%dma_start3A_63, %dma_start3A_64, %dma_start3A_65] : memref<3x8x40xi32, #tpu.memory_space<vmem>> -> memref<1x1x40xi32, #tpu.memory_space<vmem>>
    %dma_start3A_67 = tpu.memref_squeeze %dma_start3A_66 : memref<1x1x40xi32, #tpu.memory_space<vmem>> -> memref<40xi32, #tpu.memory_space<vmem>>
    %dma_start3A_68 = arith.constant 0 : i32
    %dma_start3A_69 = arith.constant 0 : i32
    %dma_start3A_70 = tpu.memref_slice %arg2[%dma_start3A_68, %dma_start3A_69] : memref<20480x128xf32, #tpu.memory_space<hbm>> -> memref<20480x128xf32, #tpu.memory_space<hbm>>
    tpu.enqueue_indirect_dma source(%dma_start3A_70 : memref<20480x128xf32, #tpu.memory_space<hbm>>) target(%arg12 : memref<40x128xf32, #tpu.memory_space<vmem>>) offsets(%dma_start3A_67 : memref<40xi32, #tpu.memory_space<vmem>>) semaphore(%arg21 : memref<!tpu.dma_semaphore, #tpu.memory_space<semaphore_mem>>)
    %dma_start3A_71 = arith.constant 0 : i32
    %dma_start3A_72 = arith.constant 4 : i32
    %dma_start3A_73 = arith.constant 0 : i32
    %dma_start3A_74 = tpu.memref_slice %arg7[%dma_start3A_71, %dma_start3A_72, %dma_start3A_73] : memref<3x8x40xi32, #tpu.memory_space<vmem>> -> memref<1x1x40xi32, #tpu.memory_space<vmem>>
    %dma_start3A_75 = tpu.memref_squeeze %dma_start3A_74 : memref<1x1x40xi32, #tpu.memory_space<vmem>> -> memref<40xi32, #tpu.memory_space<vmem>>
    %dma_start3A_76 = arith.constant 0 : i32
    %dma_start3A_77 = arith.constant 0 : i32
    %dma_start3A_78 = tpu.memref_slice %arg2[%dma_start3A_76, %dma_start3A_77] : memref<20480x128xf32, #tpu.memory_space<hbm>> -> memref<20480x128xf32, #tpu.memory_space<hbm>>
    tpu.enqueue_indirect_dma source(%dma_start3A_78 : memref<20480x128xf32, #tpu.memory_space<hbm>>) target(%arg13 : memref<40x128xf32, #tpu.memory_space<vmem>>) offsets(%dma_start3A_75 : memref<40xi32, #tpu.memory_space<vmem>>) semaphore(%arg22 : memref<!tpu.dma_semaphore, #tpu.memory_space<semaphore_mem>>)
    %dma_start3A_79 = arith.constant 0 : i32
    %dma_start3A_80 = arith.constant 5 : i32
    %dma_start3A_81 = arith.constant 0 : i32
    %dma_start3A_82 = tpu.memref_slice %arg7[%dma_start3A_79, %dma_start3A_80, %dma_start3A_81] : memref<3x8x40xi32, #tpu.memory_space<vmem>> -> memref<1x1x40xi32, #tpu.memory_space<vmem>>
    %dma_start3A_83 = tpu.memref_squeeze %dma_start3A_82 : memref<1x1x40xi32, #tpu.memory_space<vmem>> -> memref<40xi32, #tpu.memory_space<vmem>>
    %dma_start3A_84 = arith.constant 0 : i32
    %dma_start3A_85 = arith.constant 0 : i32
    %dma_start3A_86 = tpu.memref_slice %arg2[%dma_start3A_84, %dma_start3A_85] : memref<20480x128xf32, #tpu.memory_space<hbm>> -> memref<20480x128xf32, #tpu.memory_space<hbm>>
    tpu.enqueue_indirect_dma source(%dma_start3A_86 : memref<20480x128xf32, #tpu.memory_space<hbm>>) target(%arg14 : memref<40x128xf32, #tpu.memory_space<vmem>>) offsets(%dma_start3A_83 : memref<40xi32, #tpu.memory_space<vmem>>) semaphore(%arg23 : memref<!tpu.dma_semaphore, #tpu.memory_space<semaphore_mem>>)
    %barrier3A = arith.constant 0 : index
    tpu.barrier barrier_id(%barrier3A)
    %scan3A = arith.constant 0 : i32
    %scan3A_87 = arith.constant 64 : i32
    %scan3A_88 = arith.addi %scan3A, %scan3A_87 : i32
    %scan3A_89 = arith.constant 1 : i32
    scf.for %scan3A_111 = %scan3A to %scan3A_88 step %scan3A_89  : i32 {
      %mul3A_112 = arith.constant 1 : i32
      %mul3A_113 = arith.muli %scan3A_111, %mul3A_112 : i32
      %add3A = arith.constant 0 : i32
      %add3A_114 = arith.addi %add3A, %mul3A_113 : i32
      %jit3A = arith.constant 3 : i32
      %eq3A = arith.constant 0 : i32
      %eq3A_115 = arith.cmpi eq, %jit3A, %eq3A : i32
      %jit3A_116 = arith.constant 1 : i32
      %select_n3A = arith.select %eq3A_115, %jit3A_116, %jit3A : i32
      %rem3A = arith.remsi %add3A_114, %select_n3A : i32
      %ne3A = arith.constant 0 : i32
      %ne3A_117 = arith.cmpi ne, %rem3A, %ne3A : i32
      %lt3A = arith.constant 0 : i32
      %lt3A_118 = arith.cmpi slt, %rem3A, %lt3A : i32
      %lt3A_119 = arith.constant 0 : i32
      %lt3A_120 = arith.cmpi slt, %select_n3A, %lt3A_119 : i32
      %ne3A_121 = arith.xori %lt3A_118, %lt3A_120 : i1
      %and3A = arith.andi %ne3A_121, %ne3A_117 : i1
      %add3A_122 = arith.addi %rem3A, %select_n3A : i32
      %select_n3A_123 = arith.select %and3A, %add3A_122, %rem3A : i32
      %add3A_124 = arith.constant 1 : i32
      %add3A_125 = arith.addi %add3A_114, %add3A_124 : i32
      %jit3A_126 = arith.constant 3 : i32
      %eq3A_127 = arith.constant 0 : i32
      %eq3A_128 = arith.cmpi eq, %jit3A_126, %eq3A_127 : i32
      %jit3A_129 = arith.constant 1 : i32
      %select_n3A_130 = arith.select %eq3A_128, %jit3A_129, %jit3A_126 : i32
      %rem3A_131 = arith.remsi %add3A_125, %select_n3A_130 : i32
      %ne3A_132 = arith.constant 0 : i32
      %ne3A_133 = arith.cmpi ne, %rem3A_131, %ne3A_132 : i32
      %lt3A_134 = arith.constant 0 : i32
      %lt3A_135 = arith.cmpi slt, %rem3A_131, %lt3A_134 : i32
      %lt3A_136 = arith.constant 0 : i32
      %lt3A_137 = arith.cmpi slt, %select_n3A_130, %lt3A_136 : i32
      %ne3A_138 = arith.xori %lt3A_135, %lt3A_137 : i1
      %and3A_139 = arith.andi %ne3A_138, %ne3A_133 : i1
      %add3A_140 = arith.addi %rem3A_131, %select_n3A_130 : i32
      %select_n3A_141 = arith.select %and3A_139, %add3A_140, %rem3A_131 : i32
      %add3A_142 = arith.constant 2 : i32
      %add3A_143 = arith.addi %add3A_114, %add3A_142 : i32
      %jit3A_144 = arith.constant 3 : i32
      %eq3A_145 = arith.constant 0 : i32
      %eq3A_146 = arith.cmpi eq, %jit3A_144, %eq3A_145 : i32
      %jit3A_147 = arith.constant 1 : i32
      %select_n3A_148 = arith.select %eq3A_146, %jit3A_147, %jit3A_144 : i32
      %rem3A_149 = arith.remsi %add3A_143, %select_n3A_148 : i32
      %ne3A_150 = arith.constant 0 : i32
      %ne3A_151 = arith.cmpi ne, %rem3A_149, %ne3A_150 : i32
      %lt3A_152 = arith.constant 0 : i32
      %lt3A_153 = arith.cmpi slt, %rem3A_149, %lt3A_152 : i32
      %lt3A_154 = arith.constant 0 : i32
      %lt3A_155 = arith.cmpi slt, %select_n3A_148, %lt3A_154 : i32
      %ne3A_156 = arith.xori %lt3A_153, %lt3A_155 : i1
      %and3A_157 = arith.andi %ne3A_156, %ne3A_151 : i1
      %add3A_158 = arith.addi %rem3A_149, %select_n3A_148 : i32
      %select_n3A_159 = arith.select %and3A_157, %add3A_158, %rem3A_149 : i32
      %dma_wait3A_160 = arith.constant 0 : i32
      %dma_wait3A_161 = arith.constant 0 : i32
      %dma_wait3A_162 = arith.constant 0 : i32
      %dma_wait3A_163 = tpu.memref_slice %arg7[%dma_wait3A_160, %dma_wait3A_161, %dma_wait3A_162] : memref<3x8x40xi32, #tpu.memory_space<vmem>> -> memref<1x1x40xi32, #tpu.memory_space<vmem>>
      %dma_wait3A_164 = tpu.memref_squeeze %dma_wait3A_163 : memref<1x1x40xi32, #tpu.memory_space<vmem>> -> memref<40xi32, #tpu.memory_space<vmem>>
      %dma_wait3A_165 = arith.constant 0 : i32
      %dma_wait3A_166 = arith.constant 0 : i32
      %dma_wait3A_167 = tpu.memref_slice %arg2[%dma_wait3A_165, %dma_wait3A_166] : memref<20480x128xf32, #tpu.memory_space<hbm>> -> memref<20480x128xf32, #tpu.memory_space<hbm>>
      tpu.wait_indirect_dma semaphore(%arg18 : memref<!tpu.dma_semaphore, #tpu.memory_space<semaphore_mem>>) src(%dma_wait3A_167 : memref<20480x128xf32, #tpu.memory_space<hbm>>) dst(%arg9 : memref<40x128xf32, #tpu.memory_space<vmem>>)
      %dma_start3A_168 = arith.constant 0 : i32
      %dma_start3A_169 = arith.constant 0 : i32
      %dma_start3A_170 = tpu.memref_slice %arg8[%select_n3A_123, %dma_start3A_168, %dma_start3A_169] : memref<3x8x40xi32, #tpu.memory_space<vmem>> -> memref<1x1x40xi32, #tpu.memory_space<vmem>>
      %dma_start3A_171 = tpu.memref_squeeze %dma_start3A_170 : memref<1x1x40xi32, #tpu.memory_space<vmem>> -> memref<40xi32, #tpu.memory_space<vmem>>
      %dma_start3A_172 = arith.constant 0 : i32
      %dma_start3A_173 = arith.constant 0 : i32
      %dma_start3A_174 = tpu.memref_slice %arg17[%dma_start3A_172, %dma_start3A_173] : memref<10240x128xf32, #tpu.memory_space<vmem_shared>> -> memref<10240x128xf32, #tpu.memory_space<vmem_shared>>
      tpu.enqueue_indirect_dma source(%arg9 : memref<40x128xf32, #tpu.memory_space<vmem>>) target(%dma_start3A_174 : memref<10240x128xf32, #tpu.memory_space<vmem_shared>>) offsets(%dma_start3A_171 : memref<40xi32, #tpu.memory_space<vmem>>) semaphore(%arg26 : memref<!tpu.dma_semaphore, #tpu.memory_space<semaphore_mem>>) {add = true}
      %gt3A = arith.constant 0 : i32
      %gt3A_175 = arith.cmpi sgt, %add3A_114, %gt3A : i32
      %convert_element_type3A = arith.extui %gt3A_175 : i1 to i32
      %cond3A = arith.constant 0 : i32
      %cond3A_176 = arith.cmpi ne, %convert_element_type3A, %cond3A : i32
      scf.if %cond3A_176 {
        %dma_wait3A_389 = arith.constant 0 : i32
        %dma_wait3A_390 = arith.constant 0 : i32
        %dma_wait3A_391 = arith.constant 0 : i32
        %dma_wait3A_392 = tpu.memref_slice %arg8[%dma_wait3A_389, %dma_wait3A_390, %dma_wait3A_391] : memref<3x8x40xi32, #tpu.memory_space<vmem>> -> memref<1x1x40xi32, #tpu.memory_space<vmem>>
        %dma_wait3A_393 = tpu.memref_squeeze %dma_wait3A_392 : memref<1x1x40xi32, #tpu.memory_space<vmem>> -> memref<40xi32, #tpu.memory_space<vmem>>
        %dma_wait3A_394 = arith.constant 0 : i32
        %dma_wait3A_395 = arith.constant 0 : i32
        %dma_wait3A_396 = tpu.memref_slice %arg17[%dma_wait3A_394, %dma_wait3A_395] : memref<10240x128xf32, #tpu.memory_space<vmem_shared>> -> memref<10240x128xf32, #tpu.memory_space<vmem_shared>>
        tpu.wait_indirect_dma semaphore(%arg32 : memref<!tpu.dma_semaphore, #tpu.memory_space<semaphore_mem>>) src(%arg15 : memref<40x128xf32, #tpu.memory_space<vmem>>) dst(%dma_wait3A_396 : memref<10240x128xf32, #tpu.memory_space<vmem_shared>>)
      } else {
      }
      %dma_start3A_177 = arith.constant 6 : i32
      %dma_start3A_178 = arith.constant 0 : i32
      %dma_start3A_179 = tpu.memref_slice %arg7[%select_n3A_123, %dma_start3A_177, %dma_start3A_178] : memref<3x8x40xi32, #tpu.memory_space<vmem>> -> memref<1x1x40xi32, #tpu.memory_space<vmem>>
      %dma_start3A_180 = tpu.memref_squeeze %dma_start3A_179 : memref<1x1x40xi32, #tpu.memory_space<vmem>> -> memref<40xi32, #tpu.memory_space<vmem>>
      %dma_start3A_181 = arith.constant 0 : i32
      %dma_start3A_182 = arith.constant 0 : i32
      %dma_start3A_183 = tpu.memref_slice %arg2[%dma_start3A_181, %dma_start3A_182] : memref<20480x128xf32, #tpu.memory_space<hbm>> -> memref<20480x128xf32, #tpu.memory_space<hbm>>
      tpu.enqueue_indirect_dma source(%dma_start3A_183 : memref<20480x128xf32, #tpu.memory_space<hbm>>) target(%arg15 : memref<40x128xf32, #tpu.memory_space<vmem>>) offsets(%dma_start3A_180 : memref<40xi32, #tpu.memory_space<vmem>>) semaphore(%arg24 : memref<!tpu.dma_semaphore, #tpu.memory_space<semaphore_mem>>)
      %dma_wait3A_184 = arith.constant 0 : i32
      %dma_wait3A_185 = arith.constant 0 : i32
      %dma_wait3A_186 = arith.constant 0 : i32
      %dma_wait3A_187 = tpu.memref_slice %arg7[%dma_wait3A_184, %dma_wait3A_185, %dma_wait3A_186] : memref<3x8x40xi32, #tpu.memory_space<vmem>> -> memref<1x1x40xi32, #tpu.memory_space<vmem>>
      %dma_wait3A_188 = tpu.memref_squeeze %dma_wait3A_187 : memref<1x1x40xi32, #tpu.memory_space<vmem>> -> memref<40xi32, #tpu.memory_space<vmem>>
      %dma_wait3A_189 = arith.constant 0 : i32
      %dma_wait3A_190 = arith.constant 0 : i32
      %dma_wait3A_191 = tpu.memref_slice %arg2[%dma_wait3A_189, %dma_wait3A_190] : memref<20480x128xf32, #tpu.memory_space<hbm>> -> memref<20480x128xf32, #tpu.memory_space<hbm>>
      tpu.wait_indirect_dma semaphore(%arg19 : memref<!tpu.dma_semaphore, #tpu.memory_space<semaphore_mem>>) src(%dma_wait3A_191 : memref<20480x128xf32, #tpu.memory_space<hbm>>) dst(%arg10 : memref<40x128xf32, #tpu.memory_space<vmem>>)
      %dma_start3A_192 = arith.constant 1 : i32
      %dma_start3A_193 = arith.constant 0 : i32
      %dma_start3A_194 = tpu.memref_slice %arg8[%select_n3A_123, %dma_start3A_192, %dma_start3A_193] : memref<3x8x40xi32, #tpu.memory_space<vmem>> -> memref<1x1x40xi32, #tpu.memory_space<vmem>>
      %dma_start3A_195 = tpu.memref_squeeze %dma_start3A_194 : memref<1x1x40xi32, #tpu.memory_space<vmem>> -> memref<40xi32, #tpu.memory_space<vmem>>
      %dma_start3A_196 = arith.constant 0 : i32
      %dma_start3A_197 = arith.constant 0 : i32
      %dma_start3A_198 = tpu.memref_slice %arg17[%dma_start3A_196, %dma_start3A_197] : memref<10240x128xf32, #tpu.memory_space<vmem_shared>> -> memref<10240x128xf32, #tpu.memory_space<vmem_shared>>
      tpu.enqueue_indirect_dma source(%arg10 : memref<40x128xf32, #tpu.memory_space<vmem>>) target(%dma_start3A_198 : memref<10240x128xf32, #tpu.memory_space<vmem_shared>>) offsets(%dma_start3A_195 : memref<40xi32, #tpu.memory_space<vmem>>) semaphore(%arg27 : memref<!tpu.dma_semaphore, #tpu.memory_space<semaphore_mem>>) {add = true}
      %lt3A_199 = arith.constant 63 : i32
      %lt3A_200 = arith.cmpi slt, %add3A_114, %lt3A_199 : i32
      %convert_element_type3A_201 = arith.extui %lt3A_200 : i1 to i32
      %cond3A_202 = arith.constant 0 : i32
      %cond3A_203 = arith.cmpi ne, %convert_element_type3A_201, %cond3A_202 : i32
      scf.if %cond3A_203 {
        %dma_wait3A_389 = arith.constant 0 : i32
        %dma_wait3A_390 = arith.constant 0 : i32
        %dma_wait3A_391 = arith.constant 0 : i32
        %dma_wait3A_392 = arith.constant 0 : i32
        %dma_wait3A_393 = tpu.memref_slice %arg7[%dma_wait3A_390, %dma_wait3A_391, %dma_wait3A_392] : memref<3x8x40xi32, #tpu.memory_space<vmem>> -> memref<1x8x40xi32, #tpu.memory_space<vmem>>
        %dma_wait3A_394 = tpu.memref_squeeze %dma_wait3A_393 : memref<1x8x40xi32, #tpu.memory_space<vmem>> -> memref<8x40xi32, #tpu.memory_space<vmem>>
        %dma_wait3A_395 = arith.constant 0 : i32
        %dma_wait3A_396 = arith.constant 0 : i32
        %dma_wait3A_397 = tpu.memref_slice %arg3[%arg0, %arg1, %dma_wait3A_389, %dma_wait3A_395, %dma_wait3A_396] : memref<2x16x64x8x40xi32, #tpu.memory_space<hbm>> -> memref<1x1x1x8x40xi32, #tpu.memory_space<hbm>>
        %dma_wait3A_398 = tpu.memref_squeeze %dma_wait3A_397 : memref<1x1x1x8x40xi32, #tpu.memory_space<hbm>> -> memref<8x40xi32, #tpu.memory_space<hbm>>
        %dma_wait3A_399 = arith.constant 0 : i32
        %dma_wait3A_400 = arith.constant 0 : i32
        %dma_wait3A_401 = tpu.memref_slice %arg7[%dma_wait3A_390, %dma_wait3A_399, %dma_wait3A_400] : memref<3x8x40xi32, #tpu.memory_space<vmem>> -> memref<1x8x40xi32, #tpu.memory_space<vmem>>
        %dma_wait3A_402 = tpu.memref_squeeze %dma_wait3A_401 : memref<1x8x40xi32, #tpu.memory_space<vmem>> -> memref<8x40xi32, #tpu.memory_space<vmem>>
        %dma_wait3A_403 = arith.constant 0 : i32
        %dma_wait3A_404 = arith.constant 0 : i32
        %dma_wait3A_405 = tpu.memref_slice %arg3[%arg0, %arg1, %dma_wait3A_389, %dma_wait3A_403, %dma_wait3A_404] : memref<2x16x64x8x40xi32, #tpu.memory_space<hbm>> -> memref<1x1x1x8x40xi32, #tpu.memory_space<hbm>>
        %dma_wait3A_406 = tpu.memref_squeeze %dma_wait3A_405 : memref<1x1x1x8x40xi32, #tpu.memory_space<hbm>> -> memref<8x40xi32, #tpu.memory_space<hbm>>
        tpu.wait_dma2 semaphore(%arg34 : memref<!tpu.dma_semaphore, #tpu.memory_space<semaphore_mem>>) src(%dma_wait3A_406 : memref<8x40xi32, #tpu.memory_space<hbm>>) dst(%dma_wait3A_402 : memref<8x40xi32, #tpu.memory_space<vmem>>)
        %dma_wait3A_407 = arith.constant 0 : i32
        %dma_wait3A_408 = arith.constant 0 : i32
        %dma_wait3A_409 = arith.constant 0 : i32
        %dma_wait3A_410 = arith.constant 0 : i32
        %dma_wait3A_411 = tpu.memref_slice %arg8[%dma_wait3A_408, %dma_wait3A_409, %dma_wait3A_410] : memref<3x8x40xi32, #tpu.memory_space<vmem>> -> memref<1x8x40xi32, #tpu.memory_space<vmem>>
        %dma_wait3A_412 = tpu.memref_squeeze %dma_wait3A_411 : memref<1x8x40xi32, #tpu.memory_space<vmem>> -> memref<8x40xi32, #tpu.memory_space<vmem>>
        %dma_wait3A_413 = arith.constant 0 : i32
        %dma_wait3A_414 = arith.constant 0 : i32
        %dma_wait3A_415 = tpu.memref_slice %arg4[%arg1, %dma_wait3A_407, %dma_wait3A_413, %dma_wait3A_414] : memref<16x64x8x40xi32, #tpu.memory_space<hbm>> -> memref<1x1x8x40xi32, #tpu.memory_space<hbm>>
        %dma_wait3A_416 = tpu.memref_squeeze %dma_wait3A_415 : memref<1x1x8x40xi32, #tpu.memory_space<hbm>> -> memref<8x40xi32, #tpu.memory_space<hbm>>
        %dma_wait3A_417 = arith.constant 0 : i32
        %dma_wait3A_418 = arith.constant 0 : i32
        %dma_wait3A_419 = tpu.memref_slice %arg8[%dma_wait3A_408, %dma_wait3A_417, %dma_wait3A_418] : memref<3x8x40xi32, #tpu.memory_space<vmem>> -> memref<1x8x40xi32, #tpu.memory_space<vmem>>
        %dma_wait3A_420 = tpu.memref_squeeze %dma_wait3A_419 : memref<1x8x40xi32, #tpu.memory_space<vmem>> -> memref<8x40xi32, #tpu.memory_space<vmem>>
        %dma_wait3A_421 = arith.constant 0 : i32
        %dma_wait3A_422 = arith.constant 0 : i32
        %dma_wait3A_423 = tpu.memref_slice %arg4[%arg1, %dma_wait3A_407, %dma_wait3A_421, %dma_wait3A_422] : memref<16x64x8x40xi32, #tpu.memory_space<hbm>> -> memref<1x1x8x40xi32, #tpu.memory_space<hbm>>
        %dma_wait3A_424 = tpu.memref_squeeze %dma_wait3A_423 : memref<1x1x8x40xi32, #tpu.memory_space<hbm>> -> memref<8x40xi32, #tpu.memory_space<hbm>>
        tpu.wait_dma2 semaphore(%arg35 : memref<!tpu.dma_semaphore, #tpu.memory_space<semaphore_mem>>) src(%dma_wait3A_424 : memref<8x40xi32, #tpu.memory_space<hbm>>) dst(%dma_wait3A_420 : memref<8x40xi32, #tpu.memory_space<vmem>>)
      } else {
      }
      %gt3A_204 = arith.constant 0 : i32
      %gt3A_205 = arith.cmpi sgt, %add3A_114, %gt3A_204 : i32
      %convert_element_type3A_206 = arith.extui %gt3A_205 : i1 to i32
      %cond3A_207 = arith.constant 0 : i32
      %cond3A_208 = arith.cmpi ne, %convert_element_type3A_206, %cond3A_207 : i32
      scf.if %cond3A_208 {
        %dma_wait3A_389 = arith.constant 0 : i32
        %dma_wait3A_390 = arith.constant 0 : i32
        %dma_wait3A_391 = arith.constant 0 : i32
        %dma_wait3A_392 = tpu.memref_slice %arg8[%dma_wait3A_389, %dma_wait3A_390, %dma_wait3A_391] : memref<3x8x40xi32, #tpu.memory_space<vmem>> -> memref<1x1x40xi32, #tpu.memory_space<vmem>>
        %dma_wait3A_393 = tpu.memref_squeeze %dma_wait3A_392 : memref<1x1x40xi32, #tpu.memory_space<vmem>> -> memref<40xi32, #tpu.memory_space<vmem>>
        %dma_wait3A_394 = arith.constant 0 : i32
        %dma_wait3A_395 = arith.constant 0 : i32
        %dma_wait3A_396 = tpu.memref_slice %arg17[%dma_wait3A_394, %dma_wait3A_395] : memref<10240x128xf32, #tpu.memory_space<vmem_shared>> -> memref<10240x128xf32, #tpu.memory_space<vmem_shared>>
        tpu.wait_indirect_dma semaphore(%arg33 : memref<!tpu.dma_semaphore, #tpu.memory_space<semaphore_mem>>) src(%arg16 : memref<40x128xf32, #tpu.memory_space<vmem>>) dst(%dma_wait3A_396 : memref<10240x128xf32, #tpu.memory_space<vmem_shared>>)
      } else {
      }
      %dma_start3A_209 = arith.constant 7 : i32
      %dma_start3A_210 = arith.constant 0 : i32
      %dma_start3A_211 = tpu.memref_slice %arg7[%select_n3A_123, %dma_start3A_209, %dma_start3A_210] : memref<3x8x40xi32, #tpu.memory_space<vmem>> -> memref<1x1x40xi32, #tpu.memory_space<vmem>>
      %dma_start3A_212 = tpu.memref_squeeze %dma_start3A_211 : memref<1x1x40xi32, #tpu.memory_space<vmem>> -> memref<40xi32, #tpu.memory_space<vmem>>
      %dma_start3A_213 = arith.constant 0 : i32
      %dma_start3A_214 = arith.constant 0 : i32
      %dma_start3A_215 = tpu.memref_slice %arg2[%dma_start3A_213, %dma_start3A_214] : memref<20480x128xf32, #tpu.memory_space<hbm>> -> memref<20480x128xf32, #tpu.memory_space<hbm>>
      tpu.enqueue_indirect_dma source(%dma_start3A_215 : memref<20480x128xf32, #tpu.memory_space<hbm>>) target(%arg16 : memref<40x128xf32, #tpu.memory_space<vmem>>) offsets(%dma_start3A_212 : memref<40xi32, #tpu.memory_space<vmem>>) semaphore(%arg25 : memref<!tpu.dma_semaphore, #tpu.memory_space<semaphore_mem>>)
      %dma_wait3A_216 = arith.constant 0 : i32
      %dma_wait3A_217 = arith.constant 0 : i32
      %dma_wait3A_218 = arith.constant 0 : i32
      %dma_wait3A_219 = tpu.memref_slice %arg7[%dma_wait3A_216, %dma_wait3A_217, %dma_wait3A_218] : memref<3x8x40xi32, #tpu.memory_space<vmem>> -> memref<1x1x40xi32, #tpu.memory_space<vmem>>
      %dma_wait3A_220 = tpu.memref_squeeze %dma_wait3A_219 : memref<1x1x40xi32, #tpu.memory_space<vmem>> -> memref<40xi32, #tpu.memory_space<vmem>>
      %dma_wait3A_221 = arith.constant 0 : i32
      %dma_wait3A_222 = arith.constant 0 : i32
      %dma_wait3A_223 = tpu.memref_slice %arg2[%dma_wait3A_221, %dma_wait3A_222] : memref<20480x128xf32, #tpu.memory_space<hbm>> -> memref<20480x128xf32, #tpu.memory_space<hbm>>
      tpu.wait_indirect_dma semaphore(%arg20 : memref<!tpu.dma_semaphore, #tpu.memory_space<semaphore_mem>>) src(%dma_wait3A_223 : memref<20480x128xf32, #tpu.memory_space<hbm>>) dst(%arg11 : memref<40x128xf32, #tpu.memory_space<vmem>>)
      %dma_start3A_224 = arith.constant 2 : i32
      %dma_start3A_225 = arith.constant 0 : i32
      %dma_start3A_226 = tpu.memref_slice %arg8[%select_n3A_123, %dma_start3A_224, %dma_start3A_225] : memref<3x8x40xi32, #tpu.memory_space<vmem>> -> memref<1x1x40xi32, #tpu.memory_space<vmem>>
      %dma_start3A_227 = tpu.memref_squeeze %dma_start3A_226 : memref<1x1x40xi32, #tpu.memory_space<vmem>> -> memref<40xi32, #tpu.memory_space<vmem>>
      %dma_start3A_228 = arith.constant 0 : i32
      %dma_start3A_229 = arith.constant 0 : i32
      %dma_start3A_230 = tpu.memref_slice %arg17[%dma_start3A_228, %dma_start3A_229] : memref<10240x128xf32, #tpu.memory_space<vmem_shared>> -> memref<10240x128xf32, #tpu.memory_space<vmem_shared>>
      tpu.enqueue_indirect_dma source(%arg11 : memref<40x128xf32, #tpu.memory_space<vmem>>) target(%dma_start3A_230 : memref<10240x128xf32, #tpu.memory_space<vmem_shared>>) offsets(%dma_start3A_227 : memref<40xi32, #tpu.memory_space<vmem>>) semaphore(%arg28 : memref<!tpu.dma_semaphore, #tpu.memory_space<semaphore_mem>>) {add = true}
      %lt3A_231 = arith.constant 62 : i32
      %lt3A_232 = arith.cmpi slt, %add3A_114, %lt3A_231 : i32
      %convert_element_type3A_233 = arith.extui %lt3A_232 : i1 to i32
      %cond3A_234 = arith.constant 0 : i32
      %cond3A_235 = arith.cmpi ne, %convert_element_type3A_233, %cond3A_234 : i32
      scf.if %cond3A_235 {
        %add3A_389 = arith.constant 2 : i32
        %add3A_390 = arith.addi %add3A_114, %add3A_389 : i32
        %dma_start3A_391 = arith.constant 0 : i32
        %dma_start3A_392 = arith.constant 0 : i32
        %dma_start3A_393 = tpu.memref_slice %arg7[%select_n3A_159, %dma_start3A_391, %dma_start3A_392] : memref<3x8x40xi32, #tpu.memory_space<vmem>> -> memref<1x8x40xi32, #tpu.memory_space<vmem>>
        %dma_start3A_394 = tpu.memref_squeeze %dma_start3A_393 : memref<1x8x40xi32, #tpu.memory_space<vmem>> -> memref<8x40xi32, #tpu.memory_space<vmem>>
        %dma_start3A_395 = arith.constant 0 : i32
        %dma_start3A_396 = arith.constant 0 : i32
        %dma_start3A_397 = tpu.memref_slice %arg3[%arg0, %arg1, %add3A_390, %dma_start3A_395, %dma_start3A_396] : memref<2x16x64x8x40xi32, #tpu.memory_space<hbm>> -> memref<1x1x1x8x40xi32, #tpu.memory_space<hbm>>
        %dma_start3A_398 = tpu.memref_squeeze %dma_start3A_397 : memref<1x1x1x8x40xi32, #tpu.memory_space<hbm>> -> memref<8x40xi32, #tpu.memory_space<hbm>>
        %dma_start3A_399 = arith.constant 0 : i32
        %dma_start3A_400 = arith.constant 0 : i32
        %dma_start3A_401 = tpu.memref_slice %arg7[%select_n3A_159, %dma_start3A_399, %dma_start3A_400] : memref<3x8x40xi32, #tpu.memory_space<vmem>> -> memref<1x8x40xi32, #tpu.memory_space<vmem>>
        %dma_start3A_402 = tpu.memref_squeeze %dma_start3A_401 : memref<1x8x40xi32, #tpu.memory_space<vmem>> -> memref<8x40xi32, #tpu.memory_space<vmem>>
        %dma_start3A_403 = arith.constant 0 : i32
        %dma_start3A_404 = arith.constant 0 : i32
        %dma_start3A_405 = tpu.memref_slice %arg3[%arg0, %arg1, %add3A_390, %dma_start3A_403, %dma_start3A_404] : memref<2x16x64x8x40xi32, #tpu.memory_space<hbm>> -> memref<1x1x1x8x40xi32, #tpu.memory_space<hbm>>
        %dma_start3A_406 = tpu.memref_squeeze %dma_start3A_405 : memref<1x1x1x8x40xi32, #tpu.memory_space<hbm>> -> memref<8x40xi32, #tpu.memory_space<hbm>>
        tpu.enqueue_dma source(%dma_start3A_406 : memref<8x40xi32, #tpu.memory_space<hbm>>) target(%dma_start3A_402 : memref<8x40xi32, #tpu.memory_space<vmem>>) target_semaphore(%arg34 : memref<!tpu.dma_semaphore, #tpu.memory_space<semaphore_mem>>)
        %add3A_407 = arith.constant 2 : i32
        %add3A_408 = arith.addi %add3A_114, %add3A_407 : i32
        %dma_start3A_409 = arith.constant 0 : i32
        %dma_start3A_410 = arith.constant 0 : i32
        %dma_start3A_411 = tpu.memref_slice %arg8[%select_n3A_159, %dma_start3A_409, %dma_start3A_410] : memref<3x8x40xi32, #tpu.memory_space<vmem>> -> memref<1x8x40xi32, #tpu.memory_space<vmem>>
        %dma_start3A_412 = tpu.memref_squeeze %dma_start3A_411 : memref<1x8x40xi32, #tpu.memory_space<vmem>> -> memref<8x40xi32, #tpu.memory_space<vmem>>
        %dma_start3A_413 = arith.constant 0 : i32
        %dma_start3A_414 = arith.constant 0 : i32
        %dma_start3A_415 = tpu.memref_slice %arg4[%arg1, %add3A_408, %dma_start3A_413, %dma_start3A_414] : memref<16x64x8x40xi32, #tpu.memory_space<hbm>> -> memref<1x1x8x40xi32, #tpu.memory_space<hbm>>
        %dma_start3A_416 = tpu.memref_squeeze %dma_start3A_415 : memref<1x1x8x40xi32, #tpu.memory_space<hbm>> -> memref<8x40xi32, #tpu.memory_space<hbm>>
        %dma_start3A_417 = arith.constant 0 : i32
        %dma_start3A_418 = arith.constant 0 : i32
        %dma_start3A_419 = tpu.memref_slice %arg8[%select_n3A_159, %dma_start3A_417, %dma_start3A_418] : memref<3x8x40xi32, #tpu.memory_space<vmem>> -> memref<1x8x40xi32, #tpu.memory_space<vmem>>
        %dma_start3A_420 = tpu.memref_squeeze %dma_start3A_419 : memref<1x8x40xi32, #tpu.memory_space<vmem>> -> memref<8x40xi32, #tpu.memory_space<vmem>>
        %dma_start3A_421 = arith.constant 0 : i32
        %dma_start3A_422 = arith.constant 0 : i32
        %dma_start3A_423 = tpu.memref_slice %arg4[%arg1, %add3A_408, %dma_start3A_421, %dma_start3A_422] : memref<16x64x8x40xi32, #tpu.memory_space<hbm>> -> memref<1x1x8x40xi32, #tpu.memory_space<hbm>>
        %dma_start3A_424 = tpu.memref_squeeze %dma_start3A_423 : memref<1x1x8x40xi32, #tpu.memory_space<hbm>> -> memref<8x40xi32, #tpu.memory_space<hbm>>
        tpu.enqueue_dma source(%dma_start3A_424 : memref<8x40xi32, #tpu.memory_space<hbm>>) target(%dma_start3A_420 : memref<8x40xi32, #tpu.memory_space<vmem>>) target_semaphore(%arg35 : memref<!tpu.dma_semaphore, #tpu.memory_space<semaphore_mem>>)
      } else {
      }
      %dma_wait3A_236 = arith.constant 0 : i32
      %dma_wait3A_237 = arith.constant 0 : i32
      %dma_wait3A_238 = arith.constant 0 : i32
      %dma_wait3A_239 = tpu.memref_slice %arg8[%dma_wait3A_236, %dma_wait3A_237, %dma_wait3A_238] : memref<3x8x40xi32, #tpu.memory_space<vmem>> -> memref<1x1x40xi32, #tpu.memory_space<vmem>>
      %dma_wait3A_240 = tpu.memref_squeeze %dma_wait3A_239 : memref<1x1x40xi32, #tpu.memory_space<vmem>> -> memref<40xi32, #tpu.memory_space<vmem>>
      %dma_wait3A_241 = arith.constant 0 : i32
      %dma_wait3A_242 = arith.constant 0 : i32
      %dma_wait3A_243 = tpu.memref_slice %arg17[%dma_wait3A_241, %dma_wait3A_242] : memref<10240x128xf32, #tpu.memory_space<vmem_shared>> -> memref<10240x128xf32, #tpu.memory_space<vmem_shared>>
      tpu.wait_indirect_dma semaphore(%arg26 : memref<!tpu.dma_semaphore, #tpu.memory_space<semaphore_mem>>) src(%arg9 : memref<40x128xf32, #tpu.memory_space<vmem>>) dst(%dma_wait3A_243 : memref<10240x128xf32, #tpu.memory_space<vmem_shared>>)
      %lt3A_244 = arith.constant 63 : i32
      %lt3A_245 = arith.cmpi slt, %add3A_114, %lt3A_244 : i32
      %convert_element_type3A_246 = arith.extui %lt3A_245 : i1 to i32
      %cond3A_247 = arith.constant 0 : i32
      %cond3A_248 = arith.cmpi ne, %convert_element_type3A_246, %cond3A_247 : i32
      scf.if %cond3A_248 {
        %dma_start3A_389 = arith.constant 0 : i32
        %dma_start3A_390 = arith.constant 0 : i32
        %dma_start3A_391 = tpu.memref_slice %arg7[%select_n3A_141, %dma_start3A_389, %dma_start3A_390] : memref<3x8x40xi32, #tpu.memory_space<vmem>> -> memref<1x1x40xi32, #tpu.memory_space<vmem>>
        %dma_start3A_392 = tpu.memref_squeeze %dma_start3A_391 : memref<1x1x40xi32, #tpu.memory_space<vmem>> -> memref<40xi32, #tpu.memory_space<vmem>>
        %dma_start3A_393 = arith.constant 0 : i32
        %dma_start3A_394 = arith.constant 0 : i32
        %dma_start3A_395 = tpu.memref_slice %arg2[%dma_start3A_393, %dma_start3A_394] : memref<20480x128xf32, #tpu.memory_space<hbm>> -> memref<20480x128xf32, #tpu.memory_space<hbm>>
        tpu.enqueue_indirect_dma source(%dma_start3A_395 : memref<20480x128xf32, #tpu.memory_space<hbm>>) target(%arg9 : memref<40x128xf32, #tpu.memory_space<vmem>>) offsets(%dma_start3A_392 : memref<40xi32, #tpu.memory_space<vmem>>) semaphore(%arg18 : memref<!tpu.dma_semaphore, #tpu.memory_space<semaphore_mem>>)
      } else {
      }
      %dma_wait3A_249 = arith.constant 0 : i32
      %dma_wait3A_250 = arith.constant 0 : i32
      %dma_wait3A_251 = arith.constant 0 : i32
      %dma_wait3A_252 = tpu.memref_slice %arg7[%dma_wait3A_249, %dma_wait3A_250, %dma_wait3A_251] : memref<3x8x40xi32, #tpu.memory_space<vmem>> -> memref<1x1x40xi32, #tpu.memory_space<vmem>>
      %dma_wait3A_253 = tpu.memref_squeeze %dma_wait3A_252 : memref<1x1x40xi32, #tpu.memory_space<vmem>> -> memref<40xi32, #tpu.memory_space<vmem>>
      %dma_wait3A_254 = arith.constant 0 : i32
      %dma_wait3A_255 = arith.constant 0 : i32
      %dma_wait3A_256 = tpu.memref_slice %arg2[%dma_wait3A_254, %dma_wait3A_255] : memref<20480x128xf32, #tpu.memory_space<hbm>> -> memref<20480x128xf32, #tpu.memory_space<hbm>>
      tpu.wait_indirect_dma semaphore(%arg21 : memref<!tpu.dma_semaphore, #tpu.memory_space<semaphore_mem>>) src(%dma_wait3A_256 : memref<20480x128xf32, #tpu.memory_space<hbm>>) dst(%arg12 : memref<40x128xf32, #tpu.memory_space<vmem>>)
      %dma_start3A_257 = arith.constant 3 : i32
      %dma_start3A_258 = arith.constant 0 : i32
      %dma_start3A_259 = tpu.memref_slice %arg8[%select_n3A_123, %dma_start3A_257, %dma_start3A_258] : memref<3x8x40xi32, #tpu.memory_space<vmem>> -> memref<1x1x40xi32, #tpu.memory_space<vmem>>
      %dma_start3A_260 = tpu.memref_squeeze %dma_start3A_259 : memref<1x1x40xi32, #tpu.memory_space<vmem>> -> memref<40xi32, #tpu.memory_space<vmem>>
      %dma_start3A_261 = arith.constant 0 : i32
      %dma_start3A_262 = arith.constant 0 : i32
      %dma_start3A_263 = tpu.memref_slice %arg17[%dma_start3A_261, %dma_start3A_262] : memref<10240x128xf32, #tpu.memory_space<vmem_shared>> -> memref<10240x128xf32, #tpu.memory_space<vmem_shared>>
      tpu.enqueue_indirect_dma source(%arg12 : memref<40x128xf32, #tpu.memory_space<vmem>>) target(%dma_start3A_263 : memref<10240x128xf32, #tpu.memory_space<vmem_shared>>) offsets(%dma_start3A_260 : memref<40xi32, #tpu.memory_space<vmem>>) semaphore(%arg29 : memref<!tpu.dma_semaphore, #tpu.memory_space<semaphore_mem>>) {add = true}
      %dma_wait3A_264 = arith.constant 0 : i32
      %dma_wait3A_265 = arith.constant 0 : i32
      %dma_wait3A_266 = arith.constant 0 : i32
      %dma_wait3A_267 = tpu.memref_slice %arg8[%dma_wait3A_264, %dma_wait3A_265, %dma_wait3A_266] : memref<3x8x40xi32, #tpu.memory_space<vmem>> -> memref<1x1x40xi32, #tpu.memory_space<vmem>>
      %dma_wait3A_268 = tpu.memref_squeeze %dma_wait3A_267 : memref<1x1x40xi32, #tpu.memory_space<vmem>> -> memref<40xi32, #tpu.memory_space<vmem>>
      %dma_wait3A_269 = arith.constant 0 : i32
      %dma_wait3A_270 = arith.constant 0 : i32
      %dma_wait3A_271 = tpu.memref_slice %arg17[%dma_wait3A_269, %dma_wait3A_270] : memref<10240x128xf32, #tpu.memory_space<vmem_shared>> -> memref<10240x128xf32, #tpu.memory_space<vmem_shared>>
      tpu.wait_indirect_dma semaphore(%arg27 : memref<!tpu.dma_semaphore, #tpu.memory_space<semaphore_mem>>) src(%arg10 : memref<40x128xf32, #tpu.memory_space<vmem>>) dst(%dma_wait3A_271 : memref<10240x128xf32, #tpu.memory_space<vmem_shared>>)
      %lt3A_272 = arith.constant 63 : i32
      %lt3A_273 = arith.cmpi slt, %add3A_114, %lt3A_272 : i32
      %convert_element_type3A_274 = arith.extui %lt3A_273 : i1 to i32
      %cond3A_275 = arith.constant 0 : i32
      %cond3A_276 = arith.cmpi ne, %convert_element_type3A_274, %cond3A_275 : i32
      scf.if %cond3A_276 {
        %dma_start3A_389 = arith.constant 1 : i32
        %dma_start3A_390 = arith.constant 0 : i32
        %dma_start3A_391 = tpu.memref_slice %arg7[%select_n3A_141, %dma_start3A_389, %dma_start3A_390] : memref<3x8x40xi32, #tpu.memory_space<vmem>> -> memref<1x1x40xi32, #tpu.memory_space<vmem>>
        %dma_start3A_392 = tpu.memref_squeeze %dma_start3A_391 : memref<1x1x40xi32, #tpu.memory_space<vmem>> -> memref<40xi32, #tpu.memory_space<vmem>>
        %dma_start3A_393 = arith.constant 0 : i32
        %dma_start3A_394 = arith.constant 0 : i32
        %dma_start3A_395 = tpu.memref_slice %arg2[%dma_start3A_393, %dma_start3A_394] : memref<20480x128xf32, #tpu.memory_space<hbm>> -> memref<20480x128xf32, #tpu.memory_space<hbm>>
        tpu.enqueue_indirect_dma source(%dma_start3A_395 : memref<20480x128xf32, #tpu.memory_space<hbm>>) target(%arg10 : memref<40x128xf32, #tpu.memory_space<vmem>>) offsets(%dma_start3A_392 : memref<40xi32, #tpu.memory_space<vmem>>) semaphore(%arg19 : memref<!tpu.dma_semaphore, #tpu.memory_space<semaphore_mem>>)
      } else {
      }
      %dma_wait3A_277 = arith.constant 0 : i32
      %dma_wait3A_278 = arith.constant 0 : i32
      %dma_wait3A_279 = arith.constant 0 : i32
      %dma_wait3A_280 = tpu.memref_slice %arg7[%dma_wait3A_277, %dma_wait3A_278, %dma_wait3A_279] : memref<3x8x40xi32, #tpu.memory_space<vmem>> -> memref<1x1x40xi32, #tpu.memory_space<vmem>>
      %dma_wait3A_281 = tpu.memref_squeeze %dma_wait3A_280 : memref<1x1x40xi32, #tpu.memory_space<vmem>> -> memref<40xi32, #tpu.memory_space<vmem>>
      %dma_wait3A_282 = arith.constant 0 : i32
      %dma_wait3A_283 = arith.constant 0 : i32
      %dma_wait3A_284 = tpu.memref_slice %arg2[%dma_wait3A_282, %dma_wait3A_283] : memref<20480x128xf32, #tpu.memory_space<hbm>> -> memref<20480x128xf32, #tpu.memory_space<hbm>>
      tpu.wait_indirect_dma semaphore(%arg22 : memref<!tpu.dma_semaphore, #tpu.memory_space<semaphore_mem>>) src(%dma_wait3A_284 : memref<20480x128xf32, #tpu.memory_space<hbm>>) dst(%arg13 : memref<40x128xf32, #tpu.memory_space<vmem>>)
      %dma_start3A_285 = arith.constant 4 : i32
      %dma_start3A_286 = arith.constant 0 : i32
      %dma_start3A_287 = tpu.memref_slice %arg8[%select_n3A_123, %dma_start3A_285, %dma_start3A_286] : memref<3x8x40xi32, #tpu.memory_space<vmem>> -> memref<1x1x40xi32, #tpu.memory_space<vmem>>
      %dma_start3A_288 = tpu.memref_squeeze %dma_start3A_287 : memref<1x1x40xi32, #tpu.memory_space<vmem>> -> memref<40xi32, #tpu.memory_space<vmem>>
      %dma_start3A_289 = arith.constant 0 : i32
      %dma_start3A_290 = arith.constant 0 : i32
      %dma_start3A_291 = tpu.memref_slice %arg17[%dma_start3A_289, %dma_start3A_290] : memref<10240x128xf32, #tpu.memory_space<vmem_shared>> -> memref<10240x128xf32, #tpu.memory_space<vmem_shared>>
      tpu.enqueue_indirect_dma source(%arg13 : memref<40x128xf32, #tpu.memory_space<vmem>>) target(%dma_start3A_291 : memref<10240x128xf32, #tpu.memory_space<vmem_shared>>) offsets(%dma_start3A_288 : memref<40xi32, #tpu.memory_space<vmem>>) semaphore(%arg30 : memref<!tpu.dma_semaphore, #tpu.memory_space<semaphore_mem>>) {add = true}
      %dma_wait3A_292 = arith.constant 0 : i32
      %dma_wait3A_293 = arith.constant 0 : i32
      %dma_wait3A_294 = arith.constant 0 : i32
      %dma_wait3A_295 = tpu.memref_slice %arg8[%dma_wait3A_292, %dma_wait3A_293, %dma_wait3A_294] : memref<3x8x40xi32, #tpu.memory_space<vmem>> -> memref<1x1x40xi32, #tpu.memory_space<vmem>>
      %dma_wait3A_296 = tpu.memref_squeeze %dma_wait3A_295 : memref<1x1x40xi32, #tpu.memory_space<vmem>> -> memref<40xi32, #tpu.memory_space<vmem>>
      %dma_wait3A_297 = arith.constant 0 : i32
      %dma_wait3A_298 = arith.constant 0 : i32
      %dma_wait3A_299 = tpu.memref_slice %arg17[%dma_wait3A_297, %dma_wait3A_298] : memref<10240x128xf32, #tpu.memory_space<vmem_shared>> -> memref<10240x128xf32, #tpu.memory_space<vmem_shared>>
      tpu.wait_indirect_dma semaphore(%arg28 : memref<!tpu.dma_semaphore, #tpu.memory_space<semaphore_mem>>) src(%arg11 : memref<40x128xf32, #tpu.memory_space<vmem>>) dst(%dma_wait3A_299 : memref<10240x128xf32, #tpu.memory_space<vmem_shared>>)
      %lt3A_300 = arith.constant 63 : i32
      %lt3A_301 = arith.cmpi slt, %add3A_114, %lt3A_300 : i32
      %convert_element_type3A_302 = arith.extui %lt3A_301 : i1 to i32
      %cond3A_303 = arith.constant 0 : i32
      %cond3A_304 = arith.cmpi ne, %convert_element_type3A_302, %cond3A_303 : i32
      scf.if %cond3A_304 {
        %dma_start3A_389 = arith.constant 2 : i32
        %dma_start3A_390 = arith.constant 0 : i32
        %dma_start3A_391 = tpu.memref_slice %arg7[%select_n3A_141, %dma_start3A_389, %dma_start3A_390] : memref<3x8x40xi32, #tpu.memory_space<vmem>> -> memref<1x1x40xi32, #tpu.memory_space<vmem>>
        %dma_start3A_392 = tpu.memref_squeeze %dma_start3A_391 : memref<1x1x40xi32, #tpu.memory_space<vmem>> -> memref<40xi32, #tpu.memory_space<vmem>>
        %dma_start3A_393 = arith.constant 0 : i32
        %dma_start3A_394 = arith.constant 0 : i32
        %dma_start3A_395 = tpu.memref_slice %arg2[%dma_start3A_393, %dma_start3A_394] : memref<20480x128xf32, #tpu.memory_space<hbm>> -> memref<20480x128xf32, #tpu.memory_space<hbm>>
        tpu.enqueue_indirect_dma source(%dma_start3A_395 : memref<20480x128xf32, #tpu.memory_space<hbm>>) target(%arg11 : memref<40x128xf32, #tpu.memory_space<vmem>>) offsets(%dma_start3A_392 : memref<40xi32, #tpu.memory_space<vmem>>) semaphore(%arg20 : memref<!tpu.dma_semaphore, #tpu.memory_space<semaphore_mem>>)
      } else {
      }
      %dma_wait3A_305 = arith.constant 0 : i32
      %dma_wait3A_306 = arith.constant 0 : i32
      %dma_wait3A_307 = arith.constant 0 : i32
      %dma_wait3A_308 = tpu.memref_slice %arg7[%dma_wait3A_305, %dma_wait3A_306, %dma_wait3A_307] : memref<3x8x40xi32, #tpu.memory_space<vmem>> -> memref<1x1x40xi32, #tpu.memory_space<vmem>>
      %dma_wait3A_309 = tpu.memref_squeeze %dma_wait3A_308 : memref<1x1x40xi32, #tpu.memory_space<vmem>> -> memref<40xi32, #tpu.memory_space<vmem>>
      %dma_wait3A_310 = arith.constant 0 : i32
      %dma_wait3A_311 = arith.constant 0 : i32
      %dma_wait3A_312 = tpu.memref_slice %arg2[%dma_wait3A_310, %dma_wait3A_311] : memref<20480x128xf32, #tpu.memory_space<hbm>> -> memref<20480x128xf32, #tpu.memory_space<hbm>>
      tpu.wait_indirect_dma semaphore(%arg23 : memref<!tpu.dma_semaphore, #tpu.memory_space<semaphore_mem>>) src(%dma_wait3A_312 : memref<20480x128xf32, #tpu.memory_space<hbm>>) dst(%arg14 : memref<40x128xf32, #tpu.memory_space<vmem>>)
      %dma_start3A_313 = arith.constant 5 : i32
      %dma_start3A_314 = arith.constant 0 : i32
      %dma_start3A_315 = tpu.memref_slice %arg8[%select_n3A_123, %dma_start3A_313, %dma_start3A_314] : memref<3x8x40xi32, #tpu.memory_space<vmem>> -> memref<1x1x40xi32, #tpu.memory_space<vmem>>
      %dma_start3A_316 = tpu.memref_squeeze %dma_start3A_315 : memref<1x1x40xi32, #tpu.memory_space<vmem>> -> memref<40xi32, #tpu.memory_space<vmem>>
      %dma_start3A_317 = arith.constant 0 : i32
      %dma_start3A_318 = arith.constant 0 : i32
      %dma_start3A_319 = tpu.memref_slice %arg17[%dma_start3A_317, %dma_start3A_318] : memref<10240x128xf32, #tpu.memory_space<vmem_shared>> -> memref<10240x128xf32, #tpu.memory_space<vmem_shared>>
      tpu.enqueue_indirect_dma source(%arg14 : memref<40x128xf32, #tpu.memory_space<vmem>>) target(%dma_start3A_319 : memref<10240x128xf32, #tpu.memory_space<vmem_shared>>) offsets(%dma_start3A_316 : memref<40xi32, #tpu.memory_space<vmem>>) semaphore(%arg31 : memref<!tpu.dma_semaphore, #tpu.memory_space<semaphore_mem>>) {add = true}
      %dma_wait3A_320 = arith.constant 0 : i32
      %dma_wait3A_321 = arith.constant 0 : i32
      %dma_wait3A_322 = arith.constant 0 : i32
      %dma_wait3A_323 = tpu.memref_slice %arg8[%dma_wait3A_320, %dma_wait3A_321, %dma_wait3A_322] : memref<3x8x40xi32, #tpu.memory_space<vmem>> -> memref<1x1x40xi32, #tpu.memory_space<vmem>>
      %dma_wait3A_324 = tpu.memref_squeeze %dma_wait3A_323 : memref<1x1x40xi32, #tpu.memory_space<vmem>> -> memref<40xi32, #tpu.memory_space<vmem>>
      %dma_wait3A_325 = arith.constant 0 : i32
      %dma_wait3A_326 = arith.constant 0 : i32
      %dma_wait3A_327 = tpu.memref_slice %arg17[%dma_wait3A_325, %dma_wait3A_326] : memref<10240x128xf32, #tpu.memory_space<vmem_shared>> -> memref<10240x128xf32, #tpu.memory_space<vmem_shared>>
      tpu.wait_indirect_dma semaphore(%arg29 : memref<!tpu.dma_semaphore, #tpu.memory_space<semaphore_mem>>) src(%arg12 : memref<40x128xf32, #tpu.memory_space<vmem>>) dst(%dma_wait3A_327 : memref<10240x128xf32, #tpu.memory_space<vmem_shared>>)
      %lt3A_328 = arith.constant 63 : i32
      %lt3A_329 = arith.cmpi slt, %add3A_114, %lt3A_328 : i32
      %convert_element_type3A_330 = arith.extui %lt3A_329 : i1 to i32
      %cond3A_331 = arith.constant 0 : i32
      %cond3A_332 = arith.cmpi ne, %convert_element_type3A_330, %cond3A_331 : i32
      scf.if %cond3A_332 {
        %dma_start3A_389 = arith.constant 3 : i32
        %dma_start3A_390 = arith.constant 0 : i32
        %dma_start3A_391 = tpu.memref_slice %arg7[%select_n3A_141, %dma_start3A_389, %dma_start3A_390] : memref<3x8x40xi32, #tpu.memory_space<vmem>> -> memref<1x1x40xi32, #tpu.memory_space<vmem>>
        %dma_start3A_392 = tpu.memref_squeeze %dma_start3A_391 : memref<1x1x40xi32, #tpu.memory_space<vmem>> -> memref<40xi32, #tpu.memory_space<vmem>>
        %dma_start3A_393 = arith.constant 0 : i32
        %dma_start3A_394 = arith.constant 0 : i32
        %dma_start3A_395 = tpu.memref_slice %arg2[%dma_start3A_393, %dma_start3A_394] : memref<20480x128xf32, #tpu.memory_space<hbm>> -> memref<20480x128xf32, #tpu.memory_space<hbm>>
        tpu.enqueue_indirect_dma source(%dma_start3A_395 : memref<20480x128xf32, #tpu.memory_space<hbm>>) target(%arg12 : memref<40x128xf32, #tpu.memory_space<vmem>>) offsets(%dma_start3A_392 : memref<40xi32, #tpu.memory_space<vmem>>) semaphore(%arg21 : memref<!tpu.dma_semaphore, #tpu.memory_space<semaphore_mem>>)
      } else {
      }
      %dma_wait3A_333 = arith.constant 0 : i32
      %dma_wait3A_334 = arith.constant 0 : i32
      %dma_wait3A_335 = arith.constant 0 : i32
      %dma_wait3A_336 = tpu.memref_slice %arg7[%dma_wait3A_333, %dma_wait3A_334, %dma_wait3A_335] : memref<3x8x40xi32, #tpu.memory_space<vmem>> -> memref<1x1x40xi32, #tpu.memory_space<vmem>>
      %dma_wait3A_337 = tpu.memref_squeeze %dma_wait3A_336 : memref<1x1x40xi32, #tpu.memory_space<vmem>> -> memref<40xi32, #tpu.memory_space<vmem>>
      %dma_wait3A_338 = arith.constant 0 : i32
      %dma_wait3A_339 = arith.constant 0 : i32
      %dma_wait3A_340 = tpu.memref_slice %arg2[%dma_wait3A_338, %dma_wait3A_339] : memref<20480x128xf32, #tpu.memory_space<hbm>> -> memref<20480x128xf32, #tpu.memory_space<hbm>>
      tpu.wait_indirect_dma semaphore(%arg24 : memref<!tpu.dma_semaphore, #tpu.memory_space<semaphore_mem>>) src(%dma_wait3A_340 : memref<20480x128xf32, #tpu.memory_space<hbm>>) dst(%arg15 : memref<40x128xf32, #tpu.memory_space<vmem>>)
      %dma_start3A_341 = arith.constant 6 : i32
      %dma_start3A_342 = arith.constant 0 : i32
      %dma_start3A_343 = tpu.memref_slice %arg8[%select_n3A_123, %dma_start3A_341, %dma_start3A_342] : memref<3x8x40xi32, #tpu.memory_space<vmem>> -> memref<1x1x40xi32, #tpu.memory_space<vmem>>
      %dma_start3A_344 = tpu.memref_squeeze %dma_start3A_343 : memref<1x1x40xi32, #tpu.memory_space<vmem>> -> memref<40xi32, #tpu.memory_space<vmem>>
      %dma_start3A_345 = arith.constant 0 : i32
      %dma_start3A_346 = arith.constant 0 : i32
      %dma_start3A_347 = tpu.memref_slice %arg17[%dma_start3A_345, %dma_start3A_346] : memref<10240x128xf32, #tpu.memory_space<vmem_shared>> -> memref<10240x128xf32, #tpu.memory_space<vmem_shared>>
      tpu.enqueue_indirect_dma source(%arg15 : memref<40x128xf32, #tpu.memory_space<vmem>>) target(%dma_start3A_347 : memref<10240x128xf32, #tpu.memory_space<vmem_shared>>) offsets(%dma_start3A_344 : memref<40xi32, #tpu.memory_space<vmem>>) semaphore(%arg32 : memref<!tpu.dma_semaphore, #tpu.memory_space<semaphore_mem>>) {add = true}
      %dma_wait3A_348 = arith.constant 0 : i32
      %dma_wait3A_349 = arith.constant 0 : i32
      %dma_wait3A_350 = arith.constant 0 : i32
      %dma_wait3A_351 = tpu.memref_slice %arg8[%dma_wait3A_348, %dma_wait3A_349, %dma_wait3A_350] : memref<3x8x40xi32, #tpu.memory_space<vmem>> -> memref<1x1x40xi32, #tpu.memory_space<vmem>>
      %dma_wait3A_352 = tpu.memref_squeeze %dma_wait3A_351 : memref<1x1x40xi32, #tpu.memory_space<vmem>> -> memref<40xi32, #tpu.memory_space<vmem>>
      %dma_wait3A_353 = arith.constant 0 : i32
      %dma_wait3A_354 = arith.constant 0 : i32
      %dma_wait3A_355 = tpu.memref_slice %arg17[%dma_wait3A_353, %dma_wait3A_354] : memref<10240x128xf32, #tpu.memory_space<vmem_shared>> -> memref<10240x128xf32, #tpu.memory_space<vmem_shared>>
      tpu.wait_indirect_dma semaphore(%arg30 : memref<!tpu.dma_semaphore, #tpu.memory_space<semaphore_mem>>) src(%arg13 : memref<40x128xf32, #tpu.memory_space<vmem>>) dst(%dma_wait3A_355 : memref<10240x128xf32, #tpu.memory_space<vmem_shared>>)
      %lt3A_356 = arith.constant 63 : i32
      %lt3A_357 = arith.cmpi slt, %add3A_114, %lt3A_356 : i32
      %convert_element_type3A_358 = arith.extui %lt3A_357 : i1 to i32
      %cond3A_359 = arith.constant 0 : i32
      %cond3A_360 = arith.cmpi ne, %convert_element_type3A_358, %cond3A_359 : i32
      scf.if %cond3A_360 {
        %dma_start3A_389 = arith.constant 4 : i32
        %dma_start3A_390 = arith.constant 0 : i32
        %dma_start3A_391 = tpu.memref_slice %arg7[%select_n3A_141, %dma_start3A_389, %dma_start3A_390] : memref<3x8x40xi32, #tpu.memory_space<vmem>> -> memref<1x1x40xi32, #tpu.memory_space<vmem>>
        %dma_start3A_392 = tpu.memref_squeeze %dma_start3A_391 : memref<1x1x40xi32, #tpu.memory_space<vmem>> -> memref<40xi32, #tpu.memory_space<vmem>>
        %dma_start3A_393 = arith.constant 0 : i32
        %dma_start3A_394 = arith.constant 0 : i32
        %dma_start3A_395 = tpu.memref_slice %arg2[%dma_start3A_393, %dma_start3A_394] : memref<20480x128xf32, #tpu.memory_space<hbm>> -> memref<20480x128xf32, #tpu.memory_space<hbm>>
        tpu.enqueue_indirect_dma source(%dma_start3A_395 : memref<20480x128xf32, #tpu.memory_space<hbm>>) target(%arg13 : memref<40x128xf32, #tpu.memory_space<vmem>>) offsets(%dma_start3A_392 : memref<40xi32, #tpu.memory_space<vmem>>) semaphore(%arg22 : memref<!tpu.dma_semaphore, #tpu.memory_space<semaphore_mem>>)
      } else {
      }
      %dma_wait3A_361 = arith.constant 0 : i32
      %dma_wait3A_362 = arith.constant 0 : i32
      %dma_wait3A_363 = arith.constant 0 : i32
      %dma_wait3A_364 = tpu.memref_slice %arg7[%dma_wait3A_361, %dma_wait3A_362, %dma_wait3A_363] : memref<3x8x40xi32, #tpu.memory_space<vmem>> -> memref<1x1x40xi32, #tpu.memory_space<vmem>>
      %dma_wait3A_365 = tpu.memref_squeeze %dma_wait3A_364 : memref<1x1x40xi32, #tpu.memory_space<vmem>> -> memref<40xi32, #tpu.memory_space<vmem>>
      %dma_wait3A_366 = arith.constant 0 : i32
      %dma_wait3A_367 = arith.constant 0 : i32
      %dma_wait3A_368 = tpu.memref_slice %arg2[%dma_wait3A_366, %dma_wait3A_367] : memref<20480x128xf32, #tpu.memory_space<hbm>> -> memref<20480x128xf32, #tpu.memory_space<hbm>>
      tpu.wait_indirect_dma semaphore(%arg25 : memref<!tpu.dma_semaphore, #tpu.memory_space<semaphore_mem>>) src(%dma_wait3A_368 : memref<20480x128xf32, #tpu.memory_space<hbm>>) dst(%arg16 : memref<40x128xf32, #tpu.memory_space<vmem>>)
      %dma_start3A_369 = arith.constant 7 : i32
      %dma_start3A_370 = arith.constant 0 : i32
      %dma_start3A_371 = tpu.memref_slice %arg8[%select_n3A_123, %dma_start3A_369, %dma_start3A_370] : memref<3x8x40xi32, #tpu.memory_space<vmem>> -> memref<1x1x40xi32, #tpu.memory_space<vmem>>
      %dma_start3A_372 = tpu.memref_squeeze %dma_start3A_371 : memref<1x1x40xi32, #tpu.memory_space<vmem>> -> memref<40xi32, #tpu.memory_space<vmem>>
      %dma_start3A_373 = arith.constant 0 : i32
      %dma_start3A_374 = arith.constant 0 : i32
      %dma_start3A_375 = tpu.memref_slice %arg17[%dma_start3A_373, %dma_start3A_374] : memref<10240x128xf32, #tpu.memory_space<vmem_shared>> -> memref<10240x128xf32, #tpu.memory_space<vmem_shared>>
      tpu.enqueue_indirect_dma source(%arg16 : memref<40x128xf32, #tpu.memory_space<vmem>>) target(%dma_start3A_375 : memref<10240x128xf32, #tpu.memory_space<vmem_shared>>) offsets(%dma_start3A_372 : memref<40xi32, #tpu.memory_space<vmem>>) semaphore(%arg33 : memref<!tpu.dma_semaphore, #tpu.memory_space<semaphore_mem>>) {add = true}
      %dma_wait3A_376 = arith.constant 0 : i32
      %dma_wait3A_377 = arith.constant 0 : i32
      %dma_wait3A_378 = arith.constant 0 : i32
      %dma_wait3A_379 = tpu.memref_slice %arg8[%dma_wait3A_376, %dma_wait3A_377, %dma_wait3A_378] : memref<3x8x40xi32, #tpu.memory_space<vmem>> -> memref<1x1x40xi32, #tpu.memory_space<vmem>>
      %dma_wait3A_380 = tpu.memref_squeeze %dma_wait3A_379 : memref<1x1x40xi32, #tpu.memory_space<vmem>> -> memref<40xi32, #tpu.memory_space<vmem>>
      %dma_wait3A_381 = arith.constant 0 : i32
      %dma_wait3A_382 = arith.constant 0 : i32
      %dma_wait3A_383 = tpu.memref_slice %arg17[%dma_wait3A_381, %dma_wait3A_382] : memref<10240x128xf32, #tpu.memory_space<vmem_shared>> -> memref<10240x128xf32, #tpu.memory_space<vmem_shared>>
      tpu.wait_indirect_dma semaphore(%arg31 : memref<!tpu.dma_semaphore, #tpu.memory_space<semaphore_mem>>) src(%arg14 : memref<40x128xf32, #tpu.memory_space<vmem>>) dst(%dma_wait3A_383 : memref<10240x128xf32, #tpu.memory_space<vmem_shared>>)
      %lt3A_384 = arith.constant 63 : i32
      %lt3A_385 = arith.cmpi slt, %add3A_114, %lt3A_384 : i32
      %convert_element_type3A_386 = arith.extui %lt3A_385 : i1 to i32
      %cond3A_387 = arith.constant 0 : i32
      %cond3A_388 = arith.cmpi ne, %convert_element_type3A_386, %cond3A_387 : i32
      scf.if %cond3A_388 {
        %dma_start3A_389 = arith.constant 5 : i32
        %dma_start3A_390 = arith.constant 0 : i32
        %dma_start3A_391 = tpu.memref_slice %arg7[%select_n3A_141, %dma_start3A_389, %dma_start3A_390] : memref<3x8x40xi32, #tpu.memory_space<vmem>> -> memref<1x1x40xi32, #tpu.memory_space<vmem>>
        %dma_start3A_392 = tpu.memref_squeeze %dma_start3A_391 : memref<1x1x40xi32, #tpu.memory_space<vmem>> -> memref<40xi32, #tpu.memory_space<vmem>>
        %dma_start3A_393 = arith.constant 0 : i32
        %dma_start3A_394 = arith.constant 0 : i32
        %dma_start3A_395 = tpu.memref_slice %arg2[%dma_start3A_393, %dma_start3A_394] : memref<20480x128xf32, #tpu.memory_space<hbm>> -> memref<20480x128xf32, #tpu.memory_space<hbm>>
        tpu.enqueue_indirect_dma source(%dma_start3A_395 : memref<20480x128xf32, #tpu.memory_space<hbm>>) target(%arg14 : memref<40x128xf32, #tpu.memory_space<vmem>>) offsets(%dma_start3A_392 : memref<40xi32, #tpu.memory_space<vmem>>) semaphore(%arg23 : memref<!tpu.dma_semaphore, #tpu.memory_space<semaphore_mem>>)
      } else {
      }
    }
    %scan3A_90 = arith.constant 64 : i32
    %dma_wait3A = arith.constant 0 : i32
    %dma_wait3A_91 = arith.constant 0 : i32
    %dma_wait3A_92 = arith.constant 0 : i32
    %dma_wait3A_93 = tpu.memref_slice %arg8[%dma_wait3A, %dma_wait3A_91, %dma_wait3A_92] : memref<3x8x40xi32, #tpu.memory_space<vmem>> -> memref<1x1x40xi32, #tpu.memory_space<vmem>>
    %dma_wait3A_94 = tpu.memref_squeeze %dma_wait3A_93 : memref<1x1x40xi32, #tpu.memory_space<vmem>> -> memref<40xi32, #tpu.memory_space<vmem>>
    %dma_wait3A_95 = arith.constant 0 : i32
    %dma_wait3A_96 = arith.constant 0 : i32
    %dma_wait3A_97 = tpu.memref_slice %arg17[%dma_wait3A_95, %dma_wait3A_96] : memref<10240x128xf32, #tpu.memory_space<vmem_shared>> -> memref<10240x128xf32, #tpu.memory_space<vmem_shared>>
    tpu.wait_indirect_dma semaphore(%arg32 : memref<!tpu.dma_semaphore, #tpu.memory_space<semaphore_mem>>) src(%arg15 : memref<40x128xf32, #tpu.memory_space<vmem>>) dst(%dma_wait3A_97 : memref<10240x128xf32, #tpu.memory_space<vmem_shared>>)
    %dma_wait3A_98 = arith.constant 0 : i32
    %dma_wait3A_99 = arith.constant 0 : i32
    %dma_wait3A_100 = arith.constant 0 : i32
    %dma_wait3A_101 = tpu.memref_slice %arg8[%dma_wait3A_98, %dma_wait3A_99, %dma_wait3A_100] : memref<3x8x40xi32, #tpu.memory_space<vmem>> -> memref<1x1x40xi32, #tpu.memory_space<vmem>>
    %dma_wait3A_102 = tpu.memref_squeeze %dma_wait3A_101 : memref<1x1x40xi32, #tpu.memory_space<vmem>> -> memref<40xi32, #tpu.memory_space<vmem>>
    %dma_wait3A_103 = arith.constant 0 : i32
    %dma_wait3A_104 = arith.constant 0 : i32
    %dma_wait3A_105 = tpu.memref_slice %arg17[%dma_wait3A_103, %dma_wait3A_104] : memref<10240x128xf32, #tpu.memory_space<vmem_shared>> -> memref<10240x128xf32, #tpu.memory_space<vmem_shared>>
    tpu.wait_indirect_dma semaphore(%arg33 : memref<!tpu.dma_semaphore, #tpu.memory_space<semaphore_mem>>) src(%arg16 : memref<40x128xf32, #tpu.memory_space<vmem>>) dst(%dma_wait3A_105 : memref<10240x128xf32, #tpu.memory_space<vmem_shared>>)
    %barrier3A_106 = arith.constant 0 : index
    tpu.barrier barrier_id(%barrier3A_106)
    %mul3A_107 = arith.constant 640 : i32
    %mul3A_108 = arith.muli %arg1, %mul3A_107 : i32
    %mul3A_109 = arith.constant 640 : i32
    %mul3A_110 = arith.muli %arg1, %mul3A_109 : i32
    "tpu.region"() ({
      %run_scoped3A_111 = tpu.sem_alloc : memref<!tpu.dma_semaphore, #tpu.memory_space<semaphore_mem>>
      %dma_start3A_112 = arith.constant 0 : i32
      %dma_start3A_113 = tpu.memref_slice %arg6[%arg0, %mul3A_110, %dma_start3A_112] : memref<2x10240x128xf32, #tpu.memory_space<hbm>> -> memref<1x640x128xf32, #tpu.memory_space<hbm>>
      %dma_start3A_114 = tpu.memref_squeeze %dma_start3A_113 : memref<1x640x128xf32, #tpu.memory_space<hbm>> -> memref<640x128xf32, #tpu.memory_space<hbm>>
      %dma_start3A_115 = arith.constant 0 : i32
      %dma_start3A_116 = tpu.memref_slice %arg17[%mul3A_108, %dma_start3A_115] : memref<10240x128xf32, #tpu.memory_space<vmem_shared>> -> memref<640x128xf32, #tpu.memory_space<vmem_shared>>
      tpu.enqueue_dma source(%dma_start3A_116 : memref<640x128xf32, #tpu.memory_space<vmem_shared>>) target(%dma_start3A_114 : memref<640x128xf32, #tpu.memory_space<hbm>>) target_semaphore(%run_scoped3A_111 : memref<!tpu.dma_semaphore, #tpu.memory_space<semaphore_mem>>)
      %dma_wait3A_117 = arith.constant 0 : i32
      %dma_wait3A_118 = tpu.memref_slice %arg6[%arg0, %mul3A_110, %dma_wait3A_117] : memref<2x10240x128xf32, #tpu.memory_space<hbm>> -> memref<1x640x128xf32, #tpu.memory_space<hbm>>
      %dma_wait3A_119 = tpu.memref_squeeze %dma_wait3A_118 : memref<1x640x128xf32, #tpu.memory_space<hbm>> -> memref<640x128xf32, #tpu.memory_space<hbm>>
      %dma_wait3A_120 = arith.constant 0 : i32
      %dma_wait3A_121 = tpu.memref_slice %arg17[%mul3A_108, %dma_wait3A_120] : memref<10240x128xf32, #tpu.memory_space<vmem_shared>> -> memref<640x128xf32, #tpu.memory_space<vmem_shared>>
      tpu.wait_dma2 semaphore(%run_scoped3A_111 : memref<!tpu.dma_semaphore, #tpu.memory_space<semaphore_mem>>) src(%dma_wait3A_121 : memref<640x128xf32, #tpu.memory_space<vmem_shared>>) dst(%dma_wait3A_119 : memref<640x128xf32, #tpu.memory_space<hbm>>)
      tpu.yield
    }) : () -> ()
    return
  }
}

#map = affine_map<(d0, d1) -> (0, 0)>
#map1 = affine_map<(d0, d1) -> (0, 0, 0, 0)>
#map2 = affine_map<(d0, d1) -> (0, 0, 0)>
module attributes {stable_mosaic.version = 14 : i64} {
  func.func @_deg_kernel(%arg0: i32, %arg1: i32, %arg2: memref<40x128xf32, #tpu.memory_space<hbm>>, %arg3: memref<16x64x8x40xi32, #tpu.memory_space<hbm>>, %arg4: memref<640x128xf32, #tpu.memory_space<hbm>>, %arg5: memref<2x10240x128xf32, #tpu.memory_space<hbm>>, %arg6: memref<3x8x40xi32, #tpu.memory_space<vmem>>, %arg7: memref<40x128xf32, #tpu.memory_space<vmem>>, %arg8: memref<10240x128xf32, #tpu.memory_space<vmem_shared>>, %arg9: memref<!tpu.dma_semaphore, #tpu.memory_space<semaphore_mem>>, %arg10: memref<!tpu.dma_semaphore, #tpu.memory_space<semaphore_mem>>) attributes {dimension_semantics = [#tpu.dimension_semantics<core_parallel>, #tpu.dimension_semantics<subcore_parallel>], iteration_bounds = array<i64: 2, 16>, scalar_prefetch = 0 : i64, scratch_operands = 5 : i64, tpu.core_type = #tpu.core_type<sc_vector_subcore>, window_params = [{transform_indices = #map}, {transform_indices = #map1}, {transform_indices = #map}, {transform_indices = #map2}]} {
    %mul3A = arith.constant 32 : i32
    %mul3A_0 = arith.muli %arg0, %mul3A : i32
    "tpu.region"() ({
      %run_scoped3A_60 = tpu.sem_alloc : memref<!tpu.dma_semaphore, #tpu.memory_space<semaphore_mem>>
      tpu.enqueue_dma source(%arg2 : memref<40x128xf32, #tpu.memory_space<hbm>>) target(%arg7 : memref<40x128xf32, #tpu.memory_space<vmem>>) target_semaphore(%run_scoped3A_60 : memref<!tpu.dma_semaphore, #tpu.memory_space<semaphore_mem>>)
      tpu.wait_dma2 semaphore(%run_scoped3A_60 : memref<!tpu.dma_semaphore, #tpu.memory_space<semaphore_mem>>) src(%arg2 : memref<40x128xf32, #tpu.memory_space<hbm>>) dst(%arg7 : memref<40x128xf32, #tpu.memory_space<vmem>>)
      tpu.yield
    }) : () -> ()
    %run_scoped3A = arith.constant 0 : i32
    "tpu.region"() ({
      %run_scoped3A_60 = tpu.sem_alloc : memref<!tpu.dma_semaphore, #tpu.memory_space<semaphore_mem>>
      %dma_start3A_61 = arith.constant 0 : i32
      %dma_start3A_62 = arith.constant 0 : i32
      %dma_start3A_63 = tpu.memref_slice %arg6[%run_scoped3A, %dma_start3A_61, %dma_start3A_62] : memref<3x8x40xi32, #tpu.memory_space<vmem>> -> memref<1x8x40xi32, #tpu.memory_space<vmem>>
      %dma_start3A_64 = tpu.memref_squeeze %dma_start3A_63 : memref<1x8x40xi32, #tpu.memory_space<vmem>> -> memref<8x40xi32, #tpu.memory_space<vmem>>
      %dma_start3A_65 = arith.constant 0 : i32
      %dma_start3A_66 = arith.constant 0 : i32
      %dma_start3A_67 = tpu.memref_slice %arg3[%arg1, %mul3A_0, %dma_start3A_65, %dma_start3A_66] : memref<16x64x8x40xi32, #tpu.memory_space<hbm>> -> memref<1x1x8x40xi32, #tpu.memory_space<hbm>>
      %dma_start3A_68 = tpu.memref_squeeze %dma_start3A_67 : memref<1x1x8x40xi32, #tpu.memory_space<hbm>> -> memref<8x40xi32, #tpu.memory_space<hbm>>
      %dma_start3A_69 = arith.constant 0 : i32
      %dma_start3A_70 = arith.constant 0 : i32
      %dma_start3A_71 = tpu.memref_slice %arg6[%run_scoped3A, %dma_start3A_69, %dma_start3A_70] : memref<3x8x40xi32, #tpu.memory_space<vmem>> -> memref<1x8x40xi32, #tpu.memory_space<vmem>>
      %dma_start3A_72 = tpu.memref_squeeze %dma_start3A_71 : memref<1x8x40xi32, #tpu.memory_space<vmem>> -> memref<8x40xi32, #tpu.memory_space<vmem>>
      %dma_start3A_73 = arith.constant 0 : i32
      %dma_start3A_74 = arith.constant 0 : i32
      %dma_start3A_75 = tpu.memref_slice %arg3[%arg1, %mul3A_0, %dma_start3A_73, %dma_start3A_74] : memref<16x64x8x40xi32, #tpu.memory_space<hbm>> -> memref<1x1x8x40xi32, #tpu.memory_space<hbm>>
      %dma_start3A_76 = tpu.memref_squeeze %dma_start3A_75 : memref<1x1x8x40xi32, #tpu.memory_space<hbm>> -> memref<8x40xi32, #tpu.memory_space<hbm>>
      tpu.enqueue_dma source(%dma_start3A_76 : memref<8x40xi32, #tpu.memory_space<hbm>>) target(%dma_start3A_72 : memref<8x40xi32, #tpu.memory_space<vmem>>) target_semaphore(%run_scoped3A_60 : memref<!tpu.dma_semaphore, #tpu.memory_space<semaphore_mem>>)
      %dma_wait3A_77 = arith.constant 0 : i32
      %dma_wait3A_78 = arith.constant 0 : i32
      %dma_wait3A_79 = tpu.memref_slice %arg6[%run_scoped3A, %dma_wait3A_77, %dma_wait3A_78] : memref<3x8x40xi32, #tpu.memory_space<vmem>> -> memref<1x8x40xi32, #tpu.memory_space<vmem>>
      %dma_wait3A_80 = tpu.memref_squeeze %dma_wait3A_79 : memref<1x8x40xi32, #tpu.memory_space<vmem>> -> memref<8x40xi32, #tpu.memory_space<vmem>>
      %dma_wait3A_81 = arith.constant 0 : i32
      %dma_wait3A_82 = arith.constant 0 : i32
      %dma_wait3A_83 = tpu.memref_slice %arg3[%arg1, %mul3A_0, %dma_wait3A_81, %dma_wait3A_82] : memref<16x64x8x40xi32, #tpu.memory_space<hbm>> -> memref<1x1x8x40xi32, #tpu.memory_space<hbm>>
      %dma_wait3A_84 = tpu.memref_squeeze %dma_wait3A_83 : memref<1x1x8x40xi32, #tpu.memory_space<hbm>> -> memref<8x40xi32, #tpu.memory_space<hbm>>
      %dma_wait3A_85 = arith.constant 0 : i32
      %dma_wait3A_86 = arith.constant 0 : i32
      %dma_wait3A_87 = tpu.memref_slice %arg6[%run_scoped3A, %dma_wait3A_85, %dma_wait3A_86] : memref<3x8x40xi32, #tpu.memory_space<vmem>> -> memref<1x8x40xi32, #tpu.memory_space<vmem>>
      %dma_wait3A_88 = tpu.memref_squeeze %dma_wait3A_87 : memref<1x8x40xi32, #tpu.memory_space<vmem>> -> memref<8x40xi32, #tpu.memory_space<vmem>>
      %dma_wait3A_89 = arith.constant 0 : i32
      %dma_wait3A_90 = arith.constant 0 : i32
      %dma_wait3A_91 = tpu.memref_slice %arg3[%arg1, %mul3A_0, %dma_wait3A_89, %dma_wait3A_90] : memref<16x64x8x40xi32, #tpu.memory_space<hbm>> -> memref<1x1x8x40xi32, #tpu.memory_space<hbm>>
      %dma_wait3A_92 = tpu.memref_squeeze %dma_wait3A_91 : memref<1x1x8x40xi32, #tpu.memory_space<hbm>> -> memref<8x40xi32, #tpu.memory_space<hbm>>
      tpu.wait_dma2 semaphore(%run_scoped3A_60 : memref<!tpu.dma_semaphore, #tpu.memory_space<semaphore_mem>>) src(%dma_wait3A_92 : memref<8x40xi32, #tpu.memory_space<hbm>>) dst(%dma_wait3A_88 : memref<8x40xi32, #tpu.memory_space<vmem>>)
      tpu.yield
    }) : () -> ()
    %add3A = arith.constant 1 : i32
    %add3A_1 = arith.addi %mul3A_0, %add3A : i32
    %dma_start3A = arith.constant 1 : i32
    %dma_start3A_2 = arith.constant 0 : i32
    %dma_start3A_3 = arith.constant 0 : i32
    %dma_start3A_4 = tpu.memref_slice %arg6[%dma_start3A, %dma_start3A_2, %dma_start3A_3] : memref<3x8x40xi32, #tpu.memory_space<vmem>> -> memref<1x8x40xi32, #tpu.memory_space<vmem>>
    %dma_start3A_5 = tpu.memref_squeeze %dma_start3A_4 : memref<1x8x40xi32, #tpu.memory_space<vmem>> -> memref<8x40xi32, #tpu.memory_space<vmem>>
    %dma_start3A_6 = arith.constant 0 : i32
    %dma_start3A_7 = arith.constant 0 : i32
    %dma_start3A_8 = tpu.memref_slice %arg3[%arg1, %add3A_1, %dma_start3A_6, %dma_start3A_7] : memref<16x64x8x40xi32, #tpu.memory_space<hbm>> -> memref<1x1x8x40xi32, #tpu.memory_space<hbm>>
    %dma_start3A_9 = tpu.memref_squeeze %dma_start3A_8 : memref<1x1x8x40xi32, #tpu.memory_space<hbm>> -> memref<8x40xi32, #tpu.memory_space<hbm>>
    %dma_start3A_10 = arith.constant 0 : i32
    %dma_start3A_11 = arith.constant 0 : i32
    %dma_start3A_12 = tpu.memref_slice %arg6[%dma_start3A, %dma_start3A_10, %dma_start3A_11] : memref<3x8x40xi32, #tpu.memory_space<vmem>> -> memref<1x8x40xi32, #tpu.memory_space<vmem>>
    %dma_start3A_13 = tpu.memref_squeeze %dma_start3A_12 : memref<1x8x40xi32, #tpu.memory_space<vmem>> -> memref<8x40xi32, #tpu.memory_space<vmem>>
    %dma_start3A_14 = arith.constant 0 : i32
    %dma_start3A_15 = arith.constant 0 : i32
    %dma_start3A_16 = tpu.memref_slice %arg3[%arg1, %add3A_1, %dma_start3A_14, %dma_start3A_15] : memref<16x64x8x40xi32, #tpu.memory_space<hbm>> -> memref<1x1x8x40xi32, #tpu.memory_space<hbm>>
    %dma_start3A_17 = tpu.memref_squeeze %dma_start3A_16 : memref<1x1x8x40xi32, #tpu.memory_space<hbm>> -> memref<8x40xi32, #tpu.memory_space<hbm>>
    tpu.enqueue_dma source(%dma_start3A_17 : memref<8x40xi32, #tpu.memory_space<hbm>>) target(%dma_start3A_13 : memref<8x40xi32, #tpu.memory_space<vmem>>) target_semaphore(%arg10 : memref<!tpu.dma_semaphore, #tpu.memory_space<semaphore_mem>>)
    %mul3A_18 = arith.constant 640 : i32
    %mul3A_19 = arith.muli %arg1, %mul3A_18 : i32
    "tpu.region"() ({
      %run_scoped3A_60 = tpu.sem_alloc : memref<!tpu.dma_semaphore, #tpu.memory_space<semaphore_mem>>
      %dma_start3A_61 = arith.constant 0 : i32
      %dma_start3A_62 = tpu.memref_slice %arg8[%mul3A_19, %dma_start3A_61] : memref<10240x128xf32, #tpu.memory_space<vmem_shared>> -> memref<640x128xf32, #tpu.memory_space<vmem_shared>>
      tpu.enqueue_dma source(%arg4 : memref<640x128xf32, #tpu.memory_space<hbm>>) target(%dma_start3A_62 : memref<640x128xf32, #tpu.memory_space<vmem_shared>>) target_semaphore(%run_scoped3A_60 : memref<!tpu.dma_semaphore, #tpu.memory_space<semaphore_mem>>)
      %dma_wait3A_63 = arith.constant 0 : i32
      %dma_wait3A_64 = tpu.memref_slice %arg8[%mul3A_19, %dma_wait3A_63] : memref<10240x128xf32, #tpu.memory_space<vmem_shared>> -> memref<640x128xf32, #tpu.memory_space<vmem_shared>>
      tpu.wait_dma2 semaphore(%run_scoped3A_60 : memref<!tpu.dma_semaphore, #tpu.memory_space<semaphore_mem>>) src(%arg4 : memref<640x128xf32, #tpu.memory_space<hbm>>) dst(%dma_wait3A_64 : memref<640x128xf32, #tpu.memory_space<vmem_shared>>)
      tpu.yield
    }) : () -> ()
    %barrier3A = arith.constant 0 : index
    tpu.barrier barrier_id(%barrier3A)
    %scan3A = arith.constant 0 : i32
    %scan3A_20 = arith.constant 32 : i32
    %scan3A_21 = arith.addi %scan3A, %scan3A_20 : i32
    %scan3A_22 = arith.constant 1 : i32
    scf.for %scan3A_60 = %scan3A to %scan3A_21 step %scan3A_22  : i32 {
      %mul3A_61 = arith.constant 1 : i32
      %mul3A_62 = arith.muli %scan3A_60, %mul3A_61 : i32
      %add3A_63 = arith.constant 0 : i32
      %add3A_64 = arith.addi %add3A_63, %mul3A_62 : i32
      %jit3A = arith.constant 3 : i32
      %eq3A = arith.constant 0 : i32
      %eq3A_65 = arith.cmpi eq, %jit3A, %eq3A : i32
      %jit3A_66 = arith.constant 1 : i32
      %select_n3A = arith.select %eq3A_65, %jit3A_66, %jit3A : i32
      %rem3A = arith.remsi %add3A_64, %select_n3A : i32
      %ne3A = arith.constant 0 : i32
      %ne3A_67 = arith.cmpi ne, %rem3A, %ne3A : i32
      %lt3A = arith.constant 0 : i32
      %lt3A_68 = arith.cmpi slt, %rem3A, %lt3A : i32
      %lt3A_69 = arith.constant 0 : i32
      %lt3A_70 = arith.cmpi slt, %select_n3A, %lt3A_69 : i32
      %ne3A_71 = arith.xori %lt3A_68, %lt3A_70 : i1
      %and3A = arith.andi %ne3A_71, %ne3A_67 : i1
      %add3A_72 = arith.addi %rem3A, %select_n3A : i32
      %select_n3A_73 = arith.select %and3A, %add3A_72, %rem3A : i32
      %add3A_74 = arith.constant 2 : i32
      %add3A_75 = arith.addi %add3A_64, %add3A_74 : i32
      %jit3A_76 = arith.constant 3 : i32
      %eq3A_77 = arith.constant 0 : i32
      %eq3A_78 = arith.cmpi eq, %jit3A_76, %eq3A_77 : i32
      %jit3A_79 = arith.constant 1 : i32
      %select_n3A_80 = arith.select %eq3A_78, %jit3A_79, %jit3A_76 : i32
      %rem3A_81 = arith.remsi %add3A_75, %select_n3A_80 : i32
      %ne3A_82 = arith.constant 0 : i32
      %ne3A_83 = arith.cmpi ne, %rem3A_81, %ne3A_82 : i32
      %lt3A_84 = arith.constant 0 : i32
      %lt3A_85 = arith.cmpi slt, %rem3A_81, %lt3A_84 : i32
      %lt3A_86 = arith.constant 0 : i32
      %lt3A_87 = arith.cmpi slt, %select_n3A_80, %lt3A_86 : i32
      %ne3A_88 = arith.xori %lt3A_85, %lt3A_87 : i1
      %and3A_89 = arith.andi %ne3A_88, %ne3A_83 : i1
      %add3A_90 = arith.addi %rem3A_81, %select_n3A_80 : i32
      %select_n3A_91 = arith.select %and3A_89, %add3A_90, %rem3A_81 : i32
      %gt3A = arith.constant 0 : i32
      %gt3A_92 = arith.cmpi sgt, %add3A_64, %gt3A : i32
      %convert_element_type3A = arith.extui %gt3A_92 : i1 to i32
      %cond3A = arith.constant 0 : i32
      %cond3A_93 = arith.cmpi ne, %convert_element_type3A, %cond3A : i32
      scf.if %cond3A_93 {
        %dma_wait3A_207 = arith.constant 0 : i32
        %dma_wait3A_208 = arith.constant 0 : i32
        %dma_wait3A_209 = arith.constant 0 : i32
        %dma_wait3A_210 = tpu.memref_slice %arg6[%dma_wait3A_207, %dma_wait3A_208, %dma_wait3A_209] : memref<3x8x40xi32, #tpu.memory_space<vmem>> -> memref<1x8x40xi32, #tpu.memory_space<vmem>>
        %dma_wait3A_211 = tpu.memref_squeeze %dma_wait3A_210 : memref<1x8x40xi32, #tpu.memory_space<vmem>> -> memref<8x40xi32, #tpu.memory_space<vmem>>
        %dma_wait3A_212 = arith.constant 0 : i32
        %dma_wait3A_213 = arith.constant 0 : i32
        %dma_wait3A_214 = tpu.memref_slice %arg3[%arg1, %mul3A_0, %dma_wait3A_212, %dma_wait3A_213] : memref<16x64x8x40xi32, #tpu.memory_space<hbm>> -> memref<1x1x8x40xi32, #tpu.memory_space<hbm>>
        %dma_wait3A_215 = tpu.memref_squeeze %dma_wait3A_214 : memref<1x1x8x40xi32, #tpu.memory_space<hbm>> -> memref<8x40xi32, #tpu.memory_space<hbm>>
        %dma_wait3A_216 = arith.constant 0 : i32
        %dma_wait3A_217 = arith.constant 0 : i32
        %dma_wait3A_218 = tpu.memref_slice %arg6[%dma_wait3A_207, %dma_wait3A_216, %dma_wait3A_217] : memref<3x8x40xi32, #tpu.memory_space<vmem>> -> memref<1x8x40xi32, #tpu.memory_space<vmem>>
        %dma_wait3A_219 = tpu.memref_squeeze %dma_wait3A_218 : memref<1x8x40xi32, #tpu.memory_space<vmem>> -> memref<8x40xi32, #tpu.memory_space<vmem>>
        %dma_wait3A_220 = arith.constant 0 : i32
        %dma_wait3A_221 = arith.constant 0 : i32
        %dma_wait3A_222 = tpu.memref_slice %arg3[%arg1, %mul3A_0, %dma_wait3A_220, %dma_wait3A_221] : memref<16x64x8x40xi32, #tpu.memory_space<hbm>> -> memref<1x1x8x40xi32, #tpu.memory_space<hbm>>
        %dma_wait3A_223 = tpu.memref_squeeze %dma_wait3A_222 : memref<1x1x8x40xi32, #tpu.memory_space<hbm>> -> memref<8x40xi32, #tpu.memory_space<hbm>>
        tpu.wait_dma2 semaphore(%arg10 : memref<!tpu.dma_semaphore, #tpu.memory_space<semaphore_mem>>) src(%dma_wait3A_223 : memref<8x40xi32, #tpu.memory_space<hbm>>) dst(%dma_wait3A_219 : memref<8x40xi32, #tpu.memory_space<vmem>>)
      } else {
      }
      %dma_start3A_94 = arith.constant 0 : i32
      %dma_start3A_95 = arith.constant 0 : i32
      %dma_start3A_96 = tpu.memref_slice %arg6[%select_n3A_73, %dma_start3A_94, %dma_start3A_95] : memref<3x8x40xi32, #tpu.memory_space<vmem>> -> memref<1x1x40xi32, #tpu.memory_space<vmem>>
      %dma_start3A_97 = tpu.memref_squeeze %dma_start3A_96 : memref<1x1x40xi32, #tpu.memory_space<vmem>> -> memref<40xi32, #tpu.memory_space<vmem>>
      %dma_start3A_98 = arith.constant 0 : i32
      %dma_start3A_99 = arith.constant 0 : i32
      %dma_start3A_100 = tpu.memref_slice %arg8[%dma_start3A_98, %dma_start3A_99] : memref<10240x128xf32, #tpu.memory_space<vmem_shared>> -> memref<10240x128xf32, #tpu.memory_space<vmem_shared>>
      tpu.enqueue_indirect_dma source(%arg7 : memref<40x128xf32, #tpu.memory_space<vmem>>) target(%dma_start3A_100 : memref<10240x128xf32, #tpu.memory_space<vmem_shared>>) offsets(%dma_start3A_97 : memref<40xi32, #tpu.memory_space<vmem>>) semaphore(%arg9 : memref<!tpu.dma_semaphore, #tpu.memory_space<semaphore_mem>>) {add = true}
      %gt3A_101 = arith.constant 0 : i32
      %gt3A_102 = arith.cmpi sgt, %add3A_64, %gt3A_101 : i32
      %convert_element_type3A_103 = arith.extui %gt3A_102 : i1 to i32
      %cond3A_104 = arith.constant 0 : i32
      %cond3A_105 = arith.cmpi ne, %convert_element_type3A_103, %cond3A_104 : i32
      scf.if %cond3A_105 {
        %dma_wait3A_207 = arith.constant 0 : i32
        %dma_wait3A_208 = arith.constant 0 : i32
        %dma_wait3A_209 = arith.constant 0 : i32
        %dma_wait3A_210 = tpu.memref_slice %arg6[%dma_wait3A_207, %dma_wait3A_208, %dma_wait3A_209] : memref<3x8x40xi32, #tpu.memory_space<vmem>> -> memref<1x1x40xi32, #tpu.memory_space<vmem>>
        %dma_wait3A_211 = tpu.memref_squeeze %dma_wait3A_210 : memref<1x1x40xi32, #tpu.memory_space<vmem>> -> memref<40xi32, #tpu.memory_space<vmem>>
        %dma_wait3A_212 = arith.constant 0 : i32
        %dma_wait3A_213 = arith.constant 0 : i32
        %dma_wait3A_214 = tpu.memref_slice %arg8[%dma_wait3A_212, %dma_wait3A_213] : memref<10240x128xf32, #tpu.memory_space<vmem_shared>> -> memref<10240x128xf32, #tpu.memory_space<vmem_shared>>
        tpu.wait_indirect_dma semaphore(%arg9 : memref<!tpu.dma_semaphore, #tpu.memory_space<semaphore_mem>>) src(%arg7 : memref<40x128xf32, #tpu.memory_space<vmem>>) dst(%dma_wait3A_214 : memref<10240x128xf32, #tpu.memory_space<vmem_shared>>)
      } else {
      }
      %dma_start3A_106 = arith.constant 1 : i32
      %dma_start3A_107 = arith.constant 0 : i32
      %dma_start3A_108 = tpu.memref_slice %arg6[%select_n3A_73, %dma_start3A_106, %dma_start3A_107] : memref<3x8x40xi32, #tpu.memory_space<vmem>> -> memref<1x1x40xi32, #tpu.memory_space<vmem>>
      %dma_start3A_109 = tpu.memref_squeeze %dma_start3A_108 : memref<1x1x40xi32, #tpu.memory_space<vmem>> -> memref<40xi32, #tpu.memory_space<vmem>>
      %dma_start3A_110 = arith.constant 0 : i32
      %dma_start3A_111 = arith.constant 0 : i32
      %dma_start3A_112 = tpu.memref_slice %arg8[%dma_start3A_110, %dma_start3A_111] : memref<10240x128xf32, #tpu.memory_space<vmem_shared>> -> memref<10240x128xf32, #tpu.memory_space<vmem_shared>>
      tpu.enqueue_indirect_dma source(%arg7 : memref<40x128xf32, #tpu.memory_space<vmem>>) target(%dma_start3A_112 : memref<10240x128xf32, #tpu.memory_space<vmem_shared>>) offsets(%dma_start3A_109 : memref<40xi32, #tpu.memory_space<vmem>>) semaphore(%arg9 : memref<!tpu.dma_semaphore, #tpu.memory_space<semaphore_mem>>) {add = true}
      %gt3A_113 = arith.constant 0 : i32
      %gt3A_114 = arith.cmpi sgt, %add3A_64, %gt3A_113 : i32
      %convert_element_type3A_115 = arith.extui %gt3A_114 : i1 to i32
      %cond3A_116 = arith.constant 0 : i32
      %cond3A_117 = arith.cmpi ne, %convert_element_type3A_115, %cond3A_116 : i32
      scf.if %cond3A_117 {
        %dma_wait3A_207 = arith.constant 0 : i32
        %dma_wait3A_208 = arith.constant 0 : i32
        %dma_wait3A_209 = arith.constant 0 : i32
        %dma_wait3A_210 = tpu.memref_slice %arg6[%dma_wait3A_207, %dma_wait3A_208, %dma_wait3A_209] : memref<3x8x40xi32, #tpu.memory_space<vmem>> -> memref<1x1x40xi32, #tpu.memory_space<vmem>>
        %dma_wait3A_211 = tpu.memref_squeeze %dma_wait3A_210 : memref<1x1x40xi32, #tpu.memory_space<vmem>> -> memref<40xi32, #tpu.memory_space<vmem>>
        %dma_wait3A_212 = arith.constant 0 : i32
        %dma_wait3A_213 = arith.constant 0 : i32
        %dma_wait3A_214 = tpu.memref_slice %arg8[%dma_wait3A_212, %dma_wait3A_213] : memref<10240x128xf32, #tpu.memory_space<vmem_shared>> -> memref<10240x128xf32, #tpu.memory_space<vmem_shared>>
        tpu.wait_indirect_dma semaphore(%arg9 : memref<!tpu.dma_semaphore, #tpu.memory_space<semaphore_mem>>) src(%arg7 : memref<40x128xf32, #tpu.memory_space<vmem>>) dst(%dma_wait3A_214 : memref<10240x128xf32, #tpu.memory_space<vmem_shared>>)
      } else {
      }
      %dma_start3A_118 = arith.constant 2 : i32
      %dma_start3A_119 = arith.constant 0 : i32
      %dma_start3A_120 = tpu.memref_slice %arg6[%select_n3A_73, %dma_start3A_118, %dma_start3A_119] : memref<3x8x40xi32, #tpu.memory_space<vmem>> -> memref<1x1x40xi32, #tpu.memory_space<vmem>>
      %dma_start3A_121 = tpu.memref_squeeze %dma_start3A_120 : memref<1x1x40xi32, #tpu.memory_space<vmem>> -> memref<40xi32, #tpu.memory_space<vmem>>
      %dma_start3A_122 = arith.constant 0 : i32
      %dma_start3A_123 = arith.constant 0 : i32
      %dma_start3A_124 = tpu.memref_slice %arg8[%dma_start3A_122, %dma_start3A_123] : memref<10240x128xf32, #tpu.memory_space<vmem_shared>> -> memref<10240x128xf32, #tpu.memory_space<vmem_shared>>
      tpu.enqueue_indirect_dma source(%arg7 : memref<40x128xf32, #tpu.memory_space<vmem>>) target(%dma_start3A_124 : memref<10240x128xf32, #tpu.memory_space<vmem_shared>>) offsets(%dma_start3A_121 : memref<40xi32, #tpu.memory_space<vmem>>) semaphore(%arg9 : memref<!tpu.dma_semaphore, #tpu.memory_space<semaphore_mem>>) {add = true}
      %gt3A_125 = arith.constant 0 : i32
      %gt3A_126 = arith.cmpi sgt, %add3A_64, %gt3A_125 : i32
      %convert_element_type3A_127 = arith.extui %gt3A_126 : i1 to i32
      %cond3A_128 = arith.constant 0 : i32
      %cond3A_129 = arith.cmpi ne, %convert_element_type3A_127, %cond3A_128 : i32
      scf.if %cond3A_129 {
        %dma_wait3A_207 = arith.constant 0 : i32
        %dma_wait3A_208 = arith.constant 0 : i32
        %dma_wait3A_209 = arith.constant 0 : i32
        %dma_wait3A_210 = tpu.memref_slice %arg6[%dma_wait3A_207, %dma_wait3A_208, %dma_wait3A_209] : memref<3x8x40xi32, #tpu.memory_space<vmem>> -> memref<1x1x40xi32, #tpu.memory_space<vmem>>
        %dma_wait3A_211 = tpu.memref_squeeze %dma_wait3A_210 : memref<1x1x40xi32, #tpu.memory_space<vmem>> -> memref<40xi32, #tpu.memory_space<vmem>>
        %dma_wait3A_212 = arith.constant 0 : i32
        %dma_wait3A_213 = arith.constant 0 : i32
        %dma_wait3A_214 = tpu.memref_slice %arg8[%dma_wait3A_212, %dma_wait3A_213] : memref<10240x128xf32, #tpu.memory_space<vmem_shared>> -> memref<10240x128xf32, #tpu.memory_space<vmem_shared>>
        tpu.wait_indirect_dma semaphore(%arg9 : memref<!tpu.dma_semaphore, #tpu.memory_space<semaphore_mem>>) src(%arg7 : memref<40x128xf32, #tpu.memory_space<vmem>>) dst(%dma_wait3A_214 : memref<10240x128xf32, #tpu.memory_space<vmem_shared>>)
      } else {
      }
      %dma_start3A_130 = arith.constant 3 : i32
      %dma_start3A_131 = arith.constant 0 : i32
      %dma_start3A_132 = tpu.memref_slice %arg6[%select_n3A_73, %dma_start3A_130, %dma_start3A_131] : memref<3x8x40xi32, #tpu.memory_space<vmem>> -> memref<1x1x40xi32, #tpu.memory_space<vmem>>
      %dma_start3A_133 = tpu.memref_squeeze %dma_start3A_132 : memref<1x1x40xi32, #tpu.memory_space<vmem>> -> memref<40xi32, #tpu.memory_space<vmem>>
      %dma_start3A_134 = arith.constant 0 : i32
      %dma_start3A_135 = arith.constant 0 : i32
      %dma_start3A_136 = tpu.memref_slice %arg8[%dma_start3A_134, %dma_start3A_135] : memref<10240x128xf32, #tpu.memory_space<vmem_shared>> -> memref<10240x128xf32, #tpu.memory_space<vmem_shared>>
      tpu.enqueue_indirect_dma source(%arg7 : memref<40x128xf32, #tpu.memory_space<vmem>>) target(%dma_start3A_136 : memref<10240x128xf32, #tpu.memory_space<vmem_shared>>) offsets(%dma_start3A_133 : memref<40xi32, #tpu.memory_space<vmem>>) semaphore(%arg9 : memref<!tpu.dma_semaphore, #tpu.memory_space<semaphore_mem>>) {add = true}
      %gt3A_137 = arith.constant 0 : i32
      %gt3A_138 = arith.cmpi sgt, %add3A_64, %gt3A_137 : i32
      %convert_element_type3A_139 = arith.extui %gt3A_138 : i1 to i32
      %cond3A_140 = arith.constant 0 : i32
      %cond3A_141 = arith.cmpi ne, %convert_element_type3A_139, %cond3A_140 : i32
      scf.if %cond3A_141 {
        %dma_wait3A_207 = arith.constant 0 : i32
        %dma_wait3A_208 = arith.constant 0 : i32
        %dma_wait3A_209 = arith.constant 0 : i32
        %dma_wait3A_210 = tpu.memref_slice %arg6[%dma_wait3A_207, %dma_wait3A_208, %dma_wait3A_209] : memref<3x8x40xi32, #tpu.memory_space<vmem>> -> memref<1x1x40xi32, #tpu.memory_space<vmem>>
        %dma_wait3A_211 = tpu.memref_squeeze %dma_wait3A_210 : memref<1x1x40xi32, #tpu.memory_space<vmem>> -> memref<40xi32, #tpu.memory_space<vmem>>
        %dma_wait3A_212 = arith.constant 0 : i32
        %dma_wait3A_213 = arith.constant 0 : i32
        %dma_wait3A_214 = tpu.memref_slice %arg8[%dma_wait3A_212, %dma_wait3A_213] : memref<10240x128xf32, #tpu.memory_space<vmem_shared>> -> memref<10240x128xf32, #tpu.memory_space<vmem_shared>>
        tpu.wait_indirect_dma semaphore(%arg9 : memref<!tpu.dma_semaphore, #tpu.memory_space<semaphore_mem>>) src(%arg7 : memref<40x128xf32, #tpu.memory_space<vmem>>) dst(%dma_wait3A_214 : memref<10240x128xf32, #tpu.memory_space<vmem_shared>>)
      } else {
      }
      %dma_start3A_142 = arith.constant 4 : i32
      %dma_start3A_143 = arith.constant 0 : i32
      %dma_start3A_144 = tpu.memref_slice %arg6[%select_n3A_73, %dma_start3A_142, %dma_start3A_143] : memref<3x8x40xi32, #tpu.memory_space<vmem>> -> memref<1x1x40xi32, #tpu.memory_space<vmem>>
      %dma_start3A_145 = tpu.memref_squeeze %dma_start3A_144 : memref<1x1x40xi32, #tpu.memory_space<vmem>> -> memref<40xi32, #tpu.memory_space<vmem>>
      %dma_start3A_146 = arith.constant 0 : i32
      %dma_start3A_147 = arith.constant 0 : i32
      %dma_start3A_148 = tpu.memref_slice %arg8[%dma_start3A_146, %dma_start3A_147] : memref<10240x128xf32, #tpu.memory_space<vmem_shared>> -> memref<10240x128xf32, #tpu.memory_space<vmem_shared>>
      tpu.enqueue_indirect_dma source(%arg7 : memref<40x128xf32, #tpu.memory_space<vmem>>) target(%dma_start3A_148 : memref<10240x128xf32, #tpu.memory_space<vmem_shared>>) offsets(%dma_start3A_145 : memref<40xi32, #tpu.memory_space<vmem>>) semaphore(%arg9 : memref<!tpu.dma_semaphore, #tpu.memory_space<semaphore_mem>>) {add = true}
      %dma_wait3A_149 = arith.constant 0 : i32
      %dma_wait3A_150 = arith.constant 0 : i32
      %dma_wait3A_151 = arith.constant 0 : i32
      %dma_wait3A_152 = tpu.memref_slice %arg6[%dma_wait3A_149, %dma_wait3A_150, %dma_wait3A_151] : memref<3x8x40xi32, #tpu.memory_space<vmem>> -> memref<1x1x40xi32, #tpu.memory_space<vmem>>
      %dma_wait3A_153 = tpu.memref_squeeze %dma_wait3A_152 : memref<1x1x40xi32, #tpu.memory_space<vmem>> -> memref<40xi32, #tpu.memory_space<vmem>>
      %dma_wait3A_154 = arith.constant 0 : i32
      %dma_wait3A_155 = arith.constant 0 : i32
      %dma_wait3A_156 = tpu.memref_slice %arg8[%dma_wait3A_154, %dma_wait3A_155] : memref<10240x128xf32, #tpu.memory_space<vmem_shared>> -> memref<10240x128xf32, #tpu.memory_space<vmem_shared>>
      tpu.wait_indirect_dma semaphore(%arg9 : memref<!tpu.dma_semaphore, #tpu.memory_space<semaphore_mem>>) src(%arg7 : memref<40x128xf32, #tpu.memory_space<vmem>>) dst(%dma_wait3A_156 : memref<10240x128xf32, #tpu.memory_space<vmem_shared>>)
      %dma_start3A_157 = arith.constant 5 : i32
      %dma_start3A_158 = arith.constant 0 : i32
      %dma_start3A_159 = tpu.memref_slice %arg6[%select_n3A_73, %dma_start3A_157, %dma_start3A_158] : memref<3x8x40xi32, #tpu.memory_space<vmem>> -> memref<1x1x40xi32, #tpu.memory_space<vmem>>
      %dma_start3A_160 = tpu.memref_squeeze %dma_start3A_159 : memref<1x1x40xi32, #tpu.memory_space<vmem>> -> memref<40xi32, #tpu.memory_space<vmem>>
      %dma_start3A_161 = arith.constant 0 : i32
      %dma_start3A_162 = arith.constant 0 : i32
      %dma_start3A_163 = tpu.memref_slice %arg8[%dma_start3A_161, %dma_start3A_162] : memref<10240x128xf32, #tpu.memory_space<vmem_shared>> -> memref<10240x128xf32, #tpu.memory_space<vmem_shared>>
      tpu.enqueue_indirect_dma source(%arg7 : memref<40x128xf32, #tpu.memory_space<vmem>>) target(%dma_start3A_163 : memref<10240x128xf32, #tpu.memory_space<vmem_shared>>) offsets(%dma_start3A_160 : memref<40xi32, #tpu.memory_space<vmem>>) semaphore(%arg9 : memref<!tpu.dma_semaphore, #tpu.memory_space<semaphore_mem>>) {add = true}
      %dma_wait3A_164 = arith.constant 0 : i32
      %dma_wait3A_165 = arith.constant 0 : i32
      %dma_wait3A_166 = arith.constant 0 : i32
      %dma_wait3A_167 = tpu.memref_slice %arg6[%dma_wait3A_164, %dma_wait3A_165, %dma_wait3A_166] : memref<3x8x40xi32, #tpu.memory_space<vmem>> -> memref<1x1x40xi32, #tpu.memory_space<vmem>>
      %dma_wait3A_168 = tpu.memref_squeeze %dma_wait3A_167 : memref<1x1x40xi32, #tpu.memory_space<vmem>> -> memref<40xi32, #tpu.memory_space<vmem>>
      %dma_wait3A_169 = arith.constant 0 : i32
      %dma_wait3A_170 = arith.constant 0 : i32
      %dma_wait3A_171 = tpu.memref_slice %arg8[%dma_wait3A_169, %dma_wait3A_170] : memref<10240x128xf32, #tpu.memory_space<vmem_shared>> -> memref<10240x128xf32, #tpu.memory_space<vmem_shared>>
      tpu.wait_indirect_dma semaphore(%arg9 : memref<!tpu.dma_semaphore, #tpu.memory_space<semaphore_mem>>) src(%arg7 : memref<40x128xf32, #tpu.memory_space<vmem>>) dst(%dma_wait3A_171 : memref<10240x128xf32, #tpu.memory_space<vmem_shared>>)
      %dma_start3A_172 = arith.constant 6 : i32
      %dma_start3A_173 = arith.constant 0 : i32
      %dma_start3A_174 = tpu.memref_slice %arg6[%select_n3A_73, %dma_start3A_172, %dma_start3A_173] : memref<3x8x40xi32, #tpu.memory_space<vmem>> -> memref<1x1x40xi32, #tpu.memory_space<vmem>>
      %dma_start3A_175 = tpu.memref_squeeze %dma_start3A_174 : memref<1x1x40xi32, #tpu.memory_space<vmem>> -> memref<40xi32, #tpu.memory_space<vmem>>
      %dma_start3A_176 = arith.constant 0 : i32
      %dma_start3A_177 = arith.constant 0 : i32
      %dma_start3A_178 = tpu.memref_slice %arg8[%dma_start3A_176, %dma_start3A_177] : memref<10240x128xf32, #tpu.memory_space<vmem_shared>> -> memref<10240x128xf32, #tpu.memory_space<vmem_shared>>
      tpu.enqueue_indirect_dma source(%arg7 : memref<40x128xf32, #tpu.memory_space<vmem>>) target(%dma_start3A_178 : memref<10240x128xf32, #tpu.memory_space<vmem_shared>>) offsets(%dma_start3A_175 : memref<40xi32, #tpu.memory_space<vmem>>) semaphore(%arg9 : memref<!tpu.dma_semaphore, #tpu.memory_space<semaphore_mem>>) {add = true}
      %dma_wait3A_179 = arith.constant 0 : i32
      %dma_wait3A_180 = arith.constant 0 : i32
      %dma_wait3A_181 = arith.constant 0 : i32
      %dma_wait3A_182 = tpu.memref_slice %arg6[%dma_wait3A_179, %dma_wait3A_180, %dma_wait3A_181] : memref<3x8x40xi32, #tpu.memory_space<vmem>> -> memref<1x1x40xi32, #tpu.memory_space<vmem>>
      %dma_wait3A_183 = tpu.memref_squeeze %dma_wait3A_182 : memref<1x1x40xi32, #tpu.memory_space<vmem>> -> memref<40xi32, #tpu.memory_space<vmem>>
      %dma_wait3A_184 = arith.constant 0 : i32
      %dma_wait3A_185 = arith.constant 0 : i32
      %dma_wait3A_186 = tpu.memref_slice %arg8[%dma_wait3A_184, %dma_wait3A_185] : memref<10240x128xf32, #tpu.memory_space<vmem_shared>> -> memref<10240x128xf32, #tpu.memory_space<vmem_shared>>
      tpu.wait_indirect_dma semaphore(%arg9 : memref<!tpu.dma_semaphore, #tpu.memory_space<semaphore_mem>>) src(%arg7 : memref<40x128xf32, #tpu.memory_space<vmem>>) dst(%dma_wait3A_186 : memref<10240x128xf32, #tpu.memory_space<vmem_shared>>)
      %dma_start3A_187 = arith.constant 7 : i32
      %dma_start3A_188 = arith.constant 0 : i32
      %dma_start3A_189 = tpu.memref_slice %arg6[%select_n3A_73, %dma_start3A_187, %dma_start3A_188] : memref<3x8x40xi32, #tpu.memory_space<vmem>> -> memref<1x1x40xi32, #tpu.memory_space<vmem>>
      %dma_start3A_190 = tpu.memref_squeeze %dma_start3A_189 : memref<1x1x40xi32, #tpu.memory_space<vmem>> -> memref<40xi32, #tpu.memory_space<vmem>>
      %dma_start3A_191 = arith.constant 0 : i32
      %dma_start3A_192 = arith.constant 0 : i32
      %dma_start3A_193 = tpu.memref_slice %arg8[%dma_start3A_191, %dma_start3A_192] : memref<10240x128xf32, #tpu.memory_space<vmem_shared>> -> memref<10240x128xf32, #tpu.memory_space<vmem_shared>>
      tpu.enqueue_indirect_dma source(%arg7 : memref<40x128xf32, #tpu.memory_space<vmem>>) target(%dma_start3A_193 : memref<10240x128xf32, #tpu.memory_space<vmem_shared>>) offsets(%dma_start3A_190 : memref<40xi32, #tpu.memory_space<vmem>>) semaphore(%arg9 : memref<!tpu.dma_semaphore, #tpu.memory_space<semaphore_mem>>) {add = true}
      %dma_wait3A_194 = arith.constant 0 : i32
      %dma_wait3A_195 = arith.constant 0 : i32
      %dma_wait3A_196 = arith.constant 0 : i32
      %dma_wait3A_197 = tpu.memref_slice %arg6[%dma_wait3A_194, %dma_wait3A_195, %dma_wait3A_196] : memref<3x8x40xi32, #tpu.memory_space<vmem>> -> memref<1x1x40xi32, #tpu.memory_space<vmem>>
      %dma_wait3A_198 = tpu.memref_squeeze %dma_wait3A_197 : memref<1x1x40xi32, #tpu.memory_space<vmem>> -> memref<40xi32, #tpu.memory_space<vmem>>
      %dma_wait3A_199 = arith.constant 0 : i32
      %dma_wait3A_200 = arith.constant 0 : i32
      %dma_wait3A_201 = tpu.memref_slice %arg8[%dma_wait3A_199, %dma_wait3A_200] : memref<10240x128xf32, #tpu.memory_space<vmem_shared>> -> memref<10240x128xf32, #tpu.memory_space<vmem_shared>>
      tpu.wait_indirect_dma semaphore(%arg9 : memref<!tpu.dma_semaphore, #tpu.memory_space<semaphore_mem>>) src(%arg7 : memref<40x128xf32, #tpu.memory_space<vmem>>) dst(%dma_wait3A_201 : memref<10240x128xf32, #tpu.memory_space<vmem_shared>>)
      %lt3A_202 = arith.constant 30 : i32
      %lt3A_203 = arith.cmpi slt, %add3A_64, %lt3A_202 : i32
      %convert_element_type3A_204 = arith.extui %lt3A_203 : i1 to i32
      %cond3A_205 = arith.constant 0 : i32
      %cond3A_206 = arith.cmpi ne, %convert_element_type3A_204, %cond3A_205 : i32
      scf.if %cond3A_206 {
        %add3A_207 = arith.addi %mul3A_0, %add3A_64 : i32
        %add3A_208 = arith.constant 2 : i32
        %add3A_209 = arith.addi %add3A_207, %add3A_208 : i32
        %dma_start3A_210 = arith.constant 0 : i32
        %dma_start3A_211 = arith.constant 0 : i32
        %dma_start3A_212 = tpu.memref_slice %arg6[%select_n3A_91, %dma_start3A_210, %dma_start3A_211] : memref<3x8x40xi32, #tpu.memory_space<vmem>> -> memref<1x8x40xi32, #tpu.memory_space<vmem>>
        %dma_start3A_213 = tpu.memref_squeeze %dma_start3A_212 : memref<1x8x40xi32, #tpu.memory_space<vmem>> -> memref<8x40xi32, #tpu.memory_space<vmem>>
        %dma_start3A_214 = arith.constant 0 : i32
        %dma_start3A_215 = arith.constant 0 : i32
        %dma_start3A_216 = tpu.memref_slice %arg3[%arg1, %add3A_209, %dma_start3A_214, %dma_start3A_215] : memref<16x64x8x40xi32, #tpu.memory_space<hbm>> -> memref<1x1x8x40xi32, #tpu.memory_space<hbm>>
        %dma_start3A_217 = tpu.memref_squeeze %dma_start3A_216 : memref<1x1x8x40xi32, #tpu.memory_space<hbm>> -> memref<8x40xi32, #tpu.memory_space<hbm>>
        %dma_start3A_218 = arith.constant 0 : i32
        %dma_start3A_219 = arith.constant 0 : i32
        %dma_start3A_220 = tpu.memref_slice %arg6[%select_n3A_91, %dma_start3A_218, %dma_start3A_219] : memref<3x8x40xi32, #tpu.memory_space<vmem>> -> memref<1x8x40xi32, #tpu.memory_space<vmem>>
        %dma_start3A_221 = tpu.memref_squeeze %dma_start3A_220 : memref<1x8x40xi32, #tpu.memory_space<vmem>> -> memref<8x40xi32, #tpu.memory_space<vmem>>
        %dma_start3A_222 = arith.constant 0 : i32
        %dma_start3A_223 = arith.constant 0 : i32
        %dma_start3A_224 = tpu.memref_slice %arg3[%arg1, %add3A_209, %dma_start3A_222, %dma_start3A_223] : memref<16x64x8x40xi32, #tpu.memory_space<hbm>> -> memref<1x1x8x40xi32, #tpu.memory_space<hbm>>
        %dma_start3A_225 = tpu.memref_squeeze %dma_start3A_224 : memref<1x1x8x40xi32, #tpu.memory_space<hbm>> -> memref<8x40xi32, #tpu.memory_space<hbm>>
        tpu.enqueue_dma source(%dma_start3A_225 : memref<8x40xi32, #tpu.memory_space<hbm>>) target(%dma_start3A_221 : memref<8x40xi32, #tpu.memory_space<vmem>>) target_semaphore(%arg10 : memref<!tpu.dma_semaphore, #tpu.memory_space<semaphore_mem>>)
      } else {
      }
    }
    %scan3A_23 = arith.constant 32 : i32
    %dma_wait3A = arith.constant 0 : i32
    %dma_wait3A_24 = arith.constant 0 : i32
    %dma_wait3A_25 = arith.constant 0 : i32
    %dma_wait3A_26 = tpu.memref_slice %arg6[%dma_wait3A, %dma_wait3A_24, %dma_wait3A_25] : memref<3x8x40xi32, #tpu.memory_space<vmem>> -> memref<1x1x40xi32, #tpu.memory_space<vmem>>
    %dma_wait3A_27 = tpu.memref_squeeze %dma_wait3A_26 : memref<1x1x40xi32, #tpu.memory_space<vmem>> -> memref<40xi32, #tpu.memory_space<vmem>>
    %dma_wait3A_28 = arith.constant 0 : i32
    %dma_wait3A_29 = arith.constant 0 : i32
    %dma_wait3A_30 = tpu.memref_slice %arg8[%dma_wait3A_28, %dma_wait3A_29] : memref<10240x128xf32, #tpu.memory_space<vmem_shared>> -> memref<10240x128xf32, #tpu.memory_space<vmem_shared>>
    tpu.wait_indirect_dma semaphore(%arg9 : memref<!tpu.dma_semaphore, #tpu.memory_space<semaphore_mem>>) src(%arg7 : memref<40x128xf32, #tpu.memory_space<vmem>>) dst(%dma_wait3A_30 : memref<10240x128xf32, #tpu.memory_space<vmem_shared>>)
    %dma_wait3A_31 = arith.constant 0 : i32
    %dma_wait3A_32 = arith.constant 0 : i32
    %dma_wait3A_33 = arith.constant 0 : i32
    %dma_wait3A_34 = tpu.memref_slice %arg6[%dma_wait3A_31, %dma_wait3A_32, %dma_wait3A_33] : memref<3x8x40xi32, #tpu.memory_space<vmem>> -> memref<1x1x40xi32, #tpu.memory_space<vmem>>
    %dma_wait3A_35 = tpu.memref_squeeze %dma_wait3A_34 : memref<1x1x40xi32, #tpu.memory_space<vmem>> -> memref<40xi32, #tpu.memory_space<vmem>>
    %dma_wait3A_36 = arith.constant 0 : i32
    %dma_wait3A_37 = arith.constant 0 : i32
    %dma_wait3A_38 = tpu.memref_slice %arg8[%dma_wait3A_36, %dma_wait3A_37] : memref<10240x128xf32, #tpu.memory_space<vmem_shared>> -> memref<10240x128xf32, #tpu.memory_space<vmem_shared>>
    tpu.wait_indirect_dma semaphore(%arg9 : memref<!tpu.dma_semaphore, #tpu.memory_space<semaphore_mem>>) src(%arg7 : memref<40x128xf32, #tpu.memory_space<vmem>>) dst(%dma_wait3A_38 : memref<10240x128xf32, #tpu.memory_space<vmem_shared>>)
    %dma_wait3A_39 = arith.constant 0 : i32
    %dma_wait3A_40 = arith.constant 0 : i32
    %dma_wait3A_41 = arith.constant 0 : i32
    %dma_wait3A_42 = tpu.memref_slice %arg6[%dma_wait3A_39, %dma_wait3A_40, %dma_wait3A_41] : memref<3x8x40xi32, #tpu.memory_space<vmem>> -> memref<1x1x40xi32, #tpu.memory_space<vmem>>
    %dma_wait3A_43 = tpu.memref_squeeze %dma_wait3A_42 : memref<1x1x40xi32, #tpu.memory_space<vmem>> -> memref<40xi32, #tpu.memory_space<vmem>>
    %dma_wait3A_44 = arith.constant 0 : i32
    %dma_wait3A_45 = arith.constant 0 : i32
    %dma_wait3A_46 = tpu.memref_slice %arg8[%dma_wait3A_44, %dma_wait3A_45] : memref<10240x128xf32, #tpu.memory_space<vmem_shared>> -> memref<10240x128xf32, #tpu.memory_space<vmem_shared>>
    tpu.wait_indirect_dma semaphore(%arg9 : memref<!tpu.dma_semaphore, #tpu.memory_space<semaphore_mem>>) src(%arg7 : memref<40x128xf32, #tpu.memory_space<vmem>>) dst(%dma_wait3A_46 : memref<10240x128xf32, #tpu.memory_space<vmem_shared>>)
    %dma_wait3A_47 = arith.constant 0 : i32
    %dma_wait3A_48 = arith.constant 0 : i32
    %dma_wait3A_49 = arith.constant 0 : i32
    %dma_wait3A_50 = tpu.memref_slice %arg6[%dma_wait3A_47, %dma_wait3A_48, %dma_wait3A_49] : memref<3x8x40xi32, #tpu.memory_space<vmem>> -> memref<1x1x40xi32, #tpu.memory_space<vmem>>
    %dma_wait3A_51 = tpu.memref_squeeze %dma_wait3A_50 : memref<1x1x40xi32, #tpu.memory_space<vmem>> -> memref<40xi32, #tpu.memory_space<vmem>>
    %dma_wait3A_52 = arith.constant 0 : i32
    %dma_wait3A_53 = arith.constant 0 : i32
    %dma_wait3A_54 = tpu.memref_slice %arg8[%dma_wait3A_52, %dma_wait3A_53] : memref<10240x128xf32, #tpu.memory_space<vmem_shared>> -> memref<10240x128xf32, #tpu.memory_space<vmem_shared>>
    tpu.wait_indirect_dma semaphore(%arg9 : memref<!tpu.dma_semaphore, #tpu.memory_space<semaphore_mem>>) src(%arg7 : memref<40x128xf32, #tpu.memory_space<vmem>>) dst(%dma_wait3A_54 : memref<10240x128xf32, #tpu.memory_space<vmem_shared>>)
    %barrier3A_55 = arith.constant 0 : index
    tpu.barrier barrier_id(%barrier3A_55)
    %mul3A_56 = arith.constant 640 : i32
    %mul3A_57 = arith.muli %arg1, %mul3A_56 : i32
    %mul3A_58 = arith.constant 640 : i32
    %mul3A_59 = arith.muli %arg1, %mul3A_58 : i32
    "tpu.region"() ({
      %run_scoped3A_60 = tpu.sem_alloc : memref<!tpu.dma_semaphore, #tpu.memory_space<semaphore_mem>>
      %dma_start3A_61 = arith.constant 0 : i32
      %dma_start3A_62 = tpu.memref_slice %arg5[%arg0, %mul3A_59, %dma_start3A_61] : memref<2x10240x128xf32, #tpu.memory_space<hbm>> -> memref<1x640x128xf32, #tpu.memory_space<hbm>>
      %dma_start3A_63 = tpu.memref_squeeze %dma_start3A_62 : memref<1x640x128xf32, #tpu.memory_space<hbm>> -> memref<640x128xf32, #tpu.memory_space<hbm>>
      %dma_start3A_64 = arith.constant 0 : i32
      %dma_start3A_65 = tpu.memref_slice %arg8[%mul3A_57, %dma_start3A_64] : memref<10240x128xf32, #tpu.memory_space<vmem_shared>> -> memref<640x128xf32, #tpu.memory_space<vmem_shared>>
      tpu.enqueue_dma source(%dma_start3A_65 : memref<640x128xf32, #tpu.memory_space<vmem_shared>>) target(%dma_start3A_63 : memref<640x128xf32, #tpu.memory_space<hbm>>) target_semaphore(%run_scoped3A_60 : memref<!tpu.dma_semaphore, #tpu.memory_space<semaphore_mem>>)
      %dma_wait3A_66 = arith.constant 0 : i32
      %dma_wait3A_67 = tpu.memref_slice %arg5[%arg0, %mul3A_59, %dma_wait3A_66] : memref<2x10240x128xf32, #tpu.memory_space<hbm>> -> memref<1x640x128xf32, #tpu.memory_space<hbm>>
      %dma_wait3A_68 = tpu.memref_squeeze %dma_wait3A_67 : memref<1x640x128xf32, #tpu.memory_space<hbm>> -> memref<640x128xf32, #tpu.memory_space<hbm>>
      %dma_wait3A_69 = arith.constant 0 : i32
      %dma_wait3A_70 = tpu.memref_slice %arg8[%mul3A_57, %dma_wait3A_69] : memref<10240x128xf32, #tpu.memory_space<vmem_shared>> -> memref<640x128xf32, #tpu.memory_space<vmem_shared>>
      tpu.wait_dma2 semaphore(%run_scoped3A_60 : memref<!tpu.dma_semaphore, #tpu.memory_space<semaphore_mem>>) src(%dma_wait3A_70 : memref<640x128xf32, #tpu.memory_space<vmem_shared>>) dst(%dma_wait3A_68 : memref<640x128xf32, #tpu.memory_space<hbm>>)
      tpu.yield
    }) : () -> ()
    return
  }
}

#map = affine_map<(d0, d1) -> (0, 0)>
#map1 = affine_map<(d0, d1) -> (0, 0, 0, 0, 0)>
#map2 = affine_map<(d0, d1) -> (0, 0, 0, 0)>
#map3 = affine_map<(d0, d1) -> (0, 0, 0)>
module attributes {stable_mosaic.version = 14 : i64} {
  func.func @_agg_kernel(%arg0: i32, %arg1: i32, %arg2: memref<20480x128xf32, #tpu.memory_space<hbm>>, %arg3: memref<2x16x64x8x40xi32, #tpu.memory_space<hbm>>, %arg4: memref<16x64x8x40xi32, #tpu.memory_space<hbm>>, %arg5: memref<640x128xf32, #tpu.memory_space<hbm>>, %arg6: memref<2x10240x128xf32, #tpu.memory_space<hbm>>, %arg7: memref<3x8x40xi32, #tpu.memory_space<vmem>>, %arg8: memref<3x8x40xi32, #tpu.memory_space<vmem>>, %arg9: memref<40x128xf32, #tpu.memory_space<vmem>>, %arg10: memref<40x128xf32, #tpu.memory_space<vmem>>, %arg11: memref<40x128xf32, #tpu.memory_space<vmem>>, %arg12: memref<40x128xf32, #tpu.memory_space<vmem>>, %arg13: memref<40x128xf32, #tpu.memory_space<vmem>>, %arg14: memref<40x128xf32, #tpu.memory_space<vmem>>, %arg15: memref<40x128xf32, #tpu.memory_space<vmem>>, %arg16: memref<40x128xf32, #tpu.memory_space<vmem>>, %arg17: memref<10240x128xf32, #tpu.memory_space<vmem_shared>>, %arg18: memref<!tpu.dma_semaphore, #tpu.memory_space<semaphore_mem>>, %arg19: memref<!tpu.dma_semaphore, #tpu.memory_space<semaphore_mem>>, %arg20: memref<!tpu.dma_semaphore, #tpu.memory_space<semaphore_mem>>, %arg21: memref<!tpu.dma_semaphore, #tpu.memory_space<semaphore_mem>>, %arg22: memref<!tpu.dma_semaphore, #tpu.memory_space<semaphore_mem>>, %arg23: memref<!tpu.dma_semaphore, #tpu.memory_space<semaphore_mem>>, %arg24: memref<!tpu.dma_semaphore, #tpu.memory_space<semaphore_mem>>, %arg25: memref<!tpu.dma_semaphore, #tpu.memory_space<semaphore_mem>>, %arg26: memref<!tpu.dma_semaphore, #tpu.memory_space<semaphore_mem>>, %arg27: memref<!tpu.dma_semaphore, #tpu.memory_space<semaphore_mem>>, %arg28: memref<!tpu.dma_semaphore, #tpu.memory_space<semaphore_mem>>, %arg29: memref<!tpu.dma_semaphore, #tpu.memory_space<semaphore_mem>>, %arg30: memref<!tpu.dma_semaphore, #tpu.memory_space<semaphore_mem>>, %arg31: memref<!tpu.dma_semaphore, #tpu.memory_space<semaphore_mem>>, %arg32: memref<!tpu.dma_semaphore, #tpu.memory_space<semaphore_mem>>, %arg33: memref<!tpu.dma_semaphore, #tpu.memory_space<semaphore_mem>>, %arg34: memref<!tpu.dma_semaphore, #tpu.memory_space<semaphore_mem>>, %arg35: memref<!tpu.dma_semaphore, #tpu.memory_space<semaphore_mem>>) attributes {dimension_semantics = [#tpu.dimension_semantics<core_parallel>, #tpu.dimension_semantics<subcore_parallel>], iteration_bounds = array<i64: 2, 16>, scalar_prefetch = 0 : i64, scratch_operands = 29 : i64, tpu.core_type = #tpu.core_type<sc_vector_subcore>, window_params = [{transform_indices = #map}, {transform_indices = #map1}, {transform_indices = #map2}, {transform_indices = #map}, {transform_indices = #map3}]} {
    %run_scoped3A = arith.constant 0 : i32
    %run_scoped3A_0 = arith.constant 0 : i32
    "tpu.region"() ({
      %run_scoped3A_111 = tpu.sem_alloc : memref<!tpu.dma_semaphore, #tpu.memory_space<semaphore_mem>>
      %dma_start3A_112 = arith.constant 0 : i32
      %dma_start3A_113 = arith.constant 0 : i32
      %dma_start3A_114 = tpu.memref_slice %arg7[%run_scoped3A_0, %dma_start3A_112, %dma_start3A_113] : memref<3x8x40xi32, #tpu.memory_space<vmem>> -> memref<1x8x40xi32, #tpu.memory_space<vmem>>
      %dma_start3A_115 = tpu.memref_squeeze %dma_start3A_114 : memref<1x8x40xi32, #tpu.memory_space<vmem>> -> memref<8x40xi32, #tpu.memory_space<vmem>>
      %dma_start3A_116 = arith.constant 0 : i32
      %dma_start3A_117 = arith.constant 0 : i32
      %dma_start3A_118 = tpu.memref_slice %arg3[%arg0, %arg1, %run_scoped3A, %dma_start3A_116, %dma_start3A_117] : memref<2x16x64x8x40xi32, #tpu.memory_space<hbm>> -> memref<1x1x1x8x40xi32, #tpu.memory_space<hbm>>
      %dma_start3A_119 = tpu.memref_squeeze %dma_start3A_118 : memref<1x1x1x8x40xi32, #tpu.memory_space<hbm>> -> memref<8x40xi32, #tpu.memory_space<hbm>>
      %dma_start3A_120 = arith.constant 0 : i32
      %dma_start3A_121 = arith.constant 0 : i32
      %dma_start3A_122 = tpu.memref_slice %arg7[%run_scoped3A_0, %dma_start3A_120, %dma_start3A_121] : memref<3x8x40xi32, #tpu.memory_space<vmem>> -> memref<1x8x40xi32, #tpu.memory_space<vmem>>
      %dma_start3A_123 = tpu.memref_squeeze %dma_start3A_122 : memref<1x8x40xi32, #tpu.memory_space<vmem>> -> memref<8x40xi32, #tpu.memory_space<vmem>>
      %dma_start3A_124 = arith.constant 0 : i32
      %dma_start3A_125 = arith.constant 0 : i32
      %dma_start3A_126 = tpu.memref_slice %arg3[%arg0, %arg1, %run_scoped3A, %dma_start3A_124, %dma_start3A_125] : memref<2x16x64x8x40xi32, #tpu.memory_space<hbm>> -> memref<1x1x1x8x40xi32, #tpu.memory_space<hbm>>
      %dma_start3A_127 = tpu.memref_squeeze %dma_start3A_126 : memref<1x1x1x8x40xi32, #tpu.memory_space<hbm>> -> memref<8x40xi32, #tpu.memory_space<hbm>>
      tpu.enqueue_dma source(%dma_start3A_127 : memref<8x40xi32, #tpu.memory_space<hbm>>) target(%dma_start3A_123 : memref<8x40xi32, #tpu.memory_space<vmem>>) target_semaphore(%run_scoped3A_111 : memref<!tpu.dma_semaphore, #tpu.memory_space<semaphore_mem>>)
      %dma_wait3A_128 = arith.constant 0 : i32
      %dma_wait3A_129 = arith.constant 0 : i32
      %dma_wait3A_130 = tpu.memref_slice %arg7[%run_scoped3A_0, %dma_wait3A_128, %dma_wait3A_129] : memref<3x8x40xi32, #tpu.memory_space<vmem>> -> memref<1x8x40xi32, #tpu.memory_space<vmem>>
      %dma_wait3A_131 = tpu.memref_squeeze %dma_wait3A_130 : memref<1x8x40xi32, #tpu.memory_space<vmem>> -> memref<8x40xi32, #tpu.memory_space<vmem>>
      %dma_wait3A_132 = arith.constant 0 : i32
      %dma_wait3A_133 = arith.constant 0 : i32
      %dma_wait3A_134 = tpu.memref_slice %arg3[%arg0, %arg1, %run_scoped3A, %dma_wait3A_132, %dma_wait3A_133] : memref<2x16x64x8x40xi32, #tpu.memory_space<hbm>> -> memref<1x1x1x8x40xi32, #tpu.memory_space<hbm>>
      %dma_wait3A_135 = tpu.memref_squeeze %dma_wait3A_134 : memref<1x1x1x8x40xi32, #tpu.memory_space<hbm>> -> memref<8x40xi32, #tpu.memory_space<hbm>>
      %dma_wait3A_136 = arith.constant 0 : i32
      %dma_wait3A_137 = arith.constant 0 : i32
      %dma_wait3A_138 = tpu.memref_slice %arg7[%run_scoped3A_0, %dma_wait3A_136, %dma_wait3A_137] : memref<3x8x40xi32, #tpu.memory_space<vmem>> -> memref<1x8x40xi32, #tpu.memory_space<vmem>>
      %dma_wait3A_139 = tpu.memref_squeeze %dma_wait3A_138 : memref<1x8x40xi32, #tpu.memory_space<vmem>> -> memref<8x40xi32, #tpu.memory_space<vmem>>
      %dma_wait3A_140 = arith.constant 0 : i32
      %dma_wait3A_141 = arith.constant 0 : i32
      %dma_wait3A_142 = tpu.memref_slice %arg3[%arg0, %arg1, %run_scoped3A, %dma_wait3A_140, %dma_wait3A_141] : memref<2x16x64x8x40xi32, #tpu.memory_space<hbm>> -> memref<1x1x1x8x40xi32, #tpu.memory_space<hbm>>
      %dma_wait3A_143 = tpu.memref_squeeze %dma_wait3A_142 : memref<1x1x1x8x40xi32, #tpu.memory_space<hbm>> -> memref<8x40xi32, #tpu.memory_space<hbm>>
      tpu.wait_dma2 semaphore(%run_scoped3A_111 : memref<!tpu.dma_semaphore, #tpu.memory_space<semaphore_mem>>) src(%dma_wait3A_143 : memref<8x40xi32, #tpu.memory_space<hbm>>) dst(%dma_wait3A_139 : memref<8x40xi32, #tpu.memory_space<vmem>>)
      tpu.yield
    }) : () -> ()
    %run_scoped3A_1 = arith.constant 0 : i32
    %run_scoped3A_2 = arith.constant 0 : i32
    "tpu.region"() ({
      %run_scoped3A_111 = tpu.sem_alloc : memref<!tpu.dma_semaphore, #tpu.memory_space<semaphore_mem>>
      %dma_start3A_112 = arith.constant 0 : i32
      %dma_start3A_113 = arith.constant 0 : i32
      %dma_start3A_114 = tpu.memref_slice %arg8[%run_scoped3A_2, %dma_start3A_112, %dma_start3A_113] : memref<3x8x40xi32, #tpu.memory_space<vmem>> -> memref<1x8x40xi32, #tpu.memory_space<vmem>>
      %dma_start3A_115 = tpu.memref_squeeze %dma_start3A_114 : memref<1x8x40xi32, #tpu.memory_space<vmem>> -> memref<8x40xi32, #tpu.memory_space<vmem>>
      %dma_start3A_116 = arith.constant 0 : i32
      %dma_start3A_117 = arith.constant 0 : i32
      %dma_start3A_118 = tpu.memref_slice %arg4[%arg1, %run_scoped3A_1, %dma_start3A_116, %dma_start3A_117] : memref<16x64x8x40xi32, #tpu.memory_space<hbm>> -> memref<1x1x8x40xi32, #tpu.memory_space<hbm>>
      %dma_start3A_119 = tpu.memref_squeeze %dma_start3A_118 : memref<1x1x8x40xi32, #tpu.memory_space<hbm>> -> memref<8x40xi32, #tpu.memory_space<hbm>>
      %dma_start3A_120 = arith.constant 0 : i32
      %dma_start3A_121 = arith.constant 0 : i32
      %dma_start3A_122 = tpu.memref_slice %arg8[%run_scoped3A_2, %dma_start3A_120, %dma_start3A_121] : memref<3x8x40xi32, #tpu.memory_space<vmem>> -> memref<1x8x40xi32, #tpu.memory_space<vmem>>
      %dma_start3A_123 = tpu.memref_squeeze %dma_start3A_122 : memref<1x8x40xi32, #tpu.memory_space<vmem>> -> memref<8x40xi32, #tpu.memory_space<vmem>>
      %dma_start3A_124 = arith.constant 0 : i32
      %dma_start3A_125 = arith.constant 0 : i32
      %dma_start3A_126 = tpu.memref_slice %arg4[%arg1, %run_scoped3A_1, %dma_start3A_124, %dma_start3A_125] : memref<16x64x8x40xi32, #tpu.memory_space<hbm>> -> memref<1x1x8x40xi32, #tpu.memory_space<hbm>>
      %dma_start3A_127 = tpu.memref_squeeze %dma_start3A_126 : memref<1x1x8x40xi32, #tpu.memory_space<hbm>> -> memref<8x40xi32, #tpu.memory_space<hbm>>
      tpu.enqueue_dma source(%dma_start3A_127 : memref<8x40xi32, #tpu.memory_space<hbm>>) target(%dma_start3A_123 : memref<8x40xi32, #tpu.memory_space<vmem>>) target_semaphore(%run_scoped3A_111 : memref<!tpu.dma_semaphore, #tpu.memory_space<semaphore_mem>>)
      %dma_wait3A_128 = arith.constant 0 : i32
      %dma_wait3A_129 = arith.constant 0 : i32
      %dma_wait3A_130 = tpu.memref_slice %arg8[%run_scoped3A_2, %dma_wait3A_128, %dma_wait3A_129] : memref<3x8x40xi32, #tpu.memory_space<vmem>> -> memref<1x8x40xi32, #tpu.memory_space<vmem>>
      %dma_wait3A_131 = tpu.memref_squeeze %dma_wait3A_130 : memref<1x8x40xi32, #tpu.memory_space<vmem>> -> memref<8x40xi32, #tpu.memory_space<vmem>>
      %dma_wait3A_132 = arith.constant 0 : i32
      %dma_wait3A_133 = arith.constant 0 : i32
      %dma_wait3A_134 = tpu.memref_slice %arg4[%arg1, %run_scoped3A_1, %dma_wait3A_132, %dma_wait3A_133] : memref<16x64x8x40xi32, #tpu.memory_space<hbm>> -> memref<1x1x8x40xi32, #tpu.memory_space<hbm>>
      %dma_wait3A_135 = tpu.memref_squeeze %dma_wait3A_134 : memref<1x1x8x40xi32, #tpu.memory_space<hbm>> -> memref<8x40xi32, #tpu.memory_space<hbm>>
      %dma_wait3A_136 = arith.constant 0 : i32
      %dma_wait3A_137 = arith.constant 0 : i32
      %dma_wait3A_138 = tpu.memref_slice %arg8[%run_scoped3A_2, %dma_wait3A_136, %dma_wait3A_137] : memref<3x8x40xi32, #tpu.memory_space<vmem>> -> memref<1x8x40xi32, #tpu.memory_space<vmem>>
      %dma_wait3A_139 = tpu.memref_squeeze %dma_wait3A_138 : memref<1x8x40xi32, #tpu.memory_space<vmem>> -> memref<8x40xi32, #tpu.memory_space<vmem>>
      %dma_wait3A_140 = arith.constant 0 : i32
      %dma_wait3A_141 = arith.constant 0 : i32
      %dma_wait3A_142 = tpu.memref_slice %arg4[%arg1, %run_scoped3A_1, %dma_wait3A_140, %dma_wait3A_141] : memref<16x64x8x40xi32, #tpu.memory_space<hbm>> -> memref<1x1x8x40xi32, #tpu.memory_space<hbm>>
      %dma_wait3A_143 = tpu.memref_squeeze %dma_wait3A_142 : memref<1x1x8x40xi32, #tpu.memory_space<hbm>> -> memref<8x40xi32, #tpu.memory_space<hbm>>
      tpu.wait_dma2 semaphore(%run_scoped3A_111 : memref<!tpu.dma_semaphore, #tpu.memory_space<semaphore_mem>>) src(%dma_wait3A_143 : memref<8x40xi32, #tpu.memory_space<hbm>>) dst(%dma_wait3A_139 : memref<8x40xi32, #tpu.memory_space<vmem>>)
      tpu.yield
    }) : () -> ()
    %dma_start3A = arith.constant 1 : i32
    %dma_start3A_3 = arith.constant 1 : i32
    %dma_start3A_4 = arith.constant 0 : i32
    %dma_start3A_5 = arith.constant 0 : i32
    %dma_start3A_6 = tpu.memref_slice %arg7[%dma_start3A_3, %dma_start3A_4, %dma_start3A_5] : memref<3x8x40xi32, #tpu.memory_space<vmem>> -> memref<1x8x40xi32, #tpu.memory_space<vmem>>
    %dma_start3A_7 = tpu.memref_squeeze %dma_start3A_6 : memref<1x8x40xi32, #tpu.memory_space<vmem>> -> memref<8x40xi32, #tpu.memory_space<vmem>>
    %dma_start3A_8 = arith.constant 0 : i32
    %dma_start3A_9 = arith.constant 0 : i32
    %dma_start3A_10 = tpu.memref_slice %arg3[%arg0, %arg1, %dma_start3A, %dma_start3A_8, %dma_start3A_9] : memref<2x16x64x8x40xi32, #tpu.memory_space<hbm>> -> memref<1x1x1x8x40xi32, #tpu.memory_space<hbm>>
    %dma_start3A_11 = tpu.memref_squeeze %dma_start3A_10 : memref<1x1x1x8x40xi32, #tpu.memory_space<hbm>> -> memref<8x40xi32, #tpu.memory_space<hbm>>
    %dma_start3A_12 = arith.constant 0 : i32
    %dma_start3A_13 = arith.constant 0 : i32
    %dma_start3A_14 = tpu.memref_slice %arg7[%dma_start3A_3, %dma_start3A_12, %dma_start3A_13] : memref<3x8x40xi32, #tpu.memory_space<vmem>> -> memref<1x8x40xi32, #tpu.memory_space<vmem>>
    %dma_start3A_15 = tpu.memref_squeeze %dma_start3A_14 : memref<1x8x40xi32, #tpu.memory_space<vmem>> -> memref<8x40xi32, #tpu.memory_space<vmem>>
    %dma_start3A_16 = arith.constant 0 : i32
    %dma_start3A_17 = arith.constant 0 : i32
    %dma_start3A_18 = tpu.memref_slice %arg3[%arg0, %arg1, %dma_start3A, %dma_start3A_16, %dma_start3A_17] : memref<2x16x64x8x40xi32, #tpu.memory_space<hbm>> -> memref<1x1x1x8x40xi32, #tpu.memory_space<hbm>>
    %dma_start3A_19 = tpu.memref_squeeze %dma_start3A_18 : memref<1x1x1x8x40xi32, #tpu.memory_space<hbm>> -> memref<8x40xi32, #tpu.memory_space<hbm>>
    tpu.enqueue_dma source(%dma_start3A_19 : memref<8x40xi32, #tpu.memory_space<hbm>>) target(%dma_start3A_15 : memref<8x40xi32, #tpu.memory_space<vmem>>) target_semaphore(%arg34 : memref<!tpu.dma_semaphore, #tpu.memory_space<semaphore_mem>>)
    %dma_start3A_20 = arith.constant 1 : i32
    %dma_start3A_21 = arith.constant 1 : i32
    %dma_start3A_22 = arith.constant 0 : i32
    %dma_start3A_23 = arith.constant 0 : i32
    %dma_start3A_24 = tpu.memref_slice %arg8[%dma_start3A_21, %dma_start3A_22, %dma_start3A_23] : memref<3x8x40xi32, #tpu.memory_space<vmem>> -> memref<1x8x40xi32, #tpu.memory_space<vmem>>
    %dma_start3A_25 = tpu.memref_squeeze %dma_start3A_24 : memref<1x8x40xi32, #tpu.memory_space<vmem>> -> memref<8x40xi32, #tpu.memory_space<vmem>>
    %dma_start3A_26 = arith.constant 0 : i32
    %dma_start3A_27 = arith.constant 0 : i32
    %dma_start3A_28 = tpu.memref_slice %arg4[%arg1, %dma_start3A_20, %dma_start3A_26, %dma_start3A_27] : memref<16x64x8x40xi32, #tpu.memory_space<hbm>> -> memref<1x1x8x40xi32, #tpu.memory_space<hbm>>
    %dma_start3A_29 = tpu.memref_squeeze %dma_start3A_28 : memref<1x1x8x40xi32, #tpu.memory_space<hbm>> -> memref<8x40xi32, #tpu.memory_space<hbm>>
    %dma_start3A_30 = arith.constant 0 : i32
    %dma_start3A_31 = arith.constant 0 : i32
    %dma_start3A_32 = tpu.memref_slice %arg8[%dma_start3A_21, %dma_start3A_30, %dma_start3A_31] : memref<3x8x40xi32, #tpu.memory_space<vmem>> -> memref<1x8x40xi32, #tpu.memory_space<vmem>>
    %dma_start3A_33 = tpu.memref_squeeze %dma_start3A_32 : memref<1x8x40xi32, #tpu.memory_space<vmem>> -> memref<8x40xi32, #tpu.memory_space<vmem>>
    %dma_start3A_34 = arith.constant 0 : i32
    %dma_start3A_35 = arith.constant 0 : i32
    %dma_start3A_36 = tpu.memref_slice %arg4[%arg1, %dma_start3A_20, %dma_start3A_34, %dma_start3A_35] : memref<16x64x8x40xi32, #tpu.memory_space<hbm>> -> memref<1x1x8x40xi32, #tpu.memory_space<hbm>>
    %dma_start3A_37 = tpu.memref_squeeze %dma_start3A_36 : memref<1x1x8x40xi32, #tpu.memory_space<hbm>> -> memref<8x40xi32, #tpu.memory_space<hbm>>
    tpu.enqueue_dma source(%dma_start3A_37 : memref<8x40xi32, #tpu.memory_space<hbm>>) target(%dma_start3A_33 : memref<8x40xi32, #tpu.memory_space<vmem>>) target_semaphore(%arg35 : memref<!tpu.dma_semaphore, #tpu.memory_space<semaphore_mem>>)
    %mul3A = arith.constant 640 : i32
    %mul3A_38 = arith.muli %arg1, %mul3A : i32
    "tpu.region"() ({
      %run_scoped3A_111 = tpu.sem_alloc : memref<!tpu.dma_semaphore, #tpu.memory_space<semaphore_mem>>
      %dma_start3A_112 = arith.constant 0 : i32
      %dma_start3A_113 = tpu.memref_slice %arg17[%mul3A_38, %dma_start3A_112] : memref<10240x128xf32, #tpu.memory_space<vmem_shared>> -> memref<640x128xf32, #tpu.memory_space<vmem_shared>>
      tpu.enqueue_dma source(%arg5 : memref<640x128xf32, #tpu.memory_space<hbm>>) target(%dma_start3A_113 : memref<640x128xf32, #tpu.memory_space<vmem_shared>>) target_semaphore(%run_scoped3A_111 : memref<!tpu.dma_semaphore, #tpu.memory_space<semaphore_mem>>)
      %dma_wait3A_114 = arith.constant 0 : i32
      %dma_wait3A_115 = tpu.memref_slice %arg17[%mul3A_38, %dma_wait3A_114] : memref<10240x128xf32, #tpu.memory_space<vmem_shared>> -> memref<640x128xf32, #tpu.memory_space<vmem_shared>>
      tpu.wait_dma2 semaphore(%run_scoped3A_111 : memref<!tpu.dma_semaphore, #tpu.memory_space<semaphore_mem>>) src(%arg5 : memref<640x128xf32, #tpu.memory_space<hbm>>) dst(%dma_wait3A_115 : memref<640x128xf32, #tpu.memory_space<vmem_shared>>)
      tpu.yield
    }) : () -> ()
    %dma_start3A_39 = arith.constant 0 : i32
    %dma_start3A_40 = arith.constant 0 : i32
    %dma_start3A_41 = arith.constant 0 : i32
    %dma_start3A_42 = tpu.memref_slice %arg7[%dma_start3A_39, %dma_start3A_40, %dma_start3A_41] : memref<3x8x40xi32, #tpu.memory_space<vmem>> -> memref<1x1x40xi32, #tpu.memory_space<vmem>>
    %dma_start3A_43 = tpu.memref_squeeze %dma_start3A_42 : memref<1x1x40xi32, #tpu.memory_space<vmem>> -> memref<40xi32, #tpu.memory_space<vmem>>
    %dma_start3A_44 = arith.constant 0 : i32
    %dma_start3A_45 = arith.constant 0 : i32
    %dma_start3A_46 = tpu.memref_slice %arg2[%dma_start3A_44, %dma_start3A_45] : memref<20480x128xf32, #tpu.memory_space<hbm>> -> memref<20480x128xf32, #tpu.memory_space<hbm>>
    tpu.enqueue_indirect_dma source(%dma_start3A_46 : memref<20480x128xf32, #tpu.memory_space<hbm>>) target(%arg9 : memref<40x128xf32, #tpu.memory_space<vmem>>) offsets(%dma_start3A_43 : memref<40xi32, #tpu.memory_space<vmem>>) semaphore(%arg18 : memref<!tpu.dma_semaphore, #tpu.memory_space<semaphore_mem>>)
    %dma_start3A_47 = arith.constant 0 : i32
    %dma_start3A_48 = arith.constant 1 : i32
    %dma_start3A_49 = arith.constant 0 : i32
    %dma_start3A_50 = tpu.memref_slice %arg7[%dma_start3A_47, %dma_start3A_48, %dma_start3A_49] : memref<3x8x40xi32, #tpu.memory_space<vmem>> -> memref<1x1x40xi32, #tpu.memory_space<vmem>>
    %dma_start3A_51 = tpu.memref_squeeze %dma_start3A_50 : memref<1x1x40xi32, #tpu.memory_space<vmem>> -> memref<40xi32, #tpu.memory_space<vmem>>
    %dma_start3A_52 = arith.constant 0 : i32
    %dma_start3A_53 = arith.constant 0 : i32
    %dma_start3A_54 = tpu.memref_slice %arg2[%dma_start3A_52, %dma_start3A_53] : memref<20480x128xf32, #tpu.memory_space<hbm>> -> memref<20480x128xf32, #tpu.memory_space<hbm>>
    tpu.enqueue_indirect_dma source(%dma_start3A_54 : memref<20480x128xf32, #tpu.memory_space<hbm>>) target(%arg10 : memref<40x128xf32, #tpu.memory_space<vmem>>) offsets(%dma_start3A_51 : memref<40xi32, #tpu.memory_space<vmem>>) semaphore(%arg19 : memref<!tpu.dma_semaphore, #tpu.memory_space<semaphore_mem>>)
    %dma_start3A_55 = arith.constant 0 : i32
    %dma_start3A_56 = arith.constant 2 : i32
    %dma_start3A_57 = arith.constant 0 : i32
    %dma_start3A_58 = tpu.memref_slice %arg7[%dma_start3A_55, %dma_start3A_56, %dma_start3A_57] : memref<3x8x40xi32, #tpu.memory_space<vmem>> -> memref<1x1x40xi32, #tpu.memory_space<vmem>>
    %dma_start3A_59 = tpu.memref_squeeze %dma_start3A_58 : memref<1x1x40xi32, #tpu.memory_space<vmem>> -> memref<40xi32, #tpu.memory_space<vmem>>
    %dma_start3A_60 = arith.constant 0 : i32
    %dma_start3A_61 = arith.constant 0 : i32
    %dma_start3A_62 = tpu.memref_slice %arg2[%dma_start3A_60, %dma_start3A_61] : memref<20480x128xf32, #tpu.memory_space<hbm>> -> memref<20480x128xf32, #tpu.memory_space<hbm>>
    tpu.enqueue_indirect_dma source(%dma_start3A_62 : memref<20480x128xf32, #tpu.memory_space<hbm>>) target(%arg11 : memref<40x128xf32, #tpu.memory_space<vmem>>) offsets(%dma_start3A_59 : memref<40xi32, #tpu.memory_space<vmem>>) semaphore(%arg20 : memref<!tpu.dma_semaphore, #tpu.memory_space<semaphore_mem>>)
    %dma_start3A_63 = arith.constant 0 : i32
    %dma_start3A_64 = arith.constant 3 : i32
    %dma_start3A_65 = arith.constant 0 : i32
    %dma_start3A_66 = tpu.memref_slice %arg7[%dma_start3A_63, %dma_start3A_64, %dma_start3A_65] : memref<3x8x40xi32, #tpu.memory_space<vmem>> -> memref<1x1x40xi32, #tpu.memory_space<vmem>>
    %dma_start3A_67 = tpu.memref_squeeze %dma_start3A_66 : memref<1x1x40xi32, #tpu.memory_space<vmem>> -> memref<40xi32, #tpu.memory_space<vmem>>
    %dma_start3A_68 = arith.constant 0 : i32
    %dma_start3A_69 = arith.constant 0 : i32
    %dma_start3A_70 = tpu.memref_slice %arg2[%dma_start3A_68, %dma_start3A_69] : memref<20480x128xf32, #tpu.memory_space<hbm>> -> memref<20480x128xf32, #tpu.memory_space<hbm>>
    tpu.enqueue_indirect_dma source(%dma_start3A_70 : memref<20480x128xf32, #tpu.memory_space<hbm>>) target(%arg12 : memref<40x128xf32, #tpu.memory_space<vmem>>) offsets(%dma_start3A_67 : memref<40xi32, #tpu.memory_space<vmem>>) semaphore(%arg21 : memref<!tpu.dma_semaphore, #tpu.memory_space<semaphore_mem>>)
    %dma_start3A_71 = arith.constant 0 : i32
    %dma_start3A_72 = arith.constant 4 : i32
    %dma_start3A_73 = arith.constant 0 : i32
    %dma_start3A_74 = tpu.memref_slice %arg7[%dma_start3A_71, %dma_start3A_72, %dma_start3A_73] : memref<3x8x40xi32, #tpu.memory_space<vmem>> -> memref<1x1x40xi32, #tpu.memory_space<vmem>>
    %dma_start3A_75 = tpu.memref_squeeze %dma_start3A_74 : memref<1x1x40xi32, #tpu.memory_space<vmem>> -> memref<40xi32, #tpu.memory_space<vmem>>
    %dma_start3A_76 = arith.constant 0 : i32
    %dma_start3A_77 = arith.constant 0 : i32
    %dma_start3A_78 = tpu.memref_slice %arg2[%dma_start3A_76, %dma_start3A_77] : memref<20480x128xf32, #tpu.memory_space<hbm>> -> memref<20480x128xf32, #tpu.memory_space<hbm>>
    tpu.enqueue_indirect_dma source(%dma_start3A_78 : memref<20480x128xf32, #tpu.memory_space<hbm>>) target(%arg13 : memref<40x128xf32, #tpu.memory_space<vmem>>) offsets(%dma_start3A_75 : memref<40xi32, #tpu.memory_space<vmem>>) semaphore(%arg22 : memref<!tpu.dma_semaphore, #tpu.memory_space<semaphore_mem>>)
    %dma_start3A_79 = arith.constant 0 : i32
    %dma_start3A_80 = arith.constant 5 : i32
    %dma_start3A_81 = arith.constant 0 : i32
    %dma_start3A_82 = tpu.memref_slice %arg7[%dma_start3A_79, %dma_start3A_80, %dma_start3A_81] : memref<3x8x40xi32, #tpu.memory_space<vmem>> -> memref<1x1x40xi32, #tpu.memory_space<vmem>>
    %dma_start3A_83 = tpu.memref_squeeze %dma_start3A_82 : memref<1x1x40xi32, #tpu.memory_space<vmem>> -> memref<40xi32, #tpu.memory_space<vmem>>
    %dma_start3A_84 = arith.constant 0 : i32
    %dma_start3A_85 = arith.constant 0 : i32
    %dma_start3A_86 = tpu.memref_slice %arg2[%dma_start3A_84, %dma_start3A_85] : memref<20480x128xf32, #tpu.memory_space<hbm>> -> memref<20480x128xf32, #tpu.memory_space<hbm>>
    tpu.enqueue_indirect_dma source(%dma_start3A_86 : memref<20480x128xf32, #tpu.memory_space<hbm>>) target(%arg14 : memref<40x128xf32, #tpu.memory_space<vmem>>) offsets(%dma_start3A_83 : memref<40xi32, #tpu.memory_space<vmem>>) semaphore(%arg23 : memref<!tpu.dma_semaphore, #tpu.memory_space<semaphore_mem>>)
    %barrier3A = arith.constant 0 : index
    tpu.barrier barrier_id(%barrier3A)
    %scan3A = arith.constant 0 : i32
    %scan3A_87 = arith.constant 64 : i32
    %scan3A_88 = arith.addi %scan3A, %scan3A_87 : i32
    %scan3A_89 = arith.constant 1 : i32
    scf.for %scan3A_111 = %scan3A to %scan3A_88 step %scan3A_89  : i32 {
      %mul3A_112 = arith.constant 1 : i32
      %mul3A_113 = arith.muli %scan3A_111, %mul3A_112 : i32
      %add3A = arith.constant 0 : i32
      %add3A_114 = arith.addi %add3A, %mul3A_113 : i32
      %jit3A = arith.constant 3 : i32
      %eq3A = arith.constant 0 : i32
      %eq3A_115 = arith.cmpi eq, %jit3A, %eq3A : i32
      %jit3A_116 = arith.constant 1 : i32
      %select_n3A = arith.select %eq3A_115, %jit3A_116, %jit3A : i32
      %rem3A = arith.remsi %add3A_114, %select_n3A : i32
      %ne3A = arith.constant 0 : i32
      %ne3A_117 = arith.cmpi ne, %rem3A, %ne3A : i32
      %lt3A = arith.constant 0 : i32
      %lt3A_118 = arith.cmpi slt, %rem3A, %lt3A : i32
      %lt3A_119 = arith.constant 0 : i32
      %lt3A_120 = arith.cmpi slt, %select_n3A, %lt3A_119 : i32
      %ne3A_121 = arith.xori %lt3A_118, %lt3A_120 : i1
      %and3A = arith.andi %ne3A_121, %ne3A_117 : i1
      %add3A_122 = arith.addi %rem3A, %select_n3A : i32
      %select_n3A_123 = arith.select %and3A, %add3A_122, %rem3A : i32
      %add3A_124 = arith.constant 1 : i32
      %add3A_125 = arith.addi %add3A_114, %add3A_124 : i32
      %jit3A_126 = arith.constant 3 : i32
      %eq3A_127 = arith.constant 0 : i32
      %eq3A_128 = arith.cmpi eq, %jit3A_126, %eq3A_127 : i32
      %jit3A_129 = arith.constant 1 : i32
      %select_n3A_130 = arith.select %eq3A_128, %jit3A_129, %jit3A_126 : i32
      %rem3A_131 = arith.remsi %add3A_125, %select_n3A_130 : i32
      %ne3A_132 = arith.constant 0 : i32
      %ne3A_133 = arith.cmpi ne, %rem3A_131, %ne3A_132 : i32
      %lt3A_134 = arith.constant 0 : i32
      %lt3A_135 = arith.cmpi slt, %rem3A_131, %lt3A_134 : i32
      %lt3A_136 = arith.constant 0 : i32
      %lt3A_137 = arith.cmpi slt, %select_n3A_130, %lt3A_136 : i32
      %ne3A_138 = arith.xori %lt3A_135, %lt3A_137 : i1
      %and3A_139 = arith.andi %ne3A_138, %ne3A_133 : i1
      %add3A_140 = arith.addi %rem3A_131, %select_n3A_130 : i32
      %select_n3A_141 = arith.select %and3A_139, %add3A_140, %rem3A_131 : i32
      %add3A_142 = arith.constant 2 : i32
      %add3A_143 = arith.addi %add3A_114, %add3A_142 : i32
      %jit3A_144 = arith.constant 3 : i32
      %eq3A_145 = arith.constant 0 : i32
      %eq3A_146 = arith.cmpi eq, %jit3A_144, %eq3A_145 : i32
      %jit3A_147 = arith.constant 1 : i32
      %select_n3A_148 = arith.select %eq3A_146, %jit3A_147, %jit3A_144 : i32
      %rem3A_149 = arith.remsi %add3A_143, %select_n3A_148 : i32
      %ne3A_150 = arith.constant 0 : i32
      %ne3A_151 = arith.cmpi ne, %rem3A_149, %ne3A_150 : i32
      %lt3A_152 = arith.constant 0 : i32
      %lt3A_153 = arith.cmpi slt, %rem3A_149, %lt3A_152 : i32
      %lt3A_154 = arith.constant 0 : i32
      %lt3A_155 = arith.cmpi slt, %select_n3A_148, %lt3A_154 : i32
      %ne3A_156 = arith.xori %lt3A_153, %lt3A_155 : i1
      %and3A_157 = arith.andi %ne3A_156, %ne3A_151 : i1
      %add3A_158 = arith.addi %rem3A_149, %select_n3A_148 : i32
      %select_n3A_159 = arith.select %and3A_157, %add3A_158, %rem3A_149 : i32
      %dma_wait3A_160 = arith.constant 0 : i32
      %dma_wait3A_161 = arith.constant 0 : i32
      %dma_wait3A_162 = arith.constant 0 : i32
      %dma_wait3A_163 = tpu.memref_slice %arg7[%dma_wait3A_160, %dma_wait3A_161, %dma_wait3A_162] : memref<3x8x40xi32, #tpu.memory_space<vmem>> -> memref<1x1x40xi32, #tpu.memory_space<vmem>>
      %dma_wait3A_164 = tpu.memref_squeeze %dma_wait3A_163 : memref<1x1x40xi32, #tpu.memory_space<vmem>> -> memref<40xi32, #tpu.memory_space<vmem>>
      %dma_wait3A_165 = arith.constant 0 : i32
      %dma_wait3A_166 = arith.constant 0 : i32
      %dma_wait3A_167 = tpu.memref_slice %arg2[%dma_wait3A_165, %dma_wait3A_166] : memref<20480x128xf32, #tpu.memory_space<hbm>> -> memref<20480x128xf32, #tpu.memory_space<hbm>>
      tpu.wait_indirect_dma semaphore(%arg18 : memref<!tpu.dma_semaphore, #tpu.memory_space<semaphore_mem>>) src(%dma_wait3A_167 : memref<20480x128xf32, #tpu.memory_space<hbm>>) dst(%arg9 : memref<40x128xf32, #tpu.memory_space<vmem>>)
      %dma_start3A_168 = arith.constant 0 : i32
      %dma_start3A_169 = arith.constant 0 : i32
      %dma_start3A_170 = tpu.memref_slice %arg8[%select_n3A_123, %dma_start3A_168, %dma_start3A_169] : memref<3x8x40xi32, #tpu.memory_space<vmem>> -> memref<1x1x40xi32, #tpu.memory_space<vmem>>
      %dma_start3A_171 = tpu.memref_squeeze %dma_start3A_170 : memref<1x1x40xi32, #tpu.memory_space<vmem>> -> memref<40xi32, #tpu.memory_space<vmem>>
      %dma_start3A_172 = arith.constant 0 : i32
      %dma_start3A_173 = arith.constant 0 : i32
      %dma_start3A_174 = tpu.memref_slice %arg17[%dma_start3A_172, %dma_start3A_173] : memref<10240x128xf32, #tpu.memory_space<vmem_shared>> -> memref<10240x128xf32, #tpu.memory_space<vmem_shared>>
      tpu.enqueue_indirect_dma source(%arg9 : memref<40x128xf32, #tpu.memory_space<vmem>>) target(%dma_start3A_174 : memref<10240x128xf32, #tpu.memory_space<vmem_shared>>) offsets(%dma_start3A_171 : memref<40xi32, #tpu.memory_space<vmem>>) semaphore(%arg26 : memref<!tpu.dma_semaphore, #tpu.memory_space<semaphore_mem>>) {add = true}
      %gt3A = arith.constant 0 : i32
      %gt3A_175 = arith.cmpi sgt, %add3A_114, %gt3A : i32
      %convert_element_type3A = arith.extui %gt3A_175 : i1 to i32
      %cond3A = arith.constant 0 : i32
      %cond3A_176 = arith.cmpi ne, %convert_element_type3A, %cond3A : i32
      scf.if %cond3A_176 {
        %dma_wait3A_389 = arith.constant 0 : i32
        %dma_wait3A_390 = arith.constant 0 : i32
        %dma_wait3A_391 = arith.constant 0 : i32
        %dma_wait3A_392 = tpu.memref_slice %arg8[%dma_wait3A_389, %dma_wait3A_390, %dma_wait3A_391] : memref<3x8x40xi32, #tpu.memory_space<vmem>> -> memref<1x1x40xi32, #tpu.memory_space<vmem>>
        %dma_wait3A_393 = tpu.memref_squeeze %dma_wait3A_392 : memref<1x1x40xi32, #tpu.memory_space<vmem>> -> memref<40xi32, #tpu.memory_space<vmem>>
        %dma_wait3A_394 = arith.constant 0 : i32
        %dma_wait3A_395 = arith.constant 0 : i32
        %dma_wait3A_396 = tpu.memref_slice %arg17[%dma_wait3A_394, %dma_wait3A_395] : memref<10240x128xf32, #tpu.memory_space<vmem_shared>> -> memref<10240x128xf32, #tpu.memory_space<vmem_shared>>
        tpu.wait_indirect_dma semaphore(%arg32 : memref<!tpu.dma_semaphore, #tpu.memory_space<semaphore_mem>>) src(%arg15 : memref<40x128xf32, #tpu.memory_space<vmem>>) dst(%dma_wait3A_396 : memref<10240x128xf32, #tpu.memory_space<vmem_shared>>)
      } else {
      }
      %dma_start3A_177 = arith.constant 6 : i32
      %dma_start3A_178 = arith.constant 0 : i32
      %dma_start3A_179 = tpu.memref_slice %arg7[%select_n3A_123, %dma_start3A_177, %dma_start3A_178] : memref<3x8x40xi32, #tpu.memory_space<vmem>> -> memref<1x1x40xi32, #tpu.memory_space<vmem>>
      %dma_start3A_180 = tpu.memref_squeeze %dma_start3A_179 : memref<1x1x40xi32, #tpu.memory_space<vmem>> -> memref<40xi32, #tpu.memory_space<vmem>>
      %dma_start3A_181 = arith.constant 0 : i32
      %dma_start3A_182 = arith.constant 0 : i32
      %dma_start3A_183 = tpu.memref_slice %arg2[%dma_start3A_181, %dma_start3A_182] : memref<20480x128xf32, #tpu.memory_space<hbm>> -> memref<20480x128xf32, #tpu.memory_space<hbm>>
      tpu.enqueue_indirect_dma source(%dma_start3A_183 : memref<20480x128xf32, #tpu.memory_space<hbm>>) target(%arg15 : memref<40x128xf32, #tpu.memory_space<vmem>>) offsets(%dma_start3A_180 : memref<40xi32, #tpu.memory_space<vmem>>) semaphore(%arg24 : memref<!tpu.dma_semaphore, #tpu.memory_space<semaphore_mem>>)
      %dma_wait3A_184 = arith.constant 0 : i32
      %dma_wait3A_185 = arith.constant 0 : i32
      %dma_wait3A_186 = arith.constant 0 : i32
      %dma_wait3A_187 = tpu.memref_slice %arg7[%dma_wait3A_184, %dma_wait3A_185, %dma_wait3A_186] : memref<3x8x40xi32, #tpu.memory_space<vmem>> -> memref<1x1x40xi32, #tpu.memory_space<vmem>>
      %dma_wait3A_188 = tpu.memref_squeeze %dma_wait3A_187 : memref<1x1x40xi32, #tpu.memory_space<vmem>> -> memref<40xi32, #tpu.memory_space<vmem>>
      %dma_wait3A_189 = arith.constant 0 : i32
      %dma_wait3A_190 = arith.constant 0 : i32
      %dma_wait3A_191 = tpu.memref_slice %arg2[%dma_wait3A_189, %dma_wait3A_190] : memref<20480x128xf32, #tpu.memory_space<hbm>> -> memref<20480x128xf32, #tpu.memory_space<hbm>>
      tpu.wait_indirect_dma semaphore(%arg19 : memref<!tpu.dma_semaphore, #tpu.memory_space<semaphore_mem>>) src(%dma_wait3A_191 : memref<20480x128xf32, #tpu.memory_space<hbm>>) dst(%arg10 : memref<40x128xf32, #tpu.memory_space<vmem>>)
      %dma_start3A_192 = arith.constant 1 : i32
      %dma_start3A_193 = arith.constant 0 : i32
      %dma_start3A_194 = tpu.memref_slice %arg8[%select_n3A_123, %dma_start3A_192, %dma_start3A_193] : memref<3x8x40xi32, #tpu.memory_space<vmem>> -> memref<1x1x40xi32, #tpu.memory_space<vmem>>
      %dma_start3A_195 = tpu.memref_squeeze %dma_start3A_194 : memref<1x1x40xi32, #tpu.memory_space<vmem>> -> memref<40xi32, #tpu.memory_space<vmem>>
      %dma_start3A_196 = arith.constant 0 : i32
      %dma_start3A_197 = arith.constant 0 : i32
      %dma_start3A_198 = tpu.memref_slice %arg17[%dma_start3A_196, %dma_start3A_197] : memref<10240x128xf32, #tpu.memory_space<vmem_shared>> -> memref<10240x128xf32, #tpu.memory_space<vmem_shared>>
      tpu.enqueue_indirect_dma source(%arg10 : memref<40x128xf32, #tpu.memory_space<vmem>>) target(%dma_start3A_198 : memref<10240x128xf32, #tpu.memory_space<vmem_shared>>) offsets(%dma_start3A_195 : memref<40xi32, #tpu.memory_space<vmem>>) semaphore(%arg27 : memref<!tpu.dma_semaphore, #tpu.memory_space<semaphore_mem>>) {add = true}
      %lt3A_199 = arith.constant 63 : i32
      %lt3A_200 = arith.cmpi slt, %add3A_114, %lt3A_199 : i32
      %convert_element_type3A_201 = arith.extui %lt3A_200 : i1 to i32
      %cond3A_202 = arith.constant 0 : i32
      %cond3A_203 = arith.cmpi ne, %convert_element_type3A_201, %cond3A_202 : i32
      scf.if %cond3A_203 {
        %dma_wait3A_389 = arith.constant 0 : i32
        %dma_wait3A_390 = arith.constant 0 : i32
        %dma_wait3A_391 = arith.constant 0 : i32
        %dma_wait3A_392 = arith.constant 0 : i32
        %dma_wait3A_393 = tpu.memref_slice %arg7[%dma_wait3A_390, %dma_wait3A_391, %dma_wait3A_392] : memref<3x8x40xi32, #tpu.memory_space<vmem>> -> memref<1x8x40xi32, #tpu.memory_space<vmem>>
        %dma_wait3A_394 = tpu.memref_squeeze %dma_wait3A_393 : memref<1x8x40xi32, #tpu.memory_space<vmem>> -> memref<8x40xi32, #tpu.memory_space<vmem>>
        %dma_wait3A_395 = arith.constant 0 : i32
        %dma_wait3A_396 = arith.constant 0 : i32
        %dma_wait3A_397 = tpu.memref_slice %arg3[%arg0, %arg1, %dma_wait3A_389, %dma_wait3A_395, %dma_wait3A_396] : memref<2x16x64x8x40xi32, #tpu.memory_space<hbm>> -> memref<1x1x1x8x40xi32, #tpu.memory_space<hbm>>
        %dma_wait3A_398 = tpu.memref_squeeze %dma_wait3A_397 : memref<1x1x1x8x40xi32, #tpu.memory_space<hbm>> -> memref<8x40xi32, #tpu.memory_space<hbm>>
        %dma_wait3A_399 = arith.constant 0 : i32
        %dma_wait3A_400 = arith.constant 0 : i32
        %dma_wait3A_401 = tpu.memref_slice %arg7[%dma_wait3A_390, %dma_wait3A_399, %dma_wait3A_400] : memref<3x8x40xi32, #tpu.memory_space<vmem>> -> memref<1x8x40xi32, #tpu.memory_space<vmem>>
        %dma_wait3A_402 = tpu.memref_squeeze %dma_wait3A_401 : memref<1x8x40xi32, #tpu.memory_space<vmem>> -> memref<8x40xi32, #tpu.memory_space<vmem>>
        %dma_wait3A_403 = arith.constant 0 : i32
        %dma_wait3A_404 = arith.constant 0 : i32
        %dma_wait3A_405 = tpu.memref_slice %arg3[%arg0, %arg1, %dma_wait3A_389, %dma_wait3A_403, %dma_wait3A_404] : memref<2x16x64x8x40xi32, #tpu.memory_space<hbm>> -> memref<1x1x1x8x40xi32, #tpu.memory_space<hbm>>
        %dma_wait3A_406 = tpu.memref_squeeze %dma_wait3A_405 : memref<1x1x1x8x40xi32, #tpu.memory_space<hbm>> -> memref<8x40xi32, #tpu.memory_space<hbm>>
        tpu.wait_dma2 semaphore(%arg34 : memref<!tpu.dma_semaphore, #tpu.memory_space<semaphore_mem>>) src(%dma_wait3A_406 : memref<8x40xi32, #tpu.memory_space<hbm>>) dst(%dma_wait3A_402 : memref<8x40xi32, #tpu.memory_space<vmem>>)
        %dma_wait3A_407 = arith.constant 0 : i32
        %dma_wait3A_408 = arith.constant 0 : i32
        %dma_wait3A_409 = arith.constant 0 : i32
        %dma_wait3A_410 = arith.constant 0 : i32
        %dma_wait3A_411 = tpu.memref_slice %arg8[%dma_wait3A_408, %dma_wait3A_409, %dma_wait3A_410] : memref<3x8x40xi32, #tpu.memory_space<vmem>> -> memref<1x8x40xi32, #tpu.memory_space<vmem>>
        %dma_wait3A_412 = tpu.memref_squeeze %dma_wait3A_411 : memref<1x8x40xi32, #tpu.memory_space<vmem>> -> memref<8x40xi32, #tpu.memory_space<vmem>>
        %dma_wait3A_413 = arith.constant 0 : i32
        %dma_wait3A_414 = arith.constant 0 : i32
        %dma_wait3A_415 = tpu.memref_slice %arg4[%arg1, %dma_wait3A_407, %dma_wait3A_413, %dma_wait3A_414] : memref<16x64x8x40xi32, #tpu.memory_space<hbm>> -> memref<1x1x8x40xi32, #tpu.memory_space<hbm>>
        %dma_wait3A_416 = tpu.memref_squeeze %dma_wait3A_415 : memref<1x1x8x40xi32, #tpu.memory_space<hbm>> -> memref<8x40xi32, #tpu.memory_space<hbm>>
        %dma_wait3A_417 = arith.constant 0 : i32
        %dma_wait3A_418 = arith.constant 0 : i32
        %dma_wait3A_419 = tpu.memref_slice %arg8[%dma_wait3A_408, %dma_wait3A_417, %dma_wait3A_418] : memref<3x8x40xi32, #tpu.memory_space<vmem>> -> memref<1x8x40xi32, #tpu.memory_space<vmem>>
        %dma_wait3A_420 = tpu.memref_squeeze %dma_wait3A_419 : memref<1x8x40xi32, #tpu.memory_space<vmem>> -> memref<8x40xi32, #tpu.memory_space<vmem>>
        %dma_wait3A_421 = arith.constant 0 : i32
        %dma_wait3A_422 = arith.constant 0 : i32
        %dma_wait3A_423 = tpu.memref_slice %arg4[%arg1, %dma_wait3A_407, %dma_wait3A_421, %dma_wait3A_422] : memref<16x64x8x40xi32, #tpu.memory_space<hbm>> -> memref<1x1x8x40xi32, #tpu.memory_space<hbm>>
        %dma_wait3A_424 = tpu.memref_squeeze %dma_wait3A_423 : memref<1x1x8x40xi32, #tpu.memory_space<hbm>> -> memref<8x40xi32, #tpu.memory_space<hbm>>
        tpu.wait_dma2 semaphore(%arg35 : memref<!tpu.dma_semaphore, #tpu.memory_space<semaphore_mem>>) src(%dma_wait3A_424 : memref<8x40xi32, #tpu.memory_space<hbm>>) dst(%dma_wait3A_420 : memref<8x40xi32, #tpu.memory_space<vmem>>)
      } else {
      }
      %gt3A_204 = arith.constant 0 : i32
      %gt3A_205 = arith.cmpi sgt, %add3A_114, %gt3A_204 : i32
      %convert_element_type3A_206 = arith.extui %gt3A_205 : i1 to i32
      %cond3A_207 = arith.constant 0 : i32
      %cond3A_208 = arith.cmpi ne, %convert_element_type3A_206, %cond3A_207 : i32
      scf.if %cond3A_208 {
        %dma_wait3A_389 = arith.constant 0 : i32
        %dma_wait3A_390 = arith.constant 0 : i32
        %dma_wait3A_391 = arith.constant 0 : i32
        %dma_wait3A_392 = tpu.memref_slice %arg8[%dma_wait3A_389, %dma_wait3A_390, %dma_wait3A_391] : memref<3x8x40xi32, #tpu.memory_space<vmem>> -> memref<1x1x40xi32, #tpu.memory_space<vmem>>
        %dma_wait3A_393 = tpu.memref_squeeze %dma_wait3A_392 : memref<1x1x40xi32, #tpu.memory_space<vmem>> -> memref<40xi32, #tpu.memory_space<vmem>>
        %dma_wait3A_394 = arith.constant 0 : i32
        %dma_wait3A_395 = arith.constant 0 : i32
        %dma_wait3A_396 = tpu.memref_slice %arg17[%dma_wait3A_394, %dma_wait3A_395] : memref<10240x128xf32, #tpu.memory_space<vmem_shared>> -> memref<10240x128xf32, #tpu.memory_space<vmem_shared>>
        tpu.wait_indirect_dma semaphore(%arg33 : memref<!tpu.dma_semaphore, #tpu.memory_space<semaphore_mem>>) src(%arg16 : memref<40x128xf32, #tpu.memory_space<vmem>>) dst(%dma_wait3A_396 : memref<10240x128xf32, #tpu.memory_space<vmem_shared>>)
      } else {
      }
      %dma_start3A_209 = arith.constant 7 : i32
      %dma_start3A_210 = arith.constant 0 : i32
      %dma_start3A_211 = tpu.memref_slice %arg7[%select_n3A_123, %dma_start3A_209, %dma_start3A_210] : memref<3x8x40xi32, #tpu.memory_space<vmem>> -> memref<1x1x40xi32, #tpu.memory_space<vmem>>
      %dma_start3A_212 = tpu.memref_squeeze %dma_start3A_211 : memref<1x1x40xi32, #tpu.memory_space<vmem>> -> memref<40xi32, #tpu.memory_space<vmem>>
      %dma_start3A_213 = arith.constant 0 : i32
      %dma_start3A_214 = arith.constant 0 : i32
      %dma_start3A_215 = tpu.memref_slice %arg2[%dma_start3A_213, %dma_start3A_214] : memref<20480x128xf32, #tpu.memory_space<hbm>> -> memref<20480x128xf32, #tpu.memory_space<hbm>>
      tpu.enqueue_indirect_dma source(%dma_start3A_215 : memref<20480x128xf32, #tpu.memory_space<hbm>>) target(%arg16 : memref<40x128xf32, #tpu.memory_space<vmem>>) offsets(%dma_start3A_212 : memref<40xi32, #tpu.memory_space<vmem>>) semaphore(%arg25 : memref<!tpu.dma_semaphore, #tpu.memory_space<semaphore_mem>>)
      %dma_wait3A_216 = arith.constant 0 : i32
      %dma_wait3A_217 = arith.constant 0 : i32
      %dma_wait3A_218 = arith.constant 0 : i32
      %dma_wait3A_219 = tpu.memref_slice %arg7[%dma_wait3A_216, %dma_wait3A_217, %dma_wait3A_218] : memref<3x8x40xi32, #tpu.memory_space<vmem>> -> memref<1x1x40xi32, #tpu.memory_space<vmem>>
      %dma_wait3A_220 = tpu.memref_squeeze %dma_wait3A_219 : memref<1x1x40xi32, #tpu.memory_space<vmem>> -> memref<40xi32, #tpu.memory_space<vmem>>
      %dma_wait3A_221 = arith.constant 0 : i32
      %dma_wait3A_222 = arith.constant 0 : i32
      %dma_wait3A_223 = tpu.memref_slice %arg2[%dma_wait3A_221, %dma_wait3A_222] : memref<20480x128xf32, #tpu.memory_space<hbm>> -> memref<20480x128xf32, #tpu.memory_space<hbm>>
      tpu.wait_indirect_dma semaphore(%arg20 : memref<!tpu.dma_semaphore, #tpu.memory_space<semaphore_mem>>) src(%dma_wait3A_223 : memref<20480x128xf32, #tpu.memory_space<hbm>>) dst(%arg11 : memref<40x128xf32, #tpu.memory_space<vmem>>)
      %dma_start3A_224 = arith.constant 2 : i32
      %dma_start3A_225 = arith.constant 0 : i32
      %dma_start3A_226 = tpu.memref_slice %arg8[%select_n3A_123, %dma_start3A_224, %dma_start3A_225] : memref<3x8x40xi32, #tpu.memory_space<vmem>> -> memref<1x1x40xi32, #tpu.memory_space<vmem>>
      %dma_start3A_227 = tpu.memref_squeeze %dma_start3A_226 : memref<1x1x40xi32, #tpu.memory_space<vmem>> -> memref<40xi32, #tpu.memory_space<vmem>>
      %dma_start3A_228 = arith.constant 0 : i32
      %dma_start3A_229 = arith.constant 0 : i32
      %dma_start3A_230 = tpu.memref_slice %arg17[%dma_start3A_228, %dma_start3A_229] : memref<10240x128xf32, #tpu.memory_space<vmem_shared>> -> memref<10240x128xf32, #tpu.memory_space<vmem_shared>>
      tpu.enqueue_indirect_dma source(%arg11 : memref<40x128xf32, #tpu.memory_space<vmem>>) target(%dma_start3A_230 : memref<10240x128xf32, #tpu.memory_space<vmem_shared>>) offsets(%dma_start3A_227 : memref<40xi32, #tpu.memory_space<vmem>>) semaphore(%arg28 : memref<!tpu.dma_semaphore, #tpu.memory_space<semaphore_mem>>) {add = true}
      %lt3A_231 = arith.constant 62 : i32
      %lt3A_232 = arith.cmpi slt, %add3A_114, %lt3A_231 : i32
      %convert_element_type3A_233 = arith.extui %lt3A_232 : i1 to i32
      %cond3A_234 = arith.constant 0 : i32
      %cond3A_235 = arith.cmpi ne, %convert_element_type3A_233, %cond3A_234 : i32
      scf.if %cond3A_235 {
        %add3A_389 = arith.constant 2 : i32
        %add3A_390 = arith.addi %add3A_114, %add3A_389 : i32
        %dma_start3A_391 = arith.constant 0 : i32
        %dma_start3A_392 = arith.constant 0 : i32
        %dma_start3A_393 = tpu.memref_slice %arg7[%select_n3A_159, %dma_start3A_391, %dma_start3A_392] : memref<3x8x40xi32, #tpu.memory_space<vmem>> -> memref<1x8x40xi32, #tpu.memory_space<vmem>>
        %dma_start3A_394 = tpu.memref_squeeze %dma_start3A_393 : memref<1x8x40xi32, #tpu.memory_space<vmem>> -> memref<8x40xi32, #tpu.memory_space<vmem>>
        %dma_start3A_395 = arith.constant 0 : i32
        %dma_start3A_396 = arith.constant 0 : i32
        %dma_start3A_397 = tpu.memref_slice %arg3[%arg0, %arg1, %add3A_390, %dma_start3A_395, %dma_start3A_396] : memref<2x16x64x8x40xi32, #tpu.memory_space<hbm>> -> memref<1x1x1x8x40xi32, #tpu.memory_space<hbm>>
        %dma_start3A_398 = tpu.memref_squeeze %dma_start3A_397 : memref<1x1x1x8x40xi32, #tpu.memory_space<hbm>> -> memref<8x40xi32, #tpu.memory_space<hbm>>
        %dma_start3A_399 = arith.constant 0 : i32
        %dma_start3A_400 = arith.constant 0 : i32
        %dma_start3A_401 = tpu.memref_slice %arg7[%select_n3A_159, %dma_start3A_399, %dma_start3A_400] : memref<3x8x40xi32, #tpu.memory_space<vmem>> -> memref<1x8x40xi32, #tpu.memory_space<vmem>>
        %dma_start3A_402 = tpu.memref_squeeze %dma_start3A_401 : memref<1x8x40xi32, #tpu.memory_space<vmem>> -> memref<8x40xi32, #tpu.memory_space<vmem>>
        %dma_start3A_403 = arith.constant 0 : i32
        %dma_start3A_404 = arith.constant 0 : i32
        %dma_start3A_405 = tpu.memref_slice %arg3[%arg0, %arg1, %add3A_390, %dma_start3A_403, %dma_start3A_404] : memref<2x16x64x8x40xi32, #tpu.memory_space<hbm>> -> memref<1x1x1x8x40xi32, #tpu.memory_space<hbm>>
        %dma_start3A_406 = tpu.memref_squeeze %dma_start3A_405 : memref<1x1x1x8x40xi32, #tpu.memory_space<hbm>> -> memref<8x40xi32, #tpu.memory_space<hbm>>
        tpu.enqueue_dma source(%dma_start3A_406 : memref<8x40xi32, #tpu.memory_space<hbm>>) target(%dma_start3A_402 : memref<8x40xi32, #tpu.memory_space<vmem>>) target_semaphore(%arg34 : memref<!tpu.dma_semaphore, #tpu.memory_space<semaphore_mem>>)
        %add3A_407 = arith.constant 2 : i32
        %add3A_408 = arith.addi %add3A_114, %add3A_407 : i32
        %dma_start3A_409 = arith.constant 0 : i32
        %dma_start3A_410 = arith.constant 0 : i32
        %dma_start3A_411 = tpu.memref_slice %arg8[%select_n3A_159, %dma_start3A_409, %dma_start3A_410] : memref<3x8x40xi32, #tpu.memory_space<vmem>> -> memref<1x8x40xi32, #tpu.memory_space<vmem>>
        %dma_start3A_412 = tpu.memref_squeeze %dma_start3A_411 : memref<1x8x40xi32, #tpu.memory_space<vmem>> -> memref<8x40xi32, #tpu.memory_space<vmem>>
        %dma_start3A_413 = arith.constant 0 : i32
        %dma_start3A_414 = arith.constant 0 : i32
        %dma_start3A_415 = tpu.memref_slice %arg4[%arg1, %add3A_408, %dma_start3A_413, %dma_start3A_414] : memref<16x64x8x40xi32, #tpu.memory_space<hbm>> -> memref<1x1x8x40xi32, #tpu.memory_space<hbm>>
        %dma_start3A_416 = tpu.memref_squeeze %dma_start3A_415 : memref<1x1x8x40xi32, #tpu.memory_space<hbm>> -> memref<8x40xi32, #tpu.memory_space<hbm>>
        %dma_start3A_417 = arith.constant 0 : i32
        %dma_start3A_418 = arith.constant 0 : i32
        %dma_start3A_419 = tpu.memref_slice %arg8[%select_n3A_159, %dma_start3A_417, %dma_start3A_418] : memref<3x8x40xi32, #tpu.memory_space<vmem>> -> memref<1x8x40xi32, #tpu.memory_space<vmem>>
        %dma_start3A_420 = tpu.memref_squeeze %dma_start3A_419 : memref<1x8x40xi32, #tpu.memory_space<vmem>> -> memref<8x40xi32, #tpu.memory_space<vmem>>
        %dma_start3A_421 = arith.constant 0 : i32
        %dma_start3A_422 = arith.constant 0 : i32
        %dma_start3A_423 = tpu.memref_slice %arg4[%arg1, %add3A_408, %dma_start3A_421, %dma_start3A_422] : memref<16x64x8x40xi32, #tpu.memory_space<hbm>> -> memref<1x1x8x40xi32, #tpu.memory_space<hbm>>
        %dma_start3A_424 = tpu.memref_squeeze %dma_start3A_423 : memref<1x1x8x40xi32, #tpu.memory_space<hbm>> -> memref<8x40xi32, #tpu.memory_space<hbm>>
        tpu.enqueue_dma source(%dma_start3A_424 : memref<8x40xi32, #tpu.memory_space<hbm>>) target(%dma_start3A_420 : memref<8x40xi32, #tpu.memory_space<vmem>>) target_semaphore(%arg35 : memref<!tpu.dma_semaphore, #tpu.memory_space<semaphore_mem>>)
      } else {
      }
      %dma_wait3A_236 = arith.constant 0 : i32
      %dma_wait3A_237 = arith.constant 0 : i32
      %dma_wait3A_238 = arith.constant 0 : i32
      %dma_wait3A_239 = tpu.memref_slice %arg8[%dma_wait3A_236, %dma_wait3A_237, %dma_wait3A_238] : memref<3x8x40xi32, #tpu.memory_space<vmem>> -> memref<1x1x40xi32, #tpu.memory_space<vmem>>
      %dma_wait3A_240 = tpu.memref_squeeze %dma_wait3A_239 : memref<1x1x40xi32, #tpu.memory_space<vmem>> -> memref<40xi32, #tpu.memory_space<vmem>>
      %dma_wait3A_241 = arith.constant 0 : i32
      %dma_wait3A_242 = arith.constant 0 : i32
      %dma_wait3A_243 = tpu.memref_slice %arg17[%dma_wait3A_241, %dma_wait3A_242] : memref<10240x128xf32, #tpu.memory_space<vmem_shared>> -> memref<10240x128xf32, #tpu.memory_space<vmem_shared>>
      tpu.wait_indirect_dma semaphore(%arg26 : memref<!tpu.dma_semaphore, #tpu.memory_space<semaphore_mem>>) src(%arg9 : memref<40x128xf32, #tpu.memory_space<vmem>>) dst(%dma_wait3A_243 : memref<10240x128xf32, #tpu.memory_space<vmem_shared>>)
      %lt3A_244 = arith.constant 63 : i32
      %lt3A_245 = arith.cmpi slt, %add3A_114, %lt3A_244 : i32
      %convert_element_type3A_246 = arith.extui %lt3A_245 : i1 to i32
      %cond3A_247 = arith.constant 0 : i32
      %cond3A_248 = arith.cmpi ne, %convert_element_type3A_246, %cond3A_247 : i32
      scf.if %cond3A_248 {
        %dma_start3A_389 = arith.constant 0 : i32
        %dma_start3A_390 = arith.constant 0 : i32
        %dma_start3A_391 = tpu.memref_slice %arg7[%select_n3A_141, %dma_start3A_389, %dma_start3A_390] : memref<3x8x40xi32, #tpu.memory_space<vmem>> -> memref<1x1x40xi32, #tpu.memory_space<vmem>>
        %dma_start3A_392 = tpu.memref_squeeze %dma_start3A_391 : memref<1x1x40xi32, #tpu.memory_space<vmem>> -> memref<40xi32, #tpu.memory_space<vmem>>
        %dma_start3A_393 = arith.constant 0 : i32
        %dma_start3A_394 = arith.constant 0 : i32
        %dma_start3A_395 = tpu.memref_slice %arg2[%dma_start3A_393, %dma_start3A_394] : memref<20480x128xf32, #tpu.memory_space<hbm>> -> memref<20480x128xf32, #tpu.memory_space<hbm>>
        tpu.enqueue_indirect_dma source(%dma_start3A_395 : memref<20480x128xf32, #tpu.memory_space<hbm>>) target(%arg9 : memref<40x128xf32, #tpu.memory_space<vmem>>) offsets(%dma_start3A_392 : memref<40xi32, #tpu.memory_space<vmem>>) semaphore(%arg18 : memref<!tpu.dma_semaphore, #tpu.memory_space<semaphore_mem>>)
      } else {
      }
      %dma_wait3A_249 = arith.constant 0 : i32
      %dma_wait3A_250 = arith.constant 0 : i32
      %dma_wait3A_251 = arith.constant 0 : i32
      %dma_wait3A_252 = tpu.memref_slice %arg7[%dma_wait3A_249, %dma_wait3A_250, %dma_wait3A_251] : memref<3x8x40xi32, #tpu.memory_space<vmem>> -> memref<1x1x40xi32, #tpu.memory_space<vmem>>
      %dma_wait3A_253 = tpu.memref_squeeze %dma_wait3A_252 : memref<1x1x40xi32, #tpu.memory_space<vmem>> -> memref<40xi32, #tpu.memory_space<vmem>>
      %dma_wait3A_254 = arith.constant 0 : i32
      %dma_wait3A_255 = arith.constant 0 : i32
      %dma_wait3A_256 = tpu.memref_slice %arg2[%dma_wait3A_254, %dma_wait3A_255] : memref<20480x128xf32, #tpu.memory_space<hbm>> -> memref<20480x128xf32, #tpu.memory_space<hbm>>
      tpu.wait_indirect_dma semaphore(%arg21 : memref<!tpu.dma_semaphore, #tpu.memory_space<semaphore_mem>>) src(%dma_wait3A_256 : memref<20480x128xf32, #tpu.memory_space<hbm>>) dst(%arg12 : memref<40x128xf32, #tpu.memory_space<vmem>>)
      %dma_start3A_257 = arith.constant 3 : i32
      %dma_start3A_258 = arith.constant 0 : i32
      %dma_start3A_259 = tpu.memref_slice %arg8[%select_n3A_123, %dma_start3A_257, %dma_start3A_258] : memref<3x8x40xi32, #tpu.memory_space<vmem>> -> memref<1x1x40xi32, #tpu.memory_space<vmem>>
      %dma_start3A_260 = tpu.memref_squeeze %dma_start3A_259 : memref<1x1x40xi32, #tpu.memory_space<vmem>> -> memref<40xi32, #tpu.memory_space<vmem>>
      %dma_start3A_261 = arith.constant 0 : i32
      %dma_start3A_262 = arith.constant 0 : i32
      %dma_start3A_263 = tpu.memref_slice %arg17[%dma_start3A_261, %dma_start3A_262] : memref<10240x128xf32, #tpu.memory_space<vmem_shared>> -> memref<10240x128xf32, #tpu.memory_space<vmem_shared>>
      tpu.enqueue_indirect_dma source(%arg12 : memref<40x128xf32, #tpu.memory_space<vmem>>) target(%dma_start3A_263 : memref<10240x128xf32, #tpu.memory_space<vmem_shared>>) offsets(%dma_start3A_260 : memref<40xi32, #tpu.memory_space<vmem>>) semaphore(%arg29 : memref<!tpu.dma_semaphore, #tpu.memory_space<semaphore_mem>>) {add = true}
      %dma_wait3A_264 = arith.constant 0 : i32
      %dma_wait3A_265 = arith.constant 0 : i32
      %dma_wait3A_266 = arith.constant 0 : i32
      %dma_wait3A_267 = tpu.memref_slice %arg8[%dma_wait3A_264, %dma_wait3A_265, %dma_wait3A_266] : memref<3x8x40xi32, #tpu.memory_space<vmem>> -> memref<1x1x40xi32, #tpu.memory_space<vmem>>
      %dma_wait3A_268 = tpu.memref_squeeze %dma_wait3A_267 : memref<1x1x40xi32, #tpu.memory_space<vmem>> -> memref<40xi32, #tpu.memory_space<vmem>>
      %dma_wait3A_269 = arith.constant 0 : i32
      %dma_wait3A_270 = arith.constant 0 : i32
      %dma_wait3A_271 = tpu.memref_slice %arg17[%dma_wait3A_269, %dma_wait3A_270] : memref<10240x128xf32, #tpu.memory_space<vmem_shared>> -> memref<10240x128xf32, #tpu.memory_space<vmem_shared>>
      tpu.wait_indirect_dma semaphore(%arg27 : memref<!tpu.dma_semaphore, #tpu.memory_space<semaphore_mem>>) src(%arg10 : memref<40x128xf32, #tpu.memory_space<vmem>>) dst(%dma_wait3A_271 : memref<10240x128xf32, #tpu.memory_space<vmem_shared>>)
      %lt3A_272 = arith.constant 63 : i32
      %lt3A_273 = arith.cmpi slt, %add3A_114, %lt3A_272 : i32
      %convert_element_type3A_274 = arith.extui %lt3A_273 : i1 to i32
      %cond3A_275 = arith.constant 0 : i32
      %cond3A_276 = arith.cmpi ne, %convert_element_type3A_274, %cond3A_275 : i32
      scf.if %cond3A_276 {
        %dma_start3A_389 = arith.constant 1 : i32
        %dma_start3A_390 = arith.constant 0 : i32
        %dma_start3A_391 = tpu.memref_slice %arg7[%select_n3A_141, %dma_start3A_389, %dma_start3A_390] : memref<3x8x40xi32, #tpu.memory_space<vmem>> -> memref<1x1x40xi32, #tpu.memory_space<vmem>>
        %dma_start3A_392 = tpu.memref_squeeze %dma_start3A_391 : memref<1x1x40xi32, #tpu.memory_space<vmem>> -> memref<40xi32, #tpu.memory_space<vmem>>
        %dma_start3A_393 = arith.constant 0 : i32
        %dma_start3A_394 = arith.constant 0 : i32
        %dma_start3A_395 = tpu.memref_slice %arg2[%dma_start3A_393, %dma_start3A_394] : memref<20480x128xf32, #tpu.memory_space<hbm>> -> memref<20480x128xf32, #tpu.memory_space<hbm>>
        tpu.enqueue_indirect_dma source(%dma_start3A_395 : memref<20480x128xf32, #tpu.memory_space<hbm>>) target(%arg10 : memref<40x128xf32, #tpu.memory_space<vmem>>) offsets(%dma_start3A_392 : memref<40xi32, #tpu.memory_space<vmem>>) semaphore(%arg19 : memref<!tpu.dma_semaphore, #tpu.memory_space<semaphore_mem>>)
      } else {
      }
      %dma_wait3A_277 = arith.constant 0 : i32
      %dma_wait3A_278 = arith.constant 0 : i32
      %dma_wait3A_279 = arith.constant 0 : i32
      %dma_wait3A_280 = tpu.memref_slice %arg7[%dma_wait3A_277, %dma_wait3A_278, %dma_wait3A_279] : memref<3x8x40xi32, #tpu.memory_space<vmem>> -> memref<1x1x40xi32, #tpu.memory_space<vmem>>
      %dma_wait3A_281 = tpu.memref_squeeze %dma_wait3A_280 : memref<1x1x40xi32, #tpu.memory_space<vmem>> -> memref<40xi32, #tpu.memory_space<vmem>>
      %dma_wait3A_282 = arith.constant 0 : i32
      %dma_wait3A_283 = arith.constant 0 : i32
      %dma_wait3A_284 = tpu.memref_slice %arg2[%dma_wait3A_282, %dma_wait3A_283] : memref<20480x128xf32, #tpu.memory_space<hbm>> -> memref<20480x128xf32, #tpu.memory_space<hbm>>
      tpu.wait_indirect_dma semaphore(%arg22 : memref<!tpu.dma_semaphore, #tpu.memory_space<semaphore_mem>>) src(%dma_wait3A_284 : memref<20480x128xf32, #tpu.memory_space<hbm>>) dst(%arg13 : memref<40x128xf32, #tpu.memory_space<vmem>>)
      %dma_start3A_285 = arith.constant 4 : i32
      %dma_start3A_286 = arith.constant 0 : i32
      %dma_start3A_287 = tpu.memref_slice %arg8[%select_n3A_123, %dma_start3A_285, %dma_start3A_286] : memref<3x8x40xi32, #tpu.memory_space<vmem>> -> memref<1x1x40xi32, #tpu.memory_space<vmem>>
      %dma_start3A_288 = tpu.memref_squeeze %dma_start3A_287 : memref<1x1x40xi32, #tpu.memory_space<vmem>> -> memref<40xi32, #tpu.memory_space<vmem>>
      %dma_start3A_289 = arith.constant 0 : i32
      %dma_start3A_290 = arith.constant 0 : i32
      %dma_start3A_291 = tpu.memref_slice %arg17[%dma_start3A_289, %dma_start3A_290] : memref<10240x128xf32, #tpu.memory_space<vmem_shared>> -> memref<10240x128xf32, #tpu.memory_space<vmem_shared>>
      tpu.enqueue_indirect_dma source(%arg13 : memref<40x128xf32, #tpu.memory_space<vmem>>) target(%dma_start3A_291 : memref<10240x128xf32, #tpu.memory_space<vmem_shared>>) offsets(%dma_start3A_288 : memref<40xi32, #tpu.memory_space<vmem>>) semaphore(%arg30 : memref<!tpu.dma_semaphore, #tpu.memory_space<semaphore_mem>>) {add = true}
      %dma_wait3A_292 = arith.constant 0 : i32
      %dma_wait3A_293 = arith.constant 0 : i32
      %dma_wait3A_294 = arith.constant 0 : i32
      %dma_wait3A_295 = tpu.memref_slice %arg8[%dma_wait3A_292, %dma_wait3A_293, %dma_wait3A_294] : memref<3x8x40xi32, #tpu.memory_space<vmem>> -> memref<1x1x40xi32, #tpu.memory_space<vmem>>
      %dma_wait3A_296 = tpu.memref_squeeze %dma_wait3A_295 : memref<1x1x40xi32, #tpu.memory_space<vmem>> -> memref<40xi32, #tpu.memory_space<vmem>>
      %dma_wait3A_297 = arith.constant 0 : i32
      %dma_wait3A_298 = arith.constant 0 : i32
      %dma_wait3A_299 = tpu.memref_slice %arg17[%dma_wait3A_297, %dma_wait3A_298] : memref<10240x128xf32, #tpu.memory_space<vmem_shared>> -> memref<10240x128xf32, #tpu.memory_space<vmem_shared>>
      tpu.wait_indirect_dma semaphore(%arg28 : memref<!tpu.dma_semaphore, #tpu.memory_space<semaphore_mem>>) src(%arg11 : memref<40x128xf32, #tpu.memory_space<vmem>>) dst(%dma_wait3A_299 : memref<10240x128xf32, #tpu.memory_space<vmem_shared>>)
      %lt3A_300 = arith.constant 63 : i32
      %lt3A_301 = arith.cmpi slt, %add3A_114, %lt3A_300 : i32
      %convert_element_type3A_302 = arith.extui %lt3A_301 : i1 to i32
      %cond3A_303 = arith.constant 0 : i32
      %cond3A_304 = arith.cmpi ne, %convert_element_type3A_302, %cond3A_303 : i32
      scf.if %cond3A_304 {
        %dma_start3A_389 = arith.constant 2 : i32
        %dma_start3A_390 = arith.constant 0 : i32
        %dma_start3A_391 = tpu.memref_slice %arg7[%select_n3A_141, %dma_start3A_389, %dma_start3A_390] : memref<3x8x40xi32, #tpu.memory_space<vmem>> -> memref<1x1x40xi32, #tpu.memory_space<vmem>>
        %dma_start3A_392 = tpu.memref_squeeze %dma_start3A_391 : memref<1x1x40xi32, #tpu.memory_space<vmem>> -> memref<40xi32, #tpu.memory_space<vmem>>
        %dma_start3A_393 = arith.constant 0 : i32
        %dma_start3A_394 = arith.constant 0 : i32
        %dma_start3A_395 = tpu.memref_slice %arg2[%dma_start3A_393, %dma_start3A_394] : memref<20480x128xf32, #tpu.memory_space<hbm>> -> memref<20480x128xf32, #tpu.memory_space<hbm>>
        tpu.enqueue_indirect_dma source(%dma_start3A_395 : memref<20480x128xf32, #tpu.memory_space<hbm>>) target(%arg11 : memref<40x128xf32, #tpu.memory_space<vmem>>) offsets(%dma_start3A_392 : memref<40xi32, #tpu.memory_space<vmem>>) semaphore(%arg20 : memref<!tpu.dma_semaphore, #tpu.memory_space<semaphore_mem>>)
      } else {
      }
      %dma_wait3A_305 = arith.constant 0 : i32
      %dma_wait3A_306 = arith.constant 0 : i32
      %dma_wait3A_307 = arith.constant 0 : i32
      %dma_wait3A_308 = tpu.memref_slice %arg7[%dma_wait3A_305, %dma_wait3A_306, %dma_wait3A_307] : memref<3x8x40xi32, #tpu.memory_space<vmem>> -> memref<1x1x40xi32, #tpu.memory_space<vmem>>
      %dma_wait3A_309 = tpu.memref_squeeze %dma_wait3A_308 : memref<1x1x40xi32, #tpu.memory_space<vmem>> -> memref<40xi32, #tpu.memory_space<vmem>>
      %dma_wait3A_310 = arith.constant 0 : i32
      %dma_wait3A_311 = arith.constant 0 : i32
      %dma_wait3A_312 = tpu.memref_slice %arg2[%dma_wait3A_310, %dma_wait3A_311] : memref<20480x128xf32, #tpu.memory_space<hbm>> -> memref<20480x128xf32, #tpu.memory_space<hbm>>
      tpu.wait_indirect_dma semaphore(%arg23 : memref<!tpu.dma_semaphore, #tpu.memory_space<semaphore_mem>>) src(%dma_wait3A_312 : memref<20480x128xf32, #tpu.memory_space<hbm>>) dst(%arg14 : memref<40x128xf32, #tpu.memory_space<vmem>>)
      %dma_start3A_313 = arith.constant 5 : i32
      %dma_start3A_314 = arith.constant 0 : i32
      %dma_start3A_315 = tpu.memref_slice %arg8[%select_n3A_123, %dma_start3A_313, %dma_start3A_314] : memref<3x8x40xi32, #tpu.memory_space<vmem>> -> memref<1x1x40xi32, #tpu.memory_space<vmem>>
      %dma_start3A_316 = tpu.memref_squeeze %dma_start3A_315 : memref<1x1x40xi32, #tpu.memory_space<vmem>> -> memref<40xi32, #tpu.memory_space<vmem>>
      %dma_start3A_317 = arith.constant 0 : i32
      %dma_start3A_318 = arith.constant 0 : i32
      %dma_start3A_319 = tpu.memref_slice %arg17[%dma_start3A_317, %dma_start3A_318] : memref<10240x128xf32, #tpu.memory_space<vmem_shared>> -> memref<10240x128xf32, #tpu.memory_space<vmem_shared>>
      tpu.enqueue_indirect_dma source(%arg14 : memref<40x128xf32, #tpu.memory_space<vmem>>) target(%dma_start3A_319 : memref<10240x128xf32, #tpu.memory_space<vmem_shared>>) offsets(%dma_start3A_316 : memref<40xi32, #tpu.memory_space<vmem>>) semaphore(%arg31 : memref<!tpu.dma_semaphore, #tpu.memory_space<semaphore_mem>>) {add = true}
      %dma_wait3A_320 = arith.constant 0 : i32
      %dma_wait3A_321 = arith.constant 0 : i32
      %dma_wait3A_322 = arith.constant 0 : i32
      %dma_wait3A_323 = tpu.memref_slice %arg8[%dma_wait3A_320, %dma_wait3A_321, %dma_wait3A_322] : memref<3x8x40xi32, #tpu.memory_space<vmem>> -> memref<1x1x40xi32, #tpu.memory_space<vmem>>
      %dma_wait3A_324 = tpu.memref_squeeze %dma_wait3A_323 : memref<1x1x40xi32, #tpu.memory_space<vmem>> -> memref<40xi32, #tpu.memory_space<vmem>>
      %dma_wait3A_325 = arith.constant 0 : i32
      %dma_wait3A_326 = arith.constant 0 : i32
      %dma_wait3A_327 = tpu.memref_slice %arg17[%dma_wait3A_325, %dma_wait3A_326] : memref<10240x128xf32, #tpu.memory_space<vmem_shared>> -> memref<10240x128xf32, #tpu.memory_space<vmem_shared>>
      tpu.wait_indirect_dma semaphore(%arg29 : memref<!tpu.dma_semaphore, #tpu.memory_space<semaphore_mem>>) src(%arg12 : memref<40x128xf32, #tpu.memory_space<vmem>>) dst(%dma_wait3A_327 : memref<10240x128xf32, #tpu.memory_space<vmem_shared>>)
      %lt3A_328 = arith.constant 63 : i32
      %lt3A_329 = arith.cmpi slt, %add3A_114, %lt3A_328 : i32
      %convert_element_type3A_330 = arith.extui %lt3A_329 : i1 to i32
      %cond3A_331 = arith.constant 0 : i32
      %cond3A_332 = arith.cmpi ne, %convert_element_type3A_330, %cond3A_331 : i32
      scf.if %cond3A_332 {
        %dma_start3A_389 = arith.constant 3 : i32
        %dma_start3A_390 = arith.constant 0 : i32
        %dma_start3A_391 = tpu.memref_slice %arg7[%select_n3A_141, %dma_start3A_389, %dma_start3A_390] : memref<3x8x40xi32, #tpu.memory_space<vmem>> -> memref<1x1x40xi32, #tpu.memory_space<vmem>>
        %dma_start3A_392 = tpu.memref_squeeze %dma_start3A_391 : memref<1x1x40xi32, #tpu.memory_space<vmem>> -> memref<40xi32, #tpu.memory_space<vmem>>
        %dma_start3A_393 = arith.constant 0 : i32
        %dma_start3A_394 = arith.constant 0 : i32
        %dma_start3A_395 = tpu.memref_slice %arg2[%dma_start3A_393, %dma_start3A_394] : memref<20480x128xf32, #tpu.memory_space<hbm>> -> memref<20480x128xf32, #tpu.memory_space<hbm>>
        tpu.enqueue_indirect_dma source(%dma_start3A_395 : memref<20480x128xf32, #tpu.memory_space<hbm>>) target(%arg12 : memref<40x128xf32, #tpu.memory_space<vmem>>) offsets(%dma_start3A_392 : memref<40xi32, #tpu.memory_space<vmem>>) semaphore(%arg21 : memref<!tpu.dma_semaphore, #tpu.memory_space<semaphore_mem>>)
      } else {
      }
      %dma_wait3A_333 = arith.constant 0 : i32
      %dma_wait3A_334 = arith.constant 0 : i32
      %dma_wait3A_335 = arith.constant 0 : i32
      %dma_wait3A_336 = tpu.memref_slice %arg7[%dma_wait3A_333, %dma_wait3A_334, %dma_wait3A_335] : memref<3x8x40xi32, #tpu.memory_space<vmem>> -> memref<1x1x40xi32, #tpu.memory_space<vmem>>
      %dma_wait3A_337 = tpu.memref_squeeze %dma_wait3A_336 : memref<1x1x40xi32, #tpu.memory_space<vmem>> -> memref<40xi32, #tpu.memory_space<vmem>>
      %dma_wait3A_338 = arith.constant 0 : i32
      %dma_wait3A_339 = arith.constant 0 : i32
      %dma_wait3A_340 = tpu.memref_slice %arg2[%dma_wait3A_338, %dma_wait3A_339] : memref<20480x128xf32, #tpu.memory_space<hbm>> -> memref<20480x128xf32, #tpu.memory_space<hbm>>
      tpu.wait_indirect_dma semaphore(%arg24 : memref<!tpu.dma_semaphore, #tpu.memory_space<semaphore_mem>>) src(%dma_wait3A_340 : memref<20480x128xf32, #tpu.memory_space<hbm>>) dst(%arg15 : memref<40x128xf32, #tpu.memory_space<vmem>>)
      %dma_start3A_341 = arith.constant 6 : i32
      %dma_start3A_342 = arith.constant 0 : i32
      %dma_start3A_343 = tpu.memref_slice %arg8[%select_n3A_123, %dma_start3A_341, %dma_start3A_342] : memref<3x8x40xi32, #tpu.memory_space<vmem>> -> memref<1x1x40xi32, #tpu.memory_space<vmem>>
      %dma_start3A_344 = tpu.memref_squeeze %dma_start3A_343 : memref<1x1x40xi32, #tpu.memory_space<vmem>> -> memref<40xi32, #tpu.memory_space<vmem>>
      %dma_start3A_345 = arith.constant 0 : i32
      %dma_start3A_346 = arith.constant 0 : i32
      %dma_start3A_347 = tpu.memref_slice %arg17[%dma_start3A_345, %dma_start3A_346] : memref<10240x128xf32, #tpu.memory_space<vmem_shared>> -> memref<10240x128xf32, #tpu.memory_space<vmem_shared>>
      tpu.enqueue_indirect_dma source(%arg15 : memref<40x128xf32, #tpu.memory_space<vmem>>) target(%dma_start3A_347 : memref<10240x128xf32, #tpu.memory_space<vmem_shared>>) offsets(%dma_start3A_344 : memref<40xi32, #tpu.memory_space<vmem>>) semaphore(%arg32 : memref<!tpu.dma_semaphore, #tpu.memory_space<semaphore_mem>>) {add = true}
      %dma_wait3A_348 = arith.constant 0 : i32
      %dma_wait3A_349 = arith.constant 0 : i32
      %dma_wait3A_350 = arith.constant 0 : i32
      %dma_wait3A_351 = tpu.memref_slice %arg8[%dma_wait3A_348, %dma_wait3A_349, %dma_wait3A_350] : memref<3x8x40xi32, #tpu.memory_space<vmem>> -> memref<1x1x40xi32, #tpu.memory_space<vmem>>
      %dma_wait3A_352 = tpu.memref_squeeze %dma_wait3A_351 : memref<1x1x40xi32, #tpu.memory_space<vmem>> -> memref<40xi32, #tpu.memory_space<vmem>>
      %dma_wait3A_353 = arith.constant 0 : i32
      %dma_wait3A_354 = arith.constant 0 : i32
      %dma_wait3A_355 = tpu.memref_slice %arg17[%dma_wait3A_353, %dma_wait3A_354] : memref<10240x128xf32, #tpu.memory_space<vmem_shared>> -> memref<10240x128xf32, #tpu.memory_space<vmem_shared>>
      tpu.wait_indirect_dma semaphore(%arg30 : memref<!tpu.dma_semaphore, #tpu.memory_space<semaphore_mem>>) src(%arg13 : memref<40x128xf32, #tpu.memory_space<vmem>>) dst(%dma_wait3A_355 : memref<10240x128xf32, #tpu.memory_space<vmem_shared>>)
      %lt3A_356 = arith.constant 63 : i32
      %lt3A_357 = arith.cmpi slt, %add3A_114, %lt3A_356 : i32
      %convert_element_type3A_358 = arith.extui %lt3A_357 : i1 to i32
      %cond3A_359 = arith.constant 0 : i32
      %cond3A_360 = arith.cmpi ne, %convert_element_type3A_358, %cond3A_359 : i32
      scf.if %cond3A_360 {
        %dma_start3A_389 = arith.constant 4 : i32
        %dma_start3A_390 = arith.constant 0 : i32
        %dma_start3A_391 = tpu.memref_slice %arg7[%select_n3A_141, %dma_start3A_389, %dma_start3A_390] : memref<3x8x40xi32, #tpu.memory_space<vmem>> -> memref<1x1x40xi32, #tpu.memory_space<vmem>>
        %dma_start3A_392 = tpu.memref_squeeze %dma_start3A_391 : memref<1x1x40xi32, #tpu.memory_space<vmem>> -> memref<40xi32, #tpu.memory_space<vmem>>
        %dma_start3A_393 = arith.constant 0 : i32
        %dma_start3A_394 = arith.constant 0 : i32
        %dma_start3A_395 = tpu.memref_slice %arg2[%dma_start3A_393, %dma_start3A_394] : memref<20480x128xf32, #tpu.memory_space<hbm>> -> memref<20480x128xf32, #tpu.memory_space<hbm>>
        tpu.enqueue_indirect_dma source(%dma_start3A_395 : memref<20480x128xf32, #tpu.memory_space<hbm>>) target(%arg13 : memref<40x128xf32, #tpu.memory_space<vmem>>) offsets(%dma_start3A_392 : memref<40xi32, #tpu.memory_space<vmem>>) semaphore(%arg22 : memref<!tpu.dma_semaphore, #tpu.memory_space<semaphore_mem>>)
      } else {
      }
      %dma_wait3A_361 = arith.constant 0 : i32
      %dma_wait3A_362 = arith.constant 0 : i32
      %dma_wait3A_363 = arith.constant 0 : i32
      %dma_wait3A_364 = tpu.memref_slice %arg7[%dma_wait3A_361, %dma_wait3A_362, %dma_wait3A_363] : memref<3x8x40xi32, #tpu.memory_space<vmem>> -> memref<1x1x40xi32, #tpu.memory_space<vmem>>
      %dma_wait3A_365 = tpu.memref_squeeze %dma_wait3A_364 : memref<1x1x40xi32, #tpu.memory_space<vmem>> -> memref<40xi32, #tpu.memory_space<vmem>>
      %dma_wait3A_366 = arith.constant 0 : i32
      %dma_wait3A_367 = arith.constant 0 : i32
      %dma_wait3A_368 = tpu.memref_slice %arg2[%dma_wait3A_366, %dma_wait3A_367] : memref<20480x128xf32, #tpu.memory_space<hbm>> -> memref<20480x128xf32, #tpu.memory_space<hbm>>
      tpu.wait_indirect_dma semaphore(%arg25 : memref<!tpu.dma_semaphore, #tpu.memory_space<semaphore_mem>>) src(%dma_wait3A_368 : memref<20480x128xf32, #tpu.memory_space<hbm>>) dst(%arg16 : memref<40x128xf32, #tpu.memory_space<vmem>>)
      %dma_start3A_369 = arith.constant 7 : i32
      %dma_start3A_370 = arith.constant 0 : i32
      %dma_start3A_371 = tpu.memref_slice %arg8[%select_n3A_123, %dma_start3A_369, %dma_start3A_370] : memref<3x8x40xi32, #tpu.memory_space<vmem>> -> memref<1x1x40xi32, #tpu.memory_space<vmem>>
      %dma_start3A_372 = tpu.memref_squeeze %dma_start3A_371 : memref<1x1x40xi32, #tpu.memory_space<vmem>> -> memref<40xi32, #tpu.memory_space<vmem>>
      %dma_start3A_373 = arith.constant 0 : i32
      %dma_start3A_374 = arith.constant 0 : i32
      %dma_start3A_375 = tpu.memref_slice %arg17[%dma_start3A_373, %dma_start3A_374] : memref<10240x128xf32, #tpu.memory_space<vmem_shared>> -> memref<10240x128xf32, #tpu.memory_space<vmem_shared>>
      tpu.enqueue_indirect_dma source(%arg16 : memref<40x128xf32, #tpu.memory_space<vmem>>) target(%dma_start3A_375 : memref<10240x128xf32, #tpu.memory_space<vmem_shared>>) offsets(%dma_start3A_372 : memref<40xi32, #tpu.memory_space<vmem>>) semaphore(%arg33 : memref<!tpu.dma_semaphore, #tpu.memory_space<semaphore_mem>>) {add = true}
      %dma_wait3A_376 = arith.constant 0 : i32
      %dma_wait3A_377 = arith.constant 0 : i32
      %dma_wait3A_378 = arith.constant 0 : i32
      %dma_wait3A_379 = tpu.memref_slice %arg8[%dma_wait3A_376, %dma_wait3A_377, %dma_wait3A_378] : memref<3x8x40xi32, #tpu.memory_space<vmem>> -> memref<1x1x40xi32, #tpu.memory_space<vmem>>
      %dma_wait3A_380 = tpu.memref_squeeze %dma_wait3A_379 : memref<1x1x40xi32, #tpu.memory_space<vmem>> -> memref<40xi32, #tpu.memory_space<vmem>>
      %dma_wait3A_381 = arith.constant 0 : i32
      %dma_wait3A_382 = arith.constant 0 : i32
      %dma_wait3A_383 = tpu.memref_slice %arg17[%dma_wait3A_381, %dma_wait3A_382] : memref<10240x128xf32, #tpu.memory_space<vmem_shared>> -> memref<10240x128xf32, #tpu.memory_space<vmem_shared>>
      tpu.wait_indirect_dma semaphore(%arg31 : memref<!tpu.dma_semaphore, #tpu.memory_space<semaphore_mem>>) src(%arg14 : memref<40x128xf32, #tpu.memory_space<vmem>>) dst(%dma_wait3A_383 : memref<10240x128xf32, #tpu.memory_space<vmem_shared>>)
      %lt3A_384 = arith.constant 63 : i32
      %lt3A_385 = arith.cmpi slt, %add3A_114, %lt3A_384 : i32
      %convert_element_type3A_386 = arith.extui %lt3A_385 : i1 to i32
      %cond3A_387 = arith.constant 0 : i32
      %cond3A_388 = arith.cmpi ne, %convert_element_type3A_386, %cond3A_387 : i32
      scf.if %cond3A_388 {
        %dma_start3A_389 = arith.constant 5 : i32
        %dma_start3A_390 = arith.constant 0 : i32
        %dma_start3A_391 = tpu.memref_slice %arg7[%select_n3A_141, %dma_start3A_389, %dma_start3A_390] : memref<3x8x40xi32, #tpu.memory_space<vmem>> -> memref<1x1x40xi32, #tpu.memory_space<vmem>>
        %dma_start3A_392 = tpu.memref_squeeze %dma_start3A_391 : memref<1x1x40xi32, #tpu.memory_space<vmem>> -> memref<40xi32, #tpu.memory_space<vmem>>
        %dma_start3A_393 = arith.constant 0 : i32
        %dma_start3A_394 = arith.constant 0 : i32
        %dma_start3A_395 = tpu.memref_slice %arg2[%dma_start3A_393, %dma_start3A_394] : memref<20480x128xf32, #tpu.memory_space<hbm>> -> memref<20480x128xf32, #tpu.memory_space<hbm>>
        tpu.enqueue_indirect_dma source(%dma_start3A_395 : memref<20480x128xf32, #tpu.memory_space<hbm>>) target(%arg14 : memref<40x128xf32, #tpu.memory_space<vmem>>) offsets(%dma_start3A_392 : memref<40xi32, #tpu.memory_space<vmem>>) semaphore(%arg23 : memref<!tpu.dma_semaphore, #tpu.memory_space<semaphore_mem>>)
      } else {
      }
    }
    %scan3A_90 = arith.constant 64 : i32
    %dma_wait3A = arith.constant 0 : i32
    %dma_wait3A_91 = arith.constant 0 : i32
    %dma_wait3A_92 = arith.constant 0 : i32
    %dma_wait3A_93 = tpu.memref_slice %arg8[%dma_wait3A, %dma_wait3A_91, %dma_wait3A_92] : memref<3x8x40xi32, #tpu.memory_space<vmem>> -> memref<1x1x40xi32, #tpu.memory_space<vmem>>
    %dma_wait3A_94 = tpu.memref_squeeze %dma_wait3A_93 : memref<1x1x40xi32, #tpu.memory_space<vmem>> -> memref<40xi32, #tpu.memory_space<vmem>>
    %dma_wait3A_95 = arith.constant 0 : i32
    %dma_wait3A_96 = arith.constant 0 : i32
    %dma_wait3A_97 = tpu.memref_slice %arg17[%dma_wait3A_95, %dma_wait3A_96] : memref<10240x128xf32, #tpu.memory_space<vmem_shared>> -> memref<10240x128xf32, #tpu.memory_space<vmem_shared>>
    tpu.wait_indirect_dma semaphore(%arg32 : memref<!tpu.dma_semaphore, #tpu.memory_space<semaphore_mem>>) src(%arg15 : memref<40x128xf32, #tpu.memory_space<vmem>>) dst(%dma_wait3A_97 : memref<10240x128xf32, #tpu.memory_space<vmem_shared>>)
    %dma_wait3A_98 = arith.constant 0 : i32
    %dma_wait3A_99 = arith.constant 0 : i32
    %dma_wait3A_100 = arith.constant 0 : i32
    %dma_wait3A_101 = tpu.memref_slice %arg8[%dma_wait3A_98, %dma_wait3A_99, %dma_wait3A_100] : memref<3x8x40xi32, #tpu.memory_space<vmem>> -> memref<1x1x40xi32, #tpu.memory_space<vmem>>
    %dma_wait3A_102 = tpu.memref_squeeze %dma_wait3A_101 : memref<1x1x40xi32, #tpu.memory_space<vmem>> -> memref<40xi32, #tpu.memory_space<vmem>>
    %dma_wait3A_103 = arith.constant 0 : i32
    %dma_wait3A_104 = arith.constant 0 : i32
    %dma_wait3A_105 = tpu.memref_slice %arg17[%dma_wait3A_103, %dma_wait3A_104] : memref<10240x128xf32, #tpu.memory_space<vmem_shared>> -> memref<10240x128xf32, #tpu.memory_space<vmem_shared>>
    tpu.wait_indirect_dma semaphore(%arg33 : memref<!tpu.dma_semaphore, #tpu.memory_space<semaphore_mem>>) src(%arg16 : memref<40x128xf32, #tpu.memory_space<vmem>>) dst(%dma_wait3A_105 : memref<10240x128xf32, #tpu.memory_space<vmem_shared>>)
    %barrier3A_106 = arith.constant 0 : index
    tpu.barrier barrier_id(%barrier3A_106)
    %mul3A_107 = arith.constant 640 : i32
    %mul3A_108 = arith.muli %arg1, %mul3A_107 : i32
    %mul3A_109 = arith.constant 640 : i32
    %mul3A_110 = arith.muli %arg1, %mul3A_109 : i32
    "tpu.region"() ({
      %run_scoped3A_111 = tpu.sem_alloc : memref<!tpu.dma_semaphore, #tpu.memory_space<semaphore_mem>>
      %dma_start3A_112 = arith.constant 0 : i32
      %dma_start3A_113 = tpu.memref_slice %arg6[%arg0, %mul3A_110, %dma_start3A_112] : memref<2x10240x128xf32, #tpu.memory_space<hbm>> -> memref<1x640x128xf32, #tpu.memory_space<hbm>>
      %dma_start3A_114 = tpu.memref_squeeze %dma_start3A_113 : memref<1x640x128xf32, #tpu.memory_space<hbm>> -> memref<640x128xf32, #tpu.memory_space<hbm>>
      %dma_start3A_115 = arith.constant 0 : i32
      %dma_start3A_116 = tpu.memref_slice %arg17[%mul3A_108, %dma_start3A_115] : memref<10240x128xf32, #tpu.memory_space<vmem_shared>> -> memref<640x128xf32, #tpu.memory_space<vmem_shared>>
      tpu.enqueue_dma source(%dma_start3A_116 : memref<640x128xf32, #tpu.memory_space<vmem_shared>>) target(%dma_start3A_114 : memref<640x128xf32, #tpu.memory_space<hbm>>) target_semaphore(%run_scoped3A_111 : memref<!tpu.dma_semaphore, #tpu.memory_space<semaphore_mem>>)
      %dma_wait3A_117 = arith.constant 0 : i32
      %dma_wait3A_118 = tpu.memref_slice %arg6[%arg0, %mul3A_110, %dma_wait3A_117] : memref<2x10240x128xf32, #tpu.memory_space<hbm>> -> memref<1x640x128xf32, #tpu.memory_space<hbm>>
      %dma_wait3A_119 = tpu.memref_squeeze %dma_wait3A_118 : memref<1x640x128xf32, #tpu.memory_space<hbm>> -> memref<640x128xf32, #tpu.memory_space<hbm>>
      %dma_wait3A_120 = arith.constant 0 : i32
      %dma_wait3A_121 = tpu.memref_slice %arg17[%mul3A_108, %dma_wait3A_120] : memref<10240x128xf32, #tpu.memory_space<vmem_shared>> -> memref<640x128xf32, #tpu.memory_space<vmem_shared>>
      tpu.wait_dma2 semaphore(%run_scoped3A_111 : memref<!tpu.dma_semaphore, #tpu.memory_space<semaphore_mem>>) src(%dma_wait3A_121 : memref<640x128xf32, #tpu.memory_space<vmem_shared>>) dst(%dma_wait3A_119 : memref<640x128xf32, #tpu.memory_space<hbm>>)
      tpu.yield
    }) : () -> ()
    return
  }
}

#map = affine_map<(d0, d1) -> (0, 0)>
#map1 = affine_map<(d0, d1) -> (0, 0, 0, 0, 0)>
#map2 = affine_map<(d0, d1) -> (0, 0, 0, 0)>
#map3 = affine_map<(d0, d1) -> (0, 0, 0)>
module attributes {stable_mosaic.version = 14 : i64} {
  func.func @_agg_kernel(%arg0: i32, %arg1: i32, %arg2: memref<20480x128xf32, #tpu.memory_space<hbm>>, %arg3: memref<2x16x64x8x40xi32, #tpu.memory_space<hbm>>, %arg4: memref<16x64x8x40xi32, #tpu.memory_space<hbm>>, %arg5: memref<640x128xf32, #tpu.memory_space<hbm>>, %arg6: memref<2x10240x128xf32, #tpu.memory_space<hbm>>, %arg7: memref<3x8x40xi32, #tpu.memory_space<vmem>>, %arg8: memref<3x8x40xi32, #tpu.memory_space<vmem>>, %arg9: memref<40x128xf32, #tpu.memory_space<vmem>>, %arg10: memref<40x128xf32, #tpu.memory_space<vmem>>, %arg11: memref<40x128xf32, #tpu.memory_space<vmem>>, %arg12: memref<40x128xf32, #tpu.memory_space<vmem>>, %arg13: memref<40x128xf32, #tpu.memory_space<vmem>>, %arg14: memref<40x128xf32, #tpu.memory_space<vmem>>, %arg15: memref<40x128xf32, #tpu.memory_space<vmem>>, %arg16: memref<40x128xf32, #tpu.memory_space<vmem>>, %arg17: memref<10240x128xf32, #tpu.memory_space<vmem_shared>>, %arg18: memref<!tpu.dma_semaphore, #tpu.memory_space<semaphore_mem>>, %arg19: memref<!tpu.dma_semaphore, #tpu.memory_space<semaphore_mem>>, %arg20: memref<!tpu.dma_semaphore, #tpu.memory_space<semaphore_mem>>, %arg21: memref<!tpu.dma_semaphore, #tpu.memory_space<semaphore_mem>>, %arg22: memref<!tpu.dma_semaphore, #tpu.memory_space<semaphore_mem>>, %arg23: memref<!tpu.dma_semaphore, #tpu.memory_space<semaphore_mem>>, %arg24: memref<!tpu.dma_semaphore, #tpu.memory_space<semaphore_mem>>, %arg25: memref<!tpu.dma_semaphore, #tpu.memory_space<semaphore_mem>>, %arg26: memref<!tpu.dma_semaphore, #tpu.memory_space<semaphore_mem>>, %arg27: memref<!tpu.dma_semaphore, #tpu.memory_space<semaphore_mem>>, %arg28: memref<!tpu.dma_semaphore, #tpu.memory_space<semaphore_mem>>, %arg29: memref<!tpu.dma_semaphore, #tpu.memory_space<semaphore_mem>>, %arg30: memref<!tpu.dma_semaphore, #tpu.memory_space<semaphore_mem>>, %arg31: memref<!tpu.dma_semaphore, #tpu.memory_space<semaphore_mem>>, %arg32: memref<!tpu.dma_semaphore, #tpu.memory_space<semaphore_mem>>, %arg33: memref<!tpu.dma_semaphore, #tpu.memory_space<semaphore_mem>>, %arg34: memref<!tpu.dma_semaphore, #tpu.memory_space<semaphore_mem>>, %arg35: memref<!tpu.dma_semaphore, #tpu.memory_space<semaphore_mem>>) attributes {dimension_semantics = [#tpu.dimension_semantics<core_parallel>, #tpu.dimension_semantics<subcore_parallel>], iteration_bounds = array<i64: 2, 16>, scalar_prefetch = 0 : i64, scratch_operands = 29 : i64, tpu.core_type = #tpu.core_type<sc_vector_subcore>, window_params = [{transform_indices = #map}, {transform_indices = #map1}, {transform_indices = #map2}, {transform_indices = #map}, {transform_indices = #map3}]} {
    %run_scoped3A = arith.constant 0 : i32
    %run_scoped3A_0 = arith.constant 0 : i32
    "tpu.region"() ({
      %run_scoped3A_111 = tpu.sem_alloc : memref<!tpu.dma_semaphore, #tpu.memory_space<semaphore_mem>>
      %dma_start3A_112 = arith.constant 0 : i32
      %dma_start3A_113 = arith.constant 0 : i32
      %dma_start3A_114 = tpu.memref_slice %arg7[%run_scoped3A_0, %dma_start3A_112, %dma_start3A_113] : memref<3x8x40xi32, #tpu.memory_space<vmem>> -> memref<1x8x40xi32, #tpu.memory_space<vmem>>
      %dma_start3A_115 = tpu.memref_squeeze %dma_start3A_114 : memref<1x8x40xi32, #tpu.memory_space<vmem>> -> memref<8x40xi32, #tpu.memory_space<vmem>>
      %dma_start3A_116 = arith.constant 0 : i32
      %dma_start3A_117 = arith.constant 0 : i32
      %dma_start3A_118 = tpu.memref_slice %arg3[%arg0, %arg1, %run_scoped3A, %dma_start3A_116, %dma_start3A_117] : memref<2x16x64x8x40xi32, #tpu.memory_space<hbm>> -> memref<1x1x1x8x40xi32, #tpu.memory_space<hbm>>
      %dma_start3A_119 = tpu.memref_squeeze %dma_start3A_118 : memref<1x1x1x8x40xi32, #tpu.memory_space<hbm>> -> memref<8x40xi32, #tpu.memory_space<hbm>>
      %dma_start3A_120 = arith.constant 0 : i32
      %dma_start3A_121 = arith.constant 0 : i32
      %dma_start3A_122 = tpu.memref_slice %arg7[%run_scoped3A_0, %dma_start3A_120, %dma_start3A_121] : memref<3x8x40xi32, #tpu.memory_space<vmem>> -> memref<1x8x40xi32, #tpu.memory_space<vmem>>
      %dma_start3A_123 = tpu.memref_squeeze %dma_start3A_122 : memref<1x8x40xi32, #tpu.memory_space<vmem>> -> memref<8x40xi32, #tpu.memory_space<vmem>>
      %dma_start3A_124 = arith.constant 0 : i32
      %dma_start3A_125 = arith.constant 0 : i32
      %dma_start3A_126 = tpu.memref_slice %arg3[%arg0, %arg1, %run_scoped3A, %dma_start3A_124, %dma_start3A_125] : memref<2x16x64x8x40xi32, #tpu.memory_space<hbm>> -> memref<1x1x1x8x40xi32, #tpu.memory_space<hbm>>
      %dma_start3A_127 = tpu.memref_squeeze %dma_start3A_126 : memref<1x1x1x8x40xi32, #tpu.memory_space<hbm>> -> memref<8x40xi32, #tpu.memory_space<hbm>>
      tpu.enqueue_dma source(%dma_start3A_127 : memref<8x40xi32, #tpu.memory_space<hbm>>) target(%dma_start3A_123 : memref<8x40xi32, #tpu.memory_space<vmem>>) target_semaphore(%run_scoped3A_111 : memref<!tpu.dma_semaphore, #tpu.memory_space<semaphore_mem>>)
      %dma_wait3A_128 = arith.constant 0 : i32
      %dma_wait3A_129 = arith.constant 0 : i32
      %dma_wait3A_130 = tpu.memref_slice %arg7[%run_scoped3A_0, %dma_wait3A_128, %dma_wait3A_129] : memref<3x8x40xi32, #tpu.memory_space<vmem>> -> memref<1x8x40xi32, #tpu.memory_space<vmem>>
      %dma_wait3A_131 = tpu.memref_squeeze %dma_wait3A_130 : memref<1x8x40xi32, #tpu.memory_space<vmem>> -> memref<8x40xi32, #tpu.memory_space<vmem>>
      %dma_wait3A_132 = arith.constant 0 : i32
      %dma_wait3A_133 = arith.constant 0 : i32
      %dma_wait3A_134 = tpu.memref_slice %arg3[%arg0, %arg1, %run_scoped3A, %dma_wait3A_132, %dma_wait3A_133] : memref<2x16x64x8x40xi32, #tpu.memory_space<hbm>> -> memref<1x1x1x8x40xi32, #tpu.memory_space<hbm>>
      %dma_wait3A_135 = tpu.memref_squeeze %dma_wait3A_134 : memref<1x1x1x8x40xi32, #tpu.memory_space<hbm>> -> memref<8x40xi32, #tpu.memory_space<hbm>>
      %dma_wait3A_136 = arith.constant 0 : i32
      %dma_wait3A_137 = arith.constant 0 : i32
      %dma_wait3A_138 = tpu.memref_slice %arg7[%run_scoped3A_0, %dma_wait3A_136, %dma_wait3A_137] : memref<3x8x40xi32, #tpu.memory_space<vmem>> -> memref<1x8x40xi32, #tpu.memory_space<vmem>>
      %dma_wait3A_139 = tpu.memref_squeeze %dma_wait3A_138 : memref<1x8x40xi32, #tpu.memory_space<vmem>> -> memref<8x40xi32, #tpu.memory_space<vmem>>
      %dma_wait3A_140 = arith.constant 0 : i32
      %dma_wait3A_141 = arith.constant 0 : i32
      %dma_wait3A_142 = tpu.memref_slice %arg3[%arg0, %arg1, %run_scoped3A, %dma_wait3A_140, %dma_wait3A_141] : memref<2x16x64x8x40xi32, #tpu.memory_space<hbm>> -> memref<1x1x1x8x40xi32, #tpu.memory_space<hbm>>
      %dma_wait3A_143 = tpu.memref_squeeze %dma_wait3A_142 : memref<1x1x1x8x40xi32, #tpu.memory_space<hbm>> -> memref<8x40xi32, #tpu.memory_space<hbm>>
      tpu.wait_dma2 semaphore(%run_scoped3A_111 : memref<!tpu.dma_semaphore, #tpu.memory_space<semaphore_mem>>) src(%dma_wait3A_143 : memref<8x40xi32, #tpu.memory_space<hbm>>) dst(%dma_wait3A_139 : memref<8x40xi32, #tpu.memory_space<vmem>>)
      tpu.yield
    }) : () -> ()
    %run_scoped3A_1 = arith.constant 0 : i32
    %run_scoped3A_2 = arith.constant 0 : i32
    "tpu.region"() ({
      %run_scoped3A_111 = tpu.sem_alloc : memref<!tpu.dma_semaphore, #tpu.memory_space<semaphore_mem>>
      %dma_start3A_112 = arith.constant 0 : i32
      %dma_start3A_113 = arith.constant 0 : i32
      %dma_start3A_114 = tpu.memref_slice %arg8[%run_scoped3A_2, %dma_start3A_112, %dma_start3A_113] : memref<3x8x40xi32, #tpu.memory_space<vmem>> -> memref<1x8x40xi32, #tpu.memory_space<vmem>>
      %dma_start3A_115 = tpu.memref_squeeze %dma_start3A_114 : memref<1x8x40xi32, #tpu.memory_space<vmem>> -> memref<8x40xi32, #tpu.memory_space<vmem>>
      %dma_start3A_116 = arith.constant 0 : i32
      %dma_start3A_117 = arith.constant 0 : i32
      %dma_start3A_118 = tpu.memref_slice %arg4[%arg1, %run_scoped3A_1, %dma_start3A_116, %dma_start3A_117] : memref<16x64x8x40xi32, #tpu.memory_space<hbm>> -> memref<1x1x8x40xi32, #tpu.memory_space<hbm>>
      %dma_start3A_119 = tpu.memref_squeeze %dma_start3A_118 : memref<1x1x8x40xi32, #tpu.memory_space<hbm>> -> memref<8x40xi32, #tpu.memory_space<hbm>>
      %dma_start3A_120 = arith.constant 0 : i32
      %dma_start3A_121 = arith.constant 0 : i32
      %dma_start3A_122 = tpu.memref_slice %arg8[%run_scoped3A_2, %dma_start3A_120, %dma_start3A_121] : memref<3x8x40xi32, #tpu.memory_space<vmem>> -> memref<1x8x40xi32, #tpu.memory_space<vmem>>
      %dma_start3A_123 = tpu.memref_squeeze %dma_start3A_122 : memref<1x8x40xi32, #tpu.memory_space<vmem>> -> memref<8x40xi32, #tpu.memory_space<vmem>>
      %dma_start3A_124 = arith.constant 0 : i32
      %dma_start3A_125 = arith.constant 0 : i32
      %dma_start3A_126 = tpu.memref_slice %arg4[%arg1, %run_scoped3A_1, %dma_start3A_124, %dma_start3A_125] : memref<16x64x8x40xi32, #tpu.memory_space<hbm>> -> memref<1x1x8x40xi32, #tpu.memory_space<hbm>>
      %dma_start3A_127 = tpu.memref_squeeze %dma_start3A_126 : memref<1x1x8x40xi32, #tpu.memory_space<hbm>> -> memref<8x40xi32, #tpu.memory_space<hbm>>
      tpu.enqueue_dma source(%dma_start3A_127 : memref<8x40xi32, #tpu.memory_space<hbm>>) target(%dma_start3A_123 : memref<8x40xi32, #tpu.memory_space<vmem>>) target_semaphore(%run_scoped3A_111 : memref<!tpu.dma_semaphore, #tpu.memory_space<semaphore_mem>>)
      %dma_wait3A_128 = arith.constant 0 : i32
      %dma_wait3A_129 = arith.constant 0 : i32
      %dma_wait3A_130 = tpu.memref_slice %arg8[%run_scoped3A_2, %dma_wait3A_128, %dma_wait3A_129] : memref<3x8x40xi32, #tpu.memory_space<vmem>> -> memref<1x8x40xi32, #tpu.memory_space<vmem>>
      %dma_wait3A_131 = tpu.memref_squeeze %dma_wait3A_130 : memref<1x8x40xi32, #tpu.memory_space<vmem>> -> memref<8x40xi32, #tpu.memory_space<vmem>>
      %dma_wait3A_132 = arith.constant 0 : i32
      %dma_wait3A_133 = arith.constant 0 : i32
      %dma_wait3A_134 = tpu.memref_slice %arg4[%arg1, %run_scoped3A_1, %dma_wait3A_132, %dma_wait3A_133] : memref<16x64x8x40xi32, #tpu.memory_space<hbm>> -> memref<1x1x8x40xi32, #tpu.memory_space<hbm>>
      %dma_wait3A_135 = tpu.memref_squeeze %dma_wait3A_134 : memref<1x1x8x40xi32, #tpu.memory_space<hbm>> -> memref<8x40xi32, #tpu.memory_space<hbm>>
      %dma_wait3A_136 = arith.constant 0 : i32
      %dma_wait3A_137 = arith.constant 0 : i32
      %dma_wait3A_138 = tpu.memref_slice %arg8[%run_scoped3A_2, %dma_wait3A_136, %dma_wait3A_137] : memref<3x8x40xi32, #tpu.memory_space<vmem>> -> memref<1x8x40xi32, #tpu.memory_space<vmem>>
      %dma_wait3A_139 = tpu.memref_squeeze %dma_wait3A_138 : memref<1x8x40xi32, #tpu.memory_space<vmem>> -> memref<8x40xi32, #tpu.memory_space<vmem>>
      %dma_wait3A_140 = arith.constant 0 : i32
      %dma_wait3A_141 = arith.constant 0 : i32
      %dma_wait3A_142 = tpu.memref_slice %arg4[%arg1, %run_scoped3A_1, %dma_wait3A_140, %dma_wait3A_141] : memref<16x64x8x40xi32, #tpu.memory_space<hbm>> -> memref<1x1x8x40xi32, #tpu.memory_space<hbm>>
      %dma_wait3A_143 = tpu.memref_squeeze %dma_wait3A_142 : memref<1x1x8x40xi32, #tpu.memory_space<hbm>> -> memref<8x40xi32, #tpu.memory_space<hbm>>
      tpu.wait_dma2 semaphore(%run_scoped3A_111 : memref<!tpu.dma_semaphore, #tpu.memory_space<semaphore_mem>>) src(%dma_wait3A_143 : memref<8x40xi32, #tpu.memory_space<hbm>>) dst(%dma_wait3A_139 : memref<8x40xi32, #tpu.memory_space<vmem>>)
      tpu.yield
    }) : () -> ()
    %dma_start3A = arith.constant 1 : i32
    %dma_start3A_3 = arith.constant 1 : i32
    %dma_start3A_4 = arith.constant 0 : i32
    %dma_start3A_5 = arith.constant 0 : i32
    %dma_start3A_6 = tpu.memref_slice %arg7[%dma_start3A_3, %dma_start3A_4, %dma_start3A_5] : memref<3x8x40xi32, #tpu.memory_space<vmem>> -> memref<1x8x40xi32, #tpu.memory_space<vmem>>
    %dma_start3A_7 = tpu.memref_squeeze %dma_start3A_6 : memref<1x8x40xi32, #tpu.memory_space<vmem>> -> memref<8x40xi32, #tpu.memory_space<vmem>>
    %dma_start3A_8 = arith.constant 0 : i32
    %dma_start3A_9 = arith.constant 0 : i32
    %dma_start3A_10 = tpu.memref_slice %arg3[%arg0, %arg1, %dma_start3A, %dma_start3A_8, %dma_start3A_9] : memref<2x16x64x8x40xi32, #tpu.memory_space<hbm>> -> memref<1x1x1x8x40xi32, #tpu.memory_space<hbm>>
    %dma_start3A_11 = tpu.memref_squeeze %dma_start3A_10 : memref<1x1x1x8x40xi32, #tpu.memory_space<hbm>> -> memref<8x40xi32, #tpu.memory_space<hbm>>
    %dma_start3A_12 = arith.constant 0 : i32
    %dma_start3A_13 = arith.constant 0 : i32
    %dma_start3A_14 = tpu.memref_slice %arg7[%dma_start3A_3, %dma_start3A_12, %dma_start3A_13] : memref<3x8x40xi32, #tpu.memory_space<vmem>> -> memref<1x8x40xi32, #tpu.memory_space<vmem>>
    %dma_start3A_15 = tpu.memref_squeeze %dma_start3A_14 : memref<1x8x40xi32, #tpu.memory_space<vmem>> -> memref<8x40xi32, #tpu.memory_space<vmem>>
    %dma_start3A_16 = arith.constant 0 : i32
    %dma_start3A_17 = arith.constant 0 : i32
    %dma_start3A_18 = tpu.memref_slice %arg3[%arg0, %arg1, %dma_start3A, %dma_start3A_16, %dma_start3A_17] : memref<2x16x64x8x40xi32, #tpu.memory_space<hbm>> -> memref<1x1x1x8x40xi32, #tpu.memory_space<hbm>>
    %dma_start3A_19 = tpu.memref_squeeze %dma_start3A_18 : memref<1x1x1x8x40xi32, #tpu.memory_space<hbm>> -> memref<8x40xi32, #tpu.memory_space<hbm>>
    tpu.enqueue_dma source(%dma_start3A_19 : memref<8x40xi32, #tpu.memory_space<hbm>>) target(%dma_start3A_15 : memref<8x40xi32, #tpu.memory_space<vmem>>) target_semaphore(%arg34 : memref<!tpu.dma_semaphore, #tpu.memory_space<semaphore_mem>>)
    %dma_start3A_20 = arith.constant 1 : i32
    %dma_start3A_21 = arith.constant 1 : i32
    %dma_start3A_22 = arith.constant 0 : i32
    %dma_start3A_23 = arith.constant 0 : i32
    %dma_start3A_24 = tpu.memref_slice %arg8[%dma_start3A_21, %dma_start3A_22, %dma_start3A_23] : memref<3x8x40xi32, #tpu.memory_space<vmem>> -> memref<1x8x40xi32, #tpu.memory_space<vmem>>
    %dma_start3A_25 = tpu.memref_squeeze %dma_start3A_24 : memref<1x8x40xi32, #tpu.memory_space<vmem>> -> memref<8x40xi32, #tpu.memory_space<vmem>>
    %dma_start3A_26 = arith.constant 0 : i32
    %dma_start3A_27 = arith.constant 0 : i32
    %dma_start3A_28 = tpu.memref_slice %arg4[%arg1, %dma_start3A_20, %dma_start3A_26, %dma_start3A_27] : memref<16x64x8x40xi32, #tpu.memory_space<hbm>> -> memref<1x1x8x40xi32, #tpu.memory_space<hbm>>
    %dma_start3A_29 = tpu.memref_squeeze %dma_start3A_28 : memref<1x1x8x40xi32, #tpu.memory_space<hbm>> -> memref<8x40xi32, #tpu.memory_space<hbm>>
    %dma_start3A_30 = arith.constant 0 : i32
    %dma_start3A_31 = arith.constant 0 : i32
    %dma_start3A_32 = tpu.memref_slice %arg8[%dma_start3A_21, %dma_start3A_30, %dma_start3A_31] : memref<3x8x40xi32, #tpu.memory_space<vmem>> -> memref<1x8x40xi32, #tpu.memory_space<vmem>>
    %dma_start3A_33 = tpu.memref_squeeze %dma_start3A_32 : memref<1x8x40xi32, #tpu.memory_space<vmem>> -> memref<8x40xi32, #tpu.memory_space<vmem>>
    %dma_start3A_34 = arith.constant 0 : i32
    %dma_start3A_35 = arith.constant 0 : i32
    %dma_start3A_36 = tpu.memref_slice %arg4[%arg1, %dma_start3A_20, %dma_start3A_34, %dma_start3A_35] : memref<16x64x8x40xi32, #tpu.memory_space<hbm>> -> memref<1x1x8x40xi32, #tpu.memory_space<hbm>>
    %dma_start3A_37 = tpu.memref_squeeze %dma_start3A_36 : memref<1x1x8x40xi32, #tpu.memory_space<hbm>> -> memref<8x40xi32, #tpu.memory_space<hbm>>
    tpu.enqueue_dma source(%dma_start3A_37 : memref<8x40xi32, #tpu.memory_space<hbm>>) target(%dma_start3A_33 : memref<8x40xi32, #tpu.memory_space<vmem>>) target_semaphore(%arg35 : memref<!tpu.dma_semaphore, #tpu.memory_space<semaphore_mem>>)
    %mul3A = arith.constant 640 : i32
    %mul3A_38 = arith.muli %arg1, %mul3A : i32
    "tpu.region"() ({
      %run_scoped3A_111 = tpu.sem_alloc : memref<!tpu.dma_semaphore, #tpu.memory_space<semaphore_mem>>
      %dma_start3A_112 = arith.constant 0 : i32
      %dma_start3A_113 = tpu.memref_slice %arg17[%mul3A_38, %dma_start3A_112] : memref<10240x128xf32, #tpu.memory_space<vmem_shared>> -> memref<640x128xf32, #tpu.memory_space<vmem_shared>>
      tpu.enqueue_dma source(%arg5 : memref<640x128xf32, #tpu.memory_space<hbm>>) target(%dma_start3A_113 : memref<640x128xf32, #tpu.memory_space<vmem_shared>>) target_semaphore(%run_scoped3A_111 : memref<!tpu.dma_semaphore, #tpu.memory_space<semaphore_mem>>)
      %dma_wait3A_114 = arith.constant 0 : i32
      %dma_wait3A_115 = tpu.memref_slice %arg17[%mul3A_38, %dma_wait3A_114] : memref<10240x128xf32, #tpu.memory_space<vmem_shared>> -> memref<640x128xf32, #tpu.memory_space<vmem_shared>>
      tpu.wait_dma2 semaphore(%run_scoped3A_111 : memref<!tpu.dma_semaphore, #tpu.memory_space<semaphore_mem>>) src(%arg5 : memref<640x128xf32, #tpu.memory_space<hbm>>) dst(%dma_wait3A_115 : memref<640x128xf32, #tpu.memory_space<vmem_shared>>)
      tpu.yield
    }) : () -> ()
    %dma_start3A_39 = arith.constant 0 : i32
    %dma_start3A_40 = arith.constant 0 : i32
    %dma_start3A_41 = arith.constant 0 : i32
    %dma_start3A_42 = tpu.memref_slice %arg7[%dma_start3A_39, %dma_start3A_40, %dma_start3A_41] : memref<3x8x40xi32, #tpu.memory_space<vmem>> -> memref<1x1x40xi32, #tpu.memory_space<vmem>>
    %dma_start3A_43 = tpu.memref_squeeze %dma_start3A_42 : memref<1x1x40xi32, #tpu.memory_space<vmem>> -> memref<40xi32, #tpu.memory_space<vmem>>
    %dma_start3A_44 = arith.constant 0 : i32
    %dma_start3A_45 = arith.constant 0 : i32
    %dma_start3A_46 = tpu.memref_slice %arg2[%dma_start3A_44, %dma_start3A_45] : memref<20480x128xf32, #tpu.memory_space<hbm>> -> memref<20480x128xf32, #tpu.memory_space<hbm>>
    tpu.enqueue_indirect_dma source(%dma_start3A_46 : memref<20480x128xf32, #tpu.memory_space<hbm>>) target(%arg9 : memref<40x128xf32, #tpu.memory_space<vmem>>) offsets(%dma_start3A_43 : memref<40xi32, #tpu.memory_space<vmem>>) semaphore(%arg18 : memref<!tpu.dma_semaphore, #tpu.memory_space<semaphore_mem>>)
    %dma_start3A_47 = arith.constant 0 : i32
    %dma_start3A_48 = arith.constant 1 : i32
    %dma_start3A_49 = arith.constant 0 : i32
    %dma_start3A_50 = tpu.memref_slice %arg7[%dma_start3A_47, %dma_start3A_48, %dma_start3A_49] : memref<3x8x40xi32, #tpu.memory_space<vmem>> -> memref<1x1x40xi32, #tpu.memory_space<vmem>>
    %dma_start3A_51 = tpu.memref_squeeze %dma_start3A_50 : memref<1x1x40xi32, #tpu.memory_space<vmem>> -> memref<40xi32, #tpu.memory_space<vmem>>
    %dma_start3A_52 = arith.constant 0 : i32
    %dma_start3A_53 = arith.constant 0 : i32
    %dma_start3A_54 = tpu.memref_slice %arg2[%dma_start3A_52, %dma_start3A_53] : memref<20480x128xf32, #tpu.memory_space<hbm>> -> memref<20480x128xf32, #tpu.memory_space<hbm>>
    tpu.enqueue_indirect_dma source(%dma_start3A_54 : memref<20480x128xf32, #tpu.memory_space<hbm>>) target(%arg10 : memref<40x128xf32, #tpu.memory_space<vmem>>) offsets(%dma_start3A_51 : memref<40xi32, #tpu.memory_space<vmem>>) semaphore(%arg19 : memref<!tpu.dma_semaphore, #tpu.memory_space<semaphore_mem>>)
    %dma_start3A_55 = arith.constant 0 : i32
    %dma_start3A_56 = arith.constant 2 : i32
    %dma_start3A_57 = arith.constant 0 : i32
    %dma_start3A_58 = tpu.memref_slice %arg7[%dma_start3A_55, %dma_start3A_56, %dma_start3A_57] : memref<3x8x40xi32, #tpu.memory_space<vmem>> -> memref<1x1x40xi32, #tpu.memory_space<vmem>>
    %dma_start3A_59 = tpu.memref_squeeze %dma_start3A_58 : memref<1x1x40xi32, #tpu.memory_space<vmem>> -> memref<40xi32, #tpu.memory_space<vmem>>
    %dma_start3A_60 = arith.constant 0 : i32
    %dma_start3A_61 = arith.constant 0 : i32
    %dma_start3A_62 = tpu.memref_slice %arg2[%dma_start3A_60, %dma_start3A_61] : memref<20480x128xf32, #tpu.memory_space<hbm>> -> memref<20480x128xf32, #tpu.memory_space<hbm>>
    tpu.enqueue_indirect_dma source(%dma_start3A_62 : memref<20480x128xf32, #tpu.memory_space<hbm>>) target(%arg11 : memref<40x128xf32, #tpu.memory_space<vmem>>) offsets(%dma_start3A_59 : memref<40xi32, #tpu.memory_space<vmem>>) semaphore(%arg20 : memref<!tpu.dma_semaphore, #tpu.memory_space<semaphore_mem>>)
    %dma_start3A_63 = arith.constant 0 : i32
    %dma_start3A_64 = arith.constant 3 : i32
    %dma_start3A_65 = arith.constant 0 : i32
    %dma_start3A_66 = tpu.memref_slice %arg7[%dma_start3A_63, %dma_start3A_64, %dma_start3A_65] : memref<3x8x40xi32, #tpu.memory_space<vmem>> -> memref<1x1x40xi32, #tpu.memory_space<vmem>>
    %dma_start3A_67 = tpu.memref_squeeze %dma_start3A_66 : memref<1x1x40xi32, #tpu.memory_space<vmem>> -> memref<40xi32, #tpu.memory_space<vmem>>
    %dma_start3A_68 = arith.constant 0 : i32
    %dma_start3A_69 = arith.constant 0 : i32
    %dma_start3A_70 = tpu.memref_slice %arg2[%dma_start3A_68, %dma_start3A_69] : memref<20480x128xf32, #tpu.memory_space<hbm>> -> memref<20480x128xf32, #tpu.memory_space<hbm>>
    tpu.enqueue_indirect_dma source(%dma_start3A_70 : memref<20480x128xf32, #tpu.memory_space<hbm>>) target(%arg12 : memref<40x128xf32, #tpu.memory_space<vmem>>) offsets(%dma_start3A_67 : memref<40xi32, #tpu.memory_space<vmem>>) semaphore(%arg21 : memref<!tpu.dma_semaphore, #tpu.memory_space<semaphore_mem>>)
    %dma_start3A_71 = arith.constant 0 : i32
    %dma_start3A_72 = arith.constant 4 : i32
    %dma_start3A_73 = arith.constant 0 : i32
    %dma_start3A_74 = tpu.memref_slice %arg7[%dma_start3A_71, %dma_start3A_72, %dma_start3A_73] : memref<3x8x40xi32, #tpu.memory_space<vmem>> -> memref<1x1x40xi32, #tpu.memory_space<vmem>>
    %dma_start3A_75 = tpu.memref_squeeze %dma_start3A_74 : memref<1x1x40xi32, #tpu.memory_space<vmem>> -> memref<40xi32, #tpu.memory_space<vmem>>
    %dma_start3A_76 = arith.constant 0 : i32
    %dma_start3A_77 = arith.constant 0 : i32
    %dma_start3A_78 = tpu.memref_slice %arg2[%dma_start3A_76, %dma_start3A_77] : memref<20480x128xf32, #tpu.memory_space<hbm>> -> memref<20480x128xf32, #tpu.memory_space<hbm>>
    tpu.enqueue_indirect_dma source(%dma_start3A_78 : memref<20480x128xf32, #tpu.memory_space<hbm>>) target(%arg13 : memref<40x128xf32, #tpu.memory_space<vmem>>) offsets(%dma_start3A_75 : memref<40xi32, #tpu.memory_space<vmem>>) semaphore(%arg22 : memref<!tpu.dma_semaphore, #tpu.memory_space<semaphore_mem>>)
    %dma_start3A_79 = arith.constant 0 : i32
    %dma_start3A_80 = arith.constant 5 : i32
    %dma_start3A_81 = arith.constant 0 : i32
    %dma_start3A_82 = tpu.memref_slice %arg7[%dma_start3A_79, %dma_start3A_80, %dma_start3A_81] : memref<3x8x40xi32, #tpu.memory_space<vmem>> -> memref<1x1x40xi32, #tpu.memory_space<vmem>>
    %dma_start3A_83 = tpu.memref_squeeze %dma_start3A_82 : memref<1x1x40xi32, #tpu.memory_space<vmem>> -> memref<40xi32, #tpu.memory_space<vmem>>
    %dma_start3A_84 = arith.constant 0 : i32
    %dma_start3A_85 = arith.constant 0 : i32
    %dma_start3A_86 = tpu.memref_slice %arg2[%dma_start3A_84, %dma_start3A_85] : memref<20480x128xf32, #tpu.memory_space<hbm>> -> memref<20480x128xf32, #tpu.memory_space<hbm>>
    tpu.enqueue_indirect_dma source(%dma_start3A_86 : memref<20480x128xf32, #tpu.memory_space<hbm>>) target(%arg14 : memref<40x128xf32, #tpu.memory_space<vmem>>) offsets(%dma_start3A_83 : memref<40xi32, #tpu.memory_space<vmem>>) semaphore(%arg23 : memref<!tpu.dma_semaphore, #tpu.memory_space<semaphore_mem>>)
    %barrier3A = arith.constant 0 : index
    tpu.barrier barrier_id(%barrier3A)
    %scan3A = arith.constant 0 : i32
    %scan3A_87 = arith.constant 64 : i32
    %scan3A_88 = arith.addi %scan3A, %scan3A_87 : i32
    %scan3A_89 = arith.constant 1 : i32
    scf.for %scan3A_111 = %scan3A to %scan3A_88 step %scan3A_89  : i32 {
      %mul3A_112 = arith.constant 1 : i32
      %mul3A_113 = arith.muli %scan3A_111, %mul3A_112 : i32
      %add3A = arith.constant 0 : i32
      %add3A_114 = arith.addi %add3A, %mul3A_113 : i32
      %jit3A = arith.constant 3 : i32
      %eq3A = arith.constant 0 : i32
      %eq3A_115 = arith.cmpi eq, %jit3A, %eq3A : i32
      %jit3A_116 = arith.constant 1 : i32
      %select_n3A = arith.select %eq3A_115, %jit3A_116, %jit3A : i32
      %rem3A = arith.remsi %add3A_114, %select_n3A : i32
      %ne3A = arith.constant 0 : i32
      %ne3A_117 = arith.cmpi ne, %rem3A, %ne3A : i32
      %lt3A = arith.constant 0 : i32
      %lt3A_118 = arith.cmpi slt, %rem3A, %lt3A : i32
      %lt3A_119 = arith.constant 0 : i32
      %lt3A_120 = arith.cmpi slt, %select_n3A, %lt3A_119 : i32
      %ne3A_121 = arith.xori %lt3A_118, %lt3A_120 : i1
      %and3A = arith.andi %ne3A_121, %ne3A_117 : i1
      %add3A_122 = arith.addi %rem3A, %select_n3A : i32
      %select_n3A_123 = arith.select %and3A, %add3A_122, %rem3A : i32
      %add3A_124 = arith.constant 1 : i32
      %add3A_125 = arith.addi %add3A_114, %add3A_124 : i32
      %jit3A_126 = arith.constant 3 : i32
      %eq3A_127 = arith.constant 0 : i32
      %eq3A_128 = arith.cmpi eq, %jit3A_126, %eq3A_127 : i32
      %jit3A_129 = arith.constant 1 : i32
      %select_n3A_130 = arith.select %eq3A_128, %jit3A_129, %jit3A_126 : i32
      %rem3A_131 = arith.remsi %add3A_125, %select_n3A_130 : i32
      %ne3A_132 = arith.constant 0 : i32
      %ne3A_133 = arith.cmpi ne, %rem3A_131, %ne3A_132 : i32
      %lt3A_134 = arith.constant 0 : i32
      %lt3A_135 = arith.cmpi slt, %rem3A_131, %lt3A_134 : i32
      %lt3A_136 = arith.constant 0 : i32
      %lt3A_137 = arith.cmpi slt, %select_n3A_130, %lt3A_136 : i32
      %ne3A_138 = arith.xori %lt3A_135, %lt3A_137 : i1
      %and3A_139 = arith.andi %ne3A_138, %ne3A_133 : i1
      %add3A_140 = arith.addi %rem3A_131, %select_n3A_130 : i32
      %select_n3A_141 = arith.select %and3A_139, %add3A_140, %rem3A_131 : i32
      %add3A_142 = arith.constant 2 : i32
      %add3A_143 = arith.addi %add3A_114, %add3A_142 : i32
      %jit3A_144 = arith.constant 3 : i32
      %eq3A_145 = arith.constant 0 : i32
      %eq3A_146 = arith.cmpi eq, %jit3A_144, %eq3A_145 : i32
      %jit3A_147 = arith.constant 1 : i32
      %select_n3A_148 = arith.select %eq3A_146, %jit3A_147, %jit3A_144 : i32
      %rem3A_149 = arith.remsi %add3A_143, %select_n3A_148 : i32
      %ne3A_150 = arith.constant 0 : i32
      %ne3A_151 = arith.cmpi ne, %rem3A_149, %ne3A_150 : i32
      %lt3A_152 = arith.constant 0 : i32
      %lt3A_153 = arith.cmpi slt, %rem3A_149, %lt3A_152 : i32
      %lt3A_154 = arith.constant 0 : i32
      %lt3A_155 = arith.cmpi slt, %select_n3A_148, %lt3A_154 : i32
      %ne3A_156 = arith.xori %lt3A_153, %lt3A_155 : i1
      %and3A_157 = arith.andi %ne3A_156, %ne3A_151 : i1
      %add3A_158 = arith.addi %rem3A_149, %select_n3A_148 : i32
      %select_n3A_159 = arith.select %and3A_157, %add3A_158, %rem3A_149 : i32
      %dma_wait3A_160 = arith.constant 0 : i32
      %dma_wait3A_161 = arith.constant 0 : i32
      %dma_wait3A_162 = arith.constant 0 : i32
      %dma_wait3A_163 = tpu.memref_slice %arg7[%dma_wait3A_160, %dma_wait3A_161, %dma_wait3A_162] : memref<3x8x40xi32, #tpu.memory_space<vmem>> -> memref<1x1x40xi32, #tpu.memory_space<vmem>>
      %dma_wait3A_164 = tpu.memref_squeeze %dma_wait3A_163 : memref<1x1x40xi32, #tpu.memory_space<vmem>> -> memref<40xi32, #tpu.memory_space<vmem>>
      %dma_wait3A_165 = arith.constant 0 : i32
      %dma_wait3A_166 = arith.constant 0 : i32
      %dma_wait3A_167 = tpu.memref_slice %arg2[%dma_wait3A_165, %dma_wait3A_166] : memref<20480x128xf32, #tpu.memory_space<hbm>> -> memref<20480x128xf32, #tpu.memory_space<hbm>>
      tpu.wait_indirect_dma semaphore(%arg18 : memref<!tpu.dma_semaphore, #tpu.memory_space<semaphore_mem>>) src(%dma_wait3A_167 : memref<20480x128xf32, #tpu.memory_space<hbm>>) dst(%arg9 : memref<40x128xf32, #tpu.memory_space<vmem>>)
      %dma_start3A_168 = arith.constant 0 : i32
      %dma_start3A_169 = arith.constant 0 : i32
      %dma_start3A_170 = tpu.memref_slice %arg8[%select_n3A_123, %dma_start3A_168, %dma_start3A_169] : memref<3x8x40xi32, #tpu.memory_space<vmem>> -> memref<1x1x40xi32, #tpu.memory_space<vmem>>
      %dma_start3A_171 = tpu.memref_squeeze %dma_start3A_170 : memref<1x1x40xi32, #tpu.memory_space<vmem>> -> memref<40xi32, #tpu.memory_space<vmem>>
      %dma_start3A_172 = arith.constant 0 : i32
      %dma_start3A_173 = arith.constant 0 : i32
      %dma_start3A_174 = tpu.memref_slice %arg17[%dma_start3A_172, %dma_start3A_173] : memref<10240x128xf32, #tpu.memory_space<vmem_shared>> -> memref<10240x128xf32, #tpu.memory_space<vmem_shared>>
      tpu.enqueue_indirect_dma source(%arg9 : memref<40x128xf32, #tpu.memory_space<vmem>>) target(%dma_start3A_174 : memref<10240x128xf32, #tpu.memory_space<vmem_shared>>) offsets(%dma_start3A_171 : memref<40xi32, #tpu.memory_space<vmem>>) semaphore(%arg26 : memref<!tpu.dma_semaphore, #tpu.memory_space<semaphore_mem>>) {add = true}
      %gt3A = arith.constant 0 : i32
      %gt3A_175 = arith.cmpi sgt, %add3A_114, %gt3A : i32
      %convert_element_type3A = arith.extui %gt3A_175 : i1 to i32
      %cond3A = arith.constant 0 : i32
      %cond3A_176 = arith.cmpi ne, %convert_element_type3A, %cond3A : i32
      scf.if %cond3A_176 {
        %dma_wait3A_389 = arith.constant 0 : i32
        %dma_wait3A_390 = arith.constant 0 : i32
        %dma_wait3A_391 = arith.constant 0 : i32
        %dma_wait3A_392 = tpu.memref_slice %arg8[%dma_wait3A_389, %dma_wait3A_390, %dma_wait3A_391] : memref<3x8x40xi32, #tpu.memory_space<vmem>> -> memref<1x1x40xi32, #tpu.memory_space<vmem>>
        %dma_wait3A_393 = tpu.memref_squeeze %dma_wait3A_392 : memref<1x1x40xi32, #tpu.memory_space<vmem>> -> memref<40xi32, #tpu.memory_space<vmem>>
        %dma_wait3A_394 = arith.constant 0 : i32
        %dma_wait3A_395 = arith.constant 0 : i32
        %dma_wait3A_396 = tpu.memref_slice %arg17[%dma_wait3A_394, %dma_wait3A_395] : memref<10240x128xf32, #tpu.memory_space<vmem_shared>> -> memref<10240x128xf32, #tpu.memory_space<vmem_shared>>
        tpu.wait_indirect_dma semaphore(%arg32 : memref<!tpu.dma_semaphore, #tpu.memory_space<semaphore_mem>>) src(%arg15 : memref<40x128xf32, #tpu.memory_space<vmem>>) dst(%dma_wait3A_396 : memref<10240x128xf32, #tpu.memory_space<vmem_shared>>)
      } else {
      }
      %dma_start3A_177 = arith.constant 6 : i32
      %dma_start3A_178 = arith.constant 0 : i32
      %dma_start3A_179 = tpu.memref_slice %arg7[%select_n3A_123, %dma_start3A_177, %dma_start3A_178] : memref<3x8x40xi32, #tpu.memory_space<vmem>> -> memref<1x1x40xi32, #tpu.memory_space<vmem>>
      %dma_start3A_180 = tpu.memref_squeeze %dma_start3A_179 : memref<1x1x40xi32, #tpu.memory_space<vmem>> -> memref<40xi32, #tpu.memory_space<vmem>>
      %dma_start3A_181 = arith.constant 0 : i32
      %dma_start3A_182 = arith.constant 0 : i32
      %dma_start3A_183 = tpu.memref_slice %arg2[%dma_start3A_181, %dma_start3A_182] : memref<20480x128xf32, #tpu.memory_space<hbm>> -> memref<20480x128xf32, #tpu.memory_space<hbm>>
      tpu.enqueue_indirect_dma source(%dma_start3A_183 : memref<20480x128xf32, #tpu.memory_space<hbm>>) target(%arg15 : memref<40x128xf32, #tpu.memory_space<vmem>>) offsets(%dma_start3A_180 : memref<40xi32, #tpu.memory_space<vmem>>) semaphore(%arg24 : memref<!tpu.dma_semaphore, #tpu.memory_space<semaphore_mem>>)
      %dma_wait3A_184 = arith.constant 0 : i32
      %dma_wait3A_185 = arith.constant 0 : i32
      %dma_wait3A_186 = arith.constant 0 : i32
      %dma_wait3A_187 = tpu.memref_slice %arg7[%dma_wait3A_184, %dma_wait3A_185, %dma_wait3A_186] : memref<3x8x40xi32, #tpu.memory_space<vmem>> -> memref<1x1x40xi32, #tpu.memory_space<vmem>>
      %dma_wait3A_188 = tpu.memref_squeeze %dma_wait3A_187 : memref<1x1x40xi32, #tpu.memory_space<vmem>> -> memref<40xi32, #tpu.memory_space<vmem>>
      %dma_wait3A_189 = arith.constant 0 : i32
      %dma_wait3A_190 = arith.constant 0 : i32
      %dma_wait3A_191 = tpu.memref_slice %arg2[%dma_wait3A_189, %dma_wait3A_190] : memref<20480x128xf32, #tpu.memory_space<hbm>> -> memref<20480x128xf32, #tpu.memory_space<hbm>>
      tpu.wait_indirect_dma semaphore(%arg19 : memref<!tpu.dma_semaphore, #tpu.memory_space<semaphore_mem>>) src(%dma_wait3A_191 : memref<20480x128xf32, #tpu.memory_space<hbm>>) dst(%arg10 : memref<40x128xf32, #tpu.memory_space<vmem>>)
      %dma_start3A_192 = arith.constant 1 : i32
      %dma_start3A_193 = arith.constant 0 : i32
      %dma_start3A_194 = tpu.memref_slice %arg8[%select_n3A_123, %dma_start3A_192, %dma_start3A_193] : memref<3x8x40xi32, #tpu.memory_space<vmem>> -> memref<1x1x40xi32, #tpu.memory_space<vmem>>
      %dma_start3A_195 = tpu.memref_squeeze %dma_start3A_194 : memref<1x1x40xi32, #tpu.memory_space<vmem>> -> memref<40xi32, #tpu.memory_space<vmem>>
      %dma_start3A_196 = arith.constant 0 : i32
      %dma_start3A_197 = arith.constant 0 : i32
      %dma_start3A_198 = tpu.memref_slice %arg17[%dma_start3A_196, %dma_start3A_197] : memref<10240x128xf32, #tpu.memory_space<vmem_shared>> -> memref<10240x128xf32, #tpu.memory_space<vmem_shared>>
      tpu.enqueue_indirect_dma source(%arg10 : memref<40x128xf32, #tpu.memory_space<vmem>>) target(%dma_start3A_198 : memref<10240x128xf32, #tpu.memory_space<vmem_shared>>) offsets(%dma_start3A_195 : memref<40xi32, #tpu.memory_space<vmem>>) semaphore(%arg27 : memref<!tpu.dma_semaphore, #tpu.memory_space<semaphore_mem>>) {add = true}
      %lt3A_199 = arith.constant 63 : i32
      %lt3A_200 = arith.cmpi slt, %add3A_114, %lt3A_199 : i32
      %convert_element_type3A_201 = arith.extui %lt3A_200 : i1 to i32
      %cond3A_202 = arith.constant 0 : i32
      %cond3A_203 = arith.cmpi ne, %convert_element_type3A_201, %cond3A_202 : i32
      scf.if %cond3A_203 {
        %dma_wait3A_389 = arith.constant 0 : i32
        %dma_wait3A_390 = arith.constant 0 : i32
        %dma_wait3A_391 = arith.constant 0 : i32
        %dma_wait3A_392 = arith.constant 0 : i32
        %dma_wait3A_393 = tpu.memref_slice %arg7[%dma_wait3A_390, %dma_wait3A_391, %dma_wait3A_392] : memref<3x8x40xi32, #tpu.memory_space<vmem>> -> memref<1x8x40xi32, #tpu.memory_space<vmem>>
        %dma_wait3A_394 = tpu.memref_squeeze %dma_wait3A_393 : memref<1x8x40xi32, #tpu.memory_space<vmem>> -> memref<8x40xi32, #tpu.memory_space<vmem>>
        %dma_wait3A_395 = arith.constant 0 : i32
        %dma_wait3A_396 = arith.constant 0 : i32
        %dma_wait3A_397 = tpu.memref_slice %arg3[%arg0, %arg1, %dma_wait3A_389, %dma_wait3A_395, %dma_wait3A_396] : memref<2x16x64x8x40xi32, #tpu.memory_space<hbm>> -> memref<1x1x1x8x40xi32, #tpu.memory_space<hbm>>
        %dma_wait3A_398 = tpu.memref_squeeze %dma_wait3A_397 : memref<1x1x1x8x40xi32, #tpu.memory_space<hbm>> -> memref<8x40xi32, #tpu.memory_space<hbm>>
        %dma_wait3A_399 = arith.constant 0 : i32
        %dma_wait3A_400 = arith.constant 0 : i32
        %dma_wait3A_401 = tpu.memref_slice %arg7[%dma_wait3A_390, %dma_wait3A_399, %dma_wait3A_400] : memref<3x8x40xi32, #tpu.memory_space<vmem>> -> memref<1x8x40xi32, #tpu.memory_space<vmem>>
        %dma_wait3A_402 = tpu.memref_squeeze %dma_wait3A_401 : memref<1x8x40xi32, #tpu.memory_space<vmem>> -> memref<8x40xi32, #tpu.memory_space<vmem>>
        %dma_wait3A_403 = arith.constant 0 : i32
        %dma_wait3A_404 = arith.constant 0 : i32
        %dma_wait3A_405 = tpu.memref_slice %arg3[%arg0, %arg1, %dma_wait3A_389, %dma_wait3A_403, %dma_wait3A_404] : memref<2x16x64x8x40xi32, #tpu.memory_space<hbm>> -> memref<1x1x1x8x40xi32, #tpu.memory_space<hbm>>
        %dma_wait3A_406 = tpu.memref_squeeze %dma_wait3A_405 : memref<1x1x1x8x40xi32, #tpu.memory_space<hbm>> -> memref<8x40xi32, #tpu.memory_space<hbm>>
        tpu.wait_dma2 semaphore(%arg34 : memref<!tpu.dma_semaphore, #tpu.memory_space<semaphore_mem>>) src(%dma_wait3A_406 : memref<8x40xi32, #tpu.memory_space<hbm>>) dst(%dma_wait3A_402 : memref<8x40xi32, #tpu.memory_space<vmem>>)
        %dma_wait3A_407 = arith.constant 0 : i32
        %dma_wait3A_408 = arith.constant 0 : i32
        %dma_wait3A_409 = arith.constant 0 : i32
        %dma_wait3A_410 = arith.constant 0 : i32
        %dma_wait3A_411 = tpu.memref_slice %arg8[%dma_wait3A_408, %dma_wait3A_409, %dma_wait3A_410] : memref<3x8x40xi32, #tpu.memory_space<vmem>> -> memref<1x8x40xi32, #tpu.memory_space<vmem>>
        %dma_wait3A_412 = tpu.memref_squeeze %dma_wait3A_411 : memref<1x8x40xi32, #tpu.memory_space<vmem>> -> memref<8x40xi32, #tpu.memory_space<vmem>>
        %dma_wait3A_413 = arith.constant 0 : i32
        %dma_wait3A_414 = arith.constant 0 : i32
        %dma_wait3A_415 = tpu.memref_slice %arg4[%arg1, %dma_wait3A_407, %dma_wait3A_413, %dma_wait3A_414] : memref<16x64x8x40xi32, #tpu.memory_space<hbm>> -> memref<1x1x8x40xi32, #tpu.memory_space<hbm>>
        %dma_wait3A_416 = tpu.memref_squeeze %dma_wait3A_415 : memref<1x1x8x40xi32, #tpu.memory_space<hbm>> -> memref<8x40xi32, #tpu.memory_space<hbm>>
        %dma_wait3A_417 = arith.constant 0 : i32
        %dma_wait3A_418 = arith.constant 0 : i32
        %dma_wait3A_419 = tpu.memref_slice %arg8[%dma_wait3A_408, %dma_wait3A_417, %dma_wait3A_418] : memref<3x8x40xi32, #tpu.memory_space<vmem>> -> memref<1x8x40xi32, #tpu.memory_space<vmem>>
        %dma_wait3A_420 = tpu.memref_squeeze %dma_wait3A_419 : memref<1x8x40xi32, #tpu.memory_space<vmem>> -> memref<8x40xi32, #tpu.memory_space<vmem>>
        %dma_wait3A_421 = arith.constant 0 : i32
        %dma_wait3A_422 = arith.constant 0 : i32
        %dma_wait3A_423 = tpu.memref_slice %arg4[%arg1, %dma_wait3A_407, %dma_wait3A_421, %dma_wait3A_422] : memref<16x64x8x40xi32, #tpu.memory_space<hbm>> -> memref<1x1x8x40xi32, #tpu.memory_space<hbm>>
        %dma_wait3A_424 = tpu.memref_squeeze %dma_wait3A_423 : memref<1x1x8x40xi32, #tpu.memory_space<hbm>> -> memref<8x40xi32, #tpu.memory_space<hbm>>
        tpu.wait_dma2 semaphore(%arg35 : memref<!tpu.dma_semaphore, #tpu.memory_space<semaphore_mem>>) src(%dma_wait3A_424 : memref<8x40xi32, #tpu.memory_space<hbm>>) dst(%dma_wait3A_420 : memref<8x40xi32, #tpu.memory_space<vmem>>)
      } else {
      }
      %gt3A_204 = arith.constant 0 : i32
      %gt3A_205 = arith.cmpi sgt, %add3A_114, %gt3A_204 : i32
      %convert_element_type3A_206 = arith.extui %gt3A_205 : i1 to i32
      %cond3A_207 = arith.constant 0 : i32
      %cond3A_208 = arith.cmpi ne, %convert_element_type3A_206, %cond3A_207 : i32
      scf.if %cond3A_208 {
        %dma_wait3A_389 = arith.constant 0 : i32
        %dma_wait3A_390 = arith.constant 0 : i32
        %dma_wait3A_391 = arith.constant 0 : i32
        %dma_wait3A_392 = tpu.memref_slice %arg8[%dma_wait3A_389, %dma_wait3A_390, %dma_wait3A_391] : memref<3x8x40xi32, #tpu.memory_space<vmem>> -> memref<1x1x40xi32, #tpu.memory_space<vmem>>
        %dma_wait3A_393 = tpu.memref_squeeze %dma_wait3A_392 : memref<1x1x40xi32, #tpu.memory_space<vmem>> -> memref<40xi32, #tpu.memory_space<vmem>>
        %dma_wait3A_394 = arith.constant 0 : i32
        %dma_wait3A_395 = arith.constant 0 : i32
        %dma_wait3A_396 = tpu.memref_slice %arg17[%dma_wait3A_394, %dma_wait3A_395] : memref<10240x128xf32, #tpu.memory_space<vmem_shared>> -> memref<10240x128xf32, #tpu.memory_space<vmem_shared>>
        tpu.wait_indirect_dma semaphore(%arg33 : memref<!tpu.dma_semaphore, #tpu.memory_space<semaphore_mem>>) src(%arg16 : memref<40x128xf32, #tpu.memory_space<vmem>>) dst(%dma_wait3A_396 : memref<10240x128xf32, #tpu.memory_space<vmem_shared>>)
      } else {
      }
      %dma_start3A_209 = arith.constant 7 : i32
      %dma_start3A_210 = arith.constant 0 : i32
      %dma_start3A_211 = tpu.memref_slice %arg7[%select_n3A_123, %dma_start3A_209, %dma_start3A_210] : memref<3x8x40xi32, #tpu.memory_space<vmem>> -> memref<1x1x40xi32, #tpu.memory_space<vmem>>
      %dma_start3A_212 = tpu.memref_squeeze %dma_start3A_211 : memref<1x1x40xi32, #tpu.memory_space<vmem>> -> memref<40xi32, #tpu.memory_space<vmem>>
      %dma_start3A_213 = arith.constant 0 : i32
      %dma_start3A_214 = arith.constant 0 : i32
      %dma_start3A_215 = tpu.memref_slice %arg2[%dma_start3A_213, %dma_start3A_214] : memref<20480x128xf32, #tpu.memory_space<hbm>> -> memref<20480x128xf32, #tpu.memory_space<hbm>>
      tpu.enqueue_indirect_dma source(%dma_start3A_215 : memref<20480x128xf32, #tpu.memory_space<hbm>>) target(%arg16 : memref<40x128xf32, #tpu.memory_space<vmem>>) offsets(%dma_start3A_212 : memref<40xi32, #tpu.memory_space<vmem>>) semaphore(%arg25 : memref<!tpu.dma_semaphore, #tpu.memory_space<semaphore_mem>>)
      %dma_wait3A_216 = arith.constant 0 : i32
      %dma_wait3A_217 = arith.constant 0 : i32
      %dma_wait3A_218 = arith.constant 0 : i32
      %dma_wait3A_219 = tpu.memref_slice %arg7[%dma_wait3A_216, %dma_wait3A_217, %dma_wait3A_218] : memref<3x8x40xi32, #tpu.memory_space<vmem>> -> memref<1x1x40xi32, #tpu.memory_space<vmem>>
      %dma_wait3A_220 = tpu.memref_squeeze %dma_wait3A_219 : memref<1x1x40xi32, #tpu.memory_space<vmem>> -> memref<40xi32, #tpu.memory_space<vmem>>
      %dma_wait3A_221 = arith.constant 0 : i32
      %dma_wait3A_222 = arith.constant 0 : i32
      %dma_wait3A_223 = tpu.memref_slice %arg2[%dma_wait3A_221, %dma_wait3A_222] : memref<20480x128xf32, #tpu.memory_space<hbm>> -> memref<20480x128xf32, #tpu.memory_space<hbm>>
      tpu.wait_indirect_dma semaphore(%arg20 : memref<!tpu.dma_semaphore, #tpu.memory_space<semaphore_mem>>) src(%dma_wait3A_223 : memref<20480x128xf32, #tpu.memory_space<hbm>>) dst(%arg11 : memref<40x128xf32, #tpu.memory_space<vmem>>)
      %dma_start3A_224 = arith.constant 2 : i32
      %dma_start3A_225 = arith.constant 0 : i32
      %dma_start3A_226 = tpu.memref_slice %arg8[%select_n3A_123, %dma_start3A_224, %dma_start3A_225] : memref<3x8x40xi32, #tpu.memory_space<vmem>> -> memref<1x1x40xi32, #tpu.memory_space<vmem>>
      %dma_start3A_227 = tpu.memref_squeeze %dma_start3A_226 : memref<1x1x40xi32, #tpu.memory_space<vmem>> -> memref<40xi32, #tpu.memory_space<vmem>>
      %dma_start3A_228 = arith.constant 0 : i32
      %dma_start3A_229 = arith.constant 0 : i32
      %dma_start3A_230 = tpu.memref_slice %arg17[%dma_start3A_228, %dma_start3A_229] : memref<10240x128xf32, #tpu.memory_space<vmem_shared>> -> memref<10240x128xf32, #tpu.memory_space<vmem_shared>>
      tpu.enqueue_indirect_dma source(%arg11 : memref<40x128xf32, #tpu.memory_space<vmem>>) target(%dma_start3A_230 : memref<10240x128xf32, #tpu.memory_space<vmem_shared>>) offsets(%dma_start3A_227 : memref<40xi32, #tpu.memory_space<vmem>>) semaphore(%arg28 : memref<!tpu.dma_semaphore, #tpu.memory_space<semaphore_mem>>) {add = true}
      %lt3A_231 = arith.constant 62 : i32
      %lt3A_232 = arith.cmpi slt, %add3A_114, %lt3A_231 : i32
      %convert_element_type3A_233 = arith.extui %lt3A_232 : i1 to i32
      %cond3A_234 = arith.constant 0 : i32
      %cond3A_235 = arith.cmpi ne, %convert_element_type3A_233, %cond3A_234 : i32
      scf.if %cond3A_235 {
        %add3A_389 = arith.constant 2 : i32
        %add3A_390 = arith.addi %add3A_114, %add3A_389 : i32
        %dma_start3A_391 = arith.constant 0 : i32
        %dma_start3A_392 = arith.constant 0 : i32
        %dma_start3A_393 = tpu.memref_slice %arg7[%select_n3A_159, %dma_start3A_391, %dma_start3A_392] : memref<3x8x40xi32, #tpu.memory_space<vmem>> -> memref<1x8x40xi32, #tpu.memory_space<vmem>>
        %dma_start3A_394 = tpu.memref_squeeze %dma_start3A_393 : memref<1x8x40xi32, #tpu.memory_space<vmem>> -> memref<8x40xi32, #tpu.memory_space<vmem>>
        %dma_start3A_395 = arith.constant 0 : i32
        %dma_start3A_396 = arith.constant 0 : i32
        %dma_start3A_397 = tpu.memref_slice %arg3[%arg0, %arg1, %add3A_390, %dma_start3A_395, %dma_start3A_396] : memref<2x16x64x8x40xi32, #tpu.memory_space<hbm>> -> memref<1x1x1x8x40xi32, #tpu.memory_space<hbm>>
        %dma_start3A_398 = tpu.memref_squeeze %dma_start3A_397 : memref<1x1x1x8x40xi32, #tpu.memory_space<hbm>> -> memref<8x40xi32, #tpu.memory_space<hbm>>
        %dma_start3A_399 = arith.constant 0 : i32
        %dma_start3A_400 = arith.constant 0 : i32
        %dma_start3A_401 = tpu.memref_slice %arg7[%select_n3A_159, %dma_start3A_399, %dma_start3A_400] : memref<3x8x40xi32, #tpu.memory_space<vmem>> -> memref<1x8x40xi32, #tpu.memory_space<vmem>>
        %dma_start3A_402 = tpu.memref_squeeze %dma_start3A_401 : memref<1x8x40xi32, #tpu.memory_space<vmem>> -> memref<8x40xi32, #tpu.memory_space<vmem>>
        %dma_start3A_403 = arith.constant 0 : i32
        %dma_start3A_404 = arith.constant 0 : i32
        %dma_start3A_405 = tpu.memref_slice %arg3[%arg0, %arg1, %add3A_390, %dma_start3A_403, %dma_start3A_404] : memref<2x16x64x8x40xi32, #tpu.memory_space<hbm>> -> memref<1x1x1x8x40xi32, #tpu.memory_space<hbm>>
        %dma_start3A_406 = tpu.memref_squeeze %dma_start3A_405 : memref<1x1x1x8x40xi32, #tpu.memory_space<hbm>> -> memref<8x40xi32, #tpu.memory_space<hbm>>
        tpu.enqueue_dma source(%dma_start3A_406 : memref<8x40xi32, #tpu.memory_space<hbm>>) target(%dma_start3A_402 : memref<8x40xi32, #tpu.memory_space<vmem>>) target_semaphore(%arg34 : memref<!tpu.dma_semaphore, #tpu.memory_space<semaphore_mem>>)
        %add3A_407 = arith.constant 2 : i32
        %add3A_408 = arith.addi %add3A_114, %add3A_407 : i32
        %dma_start3A_409 = arith.constant 0 : i32
        %dma_start3A_410 = arith.constant 0 : i32
        %dma_start3A_411 = tpu.memref_slice %arg8[%select_n3A_159, %dma_start3A_409, %dma_start3A_410] : memref<3x8x40xi32, #tpu.memory_space<vmem>> -> memref<1x8x40xi32, #tpu.memory_space<vmem>>
        %dma_start3A_412 = tpu.memref_squeeze %dma_start3A_411 : memref<1x8x40xi32, #tpu.memory_space<vmem>> -> memref<8x40xi32, #tpu.memory_space<vmem>>
        %dma_start3A_413 = arith.constant 0 : i32
        %dma_start3A_414 = arith.constant 0 : i32
        %dma_start3A_415 = tpu.memref_slice %arg4[%arg1, %add3A_408, %dma_start3A_413, %dma_start3A_414] : memref<16x64x8x40xi32, #tpu.memory_space<hbm>> -> memref<1x1x8x40xi32, #tpu.memory_space<hbm>>
        %dma_start3A_416 = tpu.memref_squeeze %dma_start3A_415 : memref<1x1x8x40xi32, #tpu.memory_space<hbm>> -> memref<8x40xi32, #tpu.memory_space<hbm>>
        %dma_start3A_417 = arith.constant 0 : i32
        %dma_start3A_418 = arith.constant 0 : i32
        %dma_start3A_419 = tpu.memref_slice %arg8[%select_n3A_159, %dma_start3A_417, %dma_start3A_418] : memref<3x8x40xi32, #tpu.memory_space<vmem>> -> memref<1x8x40xi32, #tpu.memory_space<vmem>>
        %dma_start3A_420 = tpu.memref_squeeze %dma_start3A_419 : memref<1x8x40xi32, #tpu.memory_space<vmem>> -> memref<8x40xi32, #tpu.memory_space<vmem>>
        %dma_start3A_421 = arith.constant 0 : i32
        %dma_start3A_422 = arith.constant 0 : i32
        %dma_start3A_423 = tpu.memref_slice %arg4[%arg1, %add3A_408, %dma_start3A_421, %dma_start3A_422] : memref<16x64x8x40xi32, #tpu.memory_space<hbm>> -> memref<1x1x8x40xi32, #tpu.memory_space<hbm>>
        %dma_start3A_424 = tpu.memref_squeeze %dma_start3A_423 : memref<1x1x8x40xi32, #tpu.memory_space<hbm>> -> memref<8x40xi32, #tpu.memory_space<hbm>>
        tpu.enqueue_dma source(%dma_start3A_424 : memref<8x40xi32, #tpu.memory_space<hbm>>) target(%dma_start3A_420 : memref<8x40xi32, #tpu.memory_space<vmem>>) target_semaphore(%arg35 : memref<!tpu.dma_semaphore, #tpu.memory_space<semaphore_mem>>)
      } else {
      }
      %dma_wait3A_236 = arith.constant 0 : i32
      %dma_wait3A_237 = arith.constant 0 : i32
      %dma_wait3A_238 = arith.constant 0 : i32
      %dma_wait3A_239 = tpu.memref_slice %arg8[%dma_wait3A_236, %dma_wait3A_237, %dma_wait3A_238] : memref<3x8x40xi32, #tpu.memory_space<vmem>> -> memref<1x1x40xi32, #tpu.memory_space<vmem>>
      %dma_wait3A_240 = tpu.memref_squeeze %dma_wait3A_239 : memref<1x1x40xi32, #tpu.memory_space<vmem>> -> memref<40xi32, #tpu.memory_space<vmem>>
      %dma_wait3A_241 = arith.constant 0 : i32
      %dma_wait3A_242 = arith.constant 0 : i32
      %dma_wait3A_243 = tpu.memref_slice %arg17[%dma_wait3A_241, %dma_wait3A_242] : memref<10240x128xf32, #tpu.memory_space<vmem_shared>> -> memref<10240x128xf32, #tpu.memory_space<vmem_shared>>
      tpu.wait_indirect_dma semaphore(%arg26 : memref<!tpu.dma_semaphore, #tpu.memory_space<semaphore_mem>>) src(%arg9 : memref<40x128xf32, #tpu.memory_space<vmem>>) dst(%dma_wait3A_243 : memref<10240x128xf32, #tpu.memory_space<vmem_shared>>)
      %lt3A_244 = arith.constant 63 : i32
      %lt3A_245 = arith.cmpi slt, %add3A_114, %lt3A_244 : i32
      %convert_element_type3A_246 = arith.extui %lt3A_245 : i1 to i32
      %cond3A_247 = arith.constant 0 : i32
      %cond3A_248 = arith.cmpi ne, %convert_element_type3A_246, %cond3A_247 : i32
      scf.if %cond3A_248 {
        %dma_start3A_389 = arith.constant 0 : i32
        %dma_start3A_390 = arith.constant 0 : i32
        %dma_start3A_391 = tpu.memref_slice %arg7[%select_n3A_141, %dma_start3A_389, %dma_start3A_390] : memref<3x8x40xi32, #tpu.memory_space<vmem>> -> memref<1x1x40xi32, #tpu.memory_space<vmem>>
        %dma_start3A_392 = tpu.memref_squeeze %dma_start3A_391 : memref<1x1x40xi32, #tpu.memory_space<vmem>> -> memref<40xi32, #tpu.memory_space<vmem>>
        %dma_start3A_393 = arith.constant 0 : i32
        %dma_start3A_394 = arith.constant 0 : i32
        %dma_start3A_395 = tpu.memref_slice %arg2[%dma_start3A_393, %dma_start3A_394] : memref<20480x128xf32, #tpu.memory_space<hbm>> -> memref<20480x128xf32, #tpu.memory_space<hbm>>
        tpu.enqueue_indirect_dma source(%dma_start3A_395 : memref<20480x128xf32, #tpu.memory_space<hbm>>) target(%arg9 : memref<40x128xf32, #tpu.memory_space<vmem>>) offsets(%dma_start3A_392 : memref<40xi32, #tpu.memory_space<vmem>>) semaphore(%arg18 : memref<!tpu.dma_semaphore, #tpu.memory_space<semaphore_mem>>)
      } else {
      }
      %dma_wait3A_249 = arith.constant 0 : i32
      %dma_wait3A_250 = arith.constant 0 : i32
      %dma_wait3A_251 = arith.constant 0 : i32
      %dma_wait3A_252 = tpu.memref_slice %arg7[%dma_wait3A_249, %dma_wait3A_250, %dma_wait3A_251] : memref<3x8x40xi32, #tpu.memory_space<vmem>> -> memref<1x1x40xi32, #tpu.memory_space<vmem>>
      %dma_wait3A_253 = tpu.memref_squeeze %dma_wait3A_252 : memref<1x1x40xi32, #tpu.memory_space<vmem>> -> memref<40xi32, #tpu.memory_space<vmem>>
      %dma_wait3A_254 = arith.constant 0 : i32
      %dma_wait3A_255 = arith.constant 0 : i32
      %dma_wait3A_256 = tpu.memref_slice %arg2[%dma_wait3A_254, %dma_wait3A_255] : memref<20480x128xf32, #tpu.memory_space<hbm>> -> memref<20480x128xf32, #tpu.memory_space<hbm>>
      tpu.wait_indirect_dma semaphore(%arg21 : memref<!tpu.dma_semaphore, #tpu.memory_space<semaphore_mem>>) src(%dma_wait3A_256 : memref<20480x128xf32, #tpu.memory_space<hbm>>) dst(%arg12 : memref<40x128xf32, #tpu.memory_space<vmem>>)
      %dma_start3A_257 = arith.constant 3 : i32
      %dma_start3A_258 = arith.constant 0 : i32
      %dma_start3A_259 = tpu.memref_slice %arg8[%select_n3A_123, %dma_start3A_257, %dma_start3A_258] : memref<3x8x40xi32, #tpu.memory_space<vmem>> -> memref<1x1x40xi32, #tpu.memory_space<vmem>>
      %dma_start3A_260 = tpu.memref_squeeze %dma_start3A_259 : memref<1x1x40xi32, #tpu.memory_space<vmem>> -> memref<40xi32, #tpu.memory_space<vmem>>
      %dma_start3A_261 = arith.constant 0 : i32
      %dma_start3A_262 = arith.constant 0 : i32
      %dma_start3A_263 = tpu.memref_slice %arg17[%dma_start3A_261, %dma_start3A_262] : memref<10240x128xf32, #tpu.memory_space<vmem_shared>> -> memref<10240x128xf32, #tpu.memory_space<vmem_shared>>
      tpu.enqueue_indirect_dma source(%arg12 : memref<40x128xf32, #tpu.memory_space<vmem>>) target(%dma_start3A_263 : memref<10240x128xf32, #tpu.memory_space<vmem_shared>>) offsets(%dma_start3A_260 : memref<40xi32, #tpu.memory_space<vmem>>) semaphore(%arg29 : memref<!tpu.dma_semaphore, #tpu.memory_space<semaphore_mem>>) {add = true}
      %dma_wait3A_264 = arith.constant 0 : i32
      %dma_wait3A_265 = arith.constant 0 : i32
      %dma_wait3A_266 = arith.constant 0 : i32
      %dma_wait3A_267 = tpu.memref_slice %arg8[%dma_wait3A_264, %dma_wait3A_265, %dma_wait3A_266] : memref<3x8x40xi32, #tpu.memory_space<vmem>> -> memref<1x1x40xi32, #tpu.memory_space<vmem>>
      %dma_wait3A_268 = tpu.memref_squeeze %dma_wait3A_267 : memref<1x1x40xi32, #tpu.memory_space<vmem>> -> memref<40xi32, #tpu.memory_space<vmem>>
      %dma_wait3A_269 = arith.constant 0 : i32
      %dma_wait3A_270 = arith.constant 0 : i32
      %dma_wait3A_271 = tpu.memref_slice %arg17[%dma_wait3A_269, %dma_wait3A_270] : memref<10240x128xf32, #tpu.memory_space<vmem_shared>> -> memref<10240x128xf32, #tpu.memory_space<vmem_shared>>
      tpu.wait_indirect_dma semaphore(%arg27 : memref<!tpu.dma_semaphore, #tpu.memory_space<semaphore_mem>>) src(%arg10 : memref<40x128xf32, #tpu.memory_space<vmem>>) dst(%dma_wait3A_271 : memref<10240x128xf32, #tpu.memory_space<vmem_shared>>)
      %lt3A_272 = arith.constant 63 : i32
      %lt3A_273 = arith.cmpi slt, %add3A_114, %lt3A_272 : i32
      %convert_element_type3A_274 = arith.extui %lt3A_273 : i1 to i32
      %cond3A_275 = arith.constant 0 : i32
      %cond3A_276 = arith.cmpi ne, %convert_element_type3A_274, %cond3A_275 : i32
      scf.if %cond3A_276 {
        %dma_start3A_389 = arith.constant 1 : i32
        %dma_start3A_390 = arith.constant 0 : i32
        %dma_start3A_391 = tpu.memref_slice %arg7[%select_n3A_141, %dma_start3A_389, %dma_start3A_390] : memref<3x8x40xi32, #tpu.memory_space<vmem>> -> memref<1x1x40xi32, #tpu.memory_space<vmem>>
        %dma_start3A_392 = tpu.memref_squeeze %dma_start3A_391 : memref<1x1x40xi32, #tpu.memory_space<vmem>> -> memref<40xi32, #tpu.memory_space<vmem>>
        %dma_start3A_393 = arith.constant 0 : i32
        %dma_start3A_394 = arith.constant 0 : i32
        %dma_start3A_395 = tpu.memref_slice %arg2[%dma_start3A_393, %dma_start3A_394] : memref<20480x128xf32, #tpu.memory_space<hbm>> -> memref<20480x128xf32, #tpu.memory_space<hbm>>
        tpu.enqueue_indirect_dma source(%dma_start3A_395 : memref<20480x128xf32, #tpu.memory_space<hbm>>) target(%arg10 : memref<40x128xf32, #tpu.memory_space<vmem>>) offsets(%dma_start3A_392 : memref<40xi32, #tpu.memory_space<vmem>>) semaphore(%arg19 : memref<!tpu.dma_semaphore, #tpu.memory_space<semaphore_mem>>)
      } else {
      }
      %dma_wait3A_277 = arith.constant 0 : i32
      %dma_wait3A_278 = arith.constant 0 : i32
      %dma_wait3A_279 = arith.constant 0 : i32
      %dma_wait3A_280 = tpu.memref_slice %arg7[%dma_wait3A_277, %dma_wait3A_278, %dma_wait3A_279] : memref<3x8x40xi32, #tpu.memory_space<vmem>> -> memref<1x1x40xi32, #tpu.memory_space<vmem>>
      %dma_wait3A_281 = tpu.memref_squeeze %dma_wait3A_280 : memref<1x1x40xi32, #tpu.memory_space<vmem>> -> memref<40xi32, #tpu.memory_space<vmem>>
      %dma_wait3A_282 = arith.constant 0 : i32
      %dma_wait3A_283 = arith.constant 0 : i32
      %dma_wait3A_284 = tpu.memref_slice %arg2[%dma_wait3A_282, %dma_wait3A_283] : memref<20480x128xf32, #tpu.memory_space<hbm>> -> memref<20480x128xf32, #tpu.memory_space<hbm>>
      tpu.wait_indirect_dma semaphore(%arg22 : memref<!tpu.dma_semaphore, #tpu.memory_space<semaphore_mem>>) src(%dma_wait3A_284 : memref<20480x128xf32, #tpu.memory_space<hbm>>) dst(%arg13 : memref<40x128xf32, #tpu.memory_space<vmem>>)
      %dma_start3A_285 = arith.constant 4 : i32
      %dma_start3A_286 = arith.constant 0 : i32
      %dma_start3A_287 = tpu.memref_slice %arg8[%select_n3A_123, %dma_start3A_285, %dma_start3A_286] : memref<3x8x40xi32, #tpu.memory_space<vmem>> -> memref<1x1x40xi32, #tpu.memory_space<vmem>>
      %dma_start3A_288 = tpu.memref_squeeze %dma_start3A_287 : memref<1x1x40xi32, #tpu.memory_space<vmem>> -> memref<40xi32, #tpu.memory_space<vmem>>
      %dma_start3A_289 = arith.constant 0 : i32
      %dma_start3A_290 = arith.constant 0 : i32
      %dma_start3A_291 = tpu.memref_slice %arg17[%dma_start3A_289, %dma_start3A_290] : memref<10240x128xf32, #tpu.memory_space<vmem_shared>> -> memref<10240x128xf32, #tpu.memory_space<vmem_shared>>
      tpu.enqueue_indirect_dma source(%arg13 : memref<40x128xf32, #tpu.memory_space<vmem>>) target(%dma_start3A_291 : memref<10240x128xf32, #tpu.memory_space<vmem_shared>>) offsets(%dma_start3A_288 : memref<40xi32, #tpu.memory_space<vmem>>) semaphore(%arg30 : memref<!tpu.dma_semaphore, #tpu.memory_space<semaphore_mem>>) {add = true}
      %dma_wait3A_292 = arith.constant 0 : i32
      %dma_wait3A_293 = arith.constant 0 : i32
      %dma_wait3A_294 = arith.constant 0 : i32
      %dma_wait3A_295 = tpu.memref_slice %arg8[%dma_wait3A_292, %dma_wait3A_293, %dma_wait3A_294] : memref<3x8x40xi32, #tpu.memory_space<vmem>> -> memref<1x1x40xi32, #tpu.memory_space<vmem>>
      %dma_wait3A_296 = tpu.memref_squeeze %dma_wait3A_295 : memref<1x1x40xi32, #tpu.memory_space<vmem>> -> memref<40xi32, #tpu.memory_space<vmem>>
      %dma_wait3A_297 = arith.constant 0 : i32
      %dma_wait3A_298 = arith.constant 0 : i32
      %dma_wait3A_299 = tpu.memref_slice %arg17[%dma_wait3A_297, %dma_wait3A_298] : memref<10240x128xf32, #tpu.memory_space<vmem_shared>> -> memref<10240x128xf32, #tpu.memory_space<vmem_shared>>
      tpu.wait_indirect_dma semaphore(%arg28 : memref<!tpu.dma_semaphore, #tpu.memory_space<semaphore_mem>>) src(%arg11 : memref<40x128xf32, #tpu.memory_space<vmem>>) dst(%dma_wait3A_299 : memref<10240x128xf32, #tpu.memory_space<vmem_shared>>)
      %lt3A_300 = arith.constant 63 : i32
      %lt3A_301 = arith.cmpi slt, %add3A_114, %lt3A_300 : i32
      %convert_element_type3A_302 = arith.extui %lt3A_301 : i1 to i32
      %cond3A_303 = arith.constant 0 : i32
      %cond3A_304 = arith.cmpi ne, %convert_element_type3A_302, %cond3A_303 : i32
      scf.if %cond3A_304 {
        %dma_start3A_389 = arith.constant 2 : i32
        %dma_start3A_390 = arith.constant 0 : i32
        %dma_start3A_391 = tpu.memref_slice %arg7[%select_n3A_141, %dma_start3A_389, %dma_start3A_390] : memref<3x8x40xi32, #tpu.memory_space<vmem>> -> memref<1x1x40xi32, #tpu.memory_space<vmem>>
        %dma_start3A_392 = tpu.memref_squeeze %dma_start3A_391 : memref<1x1x40xi32, #tpu.memory_space<vmem>> -> memref<40xi32, #tpu.memory_space<vmem>>
        %dma_start3A_393 = arith.constant 0 : i32
        %dma_start3A_394 = arith.constant 0 : i32
        %dma_start3A_395 = tpu.memref_slice %arg2[%dma_start3A_393, %dma_start3A_394] : memref<20480x128xf32, #tpu.memory_space<hbm>> -> memref<20480x128xf32, #tpu.memory_space<hbm>>
        tpu.enqueue_indirect_dma source(%dma_start3A_395 : memref<20480x128xf32, #tpu.memory_space<hbm>>) target(%arg11 : memref<40x128xf32, #tpu.memory_space<vmem>>) offsets(%dma_start3A_392 : memref<40xi32, #tpu.memory_space<vmem>>) semaphore(%arg20 : memref<!tpu.dma_semaphore, #tpu.memory_space<semaphore_mem>>)
      } else {
      }
      %dma_wait3A_305 = arith.constant 0 : i32
      %dma_wait3A_306 = arith.constant 0 : i32
      %dma_wait3A_307 = arith.constant 0 : i32
      %dma_wait3A_308 = tpu.memref_slice %arg7[%dma_wait3A_305, %dma_wait3A_306, %dma_wait3A_307] : memref<3x8x40xi32, #tpu.memory_space<vmem>> -> memref<1x1x40xi32, #tpu.memory_space<vmem>>
      %dma_wait3A_309 = tpu.memref_squeeze %dma_wait3A_308 : memref<1x1x40xi32, #tpu.memory_space<vmem>> -> memref<40xi32, #tpu.memory_space<vmem>>
      %dma_wait3A_310 = arith.constant 0 : i32
      %dma_wait3A_311 = arith.constant 0 : i32
      %dma_wait3A_312 = tpu.memref_slice %arg2[%dma_wait3A_310, %dma_wait3A_311] : memref<20480x128xf32, #tpu.memory_space<hbm>> -> memref<20480x128xf32, #tpu.memory_space<hbm>>
      tpu.wait_indirect_dma semaphore(%arg23 : memref<!tpu.dma_semaphore, #tpu.memory_space<semaphore_mem>>) src(%dma_wait3A_312 : memref<20480x128xf32, #tpu.memory_space<hbm>>) dst(%arg14 : memref<40x128xf32, #tpu.memory_space<vmem>>)
      %dma_start3A_313 = arith.constant 5 : i32
      %dma_start3A_314 = arith.constant 0 : i32
      %dma_start3A_315 = tpu.memref_slice %arg8[%select_n3A_123, %dma_start3A_313, %dma_start3A_314] : memref<3x8x40xi32, #tpu.memory_space<vmem>> -> memref<1x1x40xi32, #tpu.memory_space<vmem>>
      %dma_start3A_316 = tpu.memref_squeeze %dma_start3A_315 : memref<1x1x40xi32, #tpu.memory_space<vmem>> -> memref<40xi32, #tpu.memory_space<vmem>>
      %dma_start3A_317 = arith.constant 0 : i32
      %dma_start3A_318 = arith.constant 0 : i32
      %dma_start3A_319 = tpu.memref_slice %arg17[%dma_start3A_317, %dma_start3A_318] : memref<10240x128xf32, #tpu.memory_space<vmem_shared>> -> memref<10240x128xf32, #tpu.memory_space<vmem_shared>>
      tpu.enqueue_indirect_dma source(%arg14 : memref<40x128xf32, #tpu.memory_space<vmem>>) target(%dma_start3A_319 : memref<10240x128xf32, #tpu.memory_space<vmem_shared>>) offsets(%dma_start3A_316 : memref<40xi32, #tpu.memory_space<vmem>>) semaphore(%arg31 : memref<!tpu.dma_semaphore, #tpu.memory_space<semaphore_mem>>) {add = true}
      %dma_wait3A_320 = arith.constant 0 : i32
      %dma_wait3A_321 = arith.constant 0 : i32
      %dma_wait3A_322 = arith.constant 0 : i32
      %dma_wait3A_323 = tpu.memref_slice %arg8[%dma_wait3A_320, %dma_wait3A_321, %dma_wait3A_322] : memref<3x8x40xi32, #tpu.memory_space<vmem>> -> memref<1x1x40xi32, #tpu.memory_space<vmem>>
      %dma_wait3A_324 = tpu.memref_squeeze %dma_wait3A_323 : memref<1x1x40xi32, #tpu.memory_space<vmem>> -> memref<40xi32, #tpu.memory_space<vmem>>
      %dma_wait3A_325 = arith.constant 0 : i32
      %dma_wait3A_326 = arith.constant 0 : i32
      %dma_wait3A_327 = tpu.memref_slice %arg17[%dma_wait3A_325, %dma_wait3A_326] : memref<10240x128xf32, #tpu.memory_space<vmem_shared>> -> memref<10240x128xf32, #tpu.memory_space<vmem_shared>>
      tpu.wait_indirect_dma semaphore(%arg29 : memref<!tpu.dma_semaphore, #tpu.memory_space<semaphore_mem>>) src(%arg12 : memref<40x128xf32, #tpu.memory_space<vmem>>) dst(%dma_wait3A_327 : memref<10240x128xf32, #tpu.memory_space<vmem_shared>>)
      %lt3A_328 = arith.constant 63 : i32
      %lt3A_329 = arith.cmpi slt, %add3A_114, %lt3A_328 : i32
      %convert_element_type3A_330 = arith.extui %lt3A_329 : i1 to i32
      %cond3A_331 = arith.constant 0 : i32
      %cond3A_332 = arith.cmpi ne, %convert_element_type3A_330, %cond3A_331 : i32
      scf.if %cond3A_332 {
        %dma_start3A_389 = arith.constant 3 : i32
        %dma_start3A_390 = arith.constant 0 : i32
        %dma_start3A_391 = tpu.memref_slice %arg7[%select_n3A_141, %dma_start3A_389, %dma_start3A_390] : memref<3x8x40xi32, #tpu.memory_space<vmem>> -> memref<1x1x40xi32, #tpu.memory_space<vmem>>
        %dma_start3A_392 = tpu.memref_squeeze %dma_start3A_391 : memref<1x1x40xi32, #tpu.memory_space<vmem>> -> memref<40xi32, #tpu.memory_space<vmem>>
        %dma_start3A_393 = arith.constant 0 : i32
        %dma_start3A_394 = arith.constant 0 : i32
        %dma_start3A_395 = tpu.memref_slice %arg2[%dma_start3A_393, %dma_start3A_394] : memref<20480x128xf32, #tpu.memory_space<hbm>> -> memref<20480x128xf32, #tpu.memory_space<hbm>>
        tpu.enqueue_indirect_dma source(%dma_start3A_395 : memref<20480x128xf32, #tpu.memory_space<hbm>>) target(%arg12 : memref<40x128xf32, #tpu.memory_space<vmem>>) offsets(%dma_start3A_392 : memref<40xi32, #tpu.memory_space<vmem>>) semaphore(%arg21 : memref<!tpu.dma_semaphore, #tpu.memory_space<semaphore_mem>>)
      } else {
      }
      %dma_wait3A_333 = arith.constant 0 : i32
      %dma_wait3A_334 = arith.constant 0 : i32
      %dma_wait3A_335 = arith.constant 0 : i32
      %dma_wait3A_336 = tpu.memref_slice %arg7[%dma_wait3A_333, %dma_wait3A_334, %dma_wait3A_335] : memref<3x8x40xi32, #tpu.memory_space<vmem>> -> memref<1x1x40xi32, #tpu.memory_space<vmem>>
      %dma_wait3A_337 = tpu.memref_squeeze %dma_wait3A_336 : memref<1x1x40xi32, #tpu.memory_space<vmem>> -> memref<40xi32, #tpu.memory_space<vmem>>
      %dma_wait3A_338 = arith.constant 0 : i32
      %dma_wait3A_339 = arith.constant 0 : i32
      %dma_wait3A_340 = tpu.memref_slice %arg2[%dma_wait3A_338, %dma_wait3A_339] : memref<20480x128xf32, #tpu.memory_space<hbm>> -> memref<20480x128xf32, #tpu.memory_space<hbm>>
      tpu.wait_indirect_dma semaphore(%arg24 : memref<!tpu.dma_semaphore, #tpu.memory_space<semaphore_mem>>) src(%dma_wait3A_340 : memref<20480x128xf32, #tpu.memory_space<hbm>>) dst(%arg15 : memref<40x128xf32, #tpu.memory_space<vmem>>)
      %dma_start3A_341 = arith.constant 6 : i32
      %dma_start3A_342 = arith.constant 0 : i32
      %dma_start3A_343 = tpu.memref_slice %arg8[%select_n3A_123, %dma_start3A_341, %dma_start3A_342] : memref<3x8x40xi32, #tpu.memory_space<vmem>> -> memref<1x1x40xi32, #tpu.memory_space<vmem>>
      %dma_start3A_344 = tpu.memref_squeeze %dma_start3A_343 : memref<1x1x40xi32, #tpu.memory_space<vmem>> -> memref<40xi32, #tpu.memory_space<vmem>>
      %dma_start3A_345 = arith.constant 0 : i32
      %dma_start3A_346 = arith.constant 0 : i32
      %dma_start3A_347 = tpu.memref_slice %arg17[%dma_start3A_345, %dma_start3A_346] : memref<10240x128xf32, #tpu.memory_space<vmem_shared>> -> memref<10240x128xf32, #tpu.memory_space<vmem_shared>>
      tpu.enqueue_indirect_dma source(%arg15 : memref<40x128xf32, #tpu.memory_space<vmem>>) target(%dma_start3A_347 : memref<10240x128xf32, #tpu.memory_space<vmem_shared>>) offsets(%dma_start3A_344 : memref<40xi32, #tpu.memory_space<vmem>>) semaphore(%arg32 : memref<!tpu.dma_semaphore, #tpu.memory_space<semaphore_mem>>) {add = true}
      %dma_wait3A_348 = arith.constant 0 : i32
      %dma_wait3A_349 = arith.constant 0 : i32
      %dma_wait3A_350 = arith.constant 0 : i32
      %dma_wait3A_351 = tpu.memref_slice %arg8[%dma_wait3A_348, %dma_wait3A_349, %dma_wait3A_350] : memref<3x8x40xi32, #tpu.memory_space<vmem>> -> memref<1x1x40xi32, #tpu.memory_space<vmem>>
      %dma_wait3A_352 = tpu.memref_squeeze %dma_wait3A_351 : memref<1x1x40xi32, #tpu.memory_space<vmem>> -> memref<40xi32, #tpu.memory_space<vmem>>
      %dma_wait3A_353 = arith.constant 0 : i32
      %dma_wait3A_354 = arith.constant 0 : i32
      %dma_wait3A_355 = tpu.memref_slice %arg17[%dma_wait3A_353, %dma_wait3A_354] : memref<10240x128xf32, #tpu.memory_space<vmem_shared>> -> memref<10240x128xf32, #tpu.memory_space<vmem_shared>>
      tpu.wait_indirect_dma semaphore(%arg30 : memref<!tpu.dma_semaphore, #tpu.memory_space<semaphore_mem>>) src(%arg13 : memref<40x128xf32, #tpu.memory_space<vmem>>) dst(%dma_wait3A_355 : memref<10240x128xf32, #tpu.memory_space<vmem_shared>>)
      %lt3A_356 = arith.constant 63 : i32
      %lt3A_357 = arith.cmpi slt, %add3A_114, %lt3A_356 : i32
      %convert_element_type3A_358 = arith.extui %lt3A_357 : i1 to i32
      %cond3A_359 = arith.constant 0 : i32
      %cond3A_360 = arith.cmpi ne, %convert_element_type3A_358, %cond3A_359 : i32
      scf.if %cond3A_360 {
        %dma_start3A_389 = arith.constant 4 : i32
        %dma_start3A_390 = arith.constant 0 : i32
        %dma_start3A_391 = tpu.memref_slice %arg7[%select_n3A_141, %dma_start3A_389, %dma_start3A_390] : memref<3x8x40xi32, #tpu.memory_space<vmem>> -> memref<1x1x40xi32, #tpu.memory_space<vmem>>
        %dma_start3A_392 = tpu.memref_squeeze %dma_start3A_391 : memref<1x1x40xi32, #tpu.memory_space<vmem>> -> memref<40xi32, #tpu.memory_space<vmem>>
        %dma_start3A_393 = arith.constant 0 : i32
        %dma_start3A_394 = arith.constant 0 : i32
        %dma_start3A_395 = tpu.memref_slice %arg2[%dma_start3A_393, %dma_start3A_394] : memref<20480x128xf32, #tpu.memory_space<hbm>> -> memref<20480x128xf32, #tpu.memory_space<hbm>>
        tpu.enqueue_indirect_dma source(%dma_start3A_395 : memref<20480x128xf32, #tpu.memory_space<hbm>>) target(%arg13 : memref<40x128xf32, #tpu.memory_space<vmem>>) offsets(%dma_start3A_392 : memref<40xi32, #tpu.memory_space<vmem>>) semaphore(%arg22 : memref<!tpu.dma_semaphore, #tpu.memory_space<semaphore_mem>>)
      } else {
      }
      %dma_wait3A_361 = arith.constant 0 : i32
      %dma_wait3A_362 = arith.constant 0 : i32
      %dma_wait3A_363 = arith.constant 0 : i32
      %dma_wait3A_364 = tpu.memref_slice %arg7[%dma_wait3A_361, %dma_wait3A_362, %dma_wait3A_363] : memref<3x8x40xi32, #tpu.memory_space<vmem>> -> memref<1x1x40xi32, #tpu.memory_space<vmem>>
      %dma_wait3A_365 = tpu.memref_squeeze %dma_wait3A_364 : memref<1x1x40xi32, #tpu.memory_space<vmem>> -> memref<40xi32, #tpu.memory_space<vmem>>
      %dma_wait3A_366 = arith.constant 0 : i32
      %dma_wait3A_367 = arith.constant 0 : i32
      %dma_wait3A_368 = tpu.memref_slice %arg2[%dma_wait3A_366, %dma_wait3A_367] : memref<20480x128xf32, #tpu.memory_space<hbm>> -> memref<20480x128xf32, #tpu.memory_space<hbm>>
      tpu.wait_indirect_dma semaphore(%arg25 : memref<!tpu.dma_semaphore, #tpu.memory_space<semaphore_mem>>) src(%dma_wait3A_368 : memref<20480x128xf32, #tpu.memory_space<hbm>>) dst(%arg16 : memref<40x128xf32, #tpu.memory_space<vmem>>)
      %dma_start3A_369 = arith.constant 7 : i32
      %dma_start3A_370 = arith.constant 0 : i32
      %dma_start3A_371 = tpu.memref_slice %arg8[%select_n3A_123, %dma_start3A_369, %dma_start3A_370] : memref<3x8x40xi32, #tpu.memory_space<vmem>> -> memref<1x1x40xi32, #tpu.memory_space<vmem>>
      %dma_start3A_372 = tpu.memref_squeeze %dma_start3A_371 : memref<1x1x40xi32, #tpu.memory_space<vmem>> -> memref<40xi32, #tpu.memory_space<vmem>>
      %dma_start3A_373 = arith.constant 0 : i32
      %dma_start3A_374 = arith.constant 0 : i32
      %dma_start3A_375 = tpu.memref_slice %arg17[%dma_start3A_373, %dma_start3A_374] : memref<10240x128xf32, #tpu.memory_space<vmem_shared>> -> memref<10240x128xf32, #tpu.memory_space<vmem_shared>>
      tpu.enqueue_indirect_dma source(%arg16 : memref<40x128xf32, #tpu.memory_space<vmem>>) target(%dma_start3A_375 : memref<10240x128xf32, #tpu.memory_space<vmem_shared>>) offsets(%dma_start3A_372 : memref<40xi32, #tpu.memory_space<vmem>>) semaphore(%arg33 : memref<!tpu.dma_semaphore, #tpu.memory_space<semaphore_mem>>) {add = true}
      %dma_wait3A_376 = arith.constant 0 : i32
      %dma_wait3A_377 = arith.constant 0 : i32
      %dma_wait3A_378 = arith.constant 0 : i32
      %dma_wait3A_379 = tpu.memref_slice %arg8[%dma_wait3A_376, %dma_wait3A_377, %dma_wait3A_378] : memref<3x8x40xi32, #tpu.memory_space<vmem>> -> memref<1x1x40xi32, #tpu.memory_space<vmem>>
      %dma_wait3A_380 = tpu.memref_squeeze %dma_wait3A_379 : memref<1x1x40xi32, #tpu.memory_space<vmem>> -> memref<40xi32, #tpu.memory_space<vmem>>
      %dma_wait3A_381 = arith.constant 0 : i32
      %dma_wait3A_382 = arith.constant 0 : i32
      %dma_wait3A_383 = tpu.memref_slice %arg17[%dma_wait3A_381, %dma_wait3A_382] : memref<10240x128xf32, #tpu.memory_space<vmem_shared>> -> memref<10240x128xf32, #tpu.memory_space<vmem_shared>>
      tpu.wait_indirect_dma semaphore(%arg31 : memref<!tpu.dma_semaphore, #tpu.memory_space<semaphore_mem>>) src(%arg14 : memref<40x128xf32, #tpu.memory_space<vmem>>) dst(%dma_wait3A_383 : memref<10240x128xf32, #tpu.memory_space<vmem_shared>>)
      %lt3A_384 = arith.constant 63 : i32
      %lt3A_385 = arith.cmpi slt, %add3A_114, %lt3A_384 : i32
      %convert_element_type3A_386 = arith.extui %lt3A_385 : i1 to i32
      %cond3A_387 = arith.constant 0 : i32
      %cond3A_388 = arith.cmpi ne, %convert_element_type3A_386, %cond3A_387 : i32
      scf.if %cond3A_388 {
        %dma_start3A_389 = arith.constant 5 : i32
        %dma_start3A_390 = arith.constant 0 : i32
        %dma_start3A_391 = tpu.memref_slice %arg7[%select_n3A_141, %dma_start3A_389, %dma_start3A_390] : memref<3x8x40xi32, #tpu.memory_space<vmem>> -> memref<1x1x40xi32, #tpu.memory_space<vmem>>
        %dma_start3A_392 = tpu.memref_squeeze %dma_start3A_391 : memref<1x1x40xi32, #tpu.memory_space<vmem>> -> memref<40xi32, #tpu.memory_space<vmem>>
        %dma_start3A_393 = arith.constant 0 : i32
        %dma_start3A_394 = arith.constant 0 : i32
        %dma_start3A_395 = tpu.memref_slice %arg2[%dma_start3A_393, %dma_start3A_394] : memref<20480x128xf32, #tpu.memory_space<hbm>> -> memref<20480x128xf32, #tpu.memory_space<hbm>>
        tpu.enqueue_indirect_dma source(%dma_start3A_395 : memref<20480x128xf32, #tpu.memory_space<hbm>>) target(%arg14 : memref<40x128xf32, #tpu.memory_space<vmem>>) offsets(%dma_start3A_392 : memref<40xi32, #tpu.memory_space<vmem>>) semaphore(%arg23 : memref<!tpu.dma_semaphore, #tpu.memory_space<semaphore_mem>>)
      } else {
      }
    }
    %scan3A_90 = arith.constant 64 : i32
    %dma_wait3A = arith.constant 0 : i32
    %dma_wait3A_91 = arith.constant 0 : i32
    %dma_wait3A_92 = arith.constant 0 : i32
    %dma_wait3A_93 = tpu.memref_slice %arg8[%dma_wait3A, %dma_wait3A_91, %dma_wait3A_92] : memref<3x8x40xi32, #tpu.memory_space<vmem>> -> memref<1x1x40xi32, #tpu.memory_space<vmem>>
    %dma_wait3A_94 = tpu.memref_squeeze %dma_wait3A_93 : memref<1x1x40xi32, #tpu.memory_space<vmem>> -> memref<40xi32, #tpu.memory_space<vmem>>
    %dma_wait3A_95 = arith.constant 0 : i32
    %dma_wait3A_96 = arith.constant 0 : i32
    %dma_wait3A_97 = tpu.memref_slice %arg17[%dma_wait3A_95, %dma_wait3A_96] : memref<10240x128xf32, #tpu.memory_space<vmem_shared>> -> memref<10240x128xf32, #tpu.memory_space<vmem_shared>>
    tpu.wait_indirect_dma semaphore(%arg32 : memref<!tpu.dma_semaphore, #tpu.memory_space<semaphore_mem>>) src(%arg15 : memref<40x128xf32, #tpu.memory_space<vmem>>) dst(%dma_wait3A_97 : memref<10240x128xf32, #tpu.memory_space<vmem_shared>>)
    %dma_wait3A_98 = arith.constant 0 : i32
    %dma_wait3A_99 = arith.constant 0 : i32
    %dma_wait3A_100 = arith.constant 0 : i32
    %dma_wait3A_101 = tpu.memref_slice %arg8[%dma_wait3A_98, %dma_wait3A_99, %dma_wait3A_100] : memref<3x8x40xi32, #tpu.memory_space<vmem>> -> memref<1x1x40xi32, #tpu.memory_space<vmem>>
    %dma_wait3A_102 = tpu.memref_squeeze %dma_wait3A_101 : memref<1x1x40xi32, #tpu.memory_space<vmem>> -> memref<40xi32, #tpu.memory_space<vmem>>
    %dma_wait3A_103 = arith.constant 0 : i32
    %dma_wait3A_104 = arith.constant 0 : i32
    %dma_wait3A_105 = tpu.memref_slice %arg17[%dma_wait3A_103, %dma_wait3A_104] : memref<10240x128xf32, #tpu.memory_space<vmem_shared>> -> memref<10240x128xf32, #tpu.memory_space<vmem_shared>>
    tpu.wait_indirect_dma semaphore(%arg33 : memref<!tpu.dma_semaphore, #tpu.memory_space<semaphore_mem>>) src(%arg16 : memref<40x128xf32, #tpu.memory_space<vmem>>) dst(%dma_wait3A_105 : memref<10240x128xf32, #tpu.memory_space<vmem_shared>>)
    %barrier3A_106 = arith.constant 0 : index
    tpu.barrier barrier_id(%barrier3A_106)
    %mul3A_107 = arith.constant 640 : i32
    %mul3A_108 = arith.muli %arg1, %mul3A_107 : i32
    %mul3A_109 = arith.constant 640 : i32
    %mul3A_110 = arith.muli %arg1, %mul3A_109 : i32
    "tpu.region"() ({
      %run_scoped3A_111 = tpu.sem_alloc : memref<!tpu.dma_semaphore, #tpu.memory_space<semaphore_mem>>
      %dma_start3A_112 = arith.constant 0 : i32
      %dma_start3A_113 = tpu.memref_slice %arg6[%arg0, %mul3A_110, %dma_start3A_112] : memref<2x10240x128xf32, #tpu.memory_space<hbm>> -> memref<1x640x128xf32, #tpu.memory_space<hbm>>
      %dma_start3A_114 = tpu.memref_squeeze %dma_start3A_113 : memref<1x640x128xf32, #tpu.memory_space<hbm>> -> memref<640x128xf32, #tpu.memory_space<hbm>>
      %dma_start3A_115 = arith.constant 0 : i32
      %dma_start3A_116 = tpu.memref_slice %arg17[%mul3A_108, %dma_start3A_115] : memref<10240x128xf32, #tpu.memory_space<vmem_shared>> -> memref<640x128xf32, #tpu.memory_space<vmem_shared>>
      tpu.enqueue_dma source(%dma_start3A_116 : memref<640x128xf32, #tpu.memory_space<vmem_shared>>) target(%dma_start3A_114 : memref<640x128xf32, #tpu.memory_space<hbm>>) target_semaphore(%run_scoped3A_111 : memref<!tpu.dma_semaphore, #tpu.memory_space<semaphore_mem>>)
      %dma_wait3A_117 = arith.constant 0 : i32
      %dma_wait3A_118 = tpu.memref_slice %arg6[%arg0, %mul3A_110, %dma_wait3A_117] : memref<2x10240x128xf32, #tpu.memory_space<hbm>> -> memref<1x640x128xf32, #tpu.memory_space<hbm>>
      %dma_wait3A_119 = tpu.memref_squeeze %dma_wait3A_118 : memref<1x640x128xf32, #tpu.memory_space<hbm>> -> memref<640x128xf32, #tpu.memory_space<hbm>>
      %dma_wait3A_120 = arith.constant 0 : i32
      %dma_wait3A_121 = tpu.memref_slice %arg17[%mul3A_108, %dma_wait3A_120] : memref<10240x128xf32, #tpu.memory_space<vmem_shared>> -> memref<640x128xf32, #tpu.memory_space<vmem_shared>>
      tpu.wait_dma2 semaphore(%run_scoped3A_111 : memref<!tpu.dma_semaphore, #tpu.memory_space<semaphore_mem>>) src(%dma_wait3A_121 : memref<640x128xf32, #tpu.memory_space<vmem_shared>>) dst(%dma_wait3A_119 : memref<640x128xf32, #tpu.memory_space<hbm>>)
      tpu.yield
    }) : () -> ()
    return
  }
}

module attributes {stable_mosaic.version = 14 : i64} {
  func.func @_mma_body(%arg0: i32, %arg1: memref<2048x256xf32, #tpu.memory_space<vmem>>, %arg2: memref<256x256xf32, #tpu.memory_space<vmem>>, %arg3: memref<2048x256xf32, #tpu.memory_space<vmem>>) attributes {dimension_semantics = [#tpu.dimension_semantics<arbitrary>], iteration_bounds = array<i64: 5>, scalar_prefetch = 0 : i64, scratch_operands = 0 : i64, tpu.core_type = #tpu.core_type<tc>, window_params = [{transform_indices = @transform_0, window_bounds = array<i64: 2048, 256>}, {pipeline_mode = #tpu.pipeline_mode<synchronous>, transform_indices = @transform_1, window_bounds = array<i64: 256, 256>}, {transform_indices = @transform_2, window_bounds = array<i64: 2048, 256>}]} {
    %get3A = arith.constant 0 : index
    %get3A_0 = arith.constant 0 : index
    %get3A_1 = vector.load %arg1[%get3A, %get3A_0] : memref<2048x256xf32, #tpu.memory_space<vmem>>, vector<2048x256xf32>
    %get3A_2 = arith.constant 0 : index
    %get3A_3 = arith.constant 0 : index
    %get3A_4 = vector.load %arg2[%get3A_2, %get3A_3] : memref<256x256xf32, #tpu.memory_space<vmem>>, vector<256x256xf32>
    %dot_general3A = arith.constant dense<0.000000e+00> : vector<2048x256xf32>
    %dot_general3A_5 = tpu.matmul %get3A_1, %get3A_4, %dot_general3A {dimension_numbers = #tpu.dot_dimension_numbers<[1], [0], [0], [1], [0, 0, 1, 1], [], []>, transpose_lhs_hint = false} : vector<2048x256xf32>, vector<256x256xf32>, vector<2048x256xf32> -> vector<2048x256xf32>
    %swap3A = arith.constant 0 : index
    %swap3A_6 = arith.constant 0 : index
    %swap3A_7 = vector.load %arg3[%swap3A, %swap3A_6] : memref<2048x256xf32, #tpu.memory_space<vmem>>, vector<2048x256xf32>
    tpu.vector_store %arg3[%swap3A, %swap3A_6], %dot_general3A_5 {strides = array<i32>} : memref<2048x256xf32, #tpu.memory_space<vmem>>, vector<2048x256xf32>,
    return
  }
  func.func @transform_0(%arg0: i32) -> (i32, i32) {
    %c0_i32 = arith.constant 0 : i32
    %c0_i32_0 = arith.constant 0 : i32
    return %arg0, %c0_i32 : i32, i32
  }
  func.func @transform_1(%arg0: i32) -> (i32, i32) {
    %c0_i32 = arith.constant 0 : i32
    %c0_i32_0 = arith.constant 0 : i32
    %c0_i32_1 = arith.constant 0 : i32
    return %c0_i32, %c0_i32_0 : i32, i32
  }
  func.func @transform_2(%arg0: i32) -> (i32, i32) {
    %c0_i32 = arith.constant 0 : i32
    %c0_i32_0 = arith.constant 0 : i32
    return %arg0, %c0_i32 : i32, i32
  }
}

module attributes {stable_mosaic.version = 14 : i64} {
  func.func @_mmb_body(%arg0: i32, %arg1: memref<2048x256xf32, #tpu.memory_space<vmem>>, %arg2: memref<2x10240xf32, #tpu.memory_space<vmem>>, %arg3: memref<2x2048x128xf32, #tpu.memory_space<vmem>>) attributes {dimension_semantics = [#tpu.dimension_semantics<arbitrary>], iteration_bounds = array<i64: 5>, scalar_prefetch = 0 : i64, scratch_operands = 0 : i64, tpu.core_type = #tpu.core_type<tc>, window_params = [{transform_indices = @transform_0, window_bounds = array<i64: 2048, 256>}, {pipeline_mode = #tpu.pipeline_mode<synchronous>, transform_indices = @transform_1, window_bounds = array<i64: 2, 10240>}, {transform_indices = @transform_2, window_bounds = array<i64: 2, 2048, 128>}]} {
    %mul3A = arith.constant 2048 : i32
    %mul3A_0 = arith.muli %arg0, %mul3A : i32
    %multiple_of3A = tpu.assume_multiple %mul3A_0, 128 : i32
    %get3A = arith.constant 0 : index
    %get3A_1 = arith.index_cast %multiple_of3A : i32 to index
    %get3A_2 = vector.load %arg2[%get3A, %get3A_1] : memref<2x10240xf32, #tpu.memory_space<vmem>>, vector<1x2048xf32>
    %get3A_3 = vector.shape_cast %get3A_2 : vector<1x2048xf32> to vector<2048xf32>
    %get3A_4 = arith.constant 1 : index
    %get3A_5 = arith.index_cast %multiple_of3A : i32 to index
    %get3A_6 = vector.load %arg2[%get3A_4, %get3A_5] : memref<2x10240xf32, #tpu.memory_space<vmem>>, vector<1x2048xf32>
    %get3A_7 = vector.shape_cast %get3A_6 : vector<1x2048xf32> to vector<2048xf32>
    %add3A = arith.addf %get3A_3, %get3A_7 : vector<2048xf32>
    %add3A_8 = arith.constant 1.000000e+00 : f32
    %add3A_9 = vector.broadcast %add3A_8 : f32 to vector<2048xf32>
    %add3A_10 = arith.addf %add3A, %add3A_9 : vector<2048xf32>
    %rsqrt3A = math.rsqrt %add3A_10 : vector<2048xf32>
    %broadcast_in_dim3A = vector.shape_cast %rsqrt3A : vector<2048xf32> to vector<2048x1xf32>
    %get3A_11 = arith.constant 0 : index
    %get3A_12 = arith.constant 0 : index
    %get3A_13 = vector.load %arg1[%get3A_11, %get3A_12] : memref<2048x256xf32, #tpu.memory_space<vmem>>, vector<2048x256xf32>
    %mul3A_14 = vector.broadcast %broadcast_in_dim3A : vector<2048x1xf32> to vector<2048x256xf32>
    %mul3A_15 = arith.mulf %get3A_13, %mul3A_14 : vector<2048x256xf32>
    %slice3A = vector.extract_strided_slice %mul3A_15 {offsets = [0, 0], sizes = [2048, 128], strides = [1, 1]} : vector<2048x256xf32> to vector<2048x128xf32>
    %swap3A = arith.constant 0 : index
    %swap3A_16 = arith.constant 0 : index
    %swap3A_17 = arith.constant 0 : index
    %swap3A_18 = vector.load %arg3[%swap3A, %swap3A_16, %swap3A_17] : memref<2x2048x128xf32, #tpu.memory_space<vmem>>, vector<1x2048x128xf32>
    %swap3A_19 = vector.shape_cast %swap3A_18 : vector<1x2048x128xf32> to vector<2048x128xf32>
    %swap3A_20 = vector.shape_cast %slice3A : vector<2048x128xf32> to vector<1x2048x128xf32>
    tpu.vector_store %arg3[%swap3A, %swap3A_16, %swap3A_17], %swap3A_20 {strides = array<i32>} : memref<2x2048x128xf32, #tpu.memory_space<vmem>>, vector<1x2048x128xf32>,
    %slice3A_21 = vector.extract_strided_slice %mul3A_15 {offsets = [0, 128], sizes = [2048, 128], strides = [1, 1]} : vector<2048x256xf32> to vector<2048x128xf32>
    %swap3A_22 = arith.constant 1 : index
    %swap3A_23 = arith.constant 0 : index
    %swap3A_24 = arith.constant 0 : index
    %swap3A_25 = vector.load %arg3[%swap3A_22, %swap3A_23, %swap3A_24] : memref<2x2048x128xf32, #tpu.memory_space<vmem>>, vector<1x2048x128xf32>
    %swap3A_26 = vector.shape_cast %swap3A_25 : vector<1x2048x128xf32> to vector<2048x128xf32>
    %swap3A_27 = vector.shape_cast %slice3A_21 : vector<2048x128xf32> to vector<1x2048x128xf32>
    tpu.vector_store %arg3[%swap3A_22, %swap3A_23, %swap3A_24], %swap3A_27 {strides = array<i32>} : memref<2x2048x128xf32, #tpu.memory_space<vmem>>, vector<1x2048x128xf32>,
    return
  }
  func.func @transform_0(%arg0: i32) -> (i32, i32) {
    %c0_i32 = arith.constant 0 : i32
    %c0_i32_0 = arith.constant 0 : i32
    return %arg0, %c0_i32 : i32, i32
  }
  func.func @transform_1(%arg0: i32) -> (i32, i32) {
    %c0_i32 = arith.constant 0 : i32
    %c0_i32_0 = arith.constant 0 : i32
    %c0_i32_1 = arith.constant 0 : i32
    return %c0_i32, %c0_i32_0 : i32, i32
  }
  func.func @transform_2(%arg0: i32) -> (i32, i32, i32) {
    %c0_i32 = arith.constant 0 : i32
    %c0_i32_0 = arith.constant 0 : i32
    %c0_i32_1 = arith.constant 0 : i32
    return %c0_i32, %arg0, %c0_i32_0 : i32, i32, i32
  }
}

module attributes {stable_mosaic.version = 14 : i64} {
  func.func @_mid_body(%arg0: i32, %arg1: memref<2x2048x128xf32, #tpu.memory_space<vmem>>, %arg2: memref<2x2048x128xf32, #tpu.memory_space<vmem>>, %arg3: memref<2x10240xf32, #tpu.memory_space<vmem>>, %arg4: memref<1x256xf32, #tpu.memory_space<vmem>>, %arg5: memref<256x256xf32, #tpu.memory_space<vmem>>, %arg6: memref<2x2048x128xf32, #tpu.memory_space<vmem>>) attributes {dimension_semantics = [#tpu.dimension_semantics<arbitrary>], iteration_bounds = array<i64: 5>, scalar_prefetch = 0 : i64, scratch_operands = 0 : i64, tpu.core_type = #tpu.core_type<tc>, window_params = [{transform_indices = @transform_0, window_bounds = array<i64: 2, 2048, 128>}, {transform_indices = @transform_1, window_bounds = array<i64: 2, 2048, 128>}, {pipeline_mode = #tpu.pipeline_mode<synchronous>, transform_indices = @transform_2, window_bounds = array<i64: 2, 10240>}, {pipeline_mode = #tpu.pipeline_mode<synchronous>, transform_indices = @transform_3, window_bounds = array<i64: 1, 256>}, {pipeline_mode = #tpu.pipeline_mode<synchronous>, transform_indices = @transform_4, window_bounds = array<i64: 256, 256>}, {transform_indices = @transform_5, window_bounds = array<i64: 2, 2048, 128>}]} {
    %mul3A = arith.constant 2048 : i32
    %mul3A_0 = arith.muli %arg0, %mul3A : i32
    %multiple_of3A = tpu.assume_multiple %mul3A_0, 128 : i32
    %get3A = arith.constant 0 : index
    %get3A_1 = arith.index_cast %multiple_of3A : i32 to index
    %get3A_2 = vector.load %arg3[%get3A, %get3A_1] : memref<2x10240xf32, #tpu.memory_space<vmem>>, vector<1x2048xf32>
    %get3A_3 = vector.shape_cast %get3A_2 : vector<1x2048xf32> to vector<2048xf32>
    %get3A_4 = arith.constant 1 : index
    %get3A_5 = arith.index_cast %multiple_of3A : i32 to index
    %get3A_6 = vector.load %arg3[%get3A_4, %get3A_5] : memref<2x10240xf32, #tpu.memory_space<vmem>>, vector<1x2048xf32>
    %get3A_7 = vector.shape_cast %get3A_6 : vector<1x2048xf32> to vector<2048xf32>
    %add3A = arith.addf %get3A_3, %get3A_7 : vector<2048xf32>
    %add3A_8 = arith.constant 1.000000e+00 : f32
    %add3A_9 = vector.broadcast %add3A_8 : f32 to vector<2048xf32>
    %add3A_10 = arith.addf %add3A, %add3A_9 : vector<2048xf32>
    %rsqrt3A = math.rsqrt %add3A_10 : vector<2048xf32>
    %broadcast_in_dim3A = vector.shape_cast %rsqrt3A : vector<2048xf32> to vector<2048x1xf32>
    %get3A_11 = arith.constant 0 : index
    %get3A_12 = arith.constant 0 : index
    %get3A_13 = arith.constant 0 : index
    %get3A_14 = vector.load %arg1[%get3A_11, %get3A_12, %get3A_13] : memref<2x2048x128xf32, #tpu.memory_space<vmem>>, vector<1x2048x128xf32>
    %get3A_15 = vector.shape_cast %get3A_14 : vector<1x2048x128xf32> to vector<2048x128xf32>
    %get3A_16 = arith.constant 0 : index
    %get3A_17 = arith.constant 0 : index
    %get3A_18 = arith.constant 0 : index
    %get3A_19 = vector.load %arg2[%get3A_16, %get3A_17, %get3A_18] : memref<2x2048x128xf32, #tpu.memory_space<vmem>>, vector<1x2048x128xf32>
    %get3A_20 = vector.shape_cast %get3A_19 : vector<1x2048x128xf32> to vector<2048x128xf32>
    %add3A_21 = arith.addf %get3A_15, %get3A_20 : vector<2048x128xf32>
    %mul3A_22 = vector.broadcast %broadcast_in_dim3A : vector<2048x1xf32> to vector<2048x128xf32>
    %mul3A_23 = arith.mulf %add3A_21, %mul3A_22 : vector<2048x128xf32>
    %get3A_24 = arith.constant 0 : index
    %get3A_25 = arith.constant 0 : index
    %get3A_26 = vector.load %arg4[%get3A_24, %get3A_25] : memref<1x256xf32, #tpu.memory_space<vmem>>, vector<1x128xf32>
    %get3A_27 = vector.shape_cast %get3A_26 : vector<1x128xf32> to vector<128xf32>
    %broadcast_in_dim3A_28 = vector.shape_cast %get3A_27 : vector<128xf32> to vector<1x128xf32>
    %add3A_29 = vector.broadcast %broadcast_in_dim3A_28 : vector<1x128xf32> to vector<2048x128xf32>
    %add3A_30 = arith.addf %mul3A_23, %add3A_29 : vector<2048x128xf32>
    %max3A = arith.constant 0.000000e+00 : f32
    %max3A_31 = vector.broadcast %max3A : f32 to vector<2048x128xf32>
    %max3A_32 = arith.maximumf %add3A_30, %max3A_31 : vector<2048x128xf32>
    %get3A_33 = arith.constant 1 : index
    %get3A_34 = arith.constant 0 : index
    %get3A_35 = arith.constant 0 : index
    %get3A_36 = vector.load %arg1[%get3A_33, %get3A_34, %get3A_35] : memref<2x2048x128xf32, #tpu.memory_space<vmem>>, vector<1x2048x128xf32>
    %get3A_37 = vector.shape_cast %get3A_36 : vector<1x2048x128xf32> to vector<2048x128xf32>
    %get3A_38 = arith.constant 1 : index
    %get3A_39 = arith.constant 0 : index
    %get3A_40 = arith.constant 0 : index
    %get3A_41 = vector.load %arg2[%get3A_38, %get3A_39, %get3A_40] : memref<2x2048x128xf32, #tpu.memory_space<vmem>>, vector<1x2048x128xf32>
    %get3A_42 = vector.shape_cast %get3A_41 : vector<1x2048x128xf32> to vector<2048x128xf32>
    %add3A_43 = arith.addf %get3A_37, %get3A_42 : vector<2048x128xf32>
    %mul3A_44 = vector.broadcast %broadcast_in_dim3A : vector<2048x1xf32> to vector<2048x128xf32>
    %mul3A_45 = arith.mulf %add3A_43, %mul3A_44 : vector<2048x128xf32>
    %get3A_46 = arith.constant 0 : index
    %get3A_47 = arith.constant 128 : index
    %get3A_48 = vector.load %arg4[%get3A_46, %get3A_47] : memref<1x256xf32, #tpu.memory_space<vmem>>, vector<1x128xf32>
    %get3A_49 = vector.shape_cast %get3A_48 : vector<1x128xf32> to vector<128xf32>
    %broadcast_in_dim3A_50 = vector.shape_cast %get3A_49 : vector<128xf32> to vector<1x128xf32>
    %add3A_51 = vector.broadcast %broadcast_in_dim3A_50 : vector<1x128xf32> to vector<2048x128xf32>
    %add3A_52 = arith.addf %mul3A_45, %add3A_51 : vector<2048x128xf32>
    %max3A_53 = arith.constant 0.000000e+00 : f32
    %max3A_54 = vector.broadcast %max3A_53 : f32 to vector<2048x128xf32>
    %max3A_55 = arith.maximumf %add3A_52, %max3A_54 : vector<2048x128xf32>
    %concatenate3A = tpu.concatenate %max3A_32, %max3A_55 in 1 : vector<2048x128xf32>, vector<2048x128xf32> -> vector<2048x256xf32>
    %get3A_56 = arith.constant 0 : index
    %get3A_57 = arith.constant 0 : index
    %get3A_58 = vector.load %arg5[%get3A_56, %get3A_57] : memref<256x256xf32, #tpu.memory_space<vmem>>, vector<256x256xf32>
    %dot_general3A = arith.constant dense<0.000000e+00> : vector<2048x256xf32>
    %dot_general3A_59 = tpu.matmul %concatenate3A, %get3A_58, %dot_general3A {dimension_numbers = #tpu.dot_dimension_numbers<[1], [0], [0], [1], [0, 0, 1, 1], [], []>, transpose_lhs_hint = false} : vector<2048x256xf32>, vector<256x256xf32>, vector<2048x256xf32> -> vector<2048x256xf32>
    %mul3A_60 = vector.broadcast %broadcast_in_dim3A : vector<2048x1xf32> to vector<2048x256xf32>
    %mul3A_61 = arith.mulf %dot_general3A_59, %mul3A_60 : vector<2048x256xf32>
    %slice3A = vector.extract_strided_slice %mul3A_61 {offsets = [0, 0], sizes = [2048, 128], strides = [1, 1]} : vector<2048x256xf32> to vector<2048x128xf32>
    %swap3A = arith.constant 0 : index
    %swap3A_62 = arith.constant 0 : index
    %swap3A_63 = arith.constant 0 : index
    %swap3A_64 = vector.load %arg6[%swap3A, %swap3A_62, %swap3A_63] : memref<2x2048x128xf32, #tpu.memory_space<vmem>>, vector<1x2048x128xf32>
    %swap3A_65 = vector.shape_cast %swap3A_64 : vector<1x2048x128xf32> to vector<2048x128xf32>
    %swap3A_66 = vector.shape_cast %slice3A : vector<2048x128xf32> to vector<1x2048x128xf32>
    tpu.vector_store %arg6[%swap3A, %swap3A_62, %swap3A_63], %swap3A_66 {strides = array<i32>} : memref<2x2048x128xf32, #tpu.memory_space<vmem>>, vector<1x2048x128xf32>,
    %slice3A_67 = vector.extract_strided_slice %mul3A_61 {offsets = [0, 128], sizes = [2048, 128], strides = [1, 1]} : vector<2048x256xf32> to vector<2048x128xf32>
    %swap3A_68 = arith.constant 1 : index
    %swap3A_69 = arith.constant 0 : index
    %swap3A_70 = arith.constant 0 : index
    %swap3A_71 = vector.load %arg6[%swap3A_68, %swap3A_69, %swap3A_70] : memref<2x2048x128xf32, #tpu.memory_space<vmem>>, vector<1x2048x128xf32>
    %swap3A_72 = vector.shape_cast %swap3A_71 : vector<1x2048x128xf32> to vector<2048x128xf32>
    %swap3A_73 = vector.shape_cast %slice3A_67 : vector<2048x128xf32> to vector<1x2048x128xf32>
    tpu.vector_store %arg6[%swap3A_68, %swap3A_69, %swap3A_70], %swap3A_73 {strides = array<i32>} : memref<2x2048x128xf32, #tpu.memory_space<vmem>>, vector<1x2048x128xf32>,
    return
  }
  func.func @transform_0(%arg0: i32) -> (i32, i32, i32) {
    %c0_i32 = arith.constant 0 : i32
    %c0_i32_0 = arith.constant 0 : i32
    %c0_i32_1 = arith.constant 0 : i32
    return %c0_i32, %arg0, %c0_i32_0 : i32, i32, i32
  }
  func.func @transform_1(%arg0: i32) -> (i32, i32, i32) {
    %c0_i32 = arith.constant 0 : i32
    %c0_i32_0 = arith.constant 0 : i32
    %c0_i32_1 = arith.constant 0 : i32
    return %c0_i32, %arg0, %c0_i32_0 : i32, i32, i32
  }
  func.func @transform_2(%arg0: i32) -> (i32, i32) {
    %c0_i32 = arith.constant 0 : i32
    %c0_i32_0 = arith.constant 0 : i32
    %c0_i32_1 = arith.constant 0 : i32
    return %c0_i32, %c0_i32_0 : i32, i32
  }
  func.func @transform_3(%arg0: i32) -> (i32, i32) {
    %c0_i32 = arith.constant 0 : i32
    %c0_i32_0 = arith.constant 0 : i32
    %c0_i32_1 = arith.constant 0 : i32
    return %c0_i32, %c0_i32_0 : i32, i32
  }
  func.func @transform_4(%arg0: i32) -> (i32, i32) {
    %c0_i32 = arith.constant 0 : i32
    %c0_i32_0 = arith.constant 0 : i32
    %c0_i32_1 = arith.constant 0 : i32
    return %c0_i32, %c0_i32_0 : i32, i32
  }
  func.func @transform_5(%arg0: i32) -> (i32, i32, i32) {
    %c0_i32 = arith.constant 0 : i32
    %c0_i32_0 = arith.constant 0 : i32
    %c0_i32_1 = arith.constant 0 : i32
    return %c0_i32, %arg0, %c0_i32_0 : i32, i32, i32
  }
}

module attributes {stable_mosaic.version = 14 : i64} {
  func.func @_fin_body(%arg0: i32, %arg1: memref<2x2048x128xf32, #tpu.memory_space<vmem>>, %arg2: memref<2x2048x128xf32, #tpu.memory_space<vmem>>, %arg3: memref<2x10240xf32, #tpu.memory_space<vmem>>, %arg4: memref<1x256xf32, #tpu.memory_space<vmem>>, %arg5: memref<2048x256xf32, #tpu.memory_space<vmem>>) attributes {dimension_semantics = [#tpu.dimension_semantics<arbitrary>], iteration_bounds = array<i64: 5>, scalar_prefetch = 0 : i64, scratch_operands = 0 : i64, tpu.core_type = #tpu.core_type<tc>, window_params = [{transform_indices = @transform_0, window_bounds = array<i64: 2, 2048, 128>}, {transform_indices = @transform_1, window_bounds = array<i64: 2, 2048, 128>}, {pipeline_mode = #tpu.pipeline_mode<synchronous>, transform_indices = @transform_2, window_bounds = array<i64: 2, 10240>}, {pipeline_mode = #tpu.pipeline_mode<synchronous>, transform_indices = @transform_3, window_bounds = array<i64: 1, 256>}, {transform_indices = @transform_4, window_bounds = array<i64: 2048, 256>}]} {
    %mul3A = arith.constant 2048 : i32
    %mul3A_0 = arith.muli %arg0, %mul3A : i32
    %multiple_of3A = tpu.assume_multiple %mul3A_0, 128 : i32
    %get3A = arith.constant 0 : index
    %get3A_1 = arith.index_cast %multiple_of3A : i32 to index
    %get3A_2 = vector.load %arg3[%get3A, %get3A_1] : memref<2x10240xf32, #tpu.memory_space<vmem>>, vector<1x2048xf32>
    %get3A_3 = vector.shape_cast %get3A_2 : vector<1x2048xf32> to vector<2048xf32>
    %get3A_4 = arith.constant 1 : index
    %get3A_5 = arith.index_cast %multiple_of3A : i32 to index
    %get3A_6 = vector.load %arg3[%get3A_4, %get3A_5] : memref<2x10240xf32, #tpu.memory_space<vmem>>, vector<1x2048xf32>
    %get3A_7 = vector.shape_cast %get3A_6 : vector<1x2048xf32> to vector<2048xf32>
    %add3A = arith.addf %get3A_3, %get3A_7 : vector<2048xf32>
    %add3A_8 = arith.constant 1.000000e+00 : f32
    %add3A_9 = vector.broadcast %add3A_8 : f32 to vector<2048xf32>
    %add3A_10 = arith.addf %add3A, %add3A_9 : vector<2048xf32>
    %rsqrt3A = math.rsqrt %add3A_10 : vector<2048xf32>
    %broadcast_in_dim3A = vector.shape_cast %rsqrt3A : vector<2048xf32> to vector<2048x1xf32>
    %get3A_11 = arith.constant 0 : index
    %get3A_12 = arith.constant 0 : index
    %get3A_13 = arith.constant 0 : index
    %get3A_14 = vector.load %arg1[%get3A_11, %get3A_12, %get3A_13] : memref<2x2048x128xf32, #tpu.memory_space<vmem>>, vector<1x2048x128xf32>
    %get3A_15 = vector.shape_cast %get3A_14 : vector<1x2048x128xf32> to vector<2048x128xf32>
    %get3A_16 = arith.constant 0 : index
    %get3A_17 = arith.constant 0 : index
    %get3A_18 = arith.constant 0 : index
    %get3A_19 = vector.load %arg2[%get3A_16, %get3A_17, %get3A_18] : memref<2x2048x128xf32, #tpu.memory_space<vmem>>, vector<1x2048x128xf32>
    %get3A_20 = vector.shape_cast %get3A_19 : vector<1x2048x128xf32> to vector<2048x128xf32>
    %add3A_21 = arith.addf %get3A_15, %get3A_20 : vector<2048x128xf32>
    %mul3A_22 = vector.broadcast %broadcast_in_dim3A : vector<2048x1xf32> to vector<2048x128xf32>
    %mul3A_23 = arith.mulf %add3A_21, %mul3A_22 : vector<2048x128xf32>
    %get3A_24 = arith.constant 0 : index
    %get3A_25 = arith.constant 0 : index
    %get3A_26 = vector.load %arg4[%get3A_24, %get3A_25] : memref<1x256xf32, #tpu.memory_space<vmem>>, vector<1x128xf32>
    %get3A_27 = vector.shape_cast %get3A_26 : vector<1x128xf32> to vector<128xf32>
    %broadcast_in_dim3A_28 = vector.shape_cast %get3A_27 : vector<128xf32> to vector<1x128xf32>
    %add3A_29 = vector.broadcast %broadcast_in_dim3A_28 : vector<1x128xf32> to vector<2048x128xf32>
    %add3A_30 = arith.addf %mul3A_23, %add3A_29 : vector<2048x128xf32>
    %max3A = arith.constant 0.000000e+00 : f32
    %max3A_31 = vector.broadcast %max3A : f32 to vector<2048x128xf32>
    %max3A_32 = arith.maximumf %add3A_30, %max3A_31 : vector<2048x128xf32>
    %get3A_33 = arith.constant 1 : index
    %get3A_34 = arith.constant 0 : index
    %get3A_35 = arith.constant 0 : index
    %get3A_36 = vector.load %arg1[%get3A_33, %get3A_34, %get3A_35] : memref<2x2048x128xf32, #tpu.memory_space<vmem>>, vector<1x2048x128xf32>
    %get3A_37 = vector.shape_cast %get3A_36 : vector<1x2048x128xf32> to vector<2048x128xf32>
    %get3A_38 = arith.constant 1 : index
    %get3A_39 = arith.constant 0 : index
    %get3A_40 = arith.constant 0 : index
    %get3A_41 = vector.load %arg2[%get3A_38, %get3A_39, %get3A_40] : memref<2x2048x128xf32, #tpu.memory_space<vmem>>, vector<1x2048x128xf32>
    %get3A_42 = vector.shape_cast %get3A_41 : vector<1x2048x128xf32> to vector<2048x128xf32>
    %add3A_43 = arith.addf %get3A_37, %get3A_42 : vector<2048x128xf32>
    %mul3A_44 = vector.broadcast %broadcast_in_dim3A : vector<2048x1xf32> to vector<2048x128xf32>
    %mul3A_45 = arith.mulf %add3A_43, %mul3A_44 : vector<2048x128xf32>
    %get3A_46 = arith.constant 0 : index
    %get3A_47 = arith.constant 128 : index
    %get3A_48 = vector.load %arg4[%get3A_46, %get3A_47] : memref<1x256xf32, #tpu.memory_space<vmem>>, vector<1x128xf32>
    %get3A_49 = vector.shape_cast %get3A_48 : vector<1x128xf32> to vector<128xf32>
    %broadcast_in_dim3A_50 = vector.shape_cast %get3A_49 : vector<128xf32> to vector<1x128xf32>
    %add3A_51 = vector.broadcast %broadcast_in_dim3A_50 : vector<1x128xf32> to vector<2048x128xf32>
    %add3A_52 = arith.addf %mul3A_45, %add3A_51 : vector<2048x128xf32>
    %max3A_53 = arith.constant 0.000000e+00 : f32
    %max3A_54 = vector.broadcast %max3A_53 : f32 to vector<2048x128xf32>
    %max3A_55 = arith.maximumf %add3A_52, %max3A_54 : vector<2048x128xf32>
    %concatenate3A = tpu.concatenate %max3A_32, %max3A_55 in 1 : vector<2048x128xf32>, vector<2048x128xf32> -> vector<2048x256xf32>
    %swap3A = arith.constant 0 : index
    %swap3A_56 = arith.constant 0 : index
    %swap3A_57 = vector.load %arg5[%swap3A, %swap3A_56] : memref<2048x256xf32, #tpu.memory_space<vmem>>, vector<2048x256xf32>
    tpu.vector_store %arg5[%swap3A, %swap3A_56], %concatenate3A {strides = array<i32>} : memref<2048x256xf32, #tpu.memory_space<vmem>>, vector<2048x256xf32>,
    return
  }
  func.func @transform_0(%arg0: i32) -> (i32, i32, i32) {
    %c0_i32 = arith.constant 0 : i32
    %c0_i32_0 = arith.constant 0 : i32
    %c0_i32_1 = arith.constant 0 : i32
    return %c0_i32, %arg0, %c0_i32_0 : i32, i32, i32
  }
  func.func @transform_1(%arg0: i32) -> (i32, i32, i32) {
    %c0_i32 = arith.constant 0 : i32
    %c0_i32_0 = arith.constant 0 : i32
    %c0_i32_1 = arith.constant 0 : i32
    return %c0_i32, %arg0, %c0_i32_0 : i32, i32, i32
  }
  func.func @transform_2(%arg0: i32) -> (i32, i32) {
    %c0_i32 = arith.constant 0 : i32
    %c0_i32_0 = arith.constant 0 : i32
    %c0_i32_1 = arith.constant 0 : i32
    return %c0_i32, %c0_i32_0 : i32, i32
  }
  func.func @transform_3(%arg0: i32) -> (i32, i32) {
    %c0_i32 = arith.constant 0 : i32
    %c0_i32_0 = arith.constant 0 : i32
    %c0_i32_1 = arith.constant 0 : i32
    return %c0_i32, %c0_i32_0 : i32, i32
  }
  func.func @transform_4(%arg0: i32) -> (i32, i32) {
    %c0_i32 = arith.constant 0 : i32
    %c0_i32_0 = arith.constant 0 : i32
    return %arg0, %c0_i32 : i32, i32
  }
}

</mosaic_0001>

<sc_bundles>
// kernel: _run.11.cloned.1.call-start
scs
__scs_entry_jumppad:
0x0: {  	(pc) =	sbr.rel $0x88, $3  }
0x1: {  	(tag) =	ssettag $0x0;
	lr =	simm.s32 $0x1  }
0x2: {  	[smem:$0x3F99] =	sst lr;
	_ =	strace $0xD0000000  }
0x3: {  	_ = 	snop  }
0x4: {  	_ = 	snop  }
0x5: {  	_ = 	snop  }
0x6: {  	_ = 	snop  }
0x7: {  	_ = 	snop  }
__scs_overlays_trampoline_lowered:
0x8: {  	[smem:$0x3FA8] =	sst s0  }
0x9: {  	[smem:$0x3FA9] =	sst s1  }
0xa: {  	[smem:$0x3FAA] =	sst s2  }
0xb: {  	[smem:$0x3FAB] =	sst s3  }
0xc: {  	[smem:$0x3FAC] =	sst s4  }
0xd: {  	[smem:$0x3FAD] =	sst s5  }
0xe: {  	[smem:$0x3FAE] =	sst s6  }
0xf: {  	[smem:$0x3FAF] =	sst s7  }
0x10: {  	[smem:$0x3FB0] =	sst s8  }
0x11: {  	[smem:$0x3FB1] =	sst s9;
	s0 =	simm.s32 @!p0 $0x0  }
0x12: {  	s1 =	sld [smem:$0x3F97];
	s0 =	simm.s32 @p0 $0x1  }
0x13: {  	[smem:$0x3FB2] =	sst s0;
	s0 =	simm.s32 @!p1 $0x0  }
0x14: {  	s2 =	sld [smem:$0x3F96];
	s0 =	simm.s32 @p1 $0x1  }
0x15: {  	[smem:$0x3FB3] =	sst s0;
	s0 =	simm.s32 @!p2 $0x0  }
0x16: {  	s3 =	sld [smem:$0x3FDB];
	s0 =	simm.s32 @p2 $0x1  }
0x17: {  	s4 =	simm.s32 $0x1BF5;
	[smem:$0x3FB5] =	sst s0  }
0x18: {  	s0 =	sld [smem:$0x3F98];
	_ =	swait.ge [sflag:s4], $0x0  }
0x19: {  	s7 =	sld [smem:$0x3F99]  }
0x1a: {  	s8 =	sadd.s32 $0xFFFFE003, lr  }
0x1b: {  	s9 =	sadd.s32 $0xFFFFFEF7, lr;
	s5 =	simm.s32 $0xFFFFFFFF;
	p2 =	slt.u32 s8, $0xFFFFF086  }
0x1c: {  	p1 =	slt.u32 s9, $0xF7A;
	s5 =	simm.s32 @!p2 $0x0  }
0x1d: {  	s5 =	simm.s32 @p1 $0x1;
	p0 =	seq.s32 s7, s2  }
0x1e: {  	s7 =	smul.u32 @!p0 $0xF7A, s2;
	p2 =	seq.s32 @!p0 s5, $0x0  }
0x1f: {  	s9 =	smul.u32 $0xF7A, s1;
	s8 =	simm.s32 @!p0 $0x1BF5;
	p2 =	por !p2, p0  }
0x20: {  	[sflag:s8] =	ssyncset.s32 @!p0 $0xFFFFF086;
	s6 =	sadd.s32 @!p0 s3, s7;
	s7 =	simm.s32 @!p0 $0x108  }
0x21: {  	s3 =	sadd.s32 s3, s9;
	s6 =	sadd.s32 @!p0 $0x88, s6;
	s7 =	simm.s32 @p2 $0x1082  }
0x22: {  	[simem:s7], [sflag:s8] =	dma.local @!p0 [hbm:s6], $0xF7A  }
0x23: {  	s9 =	sor.u32 $0xD0000000, s2;
	s6 =	simm.s32 $0x108;
	_ =	swait.ge @!p0 [sflag:s8], $0x0  }
0x24: {  	s3 =	sadd.s32 $0x88, s3;
	s6 =	simm.s32 @!p1 $0x1082;
	[sflag:s4] =	ssyncset.s32 $0xFFFFF086  }
0x25: {  	[simem:s6], [sflag:s4] =	dma.local [hbm:s3], $0xF7A  }
0x26: {  	[smem:$0x3F99] =	sst s1;
	(tag) =	ssettag s2;
	_ =	strace s9  }
0x27: {  	s1 =	sld [smem:$0x3FA9]  }
0x28: {  	s2 =	sld [smem:$0x3FAA]  }
0x29: {  	s4 =	sld [smem:$0x3FAC]  }
0x2a: {  	p0 =	seq.s32 s5, $0x0;
	s5 =	sld [smem:$0x3FAD]  }
0x2b: {  	s6 =	sld [smem:$0x3FAE]  }
0x2c: {  	s7 =	sld [smem:$0x3FAF]  }
0x2d: {  	s3 =	simm.s32 $0x108;
	s8 =	sld [smem:$0x3FB0]  }
0x2e: {  	s3 =	simm.s32 @!p0 $0x1082;
	s9 =	sld [smem:$0x3FB1]  }
0x2f: {  	lr =	sadd.s32 s0, s3;
	s0 =	sld [smem:$0x3FA8]  }
0x30: {  	s3 =	sld [smem:$0x3FAB]  }
0x31: {  	[smem:$0x3FB4] =	sst s10  }
0x32: {  	s10 =	sld [smem:$0x3FB2];
	_ =	sdelay $0x3  }
0x33: {  	p0 =	seq.s32 s10, $0x1;
	s10 =	sld [smem:$0x3FB4];
	_ =	sdelay $0x3  }
0x34: {  	[smem:$0x3FB4] =	sst s10  }
0x35: {  	s10 =	sld [smem:$0x3FB3];
	_ =	sdelay $0x3  }
0x36: {  	p1 =	seq.s32 s10, $0x1;
	s10 =	sld [smem:$0x3FB4];
	_ =	sdelay $0x3  }
0x37: {  	[smem:$0x3FB4] =	sst s10  }
0x38: {  	s10 =	sld [smem:$0x3FB5]  }
0x39: {  	_ = 	snop;
	(pc) =	sbr.ind lr, $3  }
0x3a: {  	_ = 	snop  }
0x3b: {  	_ = 	snop  }
0x3c: {  	p2 =	seq.s32 s10, $0x1;
	s10 =	sld [smem:$0x3FB4]  }
0x3d: {  	_ =	shalt  }
0x3e: {  	_ =	shalt  }
0x3f: {  	_ =	shalt  }
0x40: {  	_ =	shalt  }
0x41: {  	_ =	shalt  }
0x42: {  	_ =	shalt  }
0x43: {  	_ =	shalt  }
0x44: {  	_ =	shalt  }
0x45: {  	_ =	shalt  }
0x46: {  	_ =	shalt  }
0x47: {  	_ =	shalt  }
0x48: {  	_ =	shalt  }
0x49: {  	_ =	shalt  }
0x4a: {  	_ =	shalt  }
0x4b: {  	_ =	shalt  }
0x4c: {  	_ =	shalt  }
0x4d: {  	_ =	shalt  }
0x4e: {  	_ =	shalt  }
0x4f: {  	_ =	shalt  }
0x50: {  	_ =	shalt  }
0x51: {  	_ =	shalt  }
0x52: {  	_ =	shalt  }
0x53: {  	_ =	shalt  }
0x54: {  	_ =	shalt  }
0x55: {  	_ =	shalt  }
0x56: {  	_ =	shalt  }
0x57: {  	_ =	shalt  }
0x58: {  	_ =	shalt  }
0x59: {  	_ =	shalt  }
0x5a: {  	_ =	shalt  }
0x5b: {  	_ =	shalt  }
0x5c: {  	_ =	shalt  }
0x5d: {  	_ =	shalt  }
0x5e: {  	_ =	shalt  }
0x5f: {  	_ =	shalt  }
0x60: {  	_ =	shalt  }
0x61: {  	_ =	shalt  }
0x62: {  	_ =	shalt  }
0x63: {  	_ =	shalt  }
0x64: {  	_ =	shalt  }
0x65: {  	_ =	shalt  }
0x66: {  	_ =	shalt  }
0x67: {  	_ =	shalt  }
0x68: {  	_ =	shalt  }
0x69: {  	_ =	shalt  }
0x6a: {  	_ =	shalt  }
0x6b: {  	_ =	shalt  }
0x6c: {  	_ =	shalt  }
0x6d: {  	_ =	shalt  }
0x6e: {  	_ =	shalt  }
0x6f: {  	_ =	shalt  }
0x70: {  	_ =	shalt  }
0x71: {  	_ =	shalt  }
0x72: {  	_ =	shalt  }
0x73: {  	_ =	shalt  }
0x74: {  	_ =	shalt  }
0x75: {  	_ =	shalt  }
0x76: {  	_ =	shalt  }
0x77: {  	_ =	shalt  }
0x78: {  	_ =	shalt  }
0x79: {  	_ =	shalt  }
0x7a: {  	_ =	shalt  }
0x7b: {  	_ =	shalt  }
0x7c: {  	_ =	shalt  }
0x7d: {  	_ =	shalt  }
0x7e: {  	_ =	shalt  }
0x7f: {  	_ =	shalt  }
0x80: {  	_ =	shalt  }
0x81: {  	_ =	shalt  }
0x82: {  	_ =	shalt  }
0x83: {  	_ =	shalt  }
0x84: {  	_ =	shalt  }
0x85: {  	_ =	shalt  }
0x86: {  	_ =	shalt  }
0x87: {  	_ =	shalt  }
.Lfunc_end0:
.L_simem_size_0:
called_computation_lowered:
.L_overlay_start_0:
0x88: {  	s2 =	sld [smem:$0x3FD9]  }
0x89: {  	s3 =	sld [smem:$0x3FFE];
	_ =	sdelay $0x1  }
0x8a: {  	s1 =	srdreg.scid  }
0x8b: {  	s0 =	sand.u32 $0x1, s1  }
0x8c: {  	s16 =	sshll.u32 s0, $0xA;
	s2 =	sadd.s32 s3, s2  }
0x8d: {  	s2 =	sadd.s32 s2, s16  }
0x8e: {  	[smem:$0x3FC0] =	sst s2  }
0x8f: {  	_ = 	snop  }
0x90: {  	(tm) =	ssettm $0x1  }
0x91: {  	s17 =	sld [smem:$0x3FFB];
	_ =	sdelay $0x3  }
0x92: {  	_ =	strace s17  }
0x93: {  	s2 =	sld [smem:$0x3FFC];
	_ =	sdelay $0x3  }
0x94: {  	_ =	strace s2  }
0x95: {  	s2 =	sld [smem:$0x3FFD];
	_ =	sdelay $0x3  }
0x96: {  	_ =	strace s2  }
0x97: {  	_ =	strace $0x8FFFFFFF  }
0x98: {  	s18 =	sld [smem:$0x3FDB];
	_ =	sdelay $0x1  }
0x99: {  	s19 =	simm.s32 $_scs_section_size  }
0x9a: {  	s4 =	simm.s32 $_size__tile_overlayer_lowered;
	s5 =	simm.s32 $_tile_overlayer_lowered  }
0x9b: {  	s22 =	simm.s32 $0x1BFF;
	s21 =	sshll.u32 s5, $0x1;
	s2 =	sadd.s32 s19, s18  }
0x9c: {  	s6 =	simm.s32 $0x0;
	s20 =	sshll.u32 s4, $0x1;
	s4 =	sadd.s32 s21, s2  }
0x9d: {  	[timem:s6], [sflag:s22] =	dma.local [hbm:s4], s20  }
0x9e: {  	_ =	swait.ge [sflag:s22], s20  }
0x9f: {  	s3 =	ssub.s32 $0x0, s20;
	[sflag:s22] =	ssyncset.done $0x0  }
0xa0: {  	[sflag:s22] =	ssyncadd.s32 s3;
	_ =	sdelay $0x1  }
0xa1: {  	s23 =	simm.s32 $0x1B8B  }
0xa2: {  	_ =	swait.ge [sflag:s23], $0x1  }
0xa3: {  	[sflag:s23] =	ssyncset.done $0x0  }
0xa4: {  	s25 =	simm.s32 $0x1B8E;
	s24 =	sld [smem:$0x3FFE];
	[sflag:s23] =	ssyncadd.s32 $0xFFFFFFFF  }
0xa5: {  	s26 =	simm.s32 $execute0_lowered;
	[smem:$0x3FD2] =	sst s25  }
0xa6: {  	s4 =	sshll.u32 s26, $0x1;
	_ =	strace $0x80000046;
	[dreg:$0x1] =	wrdreg $0xFFFFFFFF  }
0xa7: {  	s28 =	simm.s32 $_size_execute0_lowered;
	s2 =	sadd.s32 s2, s4;
	[dreg:$0x0] =	wrdreg $0x0  }
0xa8: {  	s4 =	sshll.u32 s28, $0x1;
	[dreg:$0x2] =	wrdreg s2  }
0xa9: {  	[dreg:$0x3] =	wrdreg s4  }
0xaa: {  	[dreg:$0x4] =	wrdreg $0xC0  }
0xab: {  	_ =	task [dreg:s6], $0x5FFFF  }
0xac: {  	[dreg:$0x1] =	wrdreg $0xFFFFFFFF  }
0xad: {  	[dreg:$0x0] =	wrdreg $0x60  }
0xae: {  	[dreg:$0x2] =	wrdreg s24  }
0xaf: {  	[dreg:$0x3] =	wrdreg $0x20000  }
0xb0: {  	[dreg:$0x4] =	wrdreg $0x9  }
0xb1: {  	_ =	task.clear_ibuf [dreg:s6], $0x5FFFF;
	_ =	strace $0x90000046  }
0xb2: {  	s29 =	simm.s32 $0x9;
	_ =	strace $0x80000048  }
0xb3: {  	_ =	swait.ge [sflag:s29], $0x1  }
0xb4: {  	[sflag:s29] =	ssyncadd.s32 $0xFFFFFFFF  }
0xb5: {  	_ =	strace $0x90000048  }
0xb6: {  	_ =	sfence  }
0xb7: {  	s30 =	sld [smem:$0x0];
	_ =	sdelay $0x2  }
0xb8: {  	s31 =	sshll.u32 s1, $0xD;
	s1 =	sshrl.u32 s1, $0x2  }
0xb9: {  	s3 =	sand.u32 $0x4000, s31;
	s1 =	sadd.s32 s1, s30  }
0xba: {  	s0 =	sor.u32 s3, s0;
	s1 =	sshll.u32 s1, $0x11  }
0xbb: {  	s0 =	sor.u32 s1, s0  }
0xbc: {  	s0 =	sadd.s32 $0x8F2B, s0  }
0xbd: {  	[sflag:s0] =	ssyncadd.remote.s32 $0x1  }
0xbe: {  	_ =	sfence.sel $0xFFFF  }
0xbf: {  	[dreg:$0x0] =	wrdreg $0xFFFFFFFF;
	(pc) =	sbr.abs _section_cstart, $3  }
0xc0: {  	[dreg:$0x1] =	wrdreg $0xFFFFFFFF  }
0xc1: {  	_ =	task.clear_ibuf [dreg:s6], $0x2FFFF;
	_ =	strace $0x9FFFFFFF  }
0xc2: {  	(tm) =	ssettm $0x7FFFFFFF  }
0xc3: {  	_ =	shalt  }
tec
execute0_lowered:
.L_overlay_start_1:
0x0: {  	(tag) =	ssettag $0x1  }
0x1: {  	s6 =	rddreg [dreg:$0x0];
	s0 =	srdreg.scid  }
0x2: {  	s2 =	rddreg [dreg:$0x1];
	s1 =	stileid.u32  }
0x3: {  	s3 =	simm.s32 $0x0;
	s13 =	simm.s32 $0x400;
	s16 =	simm.s32 $0x28  }
0x4: {  	s17 =	simm.s32 $0x1;
	s7 =	sand.u32 $0x1, s0;
	s0 =	rddreg [dreg:$0x2]  }
0x5: {  	s18 =	simm.s32 $0x0;
	s8 =	smul.u32 $0x14000, s1;
	[smem:$0x7FF] =	sst s3  }
0x6: {  	s4 =	sadd.s32 $0x22C00, s6;
	s10 =	sadd.s32 $0x2C00, s6;
	s28 =	smul.u32 $0x50000, s1  }
0x7: {  	s11 =	sshll.u32 s1, $0x10;
	s14 =	sshll.u32 s1, $0x6;
	s5 =	smul.u32 $0x140000, s7  }
0x8: {  	_ =	strace $0x80000047;
	s9 =	ssub.s32 $0x2, s7;
	s7 =	sshll.u32 s7, $0xF  }
0x9: {  	s14 =	sor.u32 $0x1C03, s14;
	s12 =	sshrl.u32 s9, $0x1;
	s7 =	sor.u32 s7, s11  }
0xa: {  	s11 =	sshrl.u32 s28, $0x2;
	s8 =	sadd.s32 s8, s5;
	s5 =	sadd.s32 $0x23000, s6  }
0xb: {  	s9 =	ssub.s32 s9, s12;
	s29 =	sshrl.u32 s7, $0x3;
	s30 =	sor.u32 $0x800, s7  }
0xc: {  	s15 =	sadd.s32 s11, s2;
	s11 =	simm.s32 $0xC00;
	s12 =	simm.s32 $0x3  }
0xd: {  	s8 =	sshrl.u32 s8, $0x3;
	s31 =	sshrl.u32 s30, $0x3;
	s9 =	smax.u32 s9, $0x1  }
0xe: {  	s15 =	sshrl.u32 s15, $0x3;
	s8 =	sadd.s32 s8, s6;
	s6 =	sadd.s32 s10, s29  }
0xf: {  	s10 =	sadd.s32 s31, s10;
	s7 =	sadd.s32 $0x80, s6;
	s8 =	sadd.s32 $0x25800, s8  }
.LBB2_1:
0x10: {  	[tilespmem:s11], [sflag:$0x3] =	stream.linear.gather [hbm4b:s4+s3], $0x1400, $0x38;
	[tilespmem:$0x16000] =	vst v63  }
0x11: {  	_ =	swait.ge [sflag:s12], $0x1400  }
0x12: {  	[sflag:s12] =	ssyncset.done $0x0  }
0x13: {  	[sflag:s12] =	ssyncadd.s32 $0xFFFFEC00  }
0x14: {  	[tilespmem:s3], [sflag:$0x3] =	stream.linear.gather [hbm4b:s6+s3], $0x400, $0x38;
	[tilespmem:$0x16000] =	vst v63  }
0x15: {  	_ =	swait.ge [sflag:s12], $0x400  }
0x16: {  	[sflag:s12] =	ssyncset.done $0x0  }
0x17: {  	[sflag:s12] =	ssyncadd.s32 $0xFFFFFC00  }
0x18: {  	[tilespmem:s13], [sflag:$0x2] =	stream.linear.gather [hbm4b:s7+s3], $0x400, $0x38;
	[tilespmem:$0x16000] =	vst v63  }
0x19: {  	[spmem:s15], [sflag:s14] =	dma.local [hbm:s5], $0x2800  }
0x1a: {  	p0 =	por $0x1, $0x1;
	_ =	swait.ge [sflag:s12], $0x2800  }
0x1b: {  	s19 =	smul.u32 @!p0 $0xAB, s3;
	[sflag:s12] =	ssyncset.done $0x0  }
0x1c: {  	s20 =	simm.s32 @p0 $0x28;
	s21 =	simm.s32 @p0 $0x0;
	[sflag:s12] =	ssyncadd.s32 $0xFFFFD800  }
0x1d: {  	s22 =	simm.s32 @p0 $0xC00;
	s19 =	sshrl.u32 @!p0 s19, $0x9;
	[bflag:$0x0] =	sbarrier.arrive $0xFFFF  }
0x1e: {  	[spmem:s2] =	stream.indirect.scatter.add.f32 @p0 [tilespmem:s22], [sflag:$0x1], $0x80, s21, s20, $0xb8;
	[tilespmem:$0x16000] =	vst v63  }
0x1f: {  	s19 =	sand.u32 @!p0 $0x7F, s19;
	s21 =	simm.s32 @p0 $0x80  }
0x20: {  	[spmem:s2] =	stream.indirect.scatter.add.f32 @p0 [tilespmem:s22], [sflag:$0x1], $0x80, s21, s20, $0xb8;
	[tilespmem:$0x16000] =	vst v63  }
0x21: {  	s19 =	smul.u32 @!p0 $0x3, s19;
	s21 =	simm.s32 @p0 $0x100  }
0x22: {  	[spmem:s2] =	stream.indirect.scatter.add.f32 @p0 [tilespmem:s22], [sflag:$0x1], $0x80, s21, s20, $0xb8;
	[tilespmem:$0x16000] =	vst v63  }
0x23: {  	s23 =	simm.s32 @!p0 $0x2;
	s19 =	ssub.s32 @!p0 $0x0, s19;
	s21 =	simm.s32 @p0 $0x180  }
0x24: {  	[spmem:s2] =	stream.indirect.scatter.add.f32 @p0 [tilespmem:s22], [sflag:$0x1], $0x80, s21, s20, $0xb8;
	[tilespmem:$0x16000] =	vst v63  }
0x25: {  	s19 =	sand.u32 @!p0 $0xFF, s19;
	_ =	swait.ge @!p0 [sflag:s23], $0x400  }
0x26: {  	s19 =	sshll.u32 @!p0 s19, $0xA;
	s20 =	simm.s32 @!p0 $0x1;
	[sflag:s23] =	ssyncset.done @!p0 $0x0  }
0x27: {  	s21 =	simm.s32 @!p0 $0xC00;
	s22 =	simm.s32 @!p0 $0x28;
	[sflag:s23] =	ssyncadd.s32 @!p0 $0xFFFFFC00  }
0x28: {  	[spmem:s2] =	stream.indirect.scatter.add.f32 @!p0 [tilespmem:s21], [sflag:$0x1], $0x80, s19, s22, $0xb8;
	[tilespmem:$0x16000] =	vst v63  }
0x29: {  	_ =	swait.ge @!p0 [sflag:s20], $0x1400  }
0x2a: {  	[sflag:s20] =	ssyncset.done @!p0 $0x0  }
0x2b: {  	s23 =	sor.u32 @!p0 $0x80, s19;
	[sflag:s20] =	ssyncadd.s32 @!p0 $0xFFFFEC00  }
0x2c: {  	[spmem:s2] =	stream.indirect.scatter.add.f32 @!p0 [tilespmem:s21], [sflag:$0x1], $0x80, s23, s22, $0xb8;
	[tilespmem:$0x16000] =	vst v63  }
0x2d: {  	_ =	swait.ge @!p0 [sflag:s20], $0x1400  }
0x2e: {  	[sflag:s20] =	ssyncset.done @!p0 $0x0  }
0x2f: {  	s23 =	sor.u32 @!p0 $0x100, s19;
	[sflag:s20] =	ssyncadd.s32 @!p0 $0xFFFFEC00  }
0x30: {  	[spmem:s2] =	stream.indirect.scatter.add.f32 @!p0 [tilespmem:s21], [sflag:$0x1], $0x80, s23, s22, $0xb8;
	[tilespmem:$0x16000] =	vst v63  }
0x31: {  	_ =	swait.ge @!p0 [sflag:s20], $0x1400  }
0x32: {  	[sflag:s20] =	ssyncset.done @!p0 $0x0  }
0x33: {  	s23 =	sor.u32 @!p0 $0x180, s19;
	[sflag:s20] =	ssyncadd.s32 @!p0 $0xFFFFEC00  }
0x34: {  	[spmem:s2] =	stream.indirect.scatter.add.f32 @!p0 [tilespmem:s21], [sflag:$0x1], $0x80, s23, s22, $0xb8;
	[tilespmem:$0x16000] =	vst v63  }
0x35: {  	_ =	swait.ge @!p0 [sflag:s20], $0x1400  }
0x36: {  	s19 =	simm.s32 @p0 $0x0;
	[sflag:s20] =	ssyncset.done @!p0 $0x0  }
0x37: {  	s28 =	sadd.s32 $0x200, s19;
	[sflag:s20] =	ssyncadd.s32 @!p0 $0xFFFFEC00  }
0x38: {  	[spmem:s2] =	stream.indirect.scatter.add.f32 [tilespmem:s11], [sflag:$0x1], $0x80, s28, s16, $0xb8;
	[tilespmem:$0x16000] =	vst v63  }
0x39: {  	_ =	swait.ge [sflag:s17], $0x1400  }
0x3a: {  	[sflag:s17] =	ssyncset.done $0x0  }
0x3b: {  	s29 =	sadd.s32 $0x280, s19;
	[sflag:s17] =	ssyncadd.s32 $0xFFFFEC00  }
0x3c: {  	[spmem:s2] =	stream.indirect.scatter.add.f32 [tilespmem:s11], [sflag:$0x1], $0x80, s29, s16, $0xb8;
	[tilespmem:$0x16000] =	vst v63  }
0x3d: {  	s21 =	simm.s32 $0x2;
	_ =	swait.ge [sflag:s17], $0x1400  }
0x3e: {  	s31 =	sand.u32 $0xFF, s21;
	[sflag:s17] =	ssyncset.done $0x0  }
0x3f: {  	s30 =	sadd.s32 $0x300, s19;
	s20 =	smul.u32 $0xAB, s31;
	[sflag:s17] =	ssyncadd.s32 $0xFFFFEC00  }
0x40: {  	[spmem:s2] =	stream.indirect.scatter.add.f32 [tilespmem:s11], [sflag:$0x1], $0x80, s30, s16, $0xb8;
	[tilespmem:$0x16000] =	vst v63  }
0x41: {  	s19 =	sadd.s32 $0x380, s19;
	_ =	swait.ge [sflag:s17], $0x1400  }
0x42: {  	s22 =	smov.u32 s10;
	s20 =	sshrl.u32 s20, $0x9;
	[sflag:s17] =	ssyncset.done $0x0  }
0x43: {  	p0 =	por $0x0, $0x0;
	s24 =	smul.u32 $0x3, s20;
	[sflag:s17] =	ssyncadd.s32 $0xFFFFEC00  }
0x44: {  	[spmem:s2] =	stream.indirect.scatter.add.f32 [tilespmem:s11], [sflag:$0x1], $0x80, s19, s16, $0xb8;
	[tilespmem:$0x16000] =	vst v63  }
0x45: {  	s23 =	simm.s32 @!p0 $0x0;
	s20 =	sadd.s32 $0x80, s10;
	s19 =	simm.s32 $0x1  }
.LBB2_2:
0x46: {  	s24 =	ssub.s32 s21, s24  }
0x47: {  	_ =	swait.ge [sflag:s17], $0x1400;
	s21 =	smov.u32 s19;
	s19 =	sadd.s32 $0x1, s19  }
0x48: {  	p2 =	seq.s32 s21, $0x0;
	s24 =	sand.u32 $0xFF, s24;
	[sflag:s17] =	ssyncset.done $0x0  }
0x49: {  	s25 =	smul.u32 @!p2 $0xAB, s21;
	[sflag:s17] =	ssyncadd.s32 $0xFFFFEC00;
	s24 =	sshll.u32 @!p0 s24, $0xA  }
0x4a: {  	[tilespmem:s24], [sflag:$0x2] =	stream.linear.gather @!p0 [hbm4b:s22+s23], $0x400, $0x38;
	[tilespmem:$0x16000] =	vst v63  }
0x4b: {  	s22 =	simm.s32 @p2 $0x28;
	s23 =	simm.s32 @p2 $0x0;
	s24 =	simm.s32 @p2 $0xC00  }
0x4c: {  	[spmem:s2] =	stream.indirect.scatter.add.f32 @p2 [tilespmem:s24], [sflag:$0x1], $0x80, s23, s22, $0xb8;
	[tilespmem:$0x16000] =	vst v63  }
0x4d: {  	p1 =	sne.s32 s19, $0x20;
	s25 =	sshrl.u32 @!p2 s25, $0x9;
	s23 =	simm.s32 @p2 $0x80  }
0x4e: {  	[spmem:s2] =	stream.indirect.scatter.add.f32 @p2 [tilespmem:s24], [sflag:$0x1], $0x80, s23, s22, $0xb8;
	[tilespmem:$0x16000] =	vst v63  }
0x4f: {  	p0 =	sgt.u32 s21, $0x1D;
	s25 =	sand.u32 @!p2 $0x7F, s25;
	s23 =	simm.s32 @p2 $0x100  }
0x50: {  	[spmem:s2] =	stream.indirect.scatter.add.f32 @p2 [tilespmem:s24], [sflag:$0x1], $0x80, s23, s22, $0xb8;
	[tilespmem:$0x16000] =	vst v63  }
0x51: {  	s26 =	simm.s32 @!p2 $0x2;
	s25 =	smul.u32 @!p2 $0x3, s25;
	s23 =	simm.s32 @p2 $0x180  }
0x52: {  	[spmem:s2] =	stream.indirect.scatter.add.f32 @p2 [tilespmem:s24], [sflag:$0x1], $0x80, s23, s22, $0xb8;
	[tilespmem:$0x16000] =	vst v63  }
0x53: {  	s22 =	ssub.s32 @!p2 s21, s25;
	s24 =	simm.s32 @!p2 $0x1;
	_ =	swait.ge @!p2 [sflag:s26], $0x400  }
0x54: {  	s25 =	simm.s32 @!p2 $0xC00;
	s22 =	sand.u32 @!p2 $0xFF, s22;
	[sflag:s26] =	ssyncset.done @!p2 $0x0  }
0x55: {  	s23 =	sshll.u32 @!p2 s22, $0xA;
	[sflag:s26] =	ssyncadd.s32 @!p2 $0xFFFFFC00;
	s26 =	simm.s32 @!p2 $0x28  }
0x56: {  	[spmem:s2] =	stream.indirect.scatter.add.f32 @!p2 [tilespmem:s25], [sflag:$0x1], $0x80, s23, s26, $0xb8;
	[tilespmem:$0x16000] =	vst v63  }
0x57: {  	s28 =	sor.u32 @!p2 $0x80, s23;
	s29 =	sor.u32 @!p2 $0x100, s23;
	_ =	swait.ge @!p2 [sflag:s24], $0x1400  }
0x58: {  	s30 =	sor.u32 @!p2 $0x180, s23;
	s23 =	simm.s32 @p2 $0x0;
	[sflag:s24] =	ssyncset.done @!p2 $0x0  }
0x59: {  	s22 =	smov.u32 s20;
	[sflag:s24] =	ssyncadd.s32 @!p2 $0xFFFFEC00  }
0x5a: {  	[spmem:s2] =	stream.indirect.scatter.add.f32 @!p2 [tilespmem:s25], [sflag:$0x1], $0x80, s28, s26, $0xb8;
	[tilespmem:$0x16000] =	vst v63  }
0x5b: {  	_ =	swait.ge @!p2 [sflag:s24], $0x1400  }
0x5c: {  	[sflag:s24] =	ssyncset.done @!p2 $0x0  }
0x5d: {  	[sflag:s24] =	ssyncadd.s32 @!p2 $0xFFFFEC00  }
0x5e: {  	[spmem:s2] =	stream.indirect.scatter.add.f32 @!p2 [tilespmem:s25], [sflag:$0x1], $0x80, s29, s26, $0xb8;
	[tilespmem:$0x16000] =	vst v63  }
0x5f: {  	_ =	swait.ge @!p2 [sflag:s24], $0x1400  }
0x60: {  	[sflag:s24] =	ssyncset.done @!p2 $0x0  }
0x61: {  	[sflag:s24] =	ssyncadd.s32 @!p2 $0xFFFFEC00  }
0x62: {  	[spmem:s2] =	stream.indirect.scatter.add.f32 @!p2 [tilespmem:s25], [sflag:$0x1], $0x80, s30, s26, $0xb8;
	[tilespmem:$0x16000] =	vst v63  }
0x63: {  	_ =	swait.ge @!p2 [sflag:s24], $0x1400  }
0x64: {  	[sflag:s24] =	ssyncset.done @!p2 $0x0  }
0x65: {  	[sflag:s24] =	ssyncadd.s32 @!p2 $0xFFFFEC00;
	s24 =	sadd.s32 $0x200, s23  }
0x66: {  	[spmem:s2] =	stream.indirect.scatter.add.f32 [tilespmem:s11], [sflag:$0x1], $0x80, s24, s16, $0xb8;
	[tilespmem:$0x16000] =	vst v63  }
0x67: {  	_ =	swait.ge [sflag:s17], $0x1400  }
0x68: {  	[sflag:s17] =	ssyncset.done $0x0  }
0x69: {  	s24 =	sadd.s32 $0x280, s23;
	[sflag:s17] =	ssyncadd.s32 $0xFFFFEC00  }
0x6a: {  	[spmem:s2] =	stream.indirect.scatter.add.f32 [tilespmem:s11], [sflag:$0x1], $0x80, s24, s16, $0xb8;
	[tilespmem:$0x16000] =	vst v63  }
0x6b: {  	s21 =	sadd.s32 $0x2, s21;
	_ =	swait.ge [sflag:s17], $0x1400  }
0x6c: {  	s24 =	sand.u32 $0xFF, s21;
	[sflag:s17] =	ssyncset.done $0x0  }
0x6d: {  	s25 =	sadd.s32 $0x300, s23;
	s24 =	smul.u32 $0xAB, s24;
	[sflag:s17] =	ssyncadd.s32 $0xFFFFEC00  }
0x6e: {  	[spmem:s2] =	stream.indirect.scatter.add.f32 [tilespmem:s11], [sflag:$0x1], $0x80, s25, s16, $0xb8;
	[tilespmem:$0x16000] =	vst v63  }
.Ltmp0:
0x6f: {  	_ =	swait.ge [sflag:s17], $0x1400;
	(pc) =	sbr.rel @p1 .LBB2_2-.Ltmp0, $4  }
0x70: {  	[sflag:s17] =	ssyncset.done $0x0  }
0x71: {  	s24 =	sshrl.u32 s24, $0x9;
	s25 =	sadd.s32 $0x380, s23;
	[sflag:s17] =	ssyncadd.s32 $0xFFFFEC00  }
0x72: {  	s20 =	sadd.s32 $0x80, s20;
	s24 =	smul.u32 $0x3, s24;
	s23 =	simm.s32 @!p0 $0x0  }
0x73: {  	[spmem:s2] =	stream.indirect.scatter.add.f32 [tilespmem:s11], [sflag:$0x1], $0x80, s25, s16, $0xb8;
	[tilespmem:$0x16000] =	vst v63  }
0x74: {  	s19 =	ssub.s32 s21, s24;
	_ =	swait.ge [sflag:s17], $0x1400  }
0x75: {  	s19 =	sand.u32 $0xFF, s19;
	[sflag:s17] =	ssyncset.done $0x0  }
0x76: {  	[sflag:s17] =	ssyncadd.s32 $0xFFFFEC00;
	s19 =	sshll.u32 @!p0 s19, $0xA  }
0x77: {  	[tilespmem:s19], [sflag:$0x2] =	stream.linear.gather @!p0 [hbm4b:s22+s23], $0x400, $0x38;
	[tilespmem:$0x16000] =	vst v63  }
0x78: {  	_ =	swait.ge [sflag:s17], $0x1400  }
0x79: {  	[sflag:s17] =	ssyncset.done $0x0  }
0x7a: {  	[sflag:s17] =	ssyncadd.s32 $0xFFFFEC00  }
0x7b: {  	_ =	swait.ge [sflag:s17], $0x1400  }
0x7c: {  	[sflag:s17] =	ssyncset.done $0x0  }
0x7d: {  	[sflag:s17] =	ssyncadd.s32 $0xFFFFEC00  }
0x7e: {  	_ =	swait.ge [sflag:s17], $0x1400  }
0x7f: {  	[sflag:s17] =	ssyncset.done $0x0  }
0x80: {  	[sflag:s17] =	ssyncadd.s32 $0xFFFFEC00  }
0x81: {  	_ =	swait.ge [sflag:s17], $0x1400  }
0x82: {  	s18 =	sadd.s32 $0x1, s18;
	[sflag:s17] =	ssyncset.done $0x0  }
0x83: {  	p0 =	sne.s32 s18, s9;
	[sflag:s17] =	ssyncadd.s32 $0xFFFFEC00  }
.Ltmp1:
0x84: {  	[bflag:$0x0] =	sbarrier.arrive $0xFFFF;
	(pc) =	sbr.rel @p0 .LBB2_1-.Ltmp1, $4  }
0x85: {  	[hbm:s8], [sflag:s14] =	dma.local [spmem:s15], $0x2800  }
0x86: {  	_ =	swait.ge [sflag:s12], $0x2800  }
0x87: {  	[sflag:s12] =	ssyncset.done $0x0  }
0x88: {  	[sflag:s12] =	ssyncadd.s32 $0xFFFFD800  }
0x89: {  	_ =	sfence.sel $0x180000  }
0x8a: {  	[bflag:$0x0] =	sbarrier.arrive $0xFFFF  }
0x8b: {  	p0 =	sne.s32 s1, $0x0;
	_ =	strace $0x90000047  }
0x8c: {  	s0 =	sadd.s32 @!p0 $0x100000, s0;
	[bflag:$0x2] =	sbarrier.arrive $0xFFFF  }
0x8d: {  	[sflag:s0] =	ssyncadd.tile.s32 @!p0 $0x1;
	_ =	shalt  }
.Lfunc_end2:
_tile_overlayer_lowered:
.L_overlay_start_2:
0x8e: {  	(tag) =	ssettag $0x2  }
0x8f: {  	s0 =	rddreg [dreg:$0x0];
	s2 =	stileid.u32  }
0x90: {  	s1 =	rddreg [dreg:$0x1];
	p0 =	sne.s32 s2, $0x0  }
0x91: {  	s3 =	rddreg [dreg:$0x2];
	[bflag:$0x3] =	sbarrier.arrive $0xFFFF;
	s2 =	simm.s32 @!p0 $0x1C03  }
0x92: {  	[timem:s3], [sflag:s2] =	dma.local @!p0 [hbm:s0], s1  }
0x93: {  	s0 =	simm.s32 @!p0 $0x3  }
0x94: {  	_ =	swait.ge @!p0 [sflag:s0], s1  }
0x95: {  	s1 =	ssub.s32 @!p0 $0x0, s1;
	[sflag:s0] =	ssyncset.done @!p0 $0x0  }
0x96: {  	[sflag:s0] =	ssyncadd.s32 @!p0 s1  }
0x97: {  	[bflag:$0x3] =	sbarrier.arrive $0xFFFF  }
0x98: {  	_ =	shalt  }

// kernel: _run.14.cloned.1.call-start
scs
__scs_entry_jumppad:
0x0: {  	(pc) =	sbr.rel $0x88, $3  }
0x1: {  	(tag) =	ssettag $0x0;
	lr =	simm.s32 $0x1  }
0x2: {  	[smem:$0x3F99] =	sst lr;
	_ =	strace $0xD0000000  }
0x3: {  	_ = 	snop  }
0x4: {  	_ = 	snop  }
0x5: {  	_ = 	snop  }
0x6: {  	_ = 	snop  }
0x7: {  	_ = 	snop  }
__scs_overlays_trampoline_lowered:
0x8: {  	[smem:$0x3FA8] =	sst s0  }
0x9: {  	[smem:$0x3FA9] =	sst s1  }
0xa: {  	[smem:$0x3FAA] =	sst s2  }
0xb: {  	[smem:$0x3FAB] =	sst s3  }
0xc: {  	[smem:$0x3FAC] =	sst s4  }
0xd: {  	[smem:$0x3FAD] =	sst s5  }
0xe: {  	[smem:$0x3FAE] =	sst s6  }
0xf: {  	[smem:$0x3FAF] =	sst s7  }
0x10: {  	[smem:$0x3FB0] =	sst s8  }
0x11: {  	[smem:$0x3FB1] =	sst s9;
	s0 =	simm.s32 @!p0 $0x0  }
0x12: {  	s1 =	sld [smem:$0x3F97];
	s0 =	simm.s32 @p0 $0x1  }
0x13: {  	[smem:$0x3FB2] =	sst s0;
	s0 =	simm.s32 @!p1 $0x0  }
0x14: {  	s2 =	sld [smem:$0x3F96];
	s0 =	simm.s32 @p1 $0x1  }
0x15: {  	[smem:$0x3FB3] =	sst s0;
	s0 =	simm.s32 @!p2 $0x0  }
0x16: {  	s3 =	sld [smem:$0x3FDB];
	s0 =	simm.s32 @p2 $0x1  }
0x17: {  	s4 =	simm.s32 $0x1BF5;
	[smem:$0x3FB5] =	sst s0  }
0x18: {  	s0 =	sld [smem:$0x3F98];
	_ =	swait.ge [sflag:s4], $0x0  }
0x19: {  	s7 =	sld [smem:$0x3F99]  }
0x1a: {  	s8 =	sadd.s32 $0xFFFFE003, lr  }
0x1b: {  	s9 =	sadd.s32 $0xFFFFFEF7, lr;
	s5 =	simm.s32 $0xFFFFFFFF;
	p2 =	slt.u32 s8, $0xFFFFF086  }
0x1c: {  	p1 =	slt.u32 s9, $0xF7A;
	s5 =	simm.s32 @!p2 $0x0  }
0x1d: {  	s5 =	simm.s32 @p1 $0x1;
	p0 =	seq.s32 s7, s2  }
0x1e: {  	s7 =	smul.u32 @!p0 $0xF7A, s2;
	p2 =	seq.s32 @!p0 s5, $0x0  }
0x1f: {  	s9 =	smul.u32 $0xF7A, s1;
	s8 =	simm.s32 @!p0 $0x1BF5;
	p2 =	por !p2, p0  }
0x20: {  	[sflag:s8] =	ssyncset.s32 @!p0 $0xFFFFF086;
	s6 =	sadd.s32 @!p0 s3, s7;
	s7 =	simm.s32 @!p0 $0x108  }
0x21: {  	s3 =	sadd.s32 s3, s9;
	s6 =	sadd.s32 @!p0 $0x88, s6;
	s7 =	simm.s32 @p2 $0x1082  }
0x22: {  	[simem:s7], [sflag:s8] =	dma.local @!p0 [hbm:s6], $0xF7A  }
0x23: {  	s9 =	sor.u32 $0xD0000000, s2;
	s6 =	simm.s32 $0x108;
	_ =	swait.ge @!p0 [sflag:s8], $0x0  }
0x24: {  	s3 =	sadd.s32 $0x88, s3;
	s6 =	simm.s32 @!p1 $0x1082;
	[sflag:s4] =	ssyncset.s32 $0xFFFFF086  }
0x25: {  	[simem:s6], [sflag:s4] =	dma.local [hbm:s3], $0xF7A  }
0x26: {  	[smem:$0x3F99] =	sst s1;
	(tag) =	ssettag s2;
	_ =	strace s9  }
0x27: {  	s1 =	sld [smem:$0x3FA9]  }
0x28: {  	s2 =	sld [smem:$0x3FAA]  }
0x29: {  	s4 =	sld [smem:$0x3FAC]  }
0x2a: {  	p0 =	seq.s32 s5, $0x0;
	s5 =	sld [smem:$0x3FAD]  }
0x2b: {  	s6 =	sld [smem:$0x3FAE]  }
0x2c: {  	s7 =	sld [smem:$0x3FAF]  }
0x2d: {  	s3 =	simm.s32 $0x108;
	s8 =	sld [smem:$0x3FB0]  }
0x2e: {  	s3 =	simm.s32 @!p0 $0x1082;
	s9 =	sld [smem:$0x3FB1]  }
0x2f: {  	lr =	sadd.s32 s0, s3;
	s0 =	sld [smem:$0x3FA8]  }
0x30: {  	s3 =	sld [smem:$0x3FAB]  }
0x31: {  	[smem:$0x3FB4] =	sst s10  }
0x32: {  	s10 =	sld [smem:$0x3FB2];
	_ =	sdelay $0x3  }
0x33: {  	p0 =	seq.s32 s10, $0x1;
	s10 =	sld [smem:$0x3FB4];
	_ =	sdelay $0x3  }
0x34: {  	[smem:$0x3FB4] =	sst s10  }
0x35: {  	s10 =	sld [smem:$0x3FB3];
	_ =	sdelay $0x3  }
0x36: {  	p1 =	seq.s32 s10, $0x1;
	s10 =	sld [smem:$0x3FB4];
	_ =	sdelay $0x3  }
0x37: {  	[smem:$0x3FB4] =	sst s10  }
0x38: {  	s10 =	sld [smem:$0x3FB5]  }
0x39: {  	_ = 	snop;
	(pc) =	sbr.ind lr, $3  }
0x3a: {  	_ = 	snop  }
0x3b: {  	_ = 	snop  }
0x3c: {  	p2 =	seq.s32 s10, $0x1;
	s10 =	sld [smem:$0x3FB4]  }
0x3d: {  	_ =	shalt  }
0x3e: {  	_ =	shalt  }
0x3f: {  	_ =	shalt  }
0x40: {  	_ =	shalt  }
0x41: {  	_ =	shalt  }
0x42: {  	_ =	shalt  }
0x43: {  	_ =	shalt  }
0x44: {  	_ =	shalt  }
0x45: {  	_ =	shalt  }
0x46: {  	_ =	shalt  }
0x47: {  	_ =	shalt  }
0x48: {  	_ =	shalt  }
0x49: {  	_ =	shalt  }
0x4a: {  	_ =	shalt  }
0x4b: {  	_ =	shalt  }
0x4c: {  	_ =	shalt  }
0x4d: {  	_ =	shalt  }
0x4e: {  	_ =	shalt  }
0x4f: {  	_ =	shalt  }
0x50: {  	_ =	shalt  }
0x51: {  	_ =	shalt  }
0x52: {  	_ =	shalt  }
0x53: {  	_ =	shalt  }
0x54: {  	_ =	shalt  }
0x55: {  	_ =	shalt  }
0x56: {  	_ =	shalt  }
0x57: {  	_ =	shalt  }
0x58: {  	_ =	shalt  }
0x59: {  	_ =	shalt  }
0x5a: {  	_ =	shalt  }
0x5b: {  	_ =	shalt  }
0x5c: {  	_ =	shalt  }
0x5d: {  	_ =	shalt  }
0x5e: {  	_ =	shalt  }
0x5f: {  	_ =	shalt  }
0x60: {  	_ =	shalt  }
0x61: {  	_ =	shalt  }
0x62: {  	_ =	shalt  }
0x63: {  	_ =	shalt  }
0x64: {  	_ =	shalt  }
0x65: {  	_ =	shalt  }
0x66: {  	_ =	shalt  }
0x67: {  	_ =	shalt  }
0x68: {  	_ =	shalt  }
0x69: {  	_ =	shalt  }
0x6a: {  	_ =	shalt  }
0x6b: {  	_ =	shalt  }
0x6c: {  	_ =	shalt  }
0x6d: {  	_ =	shalt  }
0x6e: {  	_ =	shalt  }
0x6f: {  	_ =	shalt  }
0x70: {  	_ =	shalt  }
0x71: {  	_ =	shalt  }
0x72: {  	_ =	shalt  }
0x73: {  	_ =	shalt  }
0x74: {  	_ =	shalt  }
0x75: {  	_ =	shalt  }
0x76: {  	_ =	shalt  }
0x77: {  	_ =	shalt  }
0x78: {  	_ =	shalt  }
0x79: {  	_ =	shalt  }
0x7a: {  	_ =	shalt  }
0x7b: {  	_ =	shalt  }
0x7c: {  	_ =	shalt  }
0x7d: {  	_ =	shalt  }
0x7e: {  	_ =	shalt  }
0x7f: {  	_ =	shalt  }
0x80: {  	_ =	shalt  }
0x81: {  	_ =	shalt  }
0x82: {  	_ =	shalt  }
0x83: {  	_ =	shalt  }
0x84: {  	_ =	shalt  }
0x85: {  	_ =	shalt  }
0x86: {  	_ =	shalt  }
0x87: {  	_ =	shalt  }
.Lfunc_end0:
.L_simem_size_0:
called_computation.1_lowered:
.L_overlay_start_0:
0x88: {  	s2 =	sld [smem:$0x3FD9]  }
0x89: {  	s3 =	sld [smem:$0x3FFE];
	_ =	sdelay $0x1  }
0x8a: {  	s1 =	srdreg.scid  }
0x8b: {  	s0 =	sand.u32 $0x1, s1  }
0x8c: {  	s17 =	sshll.u32 s0, $0xA;
	s2 =	sadd.s32 s3, s2  }
0x8d: {  	s2 =	sadd.s32 s2, s17  }
0x8e: {  	[smem:$0x3FC0] =	sst s2  }
0x8f: {  	_ = 	snop  }
0x90: {  	s2 =	sld [smem:$0x3FD0];
	(tm) =	ssettm $0x1  }
0x91: {  	s18 =	sld [smem:$0x3FFB];
	_ =	sdelay $0x3  }
0x92: {  	_ =	strace s18  }
0x93: {  	s3 =	sld [smem:$0x3FFC];
	_ =	sdelay $0x3  }
0x94: {  	_ =	strace s3  }
0x95: {  	s3 =	sld [smem:$0x3FFD];
	_ =	sdelay $0x3  }
0x96: {  	_ =	strace s3  }
0x97: {  	_ =	strace $0x8FFFFFFF  }
0x98: {  	s19 =	sld [smem:$0x3FDB];
	_ =	sdelay $0x1  }
0x99: {  	s4 =	simm.s32 $_scs_section_size  }
0x9a: {  	s5 =	simm.s32 $_size__tile_overlayer_lowered;
	s6 =	simm.s32 $_tile_overlayer_lowered  }
0x9b: {  	s22 =	simm.s32 $0x1BFF;
	s21 =	sshll.u32 s6, $0x1;
	s3 =	sadd.s32 s4, s19  }
0x9c: {  	s7 =	simm.s32 $0x0;
	s20 =	sshll.u32 s5, $0x1;
	s5 =	sadd.s32 s21, s3  }
0x9d: {  	[timem:s7], [sflag:s22] =	dma.local [hbm:s5], s20  }
0x9e: {  	_ =	swait.ge [sflag:s22], s20  }
0x9f: {  	s4 =	ssub.s32 $0x0, s20;
	[sflag:s22] =	ssyncset.done $0x0  }
0xa0: {  	[sflag:s22] =	ssyncadd.s32 s4;
	_ =	sdelay $0x1  }
0xa1: {  	s23 =	simm.s32 $0x1B8B  }
0xa2: {  	_ =	swait.ge [sflag:s23], $0x1  }
0xa3: {  	[sflag:s23] =	ssyncset.done $0x0  }
0xa4: {  	s25 =	simm.s32 $0x1B8E;
	s24 =	sld [smem:$0x3FFE];
	[sflag:s23] =	ssyncadd.s32 $0xFFFFFFFF  }
0xa5: {  	s26 =	simm.s32 $execute0_lowered;
	[smem:$0x3FD2] =	sst s25  }
0xa6: {  	s5 =	sshll.u32 s26, $0x1;
	_ =	strace $0x80000049;
	[dreg:$0x1] =	wrdreg $0xFFFFFFFF  }
0xa7: {  	s28 =	simm.s32 $_size_execute0_lowered;
	s3 =	sadd.s32 s3, s5;
	[dreg:$0x0] =	wrdreg $0x0  }
0xa8: {  	s5 =	sshll.u32 s28, $0x1;
	[dreg:$0x2] =	wrdreg s3  }
0xa9: {  	[dreg:$0x3] =	wrdreg s5  }
0xaa: {  	[dreg:$0x4] =	wrdreg $0xC0  }
0xab: {  	_ =	task [dreg:s7], $0x5FFFF  }
0xac: {  	[dreg:$0x1] =	wrdreg $0xFFFFFFFF  }
0xad: {  	[dreg:$0x0] =	wrdreg $0x60  }
0xae: {  	[dreg:$0x2] =	wrdreg s24  }
0xaf: {  	[dreg:$0x3] =	wrdreg s2  }
0xb0: {  	[dreg:$0x4] =	wrdreg $0xB8000  }
0xb1: {  	[dreg:$0x5] =	wrdreg $0x9  }
0xb2: {  	_ =	task.clear_ibuf [dreg:s7], $0x6FFFF;
	_ =	strace $0x90000049  }
0xb3: {  	s29 =	simm.s32 $0x9;
	_ =	strace $0x8000004B  }
0xb4: {  	_ =	swait.ge [sflag:s29], $0x1  }
0xb5: {  	[sflag:s29] =	ssyncadd.s32 $0xFFFFFFFF  }
0xb6: {  	_ =	strace $0x9000004B  }
0xb7: {  	_ =	sfence  }
0xb8: {  	s30 =	sld [smem:$0x0];
	_ =	sdelay $0x2  }
0xb9: {  	s31 =	sshll.u32 s1, $0xD;
	s1 =	sshrl.u32 s1, $0x2  }
0xba: {  	s3 =	sand.u32 $0x4000, s31;
	s1 =	sadd.s32 s1, s30  }
0xbb: {  	s0 =	sor.u32 s3, s0;
	s1 =	sshll.u32 s1, $0x11  }
0xbc: {  	s0 =	sor.u32 s1, s0  }
0xbd: {  	s0 =	sadd.s32 $0x8F2B, s0  }
0xbe: {  	[sflag:s0] =	ssyncadd.remote.s32 $0x1  }
0xbf: {  	_ =	sfence.sel $0xFFFF  }
0xc0: {  	[dreg:$0x0] =	wrdreg $0xFFFFFFFF;
	(pc) =	sbr.abs _section_cstart, $3  }
0xc1: {  	[dreg:$0x1] =	wrdreg $0xFFFFFFFF  }
0xc2: {  	_ =	task.clear_ibuf [dreg:s7], $0x2FFFF;
	_ =	strace $0x9FFFFFFF  }
0xc3: {  	(tm) =	ssettm $0x7FFFFFFF  }
tec
execute0_lowered:
.L_overlay_start_1:
0x0: {  	(tag) =	ssettag $0x1  }
0x1: {  	s0 =	rddreg [dreg:$0x0]  }
0x2: {  	s2 =	rddreg [dreg:$0x1]  }
0x3: {  	s1 =	rddreg [dreg:$0x2]  }
0x4: {  	s3 =	srdreg.scid;
	s4 =	simm.s32 $0x0;
	s16 =	stileid.u32  }
0x5: {  	s30 =	simm.s32 $0x6800;
	s15 =	simm.s32 $0x9000;
	s29 =	simm.s32 $0xA  }
0x6: {  	s31 =	simm.s32 $0x5;
	s11 =	simm.s32 $0x10;
	s5 =	sand.u32 $0x1, s3  }
0x7: {  	[smem:$0x7FF] =	sst s4;
	s7 =	sshll.u32 s16, $0xD;
	s8 =	smul.u32 $0x14000, s16  }
0x8: {  	s4 =	sadd.s32 $0x25800, s0;
	s9 =	sshll.u32 s16, $0x10;
	s10 =	sadd.s32 $0x23000, s0  }
0x9: {  	s21 =	smul.u32 $0x50000, s16;
	s28 =	sshll.u32 s16, $0x6;
	s16 =	simm.s32 $0x2  }
0xa: {  	s3 =	simm.s32 $0x0;
	s6 =	smul.u32 $0x140000, s5;
	_ =	strace $0x8000004A  }
0xb: {  	s7 =	sadd.s32 s7, s0;
	s17 =	sshll.u32 s5, $0x14;
	[dreg:$0x4] =	wrdreg s10  }
0xc: {  	s5 =	ssub.s32 $0x2, s5;
	s10 =	simm.s32 $0x13;
	s13 =	sor.u32 $0x1C13, s28  }
0xd: {  	s19 =	sshrl.u32 s5, $0x1;
	s22 =	sadd.s32 $0x2C00, s7;
	[dreg:$0xd] =	wrdreg s13  }
0xe: {  	s24 =	sadd.s32 $0x2C80, s7;
	s26 =	sadd.s32 $0x2D00, s7;
	[dreg:$0x6] =	wrdreg s22  }
0xf: {  	s7 =	simm.s32 $0x7;
	s6 =	sadd.s32 s8, s6;
	[dreg:$0x8] =	wrdreg s24  }
0x10: {  	s8 =	sor.u32 s9, s17;
	s5 =	ssub.s32 s5, s19;
	[dreg:$0xc] =	wrdreg s26  }
0x11: {  	s17 =	simm.s32 $0xA400;
	s22 =	simm.s32 $0x3;
	s24 =	simm.s32 $0x9  }
0x12: {  	s26 =	simm.s32 $0x4;
	s9 =	simm.s32 $0x8;
	s6 =	sshrl.u32 s6, $0x3  }
0x13: {  	s18 =	sshrl.u32 s8, $0x3;
	s8 =	sor.u32 $0x800, s8;
	s5 =	smax.u32 s5, $0x1  }
0x14: {  	s0 =	sadd.s32 s6, s0;
	s20 =	sadd.s32 s2, s18;
	s6 =	sshrl.u32 s21, $0x2  }
0x15: {  	s25 =	sshrl.u32 s8, $0x3;
	[dreg:$0xa] =	wrdreg s5;
	s5 =	simm.s32 $0xB  }
.Ltmp0:
0x16: {  	[dreg:$0x5] =	wrdreg s20;
	s23 =	sadd.s32 $0x80, s20;
	(pc) =	sbr.rel .LBB2_1-.Ltmp0, $4  }
0x17: {  	s8 =	simm.s32 $0xD;
	s0 =	sadd.s32 $0x75800, s0;
	[dreg:$0x7] =	wrdreg s23  }
0x18: {  	s6 =	sadd.s32 s6, s1;
	[dreg:$0x9] =	wrdreg s0;
	s0 =	sadd.s32 s25, s2  }
0x19: {  	s20 =	simm.s32 $0x28;
	s14 =	sshrl.u32 s6, $0x3;
	[dreg:$0xb] =	wrdreg s0  }
0x1a: {  	s2 =	simm.s32 $0x1;
	s6 =	simm.s32 $0xE;
	[dreg:$0xe] =	wrdreg s14  }
.LBB2_8:
0x1b: {  	_ =	swait.ge [sflag:s9], $0x1400  }
0x1c: {  	[sflag:s9] =	ssyncset.done $0x0  }
0x1d: {  	s0 =	sadd.s32 $0xC00, s0;
	[sflag:s9] =	ssyncadd.s32 $0xFFFFEC00  }
0x1e: {  	[spmem:s1] =	stream.indirect.scatter.add.f32 [tilespmem:s17], [sflag:$0x10], $0x80, s0, s20, $0xb8;
	[tilespmem:$0x1F800] =	vst v63  }
0x1f: {  	_ =	swait.ge [sflag:s6], $0x1400  }
0x20: {  	[sflag:s6] =	ssyncset.done $0x0  }
0x21: {  	[sflag:s6] =	ssyncadd.s32 $0xFFFFEC00  }
.LBB2_10:
0x22: {  	s0 =	simm.s32 $0xF  }
0x23: {  	_ =	swait.ge [sflag:s0], $0x1400  }
0x24: {  	[sflag:s0] =	ssyncset.done $0x0  }
0x25: {  	[sflag:s0] =	ssyncadd.s32 $0xFFFFEC00  }
0x26: {  	_ =	swait.ge [sflag:s11], $0x1400  }
0x27: {  	[sflag:s11] =	ssyncset.done $0x0  }
0x28: {  	[sflag:s11] =	ssyncadd.s32 $0xFFFFEC00  }
0x29: {  	[bflag:$0x0] =	sbarrier.arrive $0xFFFF  }
0x2a: {  	s25 =	rddreg [dreg:$0x9]  }
0x2b: {  	s13 =	rddreg [dreg:$0xd]  }
0x2c: {  	s10 =	simm.s32 $0x13;
	s14 =	rddreg [dreg:$0xe]  }
0x2d: {  	[hbm:s25], [sflag:s13] =	dma.local [spmem:s14], $0x2800  }
0x2e: {  	_ =	swait.ge [sflag:s10], $0x2800  }
0x2f: {  	s3 =	rddreg [dreg:$0xf]  }
0x30: {  	s28 =	rddreg [dreg:$0xa];
	s3 =	sadd.s32 $0x1, s3  }
0x31: {  	p0 =	sne.s32 s3, s28  }
.Ltmp1:
0x32: {  	_ = 	snop;
	(pc) =	sbr.rel @!p0 .LBB2_11-.Ltmp1, $3  }
0x33: {  	_ =	sdelay $0x1  }
0x34: {  	[sflag:s10] =	ssyncset.done $0x0  }
0x35: {  	[sflag:s10] =	ssyncadd.s32 $0xFFFFD800  }
.LBB2_1:
0x36: {  	[dreg:$0xf] =	wrdreg s3  }
0x37: {  	s0 =	simm.s32 $0x0;
	s12 =	rddreg [dreg:$0x5]  }
0x38: {  	[tilespmem:s0], [sflag:$0x13] =	stream.linear.gather [hbm4b:s12+s0], $0x400, $0x38;
	[tilespmem:$0x1F800] =	vst v63  }
0x39: {  	_ =	swait.ge [sflag:s10], $0x400  }
0x3a: {  	[sflag:s10] =	ssyncset.done $0x0  }
0x3b: {  	s12 =	simm.s32 $0xC00;
	s18 =	rddreg [dreg:$0x6];
	[sflag:s10] =	ssyncadd.s32 $0xFFFFFC00  }
0x3c: {  	[tilespmem:s12], [sflag:$0x13] =	stream.linear.gather [hbm4b:s18+s0], $0x400, $0x38;
	[tilespmem:$0x1F800] =	vst v63  }
0x3d: {  	_ =	swait.ge [sflag:s10], $0x400  }
0x3e: {  	[sflag:s10] =	ssyncset.done $0x0;
	s19 =	rddreg [dreg:$0x7]  }
0x3f: {  	s21 =	simm.s32 $0x400;
	s23 =	rddreg [dreg:$0x8];
	[sflag:s10] =	ssyncadd.s32 $0xFFFFFC00  }
0x40: {  	[tilespmem:s21], [sflag:$0x11] =	stream.linear.gather [hbm4b:s19+s0], $0x400, $0x38;
	[tilespmem:$0x1F800] =	vst v63  }
0x41: {  	s25 =	simm.s32 $0x1000;
	s28 =	rddreg [dreg:$0x4]  }
0x42: {  	[tilespmem:s25], [sflag:$0x12] =	stream.linear.gather [hbm4b:s23+s0], $0x400, $0x38;
	[tilespmem:$0x1F800] =	vst v63  }
0x43: {  	[spmem:s14], [sflag:s13] =	dma.local [hbm:s28], $0x2800  }
0x44: {  	_ =	swait.ge [sflag:s10], $0x2800  }
0x45: {  	[sflag:s10] =	ssyncset.done $0x0  }
0x46: {  	[sflag:s10] =	ssyncadd.s32 $0xFFFFD800;
	s10 =	simm.s32 $0x1800  }
0x47: {  	[tilespmem:s10], [sflag:$0x1] =	stream.indirect.gather [hbm4b:s4+s20], $0x80, s0, s20, $0xb8;
	[tilespmem:$0x1F800] =	vst v63  }
0x48: {  	s12 =	simm.s32 $0x80;
	s13 =	simm.s32 $0x2C00  }
0x49: {  	[tilespmem:s13], [sflag:$0x2] =	stream.indirect.gather [hbm4b:s4+s20], $0x80, s12, s20, $0xb8;
	[tilespmem:$0x1F800] =	vst v63  }
0x4a: {  	s18 =	simm.s32 $0x4000;
	s14 =	simm.s32 $0x100  }
0x4b: {  	[tilespmem:s18], [sflag:$0x3] =	stream.indirect.gather [hbm4b:s4+s20], $0x80, s14, s20, $0xb8;
	[tilespmem:$0x1F800] =	vst v63  }
0x4c: {  	s19 =	simm.s32 $0x180;
	s21 =	simm.s32 $0x5400  }
0x4d: {  	[tilespmem:s21], [sflag:$0x4] =	stream.indirect.gather [hbm4b:s4+s20], $0x80, s19, s20, $0xb8;
	[tilespmem:$0x1F800] =	vst v63  }
0x4e: {  	s23 =	simm.s32 $0x200  }
0x4f: {  	[tilespmem:s30], [sflag:$0x5] =	stream.indirect.gather [hbm4b:s4+s20], $0x80, s23, s20, $0xb8;
	[tilespmem:$0x1F800] =	vst v63  }
0x50: {  	s25 =	simm.s32 $0x280;
	s28 =	simm.s32 $0x7C00  }
0x51: {  	[tilespmem:s28], [sflag:$0x6] =	stream.indirect.gather [hbm4b:s4+s20], $0x80, s25, s20, $0xb8;
	[tilespmem:$0x1F800] =	vst v63  }
0x52: {  	[bflag:$0x0] =	sbarrier.arrive $0xFFFF  }
0x53: {  	s13 =	rddreg [dreg:$0xc]  }
0x54: {  	s18 =	simm.s32 $0x0;
	s10 =	rddreg [dreg:$0xb]  }
.LBB2_2:
0x55: {  	s28 =	smul.u32 $0xAB, s18;
	_ =	sdelay $0x1  }
0x56: {  	s0 =	sshrl.u32 s28, $0x9  }
0x57: {  	s0 =	sand.u32 $0x7F, s0  }
0x58: {  	s0 =	smul.u32 $0x3, s0;
	_ =	sdelay $0x1  }
0x59: {  	s0 =	ssub.s32 s18, s0  }
0x5a: {  	_ =	swait.ge [sflag:s2], $0x1400;
	s0 =	sand.u32 $0xFF, s0  }
0x5b: {  	s3 =	simm.s32 $0x1800;
	[sflag:s2] =	ssyncset.done $0x0;
	s14 =	sshll.u32 s0, $0xA  }
0x5c: {  	p0 =	seq.s32 s18, $0x0;
	[sflag:s2] =	ssyncadd.s32 $0xFFFFEC00;
	s0 =	sadd.s32 $0xC00, s14  }
0x5d: {  	[spmem:s1] =	stream.indirect.scatter.add.f32 [tilespmem:s3], [sflag:$0x9], $0x80, s0, s20, $0xb8;
	[tilespmem:$0x1F800] =	vst v63  }
0x5e: {  	s0 =	simm.s32 @!p0 $0xF  }
0x5f: {  	_ =	swait.ge @!p0 [sflag:s0], $0x1400  }
0x60: {  	[sflag:s0] =	ssyncset.done @!p0 $0x0  }
0x61: {  	s19 =	sor.u32 $0x300, s14;
	[sflag:s0] =	ssyncadd.s32 @!p0 $0xFFFFEC00  }
0x62: {  	[tilespmem:s15], [sflag:$0x7] =	stream.indirect.gather [hbm4b:s4+s20], $0x80, s19, s20, $0xb8;
	[tilespmem:$0x1F800] =	vst v63  }
0x63: {  	_ =	swait.ge [sflag:s16], $0x1400  }
0x64: {  	s21 =	simm.s32 $0x2C00;
	p0 =	seq.s32 s18, $0x3F;
	[sflag:s16] =	ssyncset.done $0x0  }
0x65: {  	s12 =	sadd.s32 $0xC80, s14;
	s0 =	simm.s32 @!p0 $0x11;
	[sflag:s16] =	ssyncadd.s32 $0xFFFFEC00  }
0x66: {  	[spmem:s1] =	stream.indirect.scatter.add.f32 [tilespmem:s21], [sflag:$0xA], $0x80, s12, s20, $0xb8;
	[tilespmem:$0x1F800] =	vst v63  }
0x67: {  	_ =	swait.ge @!p0 [sflag:s0], $0x400  }
0x68: {  	[sflag:s0] =	ssyncset.done @!p0 $0x0  }
0x69: {  	[sflag:s0] =	ssyncadd.s32 @!p0 $0xFFFFFC00;
	s0 =	simm.s32 @!p0 $0x12  }
0x6a: {  	_ =	swait.ge @!p0 [sflag:s0], $0x400  }
0x6b: {  	p1 =	seq.s32 @!p0 s18, $0x0;
	s12 =	sadd.s32 $0xAB, s28;
	[sflag:s0] =	ssyncset.done @!p0 $0x0  }
0x6c: {  	p1 =	por p0, !p1;
	s25 =	sshrl.u32 s12, $0x9;
	[sflag:s0] =	ssyncadd.s32 @!p0 $0xFFFFFC00  }
0x6d: {  	s25 =	sand.u32 $0x7F, s25;
	_ =	swait.ge @p1 [sflag:s11], $0x1400  }
0x6e: {  	s25 =	smul.u32 $0x3, s25;
	[sflag:s11] =	ssyncset.done @p1 $0x0  }
0x6f: {  	s0 =	sor.u32 $0x380, s14;
	[sflag:s11] =	ssyncadd.s32 @p1 $0xFFFFEC00;
	p1 =	sgt.u32 s18, $0x3D  }
0x70: {  	[tilespmem:s17], [sflag:$0x8] =	stream.indirect.gather [hbm4b:s4+s20], $0x80, s0, s20, $0xb8;
	[tilespmem:$0x1F800] =	vst v63  }
.Ltmp2:
0x71: {  	_ = 	snop;
	(pc) =	sbr.rel @p1 .LBB2_4-.Ltmp2, $4  }
0x72: {  	s12 =	sadd.s32 $0x1, s18;
	_ =	swait.ge [sflag:s22], $0x1400  }
0x73: {  	s23 =	sadd.s32 $0xD00, s14;
	s25 =	ssub.s32 s12, s25;
	[sflag:s22] =	ssyncset.done $0x0  }
0x74: {  	s21 =	simm.s32 $0x4000;
	s25 =	sand.u32 $0xFF, s25;
	[sflag:s22] =	ssyncadd.s32 $0xFFFFEC00  }
0x75: {  	[spmem:s1] =	stream.indirect.scatter.add.f32 [tilespmem:s21], [sflag:$0xB], $0x80, s23, s20, $0xb8;
	[tilespmem:$0x1F800] =	vst v63  }
0x76: {  	s3 =	sadd.s32 $0x156, s28  }
0x77: {  	s3 =	sshrl.u32 s3, $0x9  }
0x78: {  	s3 =	sand.u32 $0x7F, s3  }
0x79: {  	s3 =	smul.u32 $0x3, s3;
	_ =	sdelay $0x1  }
0x7a: {  	s3 =	ssub.s32 s18, s3  }
0x7b: {  	s3 =	sadd.s32 $0x2, s3  }
0x7c: {  	s3 =	sand.u32 $0xFF, s3  }
0x7d: {  	s21 =	simm.s32 $0x0;
	s3 =	sshll.u32 s3, $0xA  }
0x7e: {  	[tilespmem:s3], [sflag:$0x11] =	stream.linear.gather [hbm4b:s10+s21], $0x400, $0x38;
	[tilespmem:$0x1F800] =	vst v63  }
.Ltmp3:
0x7f: {  	s3 =	sadd.s32 $0xC00, s3;
	(pc) =	sbr.rel .LBB2_5-.Ltmp3, $4  }
0x80: {  	[tilespmem:s3], [sflag:$0x12] =	stream.linear.gather [hbm4b:s13+s21], $0x400, $0x38;
	[tilespmem:$0x1F800] =	vst v63  }
0x81: {  	_ =	swait.ge [sflag:s24], $0x1400  }
0x82: {  	[sflag:s24] =	ssyncset.done $0x0  }
0x83: {  	[sflag:s24] =	ssyncadd.s32 $0xFFFFEC00  }
.LBB2_4:
.Ltmp4:
0x84: {  	(pc) =	sbr.rel @!p0 .LBB2_5-.Ltmp4, $4  }
0x85: {  	_ = 	snop  }
0x86: {  	_ =	swait.ge [sflag:s24], $0x1400  }
0x87: {  	[sflag:s24] =	ssyncset.done $0x0  }
0x88: {  	[sflag:s24] =	ssyncadd.s32 $0xFFFFEC00  }
0x89: {  	_ =	swait.ge [sflag:s26], $0x1400  }
0x8a: {  	s3 =	sadd.s32 $0xD80, s14;
	[sflag:s26] =	ssyncset.done $0x0  }
.Ltmp5:
0x8b: {  	s21 =	simm.s32 $0x5400;
	[sflag:s26] =	ssyncadd.s32 $0xFFFFEC00;
	(pc) =	sbr.rel .LBB2_7-.Ltmp5, $4  }
0x8c: {  	[spmem:s1] =	stream.indirect.scatter.add.f32 [tilespmem:s21], [sflag:$0xC], $0x80, s3, s20, $0xb8;
	[tilespmem:$0x1F800] =	vst v63  }
0x8d: {  	_ =	swait.ge [sflag:s29], $0x1400  }
0x8e: {  	[sflag:s29] =	ssyncset.done $0x0  }
0x8f: {  	[sflag:s29] =	ssyncadd.s32 $0xFFFFEC00  }
.LBB2_5:
0x90: {  	s3 =	sshll.u32 s25, $0xA;
	s21 =	simm.s32 $0x1800  }
0x91: {  	[tilespmem:s21], [sflag:$0x1] =	stream.indirect.gather [hbm4b:s4+s20], $0x80, s3, s20, $0xb8;
	[tilespmem:$0x1F800] =	vst v63  }
0x92: {  	_ =	swait.ge [sflag:s26], $0x1400  }
0x93: {  	[sflag:s26] =	ssyncset.done $0x0  }
0x94: {  	s28 =	sadd.s32 $0xD80, s14;
	s23 =	simm.s32 $0x5400;
	[sflag:s26] =	ssyncadd.s32 $0xFFFFEC00  }
0x95: {  	[spmem:s1] =	stream.indirect.scatter.add.f32 [tilespmem:s23], [sflag:$0xC], $0x80, s28, s20, $0xb8;
	[tilespmem:$0x1F800] =	vst v63  }
0x96: {  	_ =	swait.ge [sflag:s29], $0x1400  }
0x97: {  	[sflag:s29] =	ssyncset.done $0x0  }
0x98: {  	s3 =	sor.u32 $0x80, s3;
	s28 =	simm.s32 $0x2C00;
	[sflag:s29] =	ssyncadd.s32 $0xFFFFEC00  }
0x99: {  	[tilespmem:s28], [sflag:$0x2] =	stream.indirect.gather [hbm4b:s4+s20], $0x80, s3, s20, $0xb8;
	[tilespmem:$0x1F800] =	vst v63  }
.LBB2_7:
0x9a: {  	_ =	swait.ge [sflag:s31], $0x1400  }
0x9b: {  	[sflag:s31] =	ssyncset.done $0x0  }
0x9c: {  	s3 =	sadd.s32 $0xE00, s14;
	[sflag:s31] =	ssyncadd.s32 $0xFFFFEC00  }
0x9d: {  	[spmem:s1] =	stream.indirect.scatter.add.f32 [tilespmem:s30], [sflag:$0xD], $0x80, s3, s20, $0xb8;
	[tilespmem:$0x1F800] =	vst v63  }
0x9e: {  	_ =	swait.ge [sflag:s5], $0x1400  }
0x9f: {  	[sflag:s5] =	ssyncset.done $0x0  }
0xa0: {  	s3 =	simm.s32 @p0 $0x6;
	[sflag:s5] =	ssyncadd.s32 $0xFFFFEC00  }
0xa1: {  	_ =	swait.ge @p0 [sflag:s3], $0x1400  }
0xa2: {  	s28 =	simm.s32 @p0 $0x28;
	[sflag:s3] =	ssyncset.done @p0 $0x0  }
0xa3: {  	s21 =	simm.s32 @p0 $0x7C00;
	[sflag:s3] =	ssyncadd.s32 @p0 $0xFFFFEC00;
	s3 =	sadd.s32 @p0 $0xE80, s14  }
0xa4: {  	[spmem:s1] =	stream.indirect.scatter.add.f32 @p0 [tilespmem:s21], [sflag:$0xE], $0x80, s3, s28, $0xb8;
	[tilespmem:$0x1F800] =	vst v63  }
0xa5: {  	s3 =	simm.s32 @p0 $0xC  }
0xa6: {  	_ =	swait.ge @p0 [sflag:s3], $0x1400  }
0xa7: {  	[sflag:s3] =	ssyncset.done @p0 $0x0  }
0xa8: {  	[sflag:s3] =	ssyncadd.s32 @p0 $0xFFFFEC00;
	s3 =	sshll.u32 @!p0 s25, $0xA  }
0xa9: {  	s23 =	simm.s32 @!p0 $0x4000;
	s28 =	simm.s32 @!p0 $0x28;
	s21 =	sor.u32 @!p0 $0x100, s3  }
0xaa: {  	[tilespmem:s23], [sflag:$0x3] =	stream.indirect.gather @!p0 [hbm4b:s4+s28], $0x80, s21, s28, $0xb8;
	[tilespmem:$0x1F800] =	vst v63  }
0xab: {  	s21 =	simm.s32 @!p0 $0x6  }
0xac: {  	_ =	swait.ge @!p0 [sflag:s21], $0x1400  }
0xad: {  	[sflag:s21] =	ssyncset.done @!p0 $0x0  }
0xae: {  	s14 =	sadd.s32 @!p0 $0xE80, s14;
	[sflag:s21] =	ssyncadd.s32 @!p0 $0xFFFFEC00;
	s21 =	simm.s32 @!p0 $0x7C00  }
0xaf: {  	[spmem:s1] =	stream.indirect.scatter.add.f32 @!p0 [tilespmem:s21], [sflag:$0xE], $0x80, s14, s28, $0xb8;
	[tilespmem:$0x1F800] =	vst v63  }
0xb0: {  	s14 =	simm.s32 @!p0 $0xC  }
0xb1: {  	_ =	swait.ge @!p0 [sflag:s14], $0x1400  }
0xb2: {  	[sflag:s14] =	ssyncset.done @!p0 $0x0  }
0xb3: {  	s3 =	sor.u32 @!p0 $0x180, s3;
	[sflag:s14] =	ssyncadd.s32 @!p0 $0xFFFFEC00;
	s14 =	simm.s32 @!p0 $0x5400  }
0xb4: {  	[tilespmem:s14], [sflag:$0x4] =	stream.indirect.gather @!p0 [hbm4b:s4+s28], $0x80, s3, s28, $0xb8;
	[tilespmem:$0x1F800] =	vst v63  }
0xb5: {  	_ =	swait.ge [sflag:s7], $0x1400  }
0xb6: {  	p0 =	sne.s32 s18, $0x3F;
	[sflag:s7] =	ssyncset.done $0x0  }
.Ltmp6:
0xb7: {  	s28 =	sadd.s32 $0xC00, s19;
	[sflag:s7] =	ssyncadd.s32 $0xFFFFEC00;
	(pc) =	sbr.rel @!p0 .LBB2_8-.Ltmp6, $4  }
0xb8: {  	[spmem:s1] =	stream.indirect.scatter.add.f32 [tilespmem:s15], [sflag:$0xF], $0x80, s28, s20, $0xb8;
	[tilespmem:$0x1F800] =	vst v63  }
0xb9: {  	_ =	swait.ge [sflag:s8], $0x1400  }
0xba: {  	[sflag:s8] =	ssyncset.done $0x0  }
0xbb: {  	[sflag:s8] =	ssyncadd.s32 $0xFFFFEC00  }
0xbc: {  	s3 =	sshll.u32 s25, $0xA  }
0xbd: {  	s14 =	sor.u32 $0x200, s3  }
0xbe: {  	[tilespmem:s30], [sflag:$0x5] =	stream.indirect.gather [hbm4b:s4+s20], $0x80, s14, s20, $0xb8;
	[tilespmem:$0x1F800] =	vst v63  }
0xbf: {  	_ =	swait.ge [sflag:s9], $0x1400  }
0xc0: {  	[sflag:s9] =	ssyncset.done $0x0  }
0xc1: {  	s0 =	sadd.s32 $0xC00, s0;
	p0 =	sne.s32 s12, $0x40;
	[sflag:s9] =	ssyncadd.s32 $0xFFFFEC00  }
0xc2: {  	[spmem:s1] =	stream.indirect.scatter.add.f32 [tilespmem:s17], [sflag:$0x10], $0x80, s0, s20, $0xb8;
	[tilespmem:$0x1F800] =	vst v63  }
.Ltmp7:
0xc3: {  	_ = 	snop;
	(pc) =	sbr.rel @p0 .LBB2_2-.Ltmp7, $4  }
.Ltmp8:
0xc4: {  	s28 =	simm.s32 $0x7C00;
	_ =	swait.ge [sflag:s6], $0x1400;
	(pc) =	sbr.rel @!p0 .LBB2_10-.Ltmp8, $4  }
0xc5: {  	s10 =	sadd.s32 $0x80, s10;
	s13 =	sadd.s32 $0x80, s13;
	[sflag:s6] =	ssyncset.done $0x0  }
0xc6: {  	s18 =	smov.u32 s12;
	s25 =	sor.u32 $0x280, s3;
	[sflag:s6] =	ssyncadd.s32 $0xFFFFEC00  }
0xc7: {  	[tilespmem:s28], [sflag:$0x6] =	stream.indirect.gather [hbm4b:s4+s20], $0x80, s25, s20, $0xb8;
	[tilespmem:$0x1F800] =	vst v63  }
0xc8: {  	_ = 	snop  }
.LBB2_11:
0xc9: {  	_ =	sfence.sel $0x180000  }
0xca: {  	[bflag:$0x0] =	sbarrier.arrive $0xFFFF  }
0xcb: {  	_ =	strace $0x9000004A  }
0xcc: {  	s0 =	stileid.u32;
	[bflag:$0x2] =	sbarrier.arrive $0xFFFF  }
0xcd: {  	p0 =	sne.s32 s0, $0x0;
	s0 =	rddreg [dreg:$0x3]  }
0xce: {  	s0 =	sadd.s32 @!p0 $0x100000, s0  }
0xcf: {  	[sflag:s0] =	ssyncadd.tile.s32 @!p0 $0x1;
	_ =	shalt  }
.Lfunc_end2:
_tile_overlayer_lowered:
.L_overlay_start_2:
0xd0: {  	(tag) =	ssettag $0x2  }
0xd1: {  	s0 =	rddreg [dreg:$0x0];
	s2 =	stileid.u32  }
0xd2: {  	s1 =	rddreg [dreg:$0x1];
	p0 =	sne.s32 s2, $0x0  }
0xd3: {  	s3 =	rddreg [dreg:$0x2];
	[bflag:$0x3] =	sbarrier.arrive $0xFFFF;
	s2 =	simm.s32 @!p0 $0x1C13  }
0xd4: {  	[timem:s3], [sflag:s2] =	dma.local @!p0 [hbm:s0], s1  }
0xd5: {  	s0 =	simm.s32 @!p0 $0x13  }
0xd6: {  	_ =	swait.ge @!p0 [sflag:s0], s1  }
0xd7: {  	s1 =	ssub.s32 @!p0 $0x0, s1;
	[sflag:s0] =	ssyncset.done @!p0 $0x0  }
0xd8: {  	[sflag:s0] =	ssyncadd.s32 @!p0 s1  }
0xd9: {  	[bflag:$0x3] =	sbarrier.arrive $0xFFFF  }
0xda: {  	_ =	shalt  }

// kernel: _run.17.cloned.1.call-start
scs
__scs_entry_jumppad:
0x0: {  	(pc) =	sbr.rel $0x88, $3  }
0x1: {  	(tag) =	ssettag $0x0;
	lr =	simm.s32 $0x1  }
0x2: {  	[smem:$0x3F99] =	sst lr;
	_ =	strace $0xD0000000  }
0x3: {  	_ = 	snop  }
0x4: {  	_ = 	snop  }
0x5: {  	_ = 	snop  }
0x6: {  	_ = 	snop  }
0x7: {  	_ = 	snop  }
__scs_overlays_trampoline_lowered:
0x8: {  	[smem:$0x3FA8] =	sst s0  }
0x9: {  	[smem:$0x3FA9] =	sst s1  }
0xa: {  	[smem:$0x3FAA] =	sst s2  }
0xb: {  	[smem:$0x3FAB] =	sst s3  }
0xc: {  	[smem:$0x3FAC] =	sst s4  }
0xd: {  	[smem:$0x3FAD] =	sst s5  }
0xe: {  	[smem:$0x3FAE] =	sst s6  }
0xf: {  	[smem:$0x3FAF] =	sst s7  }
0x10: {  	[smem:$0x3FB0] =	sst s8  }
0x11: {  	[smem:$0x3FB1] =	sst s9;
	s0 =	simm.s32 @!p0 $0x0  }
0x12: {  	s1 =	sld [smem:$0x3F97];
	s0 =	simm.s32 @p0 $0x1  }
0x13: {  	[smem:$0x3FB2] =	sst s0;
	s0 =	simm.s32 @!p1 $0x0  }
0x14: {  	s2 =	sld [smem:$0x3F96];
	s0 =	simm.s32 @p1 $0x1  }
0x15: {  	[smem:$0x3FB3] =	sst s0;
	s0 =	simm.s32 @!p2 $0x0  }
0x16: {  	s3 =	sld [smem:$0x3FDB];
	s0 =	simm.s32 @p2 $0x1  }
0x17: {  	s4 =	simm.s32 $0x1BF5;
	[smem:$0x3FB5] =	sst s0  }
0x18: {  	s0 =	sld [smem:$0x3F98];
	_ =	swait.ge [sflag:s4], $0x0  }
0x19: {  	s7 =	sld [smem:$0x3F99]  }
0x1a: {  	s8 =	sadd.s32 $0xFFFFE003, lr  }
0x1b: {  	s9 =	sadd.s32 $0xFFFFFEF7, lr;
	s5 =	simm.s32 $0xFFFFFFFF;
	p2 =	slt.u32 s8, $0xFFFFF086  }
0x1c: {  	p1 =	slt.u32 s9, $0xF7A;
	s5 =	simm.s32 @!p2 $0x0  }
0x1d: {  	s5 =	simm.s32 @p1 $0x1;
	p0 =	seq.s32 s7, s2  }
0x1e: {  	s7 =	smul.u32 @!p0 $0xF7A, s2;
	p2 =	seq.s32 @!p0 s5, $0x0  }
0x1f: {  	s9 =	smul.u32 $0xF7A, s1;
	s8 =	simm.s32 @!p0 $0x1BF5;
	p2 =	por !p2, p0  }
0x20: {  	[sflag:s8] =	ssyncset.s32 @!p0 $0xFFFFF086;
	s6 =	sadd.s32 @!p0 s3, s7;
	s7 =	simm.s32 @!p0 $0x108  }
0x21: {  	s3 =	sadd.s32 s3, s9;
	s6 =	sadd.s32 @!p0 $0x88, s6;
	s7 =	simm.s32 @p2 $0x1082  }
0x22: {  	[simem:s7], [sflag:s8] =	dma.local @!p0 [hbm:s6], $0xF7A  }
0x23: {  	s9 =	sor.u32 $0xD0000000, s2;
	s6 =	simm.s32 $0x108;
	_ =	swait.ge @!p0 [sflag:s8], $0x0  }
0x24: {  	s3 =	sadd.s32 $0x88, s3;
	s6 =	simm.s32 @!p1 $0x1082;
	[sflag:s4] =	ssyncset.s32 $0xFFFFF086  }
0x25: {  	[simem:s6], [sflag:s4] =	dma.local [hbm:s3], $0xF7A  }
0x26: {  	[smem:$0x3F99] =	sst s1;
	(tag) =	ssettag s2;
	_ =	strace s9  }
0x27: {  	s1 =	sld [smem:$0x3FA9]  }
0x28: {  	s2 =	sld [smem:$0x3FAA]  }
0x29: {  	s4 =	sld [smem:$0x3FAC]  }
0x2a: {  	p0 =	seq.s32 s5, $0x0;
	s5 =	sld [smem:$0x3FAD]  }
0x2b: {  	s6 =	sld [smem:$0x3FAE]  }
0x2c: {  	s7 =	sld [smem:$0x3FAF]  }
0x2d: {  	s3 =	simm.s32 $0x108;
	s8 =	sld [smem:$0x3FB0]  }
0x2e: {  	s3 =	simm.s32 @!p0 $0x1082;
	s9 =	sld [smem:$0x3FB1]  }
0x2f: {  	lr =	sadd.s32 s0, s3;
	s0 =	sld [smem:$0x3FA8]  }
0x30: {  	s3 =	sld [smem:$0x3FAB]  }
0x31: {  	[smem:$0x3FB4] =	sst s10  }
0x32: {  	s10 =	sld [smem:$0x3FB2];
	_ =	sdelay $0x3  }
0x33: {  	p0 =	seq.s32 s10, $0x1;
	s10 =	sld [smem:$0x3FB4];
	_ =	sdelay $0x3  }
0x34: {  	[smem:$0x3FB4] =	sst s10  }
0x35: {  	s10 =	sld [smem:$0x3FB3];
	_ =	sdelay $0x3  }
0x36: {  	p1 =	seq.s32 s10, $0x1;
	s10 =	sld [smem:$0x3FB4];
	_ =	sdelay $0x3  }
0x37: {  	[smem:$0x3FB4] =	sst s10  }
0x38: {  	s10 =	sld [smem:$0x3FB5]  }
0x39: {  	_ = 	snop;
	(pc) =	sbr.ind lr, $3  }
0x3a: {  	_ = 	snop  }
0x3b: {  	_ = 	snop  }
0x3c: {  	p2 =	seq.s32 s10, $0x1;
	s10 =	sld [smem:$0x3FB4]  }
0x3d: {  	_ =	shalt  }
0x3e: {  	_ =	shalt  }
0x3f: {  	_ =	shalt  }
0x40: {  	_ =	shalt  }
0x41: {  	_ =	shalt  }
0x42: {  	_ =	shalt  }
0x43: {  	_ =	shalt  }
0x44: {  	_ =	shalt  }
0x45: {  	_ =	shalt  }
0x46: {  	_ =	shalt  }
0x47: {  	_ =	shalt  }
0x48: {  	_ =	shalt  }
0x49: {  	_ =	shalt  }
0x4a: {  	_ =	shalt  }
0x4b: {  	_ =	shalt  }
0x4c: {  	_ =	shalt  }
0x4d: {  	_ =	shalt  }
0x4e: {  	_ =	shalt  }
0x4f: {  	_ =	shalt  }
0x50: {  	_ =	shalt  }
0x51: {  	_ =	shalt  }
0x52: {  	_ =	shalt  }
0x53: {  	_ =	shalt  }
0x54: {  	_ =	shalt  }
0x55: {  	_ =	shalt  }
0x56: {  	_ =	shalt  }
0x57: {  	_ =	shalt  }
0x58: {  	_ =	shalt  }
0x59: {  	_ =	shalt  }
0x5a: {  	_ =	shalt  }
0x5b: {  	_ =	shalt  }
0x5c: {  	_ =	shalt  }
0x5d: {  	_ =	shalt  }
0x5e: {  	_ =	shalt  }
0x5f: {  	_ =	shalt  }
0x60: {  	_ =	shalt  }
0x61: {  	_ =	shalt  }
0x62: {  	_ =	shalt  }
0x63: {  	_ =	shalt  }
0x64: {  	_ =	shalt  }
0x65: {  	_ =	shalt  }
0x66: {  	_ =	shalt  }
0x67: {  	_ =	shalt  }
0x68: {  	_ =	shalt  }
0x69: {  	_ =	shalt  }
0x6a: {  	_ =	shalt  }
0x6b: {  	_ =	shalt  }
0x6c: {  	_ =	shalt  }
0x6d: {  	_ =	shalt  }
0x6e: {  	_ =	shalt  }
0x6f: {  	_ =	shalt  }
0x70: {  	_ =	shalt  }
0x71: {  	_ =	shalt  }
0x72: {  	_ =	shalt  }
0x73: {  	_ =	shalt  }
0x74: {  	_ =	shalt  }
0x75: {  	_ =	shalt  }
0x76: {  	_ =	shalt  }
0x77: {  	_ =	shalt  }
0x78: {  	_ =	shalt  }
0x79: {  	_ =	shalt  }
0x7a: {  	_ =	shalt  }
0x7b: {  	_ =	shalt  }
0x7c: {  	_ =	shalt  }
0x7d: {  	_ =	shalt  }
0x7e: {  	_ =	shalt  }
0x7f: {  	_ =	shalt  }
0x80: {  	_ =	shalt  }
0x81: {  	_ =	shalt  }
0x82: {  	_ =	shalt  }
0x83: {  	_ =	shalt  }
0x84: {  	_ =	shalt  }
0x85: {  	_ =	shalt  }
0x86: {  	_ =	shalt  }
0x87: {  	_ =	shalt  }
.Lfunc_end0:
.L_simem_size_0:
called_computation.2_lowered:
.L_overlay_start_0:
0x88: {  	s2 =	sld [smem:$0x3FD9]  }
0x89: {  	s3 =	sld [smem:$0x3FFE];
	_ =	sdelay $0x1  }
0x8a: {  	s1 =	srdreg.scid  }
0x8b: {  	s0 =	sand.u32 $0x1, s1  }
0x8c: {  	s17 =	sshll.u32 s0, $0xA;
	s2 =	sadd.s32 s3, s2  }
0x8d: {  	s2 =	sadd.s32 s2, s17  }
0x8e: {  	[smem:$0x3FC0] =	sst s2  }
0x8f: {  	_ = 	snop  }
0x90: {  	s2 =	sld [smem:$0x3FD0];
	(tm) =	ssettm $0x1  }
0x91: {  	s18 =	sld [smem:$0x3FFB];
	_ =	sdelay $0x3  }
0x92: {  	_ =	strace s18  }
0x93: {  	s3 =	sld [smem:$0x3FFC];
	_ =	sdelay $0x3  }
0x94: {  	_ =	strace s3  }
0x95: {  	s3 =	sld [smem:$0x3FFD];
	_ =	sdelay $0x3  }
0x96: {  	_ =	strace s3  }
0x97: {  	_ =	strace $0x8FFFFFFF  }
0x98: {  	s19 =	sld [smem:$0x3FDB];
	_ =	sdelay $0x1  }
0x99: {  	s4 =	simm.s32 $_scs_section_size  }
0x9a: {  	s5 =	simm.s32 $_size__tile_overlayer_lowered;
	s6 =	simm.s32 $_tile_overlayer_lowered  }
0x9b: {  	s22 =	simm.s32 $0x1BFF;
	s21 =	sshll.u32 s6, $0x1;
	s3 =	sadd.s32 s4, s19  }
0x9c: {  	s7 =	simm.s32 $0x0;
	s20 =	sshll.u32 s5, $0x1;
	s5 =	sadd.s32 s21, s3  }
0x9d: {  	[timem:s7], [sflag:s22] =	dma.local [hbm:s5], s20  }
0x9e: {  	_ =	swait.ge [sflag:s22], s20  }
0x9f: {  	s4 =	ssub.s32 $0x0, s20;
	[sflag:s22] =	ssyncset.done $0x0  }
0xa0: {  	[sflag:s22] =	ssyncadd.s32 s4;
	_ =	sdelay $0x1  }
0xa1: {  	s23 =	simm.s32 $0x1B8B  }
0xa2: {  	_ =	swait.ge [sflag:s23], $0x1  }
0xa3: {  	[sflag:s23] =	ssyncset.done $0x0  }
0xa4: {  	s25 =	simm.s32 $0x1B8E;
	s24 =	sld [smem:$0x3FFE];
	[sflag:s23] =	ssyncadd.s32 $0xFFFFFFFF  }
0xa5: {  	s26 =	simm.s32 $execute0_lowered;
	[smem:$0x3FD2] =	sst s25  }
0xa6: {  	s5 =	sshll.u32 s26, $0x1;
	_ =	strace $0x8000004C;
	[dreg:$0x1] =	wrdreg $0xFFFFFFFF  }
0xa7: {  	s28 =	simm.s32 $_size_execute0_lowered;
	s3 =	sadd.s32 s3, s5;
	[dreg:$0x0] =	wrdreg $0x0  }
0xa8: {  	s5 =	sshll.u32 s28, $0x1;
	[dreg:$0x2] =	wrdreg s3  }
0xa9: {  	[dreg:$0x3] =	wrdreg s5  }
0xaa: {  	[dreg:$0x4] =	wrdreg $0xC0  }
0xab: {  	_ =	task [dreg:s7], $0x5FFFF  }
0xac: {  	[dreg:$0x1] =	wrdreg $0xFFFFFFFF  }
0xad: {  	[dreg:$0x0] =	wrdreg $0x60  }
0xae: {  	[dreg:$0x2] =	wrdreg s24  }
0xaf: {  	[dreg:$0x3] =	wrdreg s2  }
0xb0: {  	[dreg:$0x4] =	wrdreg $0xB8000  }
0xb1: {  	[dreg:$0x5] =	wrdreg $0x9  }
0xb2: {  	_ =	task.clear_ibuf [dreg:s7], $0x6FFFF;
	_ =	strace $0x9000004C  }
0xb3: {  	s29 =	simm.s32 $0x9;
	_ =	strace $0x8000004E  }
0xb4: {  	_ =	swait.ge [sflag:s29], $0x1  }
0xb5: {  	[sflag:s29] =	ssyncadd.s32 $0xFFFFFFFF  }
0xb6: {  	_ =	strace $0x9000004E  }
0xb7: {  	_ =	sfence  }
0xb8: {  	s30 =	sld [smem:$0x0];
	_ =	sdelay $0x2  }
0xb9: {  	s31 =	sshll.u32 s1, $0xD;
	s1 =	sshrl.u32 s1, $0x2  }
0xba: {  	s3 =	sand.u32 $0x4000, s31;
	s1 =	sadd.s32 s1, s30  }
0xbb: {  	s0 =	sor.u32 s3, s0;
	s1 =	sshll.u32 s1, $0x11  }
0xbc: {  	s0 =	sor.u32 s1, s0  }
0xbd: {  	s0 =	sadd.s32 $0x8F2B, s0  }
0xbe: {  	[sflag:s0] =	ssyncadd.remote.s32 $0x1  }
0xbf: {  	_ =	sfence.sel $0xFFFF  }
0xc0: {  	[dreg:$0x0] =	wrdreg $0xFFFFFFFF;
	(pc) =	sbr.abs _section_cstart, $3  }
0xc1: {  	[dreg:$0x1] =	wrdreg $0xFFFFFFFF  }
0xc2: {  	_ =	task.clear_ibuf [dreg:s7], $0x2FFFF;
	_ =	strace $0x9FFFFFFF  }
0xc3: {  	(tm) =	ssettm $0x7FFFFFFF  }
tec
execute0_lowered:
.L_overlay_start_1:
0x0: {  	(tag) =	ssettag $0x1  }
0x1: {  	s0 =	rddreg [dreg:$0x0]  }
0x2: {  	s2 =	rddreg [dreg:$0x1]  }
0x3: {  	s1 =	rddreg [dreg:$0x2]  }
0x4: {  	s3 =	srdreg.scid;
	s4 =	simm.s32 $0x0;
	s16 =	stileid.u32  }
0x5: {  	s30 =	simm.s32 $0x6800;
	s15 =	simm.s32 $0x9000;
	s29 =	simm.s32 $0xA  }
0x6: {  	s31 =	simm.s32 $0x5;
	s11 =	simm.s32 $0x10;
	s5 =	sand.u32 $0x1, s3  }
0x7: {  	[smem:$0x7FF] =	sst s4;
	s7 =	sshll.u32 s16, $0xD;
	s8 =	smul.u32 $0x14000, s16  }
0x8: {  	s4 =	sadd.s32 $0x25800, s0;
	s9 =	sshll.u32 s16, $0x10;
	s10 =	sadd.s32 $0x23000, s0  }
0x9: {  	s21 =	smul.u32 $0x50000, s16;
	s28 =	sshll.u32 s16, $0x6;
	s16 =	simm.s32 $0x2  }
0xa: {  	s3 =	simm.s32 $0x0;
	s6 =	smul.u32 $0x140000, s5;
	_ =	strace $0x8000004D  }
0xb: {  	s7 =	sadd.s32 s7, s0;
	s17 =	sshll.u32 s5, $0x14;
	[dreg:$0x4] =	wrdreg s10  }
0xc: {  	s5 =	ssub.s32 $0x2, s5;
	s10 =	simm.s32 $0x13;
	s13 =	sor.u32 $0x1C13, s28  }
0xd: {  	s19 =	sshrl.u32 s5, $0x1;
	s22 =	sadd.s32 $0x2C00, s7;
	[dreg:$0xd] =	wrdreg s13  }
0xe: {  	s24 =	sadd.s32 $0x2C80, s7;
	s26 =	sadd.s32 $0x2D00, s7;
	[dreg:$0x6] =	wrdreg s22  }
0xf: {  	s7 =	simm.s32 $0x7;
	s6 =	sadd.s32 s8, s6;
	[dreg:$0x8] =	wrdreg s24  }
0x10: {  	s8 =	sor.u32 s9, s17;
	s5 =	ssub.s32 s5, s19;
	[dreg:$0xc] =	wrdreg s26  }
0x11: {  	s17 =	simm.s32 $0xA400;
	s22 =	simm.s32 $0x3;
	s24 =	simm.s32 $0x9  }
0x12: {  	s26 =	simm.s32 $0x4;
	s9 =	simm.s32 $0x8;
	s6 =	sshrl.u32 s6, $0x3  }
0x13: {  	s18 =	sshrl.u32 s8, $0x3;
	s8 =	sor.u32 $0x800, s8;
	s5 =	smax.u32 s5, $0x1  }
0x14: {  	s0 =	sadd.s32 s6, s0;
	s20 =	sadd.s32 s2, s18;
	s6 =	sshrl.u32 s21, $0x2  }
0x15: {  	s25 =	sshrl.u32 s8, $0x3;
	[dreg:$0xa] =	wrdreg s5;
	s5 =	simm.s32 $0xB  }
.Ltmp0:
0x16: {  	[dreg:$0x5] =	wrdreg s20;
	s23 =	sadd.s32 $0x80, s20;
	(pc) =	sbr.rel .LBB2_1-.Ltmp0, $4  }
0x17: {  	s8 =	simm.s32 $0xD;
	s0 =	sadd.s32 $0x75800, s0;
	[dreg:$0x7] =	wrdreg s23  }
0x18: {  	s6 =	sadd.s32 s6, s1;
	[dreg:$0x9] =	wrdreg s0;
	s0 =	sadd.s32 s25, s2  }
0x19: {  	s20 =	simm.s32 $0x28;
	s14 =	sshrl.u32 s6, $0x3;
	[dreg:$0xb] =	wrdreg s0  }
0x1a: {  	s2 =	simm.s32 $0x1;
	s6 =	simm.s32 $0xE;
	[dreg:$0xe] =	wrdreg s14  }
.LBB2_8:
0x1b: {  	_ =	swait.ge [sflag:s9], $0x1400  }
0x1c: {  	[sflag:s9] =	ssyncset.done $0x0  }
0x1d: {  	s0 =	sadd.s32 $0xC00, s0;
	[sflag:s9] =	ssyncadd.s32 $0xFFFFEC00  }
0x1e: {  	[spmem:s1] =	stream.indirect.scatter.add.f32 [tilespmem:s17], [sflag:$0x10], $0x80, s0, s20, $0xb8;
	[tilespmem:$0x1F800] =	vst v63  }
0x1f: {  	_ =	swait.ge [sflag:s6], $0x1400  }
0x20: {  	[sflag:s6] =	ssyncset.done $0x0  }
0x21: {  	[sflag:s6] =	ssyncadd.s32 $0xFFFFEC00  }
.LBB2_10:
0x22: {  	s0 =	simm.s32 $0xF  }
0x23: {  	_ =	swait.ge [sflag:s0], $0x1400  }
0x24: {  	[sflag:s0] =	ssyncset.done $0x0  }
0x25: {  	[sflag:s0] =	ssyncadd.s32 $0xFFFFEC00  }
0x26: {  	_ =	swait.ge [sflag:s11], $0x1400  }
0x27: {  	[sflag:s11] =	ssyncset.done $0x0  }
0x28: {  	[sflag:s11] =	ssyncadd.s32 $0xFFFFEC00  }
0x29: {  	[bflag:$0x0] =	sbarrier.arrive $0xFFFF  }
0x2a: {  	s25 =	rddreg [dreg:$0x9]  }
0x2b: {  	s13 =	rddreg [dreg:$0xd]  }
0x2c: {  	s10 =	simm.s32 $0x13;
	s14 =	rddreg [dreg:$0xe]  }
0x2d: {  	[hbm:s25], [sflag:s13] =	dma.local [spmem:s14], $0x2800  }
0x2e: {  	_ =	swait.ge [sflag:s10], $0x2800  }
0x2f: {  	s3 =	rddreg [dreg:$0xf]  }
0x30: {  	s28 =	rddreg [dreg:$0xa];
	s3 =	sadd.s32 $0x1, s3  }
0x31: {  	p0 =	sne.s32 s3, s28  }
.Ltmp1:
0x32: {  	_ = 	snop;
	(pc) =	sbr.rel @!p0 .LBB2_11-.Ltmp1, $3  }
0x33: {  	_ =	sdelay $0x1  }
0x34: {  	[sflag:s10] =	ssyncset.done $0x0  }
0x35: {  	[sflag:s10] =	ssyncadd.s32 $0xFFFFD800  }
.LBB2_1:
0x36: {  	[dreg:$0xf] =	wrdreg s3  }
0x37: {  	s0 =	simm.s32 $0x0;
	s12 =	rddreg [dreg:$0x5]  }
0x38: {  	[tilespmem:s0], [sflag:$0x13] =	stream.linear.gather [hbm4b:s12+s0], $0x400, $0x38;
	[tilespmem:$0x1F800] =	vst v63  }
0x39: {  	_ =	swait.ge [sflag:s10], $0x400  }
0x3a: {  	[sflag:s10] =	ssyncset.done $0x0  }
0x3b: {  	s12 =	simm.s32 $0xC00;
	s18 =	rddreg [dreg:$0x6];
	[sflag:s10] =	ssyncadd.s32 $0xFFFFFC00  }
0x3c: {  	[tilespmem:s12], [sflag:$0x13] =	stream.linear.gather [hbm4b:s18+s0], $0x400, $0x38;
	[tilespmem:$0x1F800] =	vst v63  }
0x3d: {  	_ =	swait.ge [sflag:s10], $0x400  }
0x3e: {  	[sflag:s10] =	ssyncset.done $0x0;
	s19 =	rddreg [dreg:$0x7]  }
0x3f: {  	s21 =	simm.s32 $0x400;
	s23 =	rddreg [dreg:$0x8];
	[sflag:s10] =	ssyncadd.s32 $0xFFFFFC00  }
0x40: {  	[tilespmem:s21], [sflag:$0x11] =	stream.linear.gather [hbm4b:s19+s0], $0x400, $0x38;
	[tilespmem:$0x1F800] =	vst v63  }
0x41: {  	s25 =	simm.s32 $0x1000;
	s28 =	rddreg [dreg:$0x4]  }
0x42: {  	[tilespmem:s25], [sflag:$0x12] =	stream.linear.gather [hbm4b:s23+s0], $0x400, $0x38;
	[tilespmem:$0x1F800] =	vst v63  }
0x43: {  	[spmem:s14], [sflag:s13] =	dma.local [hbm:s28], $0x2800  }
0x44: {  	_ =	swait.ge [sflag:s10], $0x2800  }
0x45: {  	[sflag:s10] =	ssyncset.done $0x0  }
0x46: {  	[sflag:s10] =	ssyncadd.s32 $0xFFFFD800;
	s10 =	simm.s32 $0x1800  }
0x47: {  	[tilespmem:s10], [sflag:$0x1] =	stream.indirect.gather [hbm4b:s4+s20], $0x80, s0, s20, $0xb8;
	[tilespmem:$0x1F800] =	vst v63  }
0x48: {  	s12 =	simm.s32 $0x80;
	s13 =	simm.s32 $0x2C00  }
0x49: {  	[tilespmem:s13], [sflag:$0x2] =	stream.indirect.gather [hbm4b:s4+s20], $0x80, s12, s20, $0xb8;
	[tilespmem:$0x1F800] =	vst v63  }
0x4a: {  	s18 =	simm.s32 $0x4000;
	s14 =	simm.s32 $0x100  }
0x4b: {  	[tilespmem:s18], [sflag:$0x3] =	stream.indirect.gather [hbm4b:s4+s20], $0x80, s14, s20, $0xb8;
	[tilespmem:$0x1F800] =	vst v63  }
0x4c: {  	s19 =	simm.s32 $0x180;
	s21 =	simm.s32 $0x5400  }
0x4d: {  	[tilespmem:s21], [sflag:$0x4] =	stream.indirect.gather [hbm4b:s4+s20], $0x80, s19, s20, $0xb8;
	[tilespmem:$0x1F800] =	vst v63  }
0x4e: {  	s23 =	simm.s32 $0x200  }
0x4f: {  	[tilespmem:s30], [sflag:$0x5] =	stream.indirect.gather [hbm4b:s4+s20], $0x80, s23, s20, $0xb8;
	[tilespmem:$0x1F800] =	vst v63  }
0x50: {  	s25 =	simm.s32 $0x280;
	s28 =	simm.s32 $0x7C00  }
0x51: {  	[tilespmem:s28], [sflag:$0x6] =	stream.indirect.gather [hbm4b:s4+s20], $0x80, s25, s20, $0xb8;
	[tilespmem:$0x1F800] =	vst v63  }
0x52: {  	[bflag:$0x0] =	sbarrier.arrive $0xFFFF  }
0x53: {  	s13 =	rddreg [dreg:$0xc]  }
0x54: {  	s18 =	simm.s32 $0x0;
	s10 =	rddreg [dreg:$0xb]  }
.LBB2_2:
0x55: {  	s28 =	smul.u32 $0xAB, s18;
	_ =	sdelay $0x1  }
0x56: {  	s0 =	sshrl.u32 s28, $0x9  }
0x57: {  	s0 =	sand.u32 $0x7F, s0  }
0x58: {  	s0 =	smul.u32 $0x3, s0;
	_ =	sdelay $0x1  }
0x59: {  	s0 =	ssub.s32 s18, s0  }
0x5a: {  	_ =	swait.ge [sflag:s2], $0x1400;
	s0 =	sand.u32 $0xFF, s0  }
0x5b: {  	s3 =	simm.s32 $0x1800;
	[sflag:s2] =	ssyncset.done $0x0;
	s14 =	sshll.u32 s0, $0xA  }
0x5c: {  	p0 =	seq.s32 s18, $0x0;
	[sflag:s2] =	ssyncadd.s32 $0xFFFFEC00;
	s0 =	sadd.s32 $0xC00, s14  }
0x5d: {  	[spmem:s1] =	stream.indirect.scatter.add.f32 [tilespmem:s3], [sflag:$0x9], $0x80, s0, s20, $0xb8;
	[tilespmem:$0x1F800] =	vst v63  }
0x5e: {  	s0 =	simm.s32 @!p0 $0xF  }
0x5f: {  	_ =	swait.ge @!p0 [sflag:s0], $0x1400  }
0x60: {  	[sflag:s0] =	ssyncset.done @!p0 $0x0  }
0x61: {  	s19 =	sor.u32 $0x300, s14;
	[sflag:s0] =	ssyncadd.s32 @!p0 $0xFFFFEC00  }
0x62: {  	[tilespmem:s15], [sflag:$0x7] =	stream.indirect.gather [hbm4b:s4+s20], $0x80, s19, s20, $0xb8;
	[tilespmem:$0x1F800] =	vst v63  }
0x63: {  	_ =	swait.ge [sflag:s16], $0x1400  }
0x64: {  	s21 =	simm.s32 $0x2C00;
	p0 =	seq.s32 s18, $0x3F;
	[sflag:s16] =	ssyncset.done $0x0  }
0x65: {  	s12 =	sadd.s32 $0xC80, s14;
	s0 =	simm.s32 @!p0 $0x11;
	[sflag:s16] =	ssyncadd.s32 $0xFFFFEC00  }
0x66: {  	[spmem:s1] =	stream.indirect.scatter.add.f32 [tilespmem:s21], [sflag:$0xA], $0x80, s12, s20, $0xb8;
	[tilespmem:$0x1F800] =	vst v63  }
0x67: {  	_ =	swait.ge @!p0 [sflag:s0], $0x400  }
0x68: {  	[sflag:s0] =	ssyncset.done @!p0 $0x0  }
0x69: {  	[sflag:s0] =	ssyncadd.s32 @!p0 $0xFFFFFC00;
	s0 =	simm.s32 @!p0 $0x12  }
0x6a: {  	_ =	swait.ge @!p0 [sflag:s0], $0x400  }
0x6b: {  	p1 =	seq.s32 @!p0 s18, $0x0;
	s12 =	sadd.s32 $0xAB, s28;
	[sflag:s0] =	ssyncset.done @!p0 $0x0  }
0x6c: {  	p1 =	por p0, !p1;
	s25 =	sshrl.u32 s12, $0x9;
	[sflag:s0] =	ssyncadd.s32 @!p0 $0xFFFFFC00  }
0x6d: {  	s25 =	sand.u32 $0x7F, s25;
	_ =	swait.ge @p1 [sflag:s11], $0x1400  }
0x6e: {  	s25 =	smul.u32 $0x3, s25;
	[sflag:s11] =	ssyncset.done @p1 $0x0  }
0x6f: {  	s0 =	sor.u32 $0x380, s14;
	[sflag:s11] =	ssyncadd.s32 @p1 $0xFFFFEC00;
	p1 =	sgt.u32 s18, $0x3D  }
0x70: {  	[tilespmem:s17], [sflag:$0x8] =	stream.indirect.gather [hbm4b:s4+s20], $0x80, s0, s20, $0xb8;
	[tilespmem:$0x1F800] =	vst v63  }
.Ltmp2:
0x71: {  	_ = 	snop;
	(pc) =	sbr.rel @p1 .LBB2_4-.Ltmp2, $4  }
0x72: {  	s12 =	sadd.s32 $0x1, s18;
	_ =	swait.ge [sflag:s22], $0x1400  }
0x73: {  	s23 =	sadd.s32 $0xD00, s14;
	s25 =	ssub.s32 s12, s25;
	[sflag:s22] =	ssyncset.done $0x0  }
0x74: {  	s21 =	simm.s32 $0x4000;
	s25 =	sand.u32 $0xFF, s25;
	[sflag:s22] =	ssyncadd.s32 $0xFFFFEC00  }
0x75: {  	[spmem:s1] =	stream.indirect.scatter.add.f32 [tilespmem:s21], [sflag:$0xB], $0x80, s23, s20, $0xb8;
	[tilespmem:$0x1F800] =	vst v63  }
0x76: {  	s3 =	sadd.s32 $0x156, s28  }
0x77: {  	s3 =	sshrl.u32 s3, $0x9  }
0x78: {  	s3 =	sand.u32 $0x7F, s3  }
0x79: {  	s3 =	smul.u32 $0x3, s3;
	_ =	sdelay $0x1  }
0x7a: {  	s3 =	ssub.s32 s18, s3  }
0x7b: {  	s3 =	sadd.s32 $0x2, s3  }
0x7c: {  	s3 =	sand.u32 $0xFF, s3  }
0x7d: {  	s21 =	simm.s32 $0x0;
	s3 =	sshll.u32 s3, $0xA  }
0x7e: {  	[tilespmem:s3], [sflag:$0x11] =	stream.linear.gather [hbm4b:s10+s21], $0x400, $0x38;
	[tilespmem:$0x1F800] =	vst v63  }
.Ltmp3:
0x7f: {  	s3 =	sadd.s32 $0xC00, s3;
	(pc) =	sbr.rel .LBB2_5-.Ltmp3, $4  }
0x80: {  	[tilespmem:s3], [sflag:$0x12] =	stream.linear.gather [hbm4b:s13+s21], $0x400, $0x38;
	[tilespmem:$0x1F800] =	vst v63  }
0x81: {  	_ =	swait.ge [sflag:s24], $0x1400  }
0x82: {  	[sflag:s24] =	ssyncset.done $0x0  }
0x83: {  	[sflag:s24] =	ssyncadd.s32 $0xFFFFEC00  }
.LBB2_4:
.Ltmp4:
0x84: {  	(pc) =	sbr.rel @!p0 .LBB2_5-.Ltmp4, $4  }
0x85: {  	_ = 	snop  }
0x86: {  	_ =	swait.ge [sflag:s24], $0x1400  }
0x87: {  	[sflag:s24] =	ssyncset.done $0x0  }
0x88: {  	[sflag:s24] =	ssyncadd.s32 $0xFFFFEC00  }
0x89: {  	_ =	swait.ge [sflag:s26], $0x1400  }
0x8a: {  	s3 =	sadd.s32 $0xD80, s14;
	[sflag:s26] =	ssyncset.done $0x0  }
.Ltmp5:
0x8b: {  	s21 =	simm.s32 $0x5400;
	[sflag:s26] =	ssyncadd.s32 $0xFFFFEC00;
	(pc) =	sbr.rel .LBB2_7-.Ltmp5, $4  }
0x8c: {  	[spmem:s1] =	stream.indirect.scatter.add.f32 [tilespmem:s21], [sflag:$0xC], $0x80, s3, s20, $0xb8;
	[tilespmem:$0x1F800] =	vst v63  }
0x8d: {  	_ =	swait.ge [sflag:s29], $0x1400  }
0x8e: {  	[sflag:s29] =	ssyncset.done $0x0  }
0x8f: {  	[sflag:s29] =	ssyncadd.s32 $0xFFFFEC00  }
.LBB2_5:
0x90: {  	s3 =	sshll.u32 s25, $0xA;
	s21 =	simm.s32 $0x1800  }
0x91: {  	[tilespmem:s21], [sflag:$0x1] =	stream.indirect.gather [hbm4b:s4+s20], $0x80, s3, s20, $0xb8;
	[tilespmem:$0x1F800] =	vst v63  }
0x92: {  	_ =	swait.ge [sflag:s26], $0x1400  }
0x93: {  	[sflag:s26] =	ssyncset.done $0x0  }
0x94: {  	s28 =	sadd.s32 $0xD80, s14;
	s23 =	simm.s32 $0x5400;
	[sflag:s26] =	ssyncadd.s32 $0xFFFFEC00  }
0x95: {  	[spmem:s1] =	stream.indirect.scatter.add.f32 [tilespmem:s23], [sflag:$0xC], $0x80, s28, s20, $0xb8;
	[tilespmem:$0x1F800] =	vst v63  }
0x96: {  	_ =	swait.ge [sflag:s29], $0x1400  }
0x97: {  	[sflag:s29] =	ssyncset.done $0x0  }
0x98: {  	s3 =	sor.u32 $0x80, s3;
	s28 =	simm.s32 $0x2C00;
	[sflag:s29] =	ssyncadd.s32 $0xFFFFEC00  }
0x99: {  	[tilespmem:s28], [sflag:$0x2] =	stream.indirect.gather [hbm4b:s4+s20], $0x80, s3, s20, $0xb8;
	[tilespmem:$0x1F800] =	vst v63  }
.LBB2_7:
0x9a: {  	_ =	swait.ge [sflag:s31], $0x1400  }
0x9b: {  	[sflag:s31] =	ssyncset.done $0x0  }
0x9c: {  	s3 =	sadd.s32 $0xE00, s14;
	[sflag:s31] =	ssyncadd.s32 $0xFFFFEC00  }
0x9d: {  	[spmem:s1] =	stream.indirect.scatter.add.f32 [tilespmem:s30], [sflag:$0xD], $0x80, s3, s20, $0xb8;
	[tilespmem:$0x1F800] =	vst v63  }
0x9e: {  	_ =	swait.ge [sflag:s5], $0x1400  }
0x9f: {  	[sflag:s5] =	ssyncset.done $0x0  }
0xa0: {  	s3 =	simm.s32 @p0 $0x6;
	[sflag:s5] =	ssyncadd.s32 $0xFFFFEC00  }
0xa1: {  	_ =	swait.ge @p0 [sflag:s3], $0x1400  }
0xa2: {  	s28 =	simm.s32 @p0 $0x28;
	[sflag:s3] =	ssyncset.done @p0 $0x0  }
0xa3: {  	s21 =	simm.s32 @p0 $0x7C00;
	[sflag:s3] =	ssyncadd.s32 @p0 $0xFFFFEC00;
	s3 =	sadd.s32 @p0 $0xE80, s14  }
0xa4: {  	[spmem:s1] =	stream.indirect.scatter.add.f32 @p0 [tilespmem:s21], [sflag:$0xE], $0x80, s3, s28, $0xb8;
	[tilespmem:$0x1F800] =	vst v63  }
0xa5: {  	s3 =	simm.s32 @p0 $0xC  }
0xa6: {  	_ =	swait.ge @p0 [sflag:s3], $0x1400  }
0xa7: {  	[sflag:s3] =	ssyncset.done @p0 $0x0  }
0xa8: {  	[sflag:s3] =	ssyncadd.s32 @p0 $0xFFFFEC00;
	s3 =	sshll.u32 @!p0 s25, $0xA  }
0xa9: {  	s23 =	simm.s32 @!p0 $0x4000;
	s28 =	simm.s32 @!p0 $0x28;
	s21 =	sor.u32 @!p0 $0x100, s3  }
0xaa: {  	[tilespmem:s23], [sflag:$0x3] =	stream.indirect.gather @!p0 [hbm4b:s4+s28], $0x80, s21, s28, $0xb8;
	[tilespmem:$0x1F800] =	vst v63  }
0xab: {  	s21 =	simm.s32 @!p0 $0x6  }
0xac: {  	_ =	swait.ge @!p0 [sflag:s21], $0x1400  }
0xad: {  	[sflag:s21] =	ssyncset.done @!p0 $0x0  }
0xae: {  	s14 =	sadd.s32 @!p0 $0xE80, s14;
	[sflag:s21] =	ssyncadd.s32 @!p0 $0xFFFFEC00;
	s21 =	simm.s32 @!p0 $0x7C00  }
0xaf: {  	[spmem:s1] =	stream.indirect.scatter.add.f32 @!p0 [tilespmem:s21], [sflag:$0xE], $0x80, s14, s28, $0xb8;
	[tilespmem:$0x1F800] =	vst v63  }
0xb0: {  	s14 =	simm.s32 @!p0 $0xC  }
0xb1: {  	_ =	swait.ge @!p0 [sflag:s14], $0x1400  }
0xb2: {  	[sflag:s14] =	ssyncset.done @!p0 $0x0  }
0xb3: {  	s3 =	sor.u32 @!p0 $0x180, s3;
	[sflag:s14] =	ssyncadd.s32 @!p0 $0xFFFFEC00;
	s14 =	simm.s32 @!p0 $0x5400  }
0xb4: {  	[tilespmem:s14], [sflag:$0x4] =	stream.indirect.gather @!p0 [hbm4b:s4+s28], $0x80, s3, s28, $0xb8;
	[tilespmem:$0x1F800] =	vst v63  }
0xb5: {  	_ =	swait.ge [sflag:s7], $0x1400  }
0xb6: {  	p0 =	sne.s32 s18, $0x3F;
	[sflag:s7] =	ssyncset.done $0x0  }
.Ltmp6:
0xb7: {  	s28 =	sadd.s32 $0xC00, s19;
	[sflag:s7] =	ssyncadd.s32 $0xFFFFEC00;
	(pc) =	sbr.rel @!p0 .LBB2_8-.Ltmp6, $4  }
0xb8: {  	[spmem:s1] =	stream.indirect.scatter.add.f32 [tilespmem:s15], [sflag:$0xF], $0x80, s28, s20, $0xb8;
	[tilespmem:$0x1F800] =	vst v63  }
0xb9: {  	_ =	swait.ge [sflag:s8], $0x1400  }
0xba: {  	[sflag:s8] =	ssyncset.done $0x0  }
0xbb: {  	[sflag:s8] =	ssyncadd.s32 $0xFFFFEC00  }
0xbc: {  	s3 =	sshll.u32 s25, $0xA  }
0xbd: {  	s14 =	sor.u32 $0x200, s3  }
0xbe: {  	[tilespmem:s30], [sflag:$0x5] =	stream.indirect.gather [hbm4b:s4+s20], $0x80, s14, s20, $0xb8;
	[tilespmem:$0x1F800] =	vst v63  }
0xbf: {  	_ =	swait.ge [sflag:s9], $0x1400  }
0xc0: {  	[sflag:s9] =	ssyncset.done $0x0  }
0xc1: {  	s0 =	sadd.s32 $0xC00, s0;
	p0 =	sne.s32 s12, $0x40;
	[sflag:s9] =	ssyncadd.s32 $0xFFFFEC00  }
0xc2: {  	[spmem:s1] =	stream.indirect.scatter.add.f32 [tilespmem:s17], [sflag:$0x10], $0x80, s0, s20, $0xb8;
	[tilespmem:$0x1F800] =	vst v63  }
.Ltmp7:
0xc3: {  	_ = 	snop;
	(pc) =	sbr.rel @p0 .LBB2_2-.Ltmp7, $4  }
.Ltmp8:
0xc4: {  	s28 =	simm.s32 $0x7C00;
	_ =	swait.ge [sflag:s6], $0x1400;
	(pc) =	sbr.rel @!p0 .LBB2_10-.Ltmp8, $4  }
0xc5: {  	s10 =	sadd.s32 $0x80, s10;
	s13 =	sadd.s32 $0x80, s13;
	[sflag:s6] =	ssyncset.done $0x0  }
0xc6: {  	s18 =	smov.u32 s12;
	s25 =	sor.u32 $0x280, s3;
	[sflag:s6] =	ssyncadd.s32 $0xFFFFEC00  }
0xc7: {  	[tilespmem:s28], [sflag:$0x6] =	stream.indirect.gather [hbm4b:s4+s20], $0x80, s25, s20, $0xb8;
	[tilespmem:$0x1F800] =	vst v63  }
0xc8: {  	_ = 	snop  }
.LBB2_11:
0xc9: {  	_ =	sfence.sel $0x180000  }
0xca: {  	[bflag:$0x0] =	sbarrier.arrive $0xFFFF  }
0xcb: {  	_ =	strace $0x9000004D  }
0xcc: {  	s0 =	stileid.u32;
	[bflag:$0x2] =	sbarrier.arrive $0xFFFF  }
0xcd: {  	p0 =	sne.s32 s0, $0x0;
	s0 =	rddreg [dreg:$0x3]  }
0xce: {  	s0 =	sadd.s32 @!p0 $0x100000, s0  }
0xcf: {  	[sflag:s0] =	ssyncadd.tile.s32 @!p0 $0x1;
	_ =	shalt  }
.Lfunc_end2:
_tile_overlayer_lowered:
.L_overlay_start_2:
0xd0: {  	(tag) =	ssettag $0x2  }
0xd1: {  	s0 =	rddreg [dreg:$0x0];
	s2 =	stileid.u32  }
0xd2: {  	s1 =	rddreg [dreg:$0x1];
	p0 =	sne.s32 s2, $0x0  }
0xd3: {  	s3 =	rddreg [dreg:$0x2];
	[bflag:$0x3] =	sbarrier.arrive $0xFFFF;
	s2 =	simm.s32 @!p0 $0x1C13  }
0xd4: {  	[timem:s3], [sflag:s2] =	dma.local @!p0 [hbm:s0], s1  }
0xd5: {  	s0 =	simm.s32 @!p0 $0x13  }
0xd6: {  	_ =	swait.ge @!p0 [sflag:s0], s1  }
0xd7: {  	s1 =	ssub.s32 @!p0 $0x0, s1;
	[sflag:s0] =	ssyncset.done @!p0 $0x0  }
0xd8: {  	[sflag:s0] =	ssyncadd.s32 @!p0 s1  }
0xd9: {  	[bflag:$0x3] =	sbarrier.arrive $0xFFFF  }
0xda: {  	_ =	shalt  }

// kernel: _run.20.cloned.1.call-start
scs
__scs_entry_jumppad:
0x0: {  	(pc) =	sbr.rel $0x88, $3  }
0x1: {  	(tag) =	ssettag $0x0;
	lr =	simm.s32 $0x1  }
0x2: {  	[smem:$0x3F99] =	sst lr;
	_ =	strace $0xD0000000  }
0x3: {  	_ = 	snop  }
0x4: {  	_ = 	snop  }
0x5: {  	_ = 	snop  }
0x6: {  	_ = 	snop  }
0x7: {  	_ = 	snop  }
__scs_overlays_trampoline_lowered:
0x8: {  	[smem:$0x3FA8] =	sst s0  }
0x9: {  	[smem:$0x3FA9] =	sst s1  }
0xa: {  	[smem:$0x3FAA] =	sst s2  }
0xb: {  	[smem:$0x3FAB] =	sst s3  }
0xc: {  	[smem:$0x3FAC] =	sst s4  }
0xd: {  	[smem:$0x3FAD] =	sst s5  }
0xe: {  	[smem:$0x3FAE] =	sst s6  }
0xf: {  	[smem:$0x3FAF] =	sst s7  }
0x10: {  	[smem:$0x3FB0] =	sst s8  }
0x11: {  	[smem:$0x3FB1] =	sst s9;
	s0 =	simm.s32 @!p0 $0x0  }
0x12: {  	s1 =	sld [smem:$0x3F97];
	s0 =	simm.s32 @p0 $0x1  }
0x13: {  	[smem:$0x3FB2] =	sst s0;
	s0 =	simm.s32 @!p1 $0x0  }
0x14: {  	s2 =	sld [smem:$0x3F96];
	s0 =	simm.s32 @p1 $0x1  }
0x15: {  	[smem:$0x3FB3] =	sst s0;
	s0 =	simm.s32 @!p2 $0x0  }
0x16: {  	s3 =	sld [smem:$0x3FDB];
	s0 =	simm.s32 @p2 $0x1  }
0x17: {  	s4 =	simm.s32 $0x1BF5;
	[smem:$0x3FB5] =	sst s0  }
0x18: {  	s0 =	sld [smem:$0x3F98];
	_ =	swait.ge [sflag:s4], $0x0  }
0x19: {  	s7 =	sld [smem:$0x3F99]  }
0x1a: {  	s8 =	sadd.s32 $0xFFFFE003, lr  }
0x1b: {  	s9 =	sadd.s32 $0xFFFFFEF7, lr;
	s5 =	simm.s32 $0xFFFFFFFF;
	p2 =	slt.u32 s8, $0xFFFFF086  }
0x1c: {  	p1 =	slt.u32 s9, $0xF7A;
	s5 =	simm.s32 @!p2 $0x0  }
0x1d: {  	s5 =	simm.s32 @p1 $0x1;
	p0 =	seq.s32 s7, s2  }
0x1e: {  	s7 =	smul.u32 @!p0 $0xF7A, s2;
	p2 =	seq.s32 @!p0 s5, $0x0  }
0x1f: {  	s9 =	smul.u32 $0xF7A, s1;
	s8 =	simm.s32 @!p0 $0x1BF5;
	p2 =	por !p2, p0  }
0x20: {  	[sflag:s8] =	ssyncset.s32 @!p0 $0xFFFFF086;
	s6 =	sadd.s32 @!p0 s3, s7;
	s7 =	simm.s32 @!p0 $0x108  }
0x21: {  	s3 =	sadd.s32 s3, s9;
	s6 =	sadd.s32 @!p0 $0x88, s6;
	s7 =	simm.s32 @p2 $0x1082  }
0x22: {  	[simem:s7], [sflag:s8] =	dma.local @!p0 [hbm:s6], $0xF7A  }
0x23: {  	s9 =	sor.u32 $0xD0000000, s2;
	s6 =	simm.s32 $0x108;
	_ =	swait.ge @!p0 [sflag:s8], $0x0  }
0x24: {  	s3 =	sadd.s32 $0x88, s3;
	s6 =	simm.s32 @!p1 $0x1082;
	[sflag:s4] =	ssyncset.s32 $0xFFFFF086  }
0x25: {  	[simem:s6], [sflag:s4] =	dma.local [hbm:s3], $0xF7A  }
0x26: {  	[smem:$0x3F99] =	sst s1;
	(tag) =	ssettag s2;
	_ =	strace s9  }
0x27: {  	s1 =	sld [smem:$0x3FA9]  }
0x28: {  	s2 =	sld [smem:$0x3FAA]  }
0x29: {  	s4 =	sld [smem:$0x3FAC]  }
0x2a: {  	p0 =	seq.s32 s5, $0x0;
	s5 =	sld [smem:$0x3FAD]  }
0x2b: {  	s6 =	sld [smem:$0x3FAE]  }
0x2c: {  	s7 =	sld [smem:$0x3FAF]  }
0x2d: {  	s3 =	simm.s32 $0x108;
	s8 =	sld [smem:$0x3FB0]  }
0x2e: {  	s3 =	simm.s32 @!p0 $0x1082;
	s9 =	sld [smem:$0x3FB1]  }
0x2f: {  	lr =	sadd.s32 s0, s3;
	s0 =	sld [smem:$0x3FA8]  }
0x30: {  	s3 =	sld [smem:$0x3FAB]  }
0x31: {  	[smem:$0x3FB4] =	sst s10  }
0x32: {  	s10 =	sld [smem:$0x3FB2];
	_ =	sdelay $0x3  }
0x33: {  	p0 =	seq.s32 s10, $0x1;
	s10 =	sld [smem:$0x3FB4];
	_ =	sdelay $0x3  }
0x34: {  	[smem:$0x3FB4] =	sst s10  }
0x35: {  	s10 =	sld [smem:$0x3FB3];
	_ =	sdelay $0x3  }
0x36: {  	p1 =	seq.s32 s10, $0x1;
	s10 =	sld [smem:$0x3FB4];
	_ =	sdelay $0x3  }
0x37: {  	[smem:$0x3FB4] =	sst s10  }
0x38: {  	s10 =	sld [smem:$0x3FB5]  }
0x39: {  	_ = 	snop;
	(pc) =	sbr.ind lr, $3  }
0x3a: {  	_ = 	snop  }
0x3b: {  	_ = 	snop  }
0x3c: {  	p2 =	seq.s32 s10, $0x1;
	s10 =	sld [smem:$0x3FB4]  }
0x3d: {  	_ =	shalt  }
0x3e: {  	_ =	shalt  }
0x3f: {  	_ =	shalt  }
0x40: {  	_ =	shalt  }
0x41: {  	_ =	shalt  }
0x42: {  	_ =	shalt  }
0x43: {  	_ =	shalt  }
0x44: {  	_ =	shalt  }
0x45: {  	_ =	shalt  }
0x46: {  	_ =	shalt  }
0x47: {  	_ =	shalt  }
0x48: {  	_ =	shalt  }
0x49: {  	_ =	shalt  }
0x4a: {  	_ =	shalt  }
0x4b: {  	_ =	shalt  }
0x4c: {  	_ =	shalt  }
0x4d: {  	_ =	shalt  }
0x4e: {  	_ =	shalt  }
0x4f: {  	_ =	shalt  }
0x50: {  	_ =	shalt  }
0x51: {  	_ =	shalt  }
0x52: {  	_ =	shalt  }
0x53: {  	_ =	shalt  }
0x54: {  	_ =	shalt  }
0x55: {  	_ =	shalt  }
0x56: {  	_ =	shalt  }
0x57: {  	_ =	shalt  }
0x58: {  	_ =	shalt  }
0x59: {  	_ =	shalt  }
0x5a: {  	_ =	shalt  }
0x5b: {  	_ =	shalt  }
0x5c: {  	_ =	shalt  }
0x5d: {  	_ =	shalt  }
0x5e: {  	_ =	shalt  }
0x5f: {  	_ =	shalt  }
0x60: {  	_ =	shalt  }
0x61: {  	_ =	shalt  }
0x62: {  	_ =	shalt  }
0x63: {  	_ =	shalt  }
0x64: {  	_ =	shalt  }
0x65: {  	_ =	shalt  }
0x66: {  	_ =	shalt  }
0x67: {  	_ =	shalt  }
0x68: {  	_ =	shalt  }
0x69: {  	_ =	shalt  }
0x6a: {  	_ =	shalt  }
0x6b: {  	_ =	shalt  }
0x6c: {  	_ =	shalt  }
0x6d: {  	_ =	shalt  }
0x6e: {  	_ =	shalt  }
0x6f: {  	_ =	shalt  }
0x70: {  	_ =	shalt  }
0x71: {  	_ =	shalt  }
0x72: {  	_ =	shalt  }
0x73: {  	_ =	shalt  }
0x74: {  	_ =	shalt  }
0x75: {  	_ =	shalt  }
0x76: {  	_ =	shalt  }
0x77: {  	_ =	shalt  }
0x78: {  	_ =	shalt  }
0x79: {  	_ =	shalt  }
0x7a: {  	_ =	shalt  }
0x7b: {  	_ =	shalt  }
0x7c: {  	_ =	shalt  }
0x7d: {  	_ =	shalt  }
0x7e: {  	_ =	shalt  }
0x7f: {  	_ =	shalt  }
0x80: {  	_ =	shalt  }
0x81: {  	_ =	shalt  }
0x82: {  	_ =	shalt  }
0x83: {  	_ =	shalt  }
0x84: {  	_ =	shalt  }
0x85: {  	_ =	shalt  }
0x86: {  	_ =	shalt  }
0x87: {  	_ =	shalt  }
.Lfunc_end0:
.L_simem_size_0:
called_computation.3_lowered:
.L_overlay_start_0:
0x88: {  	s2 =	sld [smem:$0x3FD9]  }
0x89: {  	s3 =	sld [smem:$0x3FFE];
	_ =	sdelay $0x1  }
0x8a: {  	s1 =	srdreg.scid  }
0x8b: {  	s0 =	sand.u32 $0x1, s1  }
0x8c: {  	s17 =	sshll.u32 s0, $0xA;
	s2 =	sadd.s32 s3, s2  }
0x8d: {  	s2 =	sadd.s32 s2, s17  }
0x8e: {  	[smem:$0x3FC0] =	sst s2  }
0x8f: {  	_ = 	snop  }
0x90: {  	s2 =	sld [smem:$0x3FD0];
	(tm) =	ssettm $0x1  }
0x91: {  	s18 =	sld [smem:$0x3FFB];
	_ =	sdelay $0x3  }
0x92: {  	_ =	strace s18  }
0x93: {  	s3 =	sld [smem:$0x3FFC];
	_ =	sdelay $0x3  }
0x94: {  	_ =	strace s3  }
0x95: {  	s3 =	sld [smem:$0x3FFD];
	_ =	sdelay $0x3  }
0x96: {  	_ =	strace s3  }
0x97: {  	_ =	strace $0x8FFFFFFF  }
0x98: {  	s19 =	sld [smem:$0x3FDB];
	_ =	sdelay $0x1  }
0x99: {  	s4 =	simm.s32 $_scs_section_size  }
0x9a: {  	s5 =	simm.s32 $_size__tile_overlayer_lowered;
	s6 =	simm.s32 $_tile_overlayer_lowered  }
0x9b: {  	s22 =	simm.s32 $0x1BFF;
	s21 =	sshll.u32 s6, $0x1;
	s3 =	sadd.s32 s4, s19  }
0x9c: {  	s7 =	simm.s32 $0x0;
	s20 =	sshll.u32 s5, $0x1;
	s5 =	sadd.s32 s21, s3  }
0x9d: {  	[timem:s7], [sflag:s22] =	dma.local [hbm:s5], s20  }
0x9e: {  	_ =	swait.ge [sflag:s22], s20  }
0x9f: {  	s4 =	ssub.s32 $0x0, s20;
	[sflag:s22] =	ssyncset.done $0x0  }
0xa0: {  	[sflag:s22] =	ssyncadd.s32 s4;
	_ =	sdelay $0x1  }
0xa1: {  	s23 =	simm.s32 $0x1B8B  }
0xa2: {  	_ =	swait.ge [sflag:s23], $0x1  }
0xa3: {  	[sflag:s23] =	ssyncset.done $0x0  }
0xa4: {  	s25 =	simm.s32 $0x1B8E;
	s24 =	sld [smem:$0x3FFE];
	[sflag:s23] =	ssyncadd.s32 $0xFFFFFFFF  }
0xa5: {  	s26 =	simm.s32 $execute0_lowered;
	[smem:$0x3FD2] =	sst s25  }
0xa6: {  	s5 =	sshll.u32 s26, $0x1;
	_ =	strace $0x8000004F;
	[dreg:$0x1] =	wrdreg $0xFFFFFFFF  }
0xa7: {  	s28 =	simm.s32 $_size_execute0_lowered;
	s3 =	sadd.s32 s3, s5;
	[dreg:$0x0] =	wrdreg $0x0  }
0xa8: {  	s5 =	sshll.u32 s28, $0x1;
	[dreg:$0x2] =	wrdreg s3  }
0xa9: {  	[dreg:$0x3] =	wrdreg s5  }
0xaa: {  	[dreg:$0x4] =	wrdreg $0xC0  }
0xab: {  	_ =	task [dreg:s7], $0x5FFFF  }
0xac: {  	[dreg:$0x1] =	wrdreg $0xFFFFFFFF  }
0xad: {  	[dreg:$0x0] =	wrdreg $0x60  }
0xae: {  	[dreg:$0x2] =	wrdreg s24  }
0xaf: {  	[dreg:$0x3] =	wrdreg s2  }
0xb0: {  	[dreg:$0x4] =	wrdreg $0xB8000  }
0xb1: {  	[dreg:$0x5] =	wrdreg $0x9  }
0xb2: {  	_ =	task.clear_ibuf [dreg:s7], $0x6FFFF;
	_ =	strace $0x9000004F  }
0xb3: {  	s29 =	simm.s32 $0x9;
	_ =	strace $0x80000051  }
0xb4: {  	_ =	swait.ge [sflag:s29], $0x1  }
0xb5: {  	[sflag:s29] =	ssyncadd.s32 $0xFFFFFFFF  }
0xb6: {  	_ =	strace $0x90000051  }
0xb7: {  	_ =	sfence  }
0xb8: {  	s30 =	sld [smem:$0x0];
	_ =	sdelay $0x2  }
0xb9: {  	s31 =	sshll.u32 s1, $0xD;
	s1 =	sshrl.u32 s1, $0x2  }
0xba: {  	s3 =	sand.u32 $0x4000, s31;
	s1 =	sadd.s32 s1, s30  }
0xbb: {  	s0 =	sor.u32 s3, s0;
	s1 =	sshll.u32 s1, $0x11  }
0xbc: {  	s0 =	sor.u32 s1, s0  }
0xbd: {  	s0 =	sadd.s32 $0x8F2B, s0  }
0xbe: {  	[sflag:s0] =	ssyncadd.remote.s32 $0x1  }
0xbf: {  	_ =	sfence.sel $0xFFFF  }
0xc0: {  	[dreg:$0x0] =	wrdreg $0xFFFFFFFF;
	(pc) =	sbr.abs _section_cstart, $3  }
0xc1: {  	[dreg:$0x1] =	wrdreg $0xFFFFFFFF  }
0xc2: {  	_ =	task.clear_ibuf [dreg:s7], $0x2FFFF;
	_ =	strace $0x9FFFFFFF  }
0xc3: {  	(tm) =	ssettm $0x7FFFFFFF  }
tec
execute0_lowered:
.L_overlay_start_1:
0x0: {  	(tag) =	ssettag $0x1  }
0x1: {  	s0 =	rddreg [dreg:$0x0]  }
0x2: {  	s2 =	rddreg [dreg:$0x1]  }
0x3: {  	s1 =	rddreg [dreg:$0x2]  }
0x4: {  	s3 =	srdreg.scid;
	s4 =	simm.s32 $0x0;
	s16 =	stileid.u32  }
0x5: {  	s30 =	simm.s32 $0x6800;
	s15 =	simm.s32 $0x9000;
	s29 =	simm.s32 $0xA  }
0x6: {  	s31 =	simm.s32 $0x5;
	s11 =	simm.s32 $0x10;
	s5 =	sand.u32 $0x1, s3  }
0x7: {  	[smem:$0x7FF] =	sst s4;
	s7 =	sshll.u32 s16, $0xD;
	s8 =	smul.u32 $0x14000, s16  }
0x8: {  	s4 =	sadd.s32 $0x25800, s0;
	s9 =	sshll.u32 s16, $0x10;
	s10 =	sadd.s32 $0x23000, s0  }
0x9: {  	s21 =	smul.u32 $0x50000, s16;
	s28 =	sshll.u32 s16, $0x6;
	s16 =	simm.s32 $0x2  }
0xa: {  	s3 =	simm.s32 $0x0;
	s6 =	smul.u32 $0x140000, s5;
	_ =	strace $0x80000050  }
0xb: {  	s7 =	sadd.s32 s7, s0;
	s17 =	sshll.u32 s5, $0x14;
	[dreg:$0x4] =	wrdreg s10  }
0xc: {  	s5 =	ssub.s32 $0x2, s5;
	s10 =	simm.s32 $0x13;
	s13 =	sor.u32 $0x1C13, s28  }
0xd: {  	s19 =	sshrl.u32 s5, $0x1;
	s22 =	sadd.s32 $0x2C00, s7;
	[dreg:$0xd] =	wrdreg s13  }
0xe: {  	s24 =	sadd.s32 $0x2C80, s7;
	s26 =	sadd.s32 $0x2D00, s7;
	[dreg:$0x6] =	wrdreg s22  }
0xf: {  	s7 =	simm.s32 $0x7;
	s6 =	sadd.s32 s8, s6;
	[dreg:$0x8] =	wrdreg s24  }
0x10: {  	s8 =	sor.u32 s9, s17;
	s5 =	ssub.s32 s5, s19;
	[dreg:$0xc] =	wrdreg s26  }
0x11: {  	s17 =	simm.s32 $0xA400;
	s22 =	simm.s32 $0x3;
	s24 =	simm.s32 $0x9  }
0x12: {  	s26 =	simm.s32 $0x4;
	s9 =	simm.s32 $0x8;
	s6 =	sshrl.u32 s6, $0x3  }
0x13: {  	s18 =	sshrl.u32 s8, $0x3;
	s8 =	sor.u32 $0x800, s8;
	s5 =	smax.u32 s5, $0x1  }
0x14: {  	s0 =	sadd.s32 s6, s0;
	s20 =	sadd.s32 s2, s18;
	s6 =	sshrl.u32 s21, $0x2  }
0x15: {  	s25 =	sshrl.u32 s8, $0x3;
	[dreg:$0xa] =	wrdreg s5;
	s5 =	simm.s32 $0xB  }
.Ltmp0:
0x16: {  	[dreg:$0x5] =	wrdreg s20;
	s23 =	sadd.s32 $0x80, s20;
	(pc) =	sbr.rel .LBB2_1-.Ltmp0, $4  }
0x17: {  	s8 =	simm.s32 $0xD;
	s0 =	sadd.s32 $0x75800, s0;
	[dreg:$0x7] =	wrdreg s23  }
0x18: {  	s6 =	sadd.s32 s6, s1;
	[dreg:$0x9] =	wrdreg s0;
	s0 =	sadd.s32 s25, s2  }
0x19: {  	s20 =	simm.s32 $0x28;
	s14 =	sshrl.u32 s6, $0x3;
	[dreg:$0xb] =	wrdreg s0  }
0x1a: {  	s2 =	simm.s32 $0x1;
	s6 =	simm.s32 $0xE;
	[dreg:$0xe] =	wrdreg s14  }
.LBB2_8:
0x1b: {  	_ =	swait.ge [sflag:s9], $0x1400  }
0x1c: {  	[sflag:s9] =	ssyncset.done $0x0  }
0x1d: {  	s0 =	sadd.s32 $0xC00, s0;
	[sflag:s9] =	ssyncadd.s32 $0xFFFFEC00  }
0x1e: {  	[spmem:s1] =	stream.indirect.scatter.add.f32 [tilespmem:s17], [sflag:$0x10], $0x80, s0, s20, $0xb8;
	[tilespmem:$0x1F800] =	vst v63  }
0x1f: {  	_ =	swait.ge [sflag:s6], $0x1400  }
0x20: {  	[sflag:s6] =	ssyncset.done $0x0  }
0x21: {  	[sflag:s6] =	ssyncadd.s32 $0xFFFFEC00  }
.LBB2_10:
0x22: {  	s0 =	simm.s32 $0xF  }
0x23: {  	_ =	swait.ge [sflag:s0], $0x1400  }
0x24: {  	[sflag:s0] =	ssyncset.done $0x0  }
0x25: {  	[sflag:s0] =	ssyncadd.s32 $0xFFFFEC00  }
0x26: {  	_ =	swait.ge [sflag:s11], $0x1400  }
0x27: {  	[sflag:s11] =	ssyncset.done $0x0  }
0x28: {  	[sflag:s11] =	ssyncadd.s32 $0xFFFFEC00  }
0x29: {  	[bflag:$0x0] =	sbarrier.arrive $0xFFFF  }
0x2a: {  	s25 =	rddreg [dreg:$0x9]  }
0x2b: {  	s13 =	rddreg [dreg:$0xd]  }
0x2c: {  	s10 =	simm.s32 $0x13;
	s14 =	rddreg [dreg:$0xe]  }
0x2d: {  	[hbm:s25], [sflag:s13] =	dma.local [spmem:s14], $0x2800  }
0x2e: {  	_ =	swait.ge [sflag:s10], $0x2800  }
0x2f: {  	s3 =	rddreg [dreg:$0xf]  }
0x30: {  	s28 =	rddreg [dreg:$0xa];
	s3 =	sadd.s32 $0x1, s3  }
0x31: {  	p0 =	sne.s32 s3, s28  }
.Ltmp1:
0x32: {  	_ = 	snop;
	(pc) =	sbr.rel @!p0 .LBB2_11-.Ltmp1, $3  }
0x33: {  	_ =	sdelay $0x1  }
0x34: {  	[sflag:s10] =	ssyncset.done $0x0  }
0x35: {  	[sflag:s10] =	ssyncadd.s32 $0xFFFFD800  }
.LBB2_1:
0x36: {  	[dreg:$0xf] =	wrdreg s3  }
0x37: {  	s0 =	simm.s32 $0x0;
	s12 =	rddreg [dreg:$0x5]  }
0x38: {  	[tilespmem:s0], [sflag:$0x13] =	stream.linear.gather [hbm4b:s12+s0], $0x400, $0x38;
	[tilespmem:$0x1F800] =	vst v63  }
0x39: {  	_ =	swait.ge [sflag:s10], $0x400  }
0x3a: {  	[sflag:s10] =	ssyncset.done $0x0  }
0x3b: {  	s12 =	simm.s32 $0xC00;
	s18 =	rddreg [dreg:$0x6];
	[sflag:s10] =	ssyncadd.s32 $0xFFFFFC00  }
0x3c: {  	[tilespmem:s12], [sflag:$0x13] =	stream.linear.gather [hbm4b:s18+s0], $0x400, $0x38;
	[tilespmem:$0x1F800] =	vst v63  }
0x3d: {  	_ =	swait.ge [sflag:s10], $0x400  }
0x3e: {  	[sflag:s10] =	ssyncset.done $0x0;
	s19 =	rddreg [dreg:$0x7]  }
0x3f: {  	s21 =	simm.s32 $0x400;
	s23 =	rddreg [dreg:$0x8];
	[sflag:s10] =	ssyncadd.s32 $0xFFFFFC00  }
0x40: {  	[tilespmem:s21], [sflag:$0x11] =	stream.linear.gather [hbm4b:s19+s0], $0x400, $0x38;
	[tilespmem:$0x1F800] =	vst v63  }
0x41: {  	s25 =	simm.s32 $0x1000;
	s28 =	rddreg [dreg:$0x4]  }
0x42: {  	[tilespmem:s25], [sflag:$0x12] =	stream.linear.gather [hbm4b:s23+s0], $0x400, $0x38;
	[tilespmem:$0x1F800] =	vst v63  }
0x43: {  	[spmem:s14], [sflag:s13] =	dma.local [hbm:s28], $0x2800  }
0x44: {  	_ =	swait.ge [sflag:s10], $0x2800  }
0x45: {  	[sflag:s10] =	ssyncset.done $0x0  }
0x46: {  	[sflag:s10] =	ssyncadd.s32 $0xFFFFD800;
	s10 =	simm.s32 $0x1800  }
0x47: {  	[tilespmem:s10], [sflag:$0x1] =	stream.indirect.gather [hbm4b:s4+s20], $0x80, s0, s20, $0xb8;
	[tilespmem:$0x1F800] =	vst v63  }
0x48: {  	s12 =	simm.s32 $0x80;
	s13 =	simm.s32 $0x2C00  }
0x49: {  	[tilespmem:s13], [sflag:$0x2] =	stream.indirect.gather [hbm4b:s4+s20], $0x80, s12, s20, $0xb8;
	[tilespmem:$0x1F800] =	vst v63  }
0x4a: {  	s18 =	simm.s32 $0x4000;
	s14 =	simm.s32 $0x100  }
0x4b: {  	[tilespmem:s18], [sflag:$0x3] =	stream.indirect.gather [hbm4b:s4+s20], $0x80, s14, s20, $0xb8;
	[tilespmem:$0x1F800] =	vst v63  }
0x4c: {  	s19 =	simm.s32 $0x180;
	s21 =	simm.s32 $0x5400  }
0x4d: {  	[tilespmem:s21], [sflag:$0x4] =	stream.indirect.gather [hbm4b:s4+s20], $0x80, s19, s20, $0xb8;
	[tilespmem:$0x1F800] =	vst v63  }
0x4e: {  	s23 =	simm.s32 $0x200  }
0x4f: {  	[tilespmem:s30], [sflag:$0x5] =	stream.indirect.gather [hbm4b:s4+s20], $0x80, s23, s20, $0xb8;
	[tilespmem:$0x1F800] =	vst v63  }
0x50: {  	s25 =	simm.s32 $0x280;
	s28 =	simm.s32 $0x7C00  }
0x51: {  	[tilespmem:s28], [sflag:$0x6] =	stream.indirect.gather [hbm4b:s4+s20], $0x80, s25, s20, $0xb8;
	[tilespmem:$0x1F800] =	vst v63  }
0x52: {  	[bflag:$0x0] =	sbarrier.arrive $0xFFFF  }
0x53: {  	s13 =	rddreg [dreg:$0xc]  }
0x54: {  	s18 =	simm.s32 $0x0;
	s10 =	rddreg [dreg:$0xb]  }
.LBB2_2:
0x55: {  	s28 =	smul.u32 $0xAB, s18;
	_ =	sdelay $0x1  }
0x56: {  	s0 =	sshrl.u32 s28, $0x9  }
0x57: {  	s0 =	sand.u32 $0x7F, s0  }
0x58: {  	s0 =	smul.u32 $0x3, s0;
	_ =	sdelay $0x1  }
0x59: {  	s0 =	ssub.s32 s18, s0  }
0x5a: {  	_ =	swait.ge [sflag:s2], $0x1400;
	s0 =	sand.u32 $0xFF, s0  }
0x5b: {  	s3 =	simm.s32 $0x1800;
	[sflag:s2] =	ssyncset.done $0x0;
	s14 =	sshll.u32 s0, $0xA  }
0x5c: {  	p0 =	seq.s32 s18, $0x0;
	[sflag:s2] =	ssyncadd.s32 $0xFFFFEC00;
	s0 =	sadd.s32 $0xC00, s14  }
0x5d: {  	[spmem:s1] =	stream.indirect.scatter.add.f32 [tilespmem:s3], [sflag:$0x9], $0x80, s0, s20, $0xb8;
	[tilespmem:$0x1F800] =	vst v63  }
0x5e: {  	s0 =	simm.s32 @!p0 $0xF  }
0x5f: {  	_ =	swait.ge @!p0 [sflag:s0], $0x1400  }
0x60: {  	[sflag:s0] =	ssyncset.done @!p0 $0x0  }
0x61: {  	s19 =	sor.u32 $0x300, s14;
	[sflag:s0] =	ssyncadd.s32 @!p0 $0xFFFFEC00  }
0x62: {  	[tilespmem:s15], [sflag:$0x7] =	stream.indirect.gather [hbm4b:s4+s20], $0x80, s19, s20, $0xb8;
	[tilespmem:$0x1F800] =	vst v63  }
0x63: {  	_ =	swait.ge [sflag:s16], $0x1400  }
0x64: {  	s21 =	simm.s32 $0x2C00;
	p0 =	seq.s32 s18, $0x3F;
	[sflag:s16] =	ssyncset.done $0x0  }
0x65: {  	s12 =	sadd.s32 $0xC80, s14;
	s0 =	simm.s32 @!p0 $0x11;
	[sflag:s16] =	ssyncadd.s32 $0xFFFFEC00  }
0x66: {  	[spmem:s1] =	stream.indirect.scatter.add.f32 [tilespmem:s21], [sflag:$0xA], $0x80, s12, s20, $0xb8;
	[tilespmem:$0x1F800] =	vst v63  }
0x67: {  	_ =	swait.ge @!p0 [sflag:s0], $0x400  }
0x68: {  	[sflag:s0] =	ssyncset.done @!p0 $0x0  }
0x69: {  	[sflag:s0] =	ssyncadd.s32 @!p0 $0xFFFFFC00;
	s0 =	simm.s32 @!p0 $0x12  }
0x6a: {  	_ =	swait.ge @!p0 [sflag:s0], $0x400  }
0x6b: {  	p1 =	seq.s32 @!p0 s18, $0x0;
	s12 =	sadd.s32 $0xAB, s28;
	[sflag:s0] =	ssyncset.done @!p0 $0x0  }
0x6c: {  	p1 =	por p0, !p1;
	s25 =	sshrl.u32 s12, $0x9;
	[sflag:s0] =	ssyncadd.s32 @!p0 $0xFFFFFC00  }
0x6d: {  	s25 =	sand.u32 $0x7F, s25;
	_ =	swait.ge @p1 [sflag:s11], $0x1400  }
0x6e: {  	s25 =	smul.u32 $0x3, s25;
	[sflag:s11] =	ssyncset.done @p1 $0x0  }
0x6f: {  	s0 =	sor.u32 $0x380, s14;
	[sflag:s11] =	ssyncadd.s32 @p1 $0xFFFFEC00;
	p1 =	sgt.u32 s18, $0x3D  }
0x70: {  	[tilespmem:s17], [sflag:$0x8] =	stream.indirect.gather [hbm4b:s4+s20], $0x80, s0, s20, $0xb8;
	[tilespmem:$0x1F800] =	vst v63  }
.Ltmp2:
0x71: {  	_ = 	snop;
	(pc) =	sbr.rel @p1 .LBB2_4-.Ltmp2, $4  }
0x72: {  	s12 =	sadd.s32 $0x1, s18;
	_ =	swait.ge [sflag:s22], $0x1400  }
0x73: {  	s23 =	sadd.s32 $0xD00, s14;
	s25 =	ssub.s32 s12, s25;
	[sflag:s22] =	ssyncset.done $0x0  }
0x74: {  	s21 =	simm.s32 $0x4000;
	s25 =	sand.u32 $0xFF, s25;
	[sflag:s22] =	ssyncadd.s32 $0xFFFFEC00  }
0x75: {  	[spmem:s1] =	stream.indirect.scatter.add.f32 [tilespmem:s21], [sflag:$0xB], $0x80, s23, s20, $0xb8;
	[tilespmem:$0x1F800] =	vst v63  }
0x76: {  	s3 =	sadd.s32 $0x156, s28  }
0x77: {  	s3 =	sshrl.u32 s3, $0x9  }
0x78: {  	s3 =	sand.u32 $0x7F, s3  }
0x79: {  	s3 =	smul.u32 $0x3, s3;
	_ =	sdelay $0x1  }
0x7a: {  	s3 =	ssub.s32 s18, s3  }
0x7b: {  	s3 =	sadd.s32 $0x2, s3  }
0x7c: {  	s3 =	sand.u32 $0xFF, s3  }
0x7d: {  	s21 =	simm.s32 $0x0;
	s3 =	sshll.u32 s3, $0xA  }
0x7e: {  	[tilespmem:s3], [sflag:$0x11] =	stream.linear.gather [hbm4b:s10+s21], $0x400, $0x38;
	[tilespmem:$0x1F800] =	vst v63  }
.Ltmp3:
0x7f: {  	s3 =	sadd.s32 $0xC00, s3;
	(pc) =	sbr.rel .LBB2_5-.Ltmp3, $4  }
0x80: {  	[tilespmem:s3], [sflag:$0x12] =	stream.linear.gather [hbm4b:s13+s21], $0x400, $0x38;
	[tilespmem:$0x1F800] =	vst v63  }
0x81: {  	_ =	swait.ge [sflag:s24], $0x1400  }
0x82: {  	[sflag:s24] =	ssyncset.done $0x0  }
0x83: {  	[sflag:s24] =	ssyncadd.s32 $0xFFFFEC00  }
.LBB2_4:
.Ltmp4:
0x84: {  	(pc) =	sbr.rel @!p0 .LBB2_5-.Ltmp4, $4  }
0x85: {  	_ = 	snop  }
0x86: {  	_ =	swait.ge [sflag:s24], $0x1400  }
0x87: {  	[sflag:s24] =	ssyncset.done $0x0  }
0x88: {  	[sflag:s24] =	ssyncadd.s32 $0xFFFFEC00  }
0x89: {  	_ =	swait.ge [sflag:s26], $0x1400  }
0x8a: {  	s3 =	sadd.s32 $0xD80, s14;
	[sflag:s26] =	ssyncset.done $0x0  }
.Ltmp5:
0x8b: {  	s21 =	simm.s32 $0x5400;
	[sflag:s26] =	ssyncadd.s32 $0xFFFFEC00;
	(pc) =	sbr.rel .LBB2_7-.Ltmp5, $4  }
0x8c: {  	[spmem:s1] =	stream.indirect.scatter.add.f32 [tilespmem:s21], [sflag:$0xC], $0x80, s3, s20, $0xb8;
	[tilespmem:$0x1F800] =	vst v63  }
0x8d: {  	_ =	swait.ge [sflag:s29], $0x1400  }
0x8e: {  	[sflag:s29] =	ssyncset.done $0x0  }
0x8f: {  	[sflag:s29] =	ssyncadd.s32 $0xFFFFEC00  }
.LBB2_5:
0x90: {  	s3 =	sshll.u32 s25, $0xA;
	s21 =	simm.s32 $0x1800  }
0x91: {  	[tilespmem:s21], [sflag:$0x1] =	stream.indirect.gather [hbm4b:s4+s20], $0x80, s3, s20, $0xb8;
	[tilespmem:$0x1F800] =	vst v63  }
0x92: {  	_ =	swait.ge [sflag:s26], $0x1400  }
0x93: {  	[sflag:s26] =	ssyncset.done $0x0  }
0x94: {  	s28 =	sadd.s32 $0xD80, s14;
	s23 =	simm.s32 $0x5400;
	[sflag:s26] =	ssyncadd.s32 $0xFFFFEC00  }
0x95: {  	[spmem:s1] =	stream.indirect.scatter.add.f32 [tilespmem:s23], [sflag:$0xC], $0x80, s28, s20, $0xb8;
	[tilespmem:$0x1F800] =	vst v63  }
0x96: {  	_ =	swait.ge [sflag:s29], $0x1400  }
0x97: {  	[sflag:s29] =	ssyncset.done $0x0  }
0x98: {  	s3 =	sor.u32 $0x80, s3;
	s28 =	simm.s32 $0x2C00;
	[sflag:s29] =	ssyncadd.s32 $0xFFFFEC00  }
0x99: {  	[tilespmem:s28], [sflag:$0x2] =	stream.indirect.gather [hbm4b:s4+s20], $0x80, s3, s20, $0xb8;
	[tilespmem:$0x1F800] =	vst v63  }
.LBB2_7:
0x9a: {  	_ =	swait.ge [sflag:s31], $0x1400  }
0x9b: {  	[sflag:s31] =	ssyncset.done $0x0  }
0x9c: {  	s3 =	sadd.s32 $0xE00, s14;
	[sflag:s31] =	ssyncadd.s32 $0xFFFFEC00  }
0x9d: {  	[spmem:s1] =	stream.indirect.scatter.add.f32 [tilespmem:s30], [sflag:$0xD], $0x80, s3, s20, $0xb8;
	[tilespmem:$0x1F800] =	vst v63  }
0x9e: {  	_ =	swait.ge [sflag:s5], $0x1400  }
0x9f: {  	[sflag:s5] =	ssyncset.done $0x0  }
0xa0: {  	s3 =	simm.s32 @p0 $0x6;
	[sflag:s5] =	ssyncadd.s32 $0xFFFFEC00  }
0xa1: {  	_ =	swait.ge @p0 [sflag:s3], $0x1400  }
0xa2: {  	s28 =	simm.s32 @p0 $0x28;
	[sflag:s3] =	ssyncset.done @p0 $0x0  }
0xa3: {  	s21 =	simm.s32 @p0 $0x7C00;
	[sflag:s3] =	ssyncadd.s32 @p0 $0xFFFFEC00;
	s3 =	sadd.s32 @p0 $0xE80, s14  }
0xa4: {  	[spmem:s1] =	stream.indirect.scatter.add.f32 @p0 [tilespmem:s21], [sflag:$0xE], $0x80, s3, s28, $0xb8;
	[tilespmem:$0x1F800] =	vst v63  }
0xa5: {  	s3 =	simm.s32 @p0 $0xC  }
0xa6: {  	_ =	swait.ge @p0 [sflag:s3], $0x1400  }
0xa7: {  	[sflag:s3] =	ssyncset.done @p0 $0x0  }
0xa8: {  	[sflag:s3] =	ssyncadd.s32 @p0 $0xFFFFEC00;
	s3 =	sshll.u32 @!p0 s25, $0xA  }
0xa9: {  	s23 =	simm.s32 @!p0 $0x4000;
	s28 =	simm.s32 @!p0 $0x28;
	s21 =	sor.u32 @!p0 $0x100, s3  }
0xaa: {  	[tilespmem:s23], [sflag:$0x3] =	stream.indirect.gather @!p0 [hbm4b:s4+s28], $0x80, s21, s28, $0xb8;
	[tilespmem:$0x1F800] =	vst v63  }
0xab: {  	s21 =	simm.s32 @!p0 $0x6  }
0xac: {  	_ =	swait.ge @!p0 [sflag:s21], $0x1400  }
0xad: {  	[sflag:s21] =	ssyncset.done @!p0 $0x0  }
0xae: {  	s14 =	sadd.s32 @!p0 $0xE80, s14;
	[sflag:s21] =	ssyncadd.s32 @!p0 $0xFFFFEC00;
	s21 =	simm.s32 @!p0 $0x7C00  }
0xaf: {  	[spmem:s1] =	stream.indirect.scatter.add.f32 @!p0 [tilespmem:s21], [sflag:$0xE], $0x80, s14, s28, $0xb8;
	[tilespmem:$0x1F800] =	vst v63  }
0xb0: {  	s14 =	simm.s32 @!p0 $0xC  }
0xb1: {  	_ =	swait.ge @!p0 [sflag:s14], $0x1400  }
0xb2: {  	[sflag:s14] =	ssyncset.done @!p0 $0x0  }
0xb3: {  	s3 =	sor.u32 @!p0 $0x180, s3;
	[sflag:s14] =	ssyncadd.s32 @!p0 $0xFFFFEC00;
	s14 =	simm.s32 @!p0 $0x5400  }
0xb4: {  	[tilespmem:s14], [sflag:$0x4] =	stream.indirect.gather @!p0 [hbm4b:s4+s28], $0x80, s3, s28, $0xb8;
	[tilespmem:$0x1F800] =	vst v63  }
0xb5: {  	_ =	swait.ge [sflag:s7], $0x1400  }
0xb6: {  	p0 =	sne.s32 s18, $0x3F;
	[sflag:s7] =	ssyncset.done $0x0  }
.Ltmp6:
0xb7: {  	s28 =	sadd.s32 $0xC00, s19;
	[sflag:s7] =	ssyncadd.s32 $0xFFFFEC00;
	(pc) =	sbr.rel @!p0 .LBB2_8-.Ltmp6, $4  }
0xb8: {  	[spmem:s1] =	stream.indirect.scatter.add.f32 [tilespmem:s15], [sflag:$0xF], $0x80, s28, s20, $0xb8;
	[tilespmem:$0x1F800] =	vst v63  }
0xb9: {  	_ =	swait.ge [sflag:s8], $0x1400  }
0xba: {  	[sflag:s8] =	ssyncset.done $0x0  }
0xbb: {  	[sflag:s8] =	ssyncadd.s32 $0xFFFFEC00  }
0xbc: {  	s3 =	sshll.u32 s25, $0xA  }
0xbd: {  	s14 =	sor.u32 $0x200, s3  }
0xbe: {  	[tilespmem:s30], [sflag:$0x5] =	stream.indirect.gather [hbm4b:s4+s20], $0x80, s14, s20, $0xb8;
	[tilespmem:$0x1F800] =	vst v63  }
0xbf: {  	_ =	swait.ge [sflag:s9], $0x1400  }
0xc0: {  	[sflag:s9] =	ssyncset.done $0x0  }
0xc1: {  	s0 =	sadd.s32 $0xC00, s0;
	p0 =	sne.s32 s12, $0x40;
	[sflag:s9] =	ssyncadd.s32 $0xFFFFEC00  }
0xc2: {  	[spmem:s1] =	stream.indirect.scatter.add.f32 [tilespmem:s17], [sflag:$0x10], $0x80, s0, s20, $0xb8;
	[tilespmem:$0x1F800] =	vst v63  }
.Ltmp7:
0xc3: {  	_ = 	snop;
	(pc) =	sbr.rel @p0 .LBB2_2-.Ltmp7, $4  }
.Ltmp8:
0xc4: {  	s28 =	simm.s32 $0x7C00;
	_ =	swait.ge [sflag:s6], $0x1400;
	(pc) =	sbr.rel @!p0 .LBB2_10-.Ltmp8, $4  }
0xc5: {  	s10 =	sadd.s32 $0x80, s10;
	s13 =	sadd.s32 $0x80, s13;
	[sflag:s6] =	ssyncset.done $0x0  }
0xc6: {  	s18 =	smov.u32 s12;
	s25 =	sor.u32 $0x280, s3;
	[sflag:s6] =	ssyncadd.s32 $0xFFFFEC00  }
0xc7: {  	[tilespmem:s28], [sflag:$0x6] =	stream.indirect.gather [hbm4b:s4+s20], $0x80, s25, s20, $0xb8;
	[tilespmem:$0x1F800] =	vst v63  }
0xc8: {  	_ = 	snop  }
.LBB2_11:
0xc9: {  	_ =	sfence.sel $0x180000  }
0xca: {  	[bflag:$0x0] =	sbarrier.arrive $0xFFFF  }
0xcb: {  	_ =	strace $0x90000050  }
0xcc: {  	s0 =	stileid.u32;
	[bflag:$0x2] =	sbarrier.arrive $0xFFFF  }
0xcd: {  	p0 =	sne.s32 s0, $0x0;
	s0 =	rddreg [dreg:$0x3]  }
0xce: {  	s0 =	sadd.s32 @!p0 $0x100000, s0  }
0xcf: {  	[sflag:s0] =	ssyncadd.tile.s32 @!p0 $0x1;
	_ =	shalt  }
.Lfunc_end2:
_tile_overlayer_lowered:
.L_overlay_start_2:
0xd0: {  	(tag) =	ssettag $0x2  }
0xd1: {  	s0 =	rddreg [dreg:$0x0];
	s2 =	stileid.u32  }
0xd2: {  	s1 =	rddreg [dreg:$0x1];
	p0 =	sne.s32 s2, $0x0  }
0xd3: {  	s3 =	rddreg [dreg:$0x2];
	[bflag:$0x3] =	sbarrier.arrive $0xFFFF;
	s2 =	simm.s32 @!p0 $0x1C13  }
0xd4: {  	[timem:s3], [sflag:s2] =	dma.local @!p0 [hbm:s0], s1  }
0xd5: {  	s0 =	simm.s32 @!p0 $0x13  }
0xd6: {  	_ =	swait.ge @!p0 [sflag:s0], s1  }
0xd7: {  	s1 =	ssub.s32 @!p0 $0x0, s1;
	[sflag:s0] =	ssyncset.done @!p0 $0x0  }
0xd8: {  	[sflag:s0] =	ssyncadd.s32 @!p0 s1  }
0xd9: {  	[bflag:$0x3] =	sbarrier.arrive $0xFFFF  }
0xda: {  	_ =	shalt  }

</sc_bundles>
